<compile_context>
chip_gen: v7x
topology: tpu7x:2x2x1
jax: 0.10.2.dev20260603
libtpu: 0.0.44.dev20260713+nightly
codegen_flags: <defaults>
</compile_context>

<pallas_src>
import functools

import jax
import jax.numpy as jnp
from jax import lax
from jax.experimental import pallas as pl
from jax.experimental.pallas import tpu as pltpu
from jax.experimental.pallas import tpu_sc as plsc

B = 16384
N_REG = 1000000
N_EMB = 20
NC = 2
NS = 16
NW = NC * NS
BPW = B // NW
CHUNK = 128
NCHUNK = BPW // CHUNK
L = 16


def _sc_body(tabf, bias_ref, idx_hbm, c_hbm, wb_hbm, out_hbm,
             idx_v, eidx_v, cols_v, c_v, bias_v, out_v, wb_v, sem):
    wid = lax.axis_index("s") * NC + lax.axis_index("c")

    pltpu.sync_copy(idx_hbm.at[wid], idx_v)
    pltpu.sync_copy(c_hbm.at[wid], c_v)
    pltpu.sync_copy(wb_hbm, wb_v)

    for k in range(NCHUNK):
        def mkidx(t, _, k=k):
            r = idx_v[k, pl.ds(t * L, L)] * N_EMB
            for e in range(N_EMB):
                eidx_v[k, e, pl.ds(t * L, L)] = r + e
            return _
        lax.fori_loop(0, CHUNK // L, mkidx, 0)

    copies = []
    for k in range(NCHUNK):
        for e in range(N_EMB):
            copies.append(pltpu.async_copy(
                tabf.at[eidx_v.at[k, e]],
                cols_v.at[e, pl.ds(k * CHUNK, CHUNK)], sem))
        copies.append(pltpu.async_copy(
            bias_ref.at[idx_v.at[k]], bias_v.at[pl.ds(k * CHUNK, CHUNK)],
            sem))
    for c in copies:
        c.wait()

    wbv = [wb_v[pl.ds(16 * j, 16)] for j in range(3)]
    wbs = [wbv[j // 16][j % 16] for j in range(2 * N_EMB)]
    w0s = wbs[:N_EMB]
    b0s = wbs[N_EMB:]

    def group(t, _):
        c = c_v[pl.ds(t * L, L)]
        acc = bias_v[pl.ds(t * L, L)]
        for e in range(N_EMB):
            w_e = cols_v[e, pl.ds(t * L, L)]
            h_e = jnp.maximum(c * w0s[e] + b0s[e], 0.0)
            acc = acc + h_e * w_e
        out_v[pl.ds(t * L, L)] = acc
        return _
    lax.fori_loop(0, BPW // L, group, 0)

    pltpu.sync_copy(out_v, out_hbm.at[wid])


@jax.jit
def _run(tabf, bias, idx, coords, wb):
    mesh = plsc.VectorSubcoreMesh(core_axis_name="c", subcore_axis_name="s")
    f = functools.partial(
        pl.kernel,
        mesh=mesh,
        out_type=jax.ShapeDtypeStruct((NW, BPW), jnp.float32),
        scratch_types=[
            pltpu.VMEM((NCHUNK, CHUNK), jnp.int32),
            pltpu.VMEM((NCHUNK, N_EMB, CHUNK), jnp.int32),
            pltpu.VMEM((N_EMB, BPW), jnp.float32),
            pltpu.VMEM((BPW,), jnp.float32),
            pltpu.VMEM((BPW,), jnp.float32),
            pltpu.VMEM((BPW,), jnp.float32),
            pltpu.VMEM((48,), jnp.float32),
            pltpu.SemaphoreType.DMA,
        ],
        compiler_params=pltpu.CompilerParams(
            needs_layout_passes=False, use_tc_tiling_on_sc=False),
    )(_sc_body)
    return f(tabf, bias, idx, coords, wb)


def kernel(coordinates, region_ix, W0, b0, weight1_table, bias1_table):
    tabf = weight1_table.reshape(N_EMB * N_REG)
    bias = bias1_table.reshape(-1)
    idx = region_ix.astype(jnp.int32).reshape(NW, NCHUNK, CHUNK)
    coords = coordinates.reshape(NW, BPW)
    wb = jnp.concatenate(
        [W0.reshape(-1) / 20000.0, b0, jnp.zeros((8,), jnp.float32)])
    out = _run(tabf, bias, idx, coords, wb)
    return out.reshape(B, 1)

# --- scband reference (transcript-rebuilt; emitter-appended) ---
"""Pipeline reference for scband-cut-embedder-direct-42219528520002 (READ-ONLY COPY).

The authoritative reference and input builder live on the scoring server;
editing this copy changes nothing except your own understanding.
"""

import jax, jax.numpy as jnp
import numpy as np

N_REGIONS = 1000000
BATCH = 16384
N_EMB = 20
N_OUT = 1

def setup_inputs(seed: int = 0) -> dict:
    key = jax.random.key(seed)
    k1, k2, k3, k4, k5, k6 = jax.random.split(key, 6)
    coordinates = jax.random.normal(k1, (BATCH, 1), dtype=jnp.float32) * 10000.0
    region_ix = jax.random.randint(k2, (BATCH,), 0, N_REGIONS, dtype=jnp.int64 if jax.config.jax_enable_x64 else jnp.int32)
    # nn = Linear(1, N_EMB) + ReLU (dropout_rate=0.0 -> no dropout layer)
    W0 = jax.random.normal(k3, (1, N_EMB), dtype=jnp.float32) * (1.0 / np.sqrt(1.0))
    b0 = jax.random.normal(k4, (N_EMB,), dtype=jnp.float32) * 0.1
    # EmbeddingTensor tables (zero-initialized in the module; use small random here
    # so the reference computation is non-degenerate)
    weight1_table = jax.random.normal(k5, (N_REGIONS, N_EMB, N_OUT), dtype=jnp.float32) * 0.02
    bias1_table = jax.random.normal(k6, (N_REGIONS, N_OUT), dtype=jnp.float32) * 0.02
    return {
        "coordinates": coordinates,
        "region_ix": region_ix,
        "W0": W0,
        "b0": b0,
        "weight1_table": weight1_table,
        "bias1_table": bias1_table,
    }

def reference(coordinates, region_ix, W0, b0, weight1_table, bias1_table):
    # embedding = self.nn(coordinates / 20000)  -> Linear(1, n_emb) + ReLU
    h = (coordinates / 20000.0) @ W0 + b0            # [B, n_emb]
    embedding = jax.nn.relu(h)                        # [B, n_emb]
    # gather per-region weight and bias (embedding lookups)
    w1 = jnp.take(weight1_table, region_ix, axis=0)   # [B, n_emb, n_out]
    b1 = jnp.take(bias1_table, region_ix, axis=0)     # [B, n_out]
    # torch.einsum('ab,abc->ac', embedding, w1) + b1
    out = jnp.einsum("ab,abc->ac", embedding, w1) + b1
    return out

if __name__ == "__main__":
    import jax
    _d = setup_inputs()
    print(jax.jit(kernel)(*tuple(_d.values())))

</pallas_src>

<mosaic_0001>
#map = affine_map<(d0, d1) -> (0)>
#map1 = affine_map<(d0, d1) -> (0, 0, 0)>
#map2 = affine_map<(d0, d1) -> (0, 0)>
module attributes {stable_mosaic.version = 14 : i64} {
  func.func @_sc_body(%arg0: i32, %arg1: i32, %arg2: memref<20000000xf32, #tpu.memory_space<hbm>>, %arg3: memref<1000000xf32, #tpu.memory_space<hbm>>, %arg4: memref<32x4x128xi32, #tpu.memory_space<hbm>>, %arg5: memref<32x512xf32, #tpu.memory_space<hbm>>, %arg6: memref<48xf32, #tpu.memory_space<hbm>>, %arg7: memref<32x512xf32, #tpu.memory_space<hbm>>, %arg8: memref<4x128xi32, #tpu.memory_space<vmem>>, %arg9: memref<4x20x128xi32, #tpu.memory_space<vmem>>, %arg10: memref<20x512xf32, #tpu.memory_space<vmem>>, %arg11: memref<512xf32, #tpu.memory_space<vmem>>, %arg12: memref<512xf32, #tpu.memory_space<vmem>>, %arg13: memref<512xf32, #tpu.memory_space<vmem>>, %arg14: memref<48xf32, #tpu.memory_space<vmem>>, %arg15: memref<!tpu.dma_semaphore, #tpu.memory_space<semaphore_mem>>) attributes {dimension_semantics = [#tpu.dimension_semantics<core_parallel>, #tpu.dimension_semantics<subcore_parallel>], iteration_bounds = array<i64: 2, 16>, scalar_prefetch = 0 : i64, scratch_operands = 8 : i64, tpu.core_type = #tpu.core_type<sc_vector_subcore>, window_params = [{transform_indices = #map}, {transform_indices = #map}, {transform_indices = #map1}, {transform_indices = #map2}, {transform_indices = #map}, {transform_indices = #map2}]} {
    %mul3A = arith.constant 2 : i32
    %mul3A_0 = arith.muli %arg1, %mul3A : i32
    %add3A = arith.addi %mul3A_0, %arg0 : i32
    "tpu.region"() ({
      %run_scoped3A = tpu.sem_alloc : memref<!tpu.dma_semaphore, #tpu.memory_space<semaphore_mem>>
      %dma_start3A_1935 = arith.constant 0 : i32
      %dma_start3A_1936 = arith.constant 0 : i32
      %dma_start3A_1937 = tpu.memref_slice %arg4[%add3A, %dma_start3A_1935, %dma_start3A_1936] : memref<32x4x128xi32, #tpu.memory_space<hbm>> -> memref<1x4x128xi32, #tpu.memory_space<hbm>>
      %dma_start3A_1938 = tpu.memref_squeeze %dma_start3A_1937 : memref<1x4x128xi32, #tpu.memory_space<hbm>> -> memref<4x128xi32, #tpu.memory_space<hbm>>
      %dma_start3A_1939 = arith.constant 0 : i32
      %dma_start3A_1940 = arith.constant 0 : i32
      %dma_start3A_1941 = tpu.memref_slice %arg4[%add3A, %dma_start3A_1939, %dma_start3A_1940] : memref<32x4x128xi32, #tpu.memory_space<hbm>> -> memref<1x4x128xi32, #tpu.memory_space<hbm>>
      %dma_start3A_1942 = tpu.memref_squeeze %dma_start3A_1941 : memref<1x4x128xi32, #tpu.memory_space<hbm>> -> memref<4x128xi32, #tpu.memory_space<hbm>>
      tpu.enqueue_dma source(%dma_start3A_1942 : memref<4x128xi32, #tpu.memory_space<hbm>>) target(%arg8 : memref<4x128xi32, #tpu.memory_space<vmem>>) target_semaphore(%run_scoped3A : memref<!tpu.dma_semaphore, #tpu.memory_space<semaphore_mem>>)
      %dma_wait3A_1943 = arith.constant 0 : i32
      %dma_wait3A_1944 = arith.constant 0 : i32
      %dma_wait3A_1945 = tpu.memref_slice %arg4[%add3A, %dma_wait3A_1943, %dma_wait3A_1944] : memref<32x4x128xi32, #tpu.memory_space<hbm>> -> memref<1x4x128xi32, #tpu.memory_space<hbm>>
      %dma_wait3A_1946 = tpu.memref_squeeze %dma_wait3A_1945 : memref<1x4x128xi32, #tpu.memory_space<hbm>> -> memref<4x128xi32, #tpu.memory_space<hbm>>
      %dma_wait3A_1947 = arith.constant 0 : i32
      %dma_wait3A_1948 = arith.constant 0 : i32
      %dma_wait3A_1949 = tpu.memref_slice %arg4[%add3A, %dma_wait3A_1947, %dma_wait3A_1948] : memref<32x4x128xi32, #tpu.memory_space<hbm>> -> memref<1x4x128xi32, #tpu.memory_space<hbm>>
      %dma_wait3A_1950 = tpu.memref_squeeze %dma_wait3A_1949 : memref<1x4x128xi32, #tpu.memory_space<hbm>> -> memref<4x128xi32, #tpu.memory_space<hbm>>
      tpu.wait_dma2 semaphore(%run_scoped3A : memref<!tpu.dma_semaphore, #tpu.memory_space<semaphore_mem>>) src(%dma_wait3A_1950 : memref<4x128xi32, #tpu.memory_space<hbm>>) dst(%arg8 : memref<4x128xi32, #tpu.memory_space<vmem>>)
      tpu.yield
    }) : () -> ()
    "tpu.region"() ({
      %run_scoped3A = tpu.sem_alloc : memref<!tpu.dma_semaphore, #tpu.memory_space<semaphore_mem>>
      %dma_start3A_1935 = arith.constant 0 : i32
      %dma_start3A_1936 = tpu.memref_slice %arg5[%add3A, %dma_start3A_1935] : memref<32x512xf32, #tpu.memory_space<hbm>> -> memref<1x512xf32, #tpu.memory_space<hbm>>
      %dma_start3A_1937 = tpu.memref_squeeze %dma_start3A_1936 : memref<1x512xf32, #tpu.memory_space<hbm>> -> memref<512xf32, #tpu.memory_space<hbm>>
      %dma_start3A_1938 = arith.constant 0 : i32
      %dma_start3A_1939 = tpu.memref_slice %arg5[%add3A, %dma_start3A_1938] : memref<32x512xf32, #tpu.memory_space<hbm>> -> memref<1x512xf32, #tpu.memory_space<hbm>>
      %dma_start3A_1940 = tpu.memref_squeeze %dma_start3A_1939 : memref<1x512xf32, #tpu.memory_space<hbm>> -> memref<512xf32, #tpu.memory_space<hbm>>
      tpu.enqueue_dma source(%dma_start3A_1940 : memref<512xf32, #tpu.memory_space<hbm>>) target(%arg11 : memref<512xf32, #tpu.memory_space<vmem>>) target_semaphore(%run_scoped3A : memref<!tpu.dma_semaphore, #tpu.memory_space<semaphore_mem>>)
      %dma_wait3A_1941 = arith.constant 0 : i32
      %dma_wait3A_1942 = tpu.memref_slice %arg5[%add3A, %dma_wait3A_1941] : memref<32x512xf32, #tpu.memory_space<hbm>> -> memref<1x512xf32, #tpu.memory_space<hbm>>
      %dma_wait3A_1943 = tpu.memref_squeeze %dma_wait3A_1942 : memref<1x512xf32, #tpu.memory_space<hbm>> -> memref<512xf32, #tpu.memory_space<hbm>>
      %dma_wait3A_1944 = arith.constant 0 : i32
      %dma_wait3A_1945 = tpu.memref_slice %arg5[%add3A, %dma_wait3A_1944] : memref<32x512xf32, #tpu.memory_space<hbm>> -> memref<1x512xf32, #tpu.memory_space<hbm>>
      %dma_wait3A_1946 = tpu.memref_squeeze %dma_wait3A_1945 : memref<1x512xf32, #tpu.memory_space<hbm>> -> memref<512xf32, #tpu.memory_space<hbm>>
      tpu.wait_dma2 semaphore(%run_scoped3A : memref<!tpu.dma_semaphore, #tpu.memory_space<semaphore_mem>>) src(%dma_wait3A_1946 : memref<512xf32, #tpu.memory_space<hbm>>) dst(%arg11 : memref<512xf32, #tpu.memory_space<vmem>>)
      tpu.yield
    }) : () -> ()
    "tpu.region"() ({
      %run_scoped3A = tpu.sem_alloc : memref<!tpu.dma_semaphore, #tpu.memory_space<semaphore_mem>>
      tpu.enqueue_dma source(%arg6 : memref<48xf32, #tpu.memory_space<hbm>>) target(%arg14 : memref<48xf32, #tpu.memory_space<vmem>>) target_semaphore(%run_scoped3A : memref<!tpu.dma_semaphore, #tpu.memory_space<semaphore_mem>>)
      tpu.wait_dma2 semaphore(%run_scoped3A : memref<!tpu.dma_semaphore, #tpu.memory_space<semaphore_mem>>) src(%arg6 : memref<48xf32, #tpu.memory_space<hbm>>) dst(%arg14 : memref<48xf32, #tpu.memory_space<vmem>>)
      tpu.yield
    }) : () -> ()
    %scan3A = arith.constant 0 : i32
    %scan3A_1 = arith.constant 0 : i32
    %scan3A_2 = arith.constant 8 : i32
    %scan3A_3 = arith.addi %scan3A_1, %scan3A_2 : i32
    %scan3A_4 = arith.constant 1 : i32
    scf.for %scan3A_1935 = %scan3A_1 to %scan3A_3 step %scan3A_4  : i32 {
      %mul3A_1936 = arith.constant 16 : i32
      %mul3A_1937 = arith.muli %scan3A_1935, %mul3A_1936 : i32
      %get3A_1938 = arith.constant 0 : i32
      %get3A_1939 = arith.index_cast %get3A_1938 : i32 to index
      %get3A_1940 = arith.index_cast %mul3A_1937 : i32 to index
      %get3A_1941 = tpu.vector_load %arg8[%get3A_1939, %get3A_1940] {strides = array<i32>} : memref<4x128xi32, #tpu.memory_space<vmem>>, vector<16xi32>,
      %mul3A_1942 = arith.constant 20 : i32
      %mul3A_1943 = vector.broadcast %mul3A_1942 : i32 to vector<16xi32>
      %mul3A_1944 = arith.muli %get3A_1941, %mul3A_1943 : vector<16xi32>
      %add3A_1945 = arith.constant 0 : i32
      %add3A_1946 = vector.broadcast %add3A_1945 : i32 to vector<16xi32>
      %add3A_1947 = arith.addi %mul3A_1944, %add3A_1946 : vector<16xi32>
      %mul3A_1948 = arith.constant 16 : i32
      %mul3A_1949 = arith.muli %scan3A_1935, %mul3A_1948 : i32
      %swap3A = arith.constant 0 : i32
      %swap3A_1950 = arith.constant 0 : i32
      %swap3A_1951 = arith.index_cast %swap3A : i32 to index
      %swap3A_1952 = arith.index_cast %swap3A_1950 : i32 to index
      %swap3A_1953 = arith.index_cast %mul3A_1949 : i32 to index
      %swap3A_1954 = tpu.vector_load %arg9[%swap3A_1951, %swap3A_1952, %swap3A_1953] {strides = array<i32>} : memref<4x20x128xi32, #tpu.memory_space<vmem>>, vector<16xi32>,
      tpu.vector_store %arg9[%swap3A_1951, %swap3A_1952, %swap3A_1953], %add3A_1947 {strides = array<i32>} : memref<4x20x128xi32, #tpu.memory_space<vmem>>, vector<16xi32>,
      %add3A_1955 = arith.constant 1 : i32
      %add3A_1956 = vector.broadcast %add3A_1955 : i32 to vector<16xi32>
      %add3A_1957 = arith.addi %mul3A_1944, %add3A_1956 : vector<16xi32>
      %mul3A_1958 = arith.constant 16 : i32
      %mul3A_1959 = arith.muli %scan3A_1935, %mul3A_1958 : i32
      %swap3A_1960 = arith.constant 0 : i32
      %swap3A_1961 = arith.constant 1 : i32
      %swap3A_1962 = arith.index_cast %swap3A_1960 : i32 to index
      %swap3A_1963 = arith.index_cast %swap3A_1961 : i32 to index
      %swap3A_1964 = arith.index_cast %mul3A_1959 : i32 to index
      %swap3A_1965 = tpu.vector_load %arg9[%swap3A_1962, %swap3A_1963, %swap3A_1964] {strides = array<i32>} : memref<4x20x128xi32, #tpu.memory_space<vmem>>, vector<16xi32>,
      tpu.vector_store %arg9[%swap3A_1962, %swap3A_1963, %swap3A_1964], %add3A_1957 {strides = array<i32>} : memref<4x20x128xi32, #tpu.memory_space<vmem>>, vector<16xi32>,
      %add3A_1966 = arith.constant 2 : i32
      %add3A_1967 = vector.broadcast %add3A_1966 : i32 to vector<16xi32>
      %add3A_1968 = arith.addi %mul3A_1944, %add3A_1967 : vector<16xi32>
      %mul3A_1969 = arith.constant 16 : i32
      %mul3A_1970 = arith.muli %scan3A_1935, %mul3A_1969 : i32
      %swap3A_1971 = arith.constant 0 : i32
      %swap3A_1972 = arith.constant 2 : i32
      %swap3A_1973 = arith.index_cast %swap3A_1971 : i32 to index
      %swap3A_1974 = arith.index_cast %swap3A_1972 : i32 to index
      %swap3A_1975 = arith.index_cast %mul3A_1970 : i32 to index
      %swap3A_1976 = tpu.vector_load %arg9[%swap3A_1973, %swap3A_1974, %swap3A_1975] {strides = array<i32>} : memref<4x20x128xi32, #tpu.memory_space<vmem>>, vector<16xi32>,
      tpu.vector_store %arg9[%swap3A_1973, %swap3A_1974, %swap3A_1975], %add3A_1968 {strides = array<i32>} : memref<4x20x128xi32, #tpu.memory_space<vmem>>, vector<16xi32>,
      %add3A_1977 = arith.constant 3 : i32
      %add3A_1978 = vector.broadcast %add3A_1977 : i32 to vector<16xi32>
      %add3A_1979 = arith.addi %mul3A_1944, %add3A_1978 : vector<16xi32>
      %mul3A_1980 = arith.constant 16 : i32
      %mul3A_1981 = arith.muli %scan3A_1935, %mul3A_1980 : i32
      %swap3A_1982 = arith.constant 0 : i32
      %swap3A_1983 = arith.constant 3 : i32
      %swap3A_1984 = arith.index_cast %swap3A_1982 : i32 to index
      %swap3A_1985 = arith.index_cast %swap3A_1983 : i32 to index
      %swap3A_1986 = arith.index_cast %mul3A_1981 : i32 to index
      %swap3A_1987 = tpu.vector_load %arg9[%swap3A_1984, %swap3A_1985, %swap3A_1986] {strides = array<i32>} : memref<4x20x128xi32, #tpu.memory_space<vmem>>, vector<16xi32>,
      tpu.vector_store %arg9[%swap3A_1984, %swap3A_1985, %swap3A_1986], %add3A_1979 {strides = array<i32>} : memref<4x20x128xi32, #tpu.memory_space<vmem>>, vector<16xi32>,
      %add3A_1988 = arith.constant 4 : i32
      %add3A_1989 = vector.broadcast %add3A_1988 : i32 to vector<16xi32>
      %add3A_1990 = arith.addi %mul3A_1944, %add3A_1989 : vector<16xi32>
      %mul3A_1991 = arith.constant 16 : i32
      %mul3A_1992 = arith.muli %scan3A_1935, %mul3A_1991 : i32
      %swap3A_1993 = arith.constant 0 : i32
      %swap3A_1994 = arith.constant 4 : i32
      %swap3A_1995 = arith.index_cast %swap3A_1993 : i32 to index
      %swap3A_1996 = arith.index_cast %swap3A_1994 : i32 to index
      %swap3A_1997 = arith.index_cast %mul3A_1992 : i32 to index
      %swap3A_1998 = tpu.vector_load %arg9[%swap3A_1995, %swap3A_1996, %swap3A_1997] {strides = array<i32>} : memref<4x20x128xi32, #tpu.memory_space<vmem>>, vector<16xi32>,
      tpu.vector_store %arg9[%swap3A_1995, %swap3A_1996, %swap3A_1997], %add3A_1990 {strides = array<i32>} : memref<4x20x128xi32, #tpu.memory_space<vmem>>, vector<16xi32>,
      %add3A_1999 = arith.constant 5 : i32
      %add3A_2000 = vector.broadcast %add3A_1999 : i32 to vector<16xi32>
      %add3A_2001 = arith.addi %mul3A_1944, %add3A_2000 : vector<16xi32>
      %mul3A_2002 = arith.constant 16 : i32
      %mul3A_2003 = arith.muli %scan3A_1935, %mul3A_2002 : i32
      %swap3A_2004 = arith.constant 0 : i32
      %swap3A_2005 = arith.constant 5 : i32
      %swap3A_2006 = arith.index_cast %swap3A_2004 : i32 to index
      %swap3A_2007 = arith.index_cast %swap3A_2005 : i32 to index
      %swap3A_2008 = arith.index_cast %mul3A_2003 : i32 to index
      %swap3A_2009 = tpu.vector_load %arg9[%swap3A_2006, %swap3A_2007, %swap3A_2008] {strides = array<i32>} : memref<4x20x128xi32, #tpu.memory_space<vmem>>, vector<16xi32>,
      tpu.vector_store %arg9[%swap3A_2006, %swap3A_2007, %swap3A_2008], %add3A_2001 {strides = array<i32>} : memref<4x20x128xi32, #tpu.memory_space<vmem>>, vector<16xi32>,
      %add3A_2010 = arith.constant 6 : i32
      %add3A_2011 = vector.broadcast %add3A_2010 : i32 to vector<16xi32>
      %add3A_2012 = arith.addi %mul3A_1944, %add3A_2011 : vector<16xi32>
      %mul3A_2013 = arith.constant 16 : i32
      %mul3A_2014 = arith.muli %scan3A_1935, %mul3A_2013 : i32
      %swap3A_2015 = arith.constant 0 : i32
      %swap3A_2016 = arith.constant 6 : i32
      %swap3A_2017 = arith.index_cast %swap3A_2015 : i32 to index
      %swap3A_2018 = arith.index_cast %swap3A_2016 : i32 to index
      %swap3A_2019 = arith.index_cast %mul3A_2014 : i32 to index
      %swap3A_2020 = tpu.vector_load %arg9[%swap3A_2017, %swap3A_2018, %swap3A_2019] {strides = array<i32>} : memref<4x20x128xi32, #tpu.memory_space<vmem>>, vector<16xi32>,
      tpu.vector_store %arg9[%swap3A_2017, %swap3A_2018, %swap3A_2019], %add3A_2012 {strides = array<i32>} : memref<4x20x128xi32, #tpu.memory_space<vmem>>, vector<16xi32>,
      %add3A_2021 = arith.constant 7 : i32
      %add3A_2022 = vector.broadcast %add3A_2021 : i32 to vector<16xi32>
      %add3A_2023 = arith.addi %mul3A_1944, %add3A_2022 : vector<16xi32>
      %mul3A_2024 = arith.constant 16 : i32
      %mul3A_2025 = arith.muli %scan3A_1935, %mul3A_2024 : i32
      %swap3A_2026 = arith.constant 0 : i32
      %swap3A_2027 = arith.constant 7 : i32
      %swap3A_2028 = arith.index_cast %swap3A_2026 : i32 to index
      %swap3A_2029 = arith.index_cast %swap3A_2027 : i32 to index
      %swap3A_2030 = arith.index_cast %mul3A_2025 : i32 to index
      %swap3A_2031 = tpu.vector_load %arg9[%swap3A_2028, %swap3A_2029, %swap3A_2030] {strides = array<i32>} : memref<4x20x128xi32, #tpu.memory_space<vmem>>, vector<16xi32>,
      tpu.vector_store %arg9[%swap3A_2028, %swap3A_2029, %swap3A_2030], %add3A_2023 {strides = array<i32>} : memref<4x20x128xi32, #tpu.memory_space<vmem>>, vector<16xi32>,
      %add3A_2032 = arith.constant 8 : i32
      %add3A_2033 = vector.broadcast %add3A_2032 : i32 to vector<16xi32>
      %add3A_2034 = arith.addi %mul3A_1944, %add3A_2033 : vector<16xi32>
      %mul3A_2035 = arith.constant 16 : i32
      %mul3A_2036 = arith.muli %scan3A_1935, %mul3A_2035 : i32
      %swap3A_2037 = arith.constant 0 : i32
      %swap3A_2038 = arith.constant 8 : i32
      %swap3A_2039 = arith.index_cast %swap3A_2037 : i32 to index
      %swap3A_2040 = arith.index_cast %swap3A_2038 : i32 to index
      %swap3A_2041 = arith.index_cast %mul3A_2036 : i32 to index
      %swap3A_2042 = tpu.vector_load %arg9[%swap3A_2039, %swap3A_2040, %swap3A_2041] {strides = array<i32>} : memref<4x20x128xi32, #tpu.memory_space<vmem>>, vector<16xi32>,
      tpu.vector_store %arg9[%swap3A_2039, %swap3A_2040, %swap3A_2041], %add3A_2034 {strides = array<i32>} : memref<4x20x128xi32, #tpu.memory_space<vmem>>, vector<16xi32>,
      %add3A_2043 = arith.constant 9 : i32
      %add3A_2044 = vector.broadcast %add3A_2043 : i32 to vector<16xi32>
      %add3A_2045 = arith.addi %mul3A_1944, %add3A_2044 : vector<16xi32>
      %mul3A_2046 = arith.constant 16 : i32
      %mul3A_2047 = arith.muli %scan3A_1935, %mul3A_2046 : i32
      %swap3A_2048 = arith.constant 0 : i32
      %swap3A_2049 = arith.constant 9 : i32
      %swap3A_2050 = arith.index_cast %swap3A_2048 : i32 to index
      %swap3A_2051 = arith.index_cast %swap3A_2049 : i32 to index
      %swap3A_2052 = arith.index_cast %mul3A_2047 : i32 to index
      %swap3A_2053 = tpu.vector_load %arg9[%swap3A_2050, %swap3A_2051, %swap3A_2052] {strides = array<i32>} : memref<4x20x128xi32, #tpu.memory_space<vmem>>, vector<16xi32>,
      tpu.vector_store %arg9[%swap3A_2050, %swap3A_2051, %swap3A_2052], %add3A_2045 {strides = array<i32>} : memref<4x20x128xi32, #tpu.memory_space<vmem>>, vector<16xi32>,
      %add3A_2054 = arith.constant 10 : i32
      %add3A_2055 = vector.broadcast %add3A_2054 : i32 to vector<16xi32>
      %add3A_2056 = arith.addi %mul3A_1944, %add3A_2055 : vector<16xi32>
      %mul3A_2057 = arith.constant 16 : i32
      %mul3A_2058 = arith.muli %scan3A_1935, %mul3A_2057 : i32
      %swap3A_2059 = arith.constant 0 : i32
      %swap3A_2060 = arith.constant 10 : i32
      %swap3A_2061 = arith.index_cast %swap3A_2059 : i32 to index
      %swap3A_2062 = arith.index_cast %swap3A_2060 : i32 to index
      %swap3A_2063 = arith.index_cast %mul3A_2058 : i32 to index
      %swap3A_2064 = tpu.vector_load %arg9[%swap3A_2061, %swap3A_2062, %swap3A_2063] {strides = array<i32>} : memref<4x20x128xi32, #tpu.memory_space<vmem>>, vector<16xi32>,
      tpu.vector_store %arg9[%swap3A_2061, %swap3A_2062, %swap3A_2063], %add3A_2056 {strides = array<i32>} : memref<4x20x128xi32, #tpu.memory_space<vmem>>, vector<16xi32>,
      %add3A_2065 = arith.constant 11 : i32
      %add3A_2066 = vector.broadcast %add3A_2065 : i32 to vector<16xi32>
      %add3A_2067 = arith.addi %mul3A_1944, %add3A_2066 : vector<16xi32>
      %mul3A_2068 = arith.constant 16 : i32
      %mul3A_2069 = arith.muli %scan3A_1935, %mul3A_2068 : i32
      %swap3A_2070 = arith.constant 0 : i32
      %swap3A_2071 = arith.constant 11 : i32
      %swap3A_2072 = arith.index_cast %swap3A_2070 : i32 to index
      %swap3A_2073 = arith.index_cast %swap3A_2071 : i32 to index
      %swap3A_2074 = arith.index_cast %mul3A_2069 : i32 to index
      %swap3A_2075 = tpu.vector_load %arg9[%swap3A_2072, %swap3A_2073, %swap3A_2074] {strides = array<i32>} : memref<4x20x128xi32, #tpu.memory_space<vmem>>, vector<16xi32>,
      tpu.vector_store %arg9[%swap3A_2072, %swap3A_2073, %swap3A_2074], %add3A_2067 {strides = array<i32>} : memref<4x20x128xi32, #tpu.memory_space<vmem>>, vector<16xi32>,
      %add3A_2076 = arith.constant 12 : i32
      %add3A_2077 = vector.broadcast %add3A_2076 : i32 to vector<16xi32>
      %add3A_2078 = arith.addi %mul3A_1944, %add3A_2077 : vector<16xi32>
      %mul3A_2079 = arith.constant 16 : i32
      %mul3A_2080 = arith.muli %scan3A_1935, %mul3A_2079 : i32
      %swap3A_2081 = arith.constant 0 : i32
      %swap3A_2082 = arith.constant 12 : i32
      %swap3A_2083 = arith.index_cast %swap3A_2081 : i32 to index
      %swap3A_2084 = arith.index_cast %swap3A_2082 : i32 to index
      %swap3A_2085 = arith.index_cast %mul3A_2080 : i32 to index
      %swap3A_2086 = tpu.vector_load %arg9[%swap3A_2083, %swap3A_2084, %swap3A_2085] {strides = array<i32>} : memref<4x20x128xi32, #tpu.memory_space<vmem>>, vector<16xi32>,
      tpu.vector_store %arg9[%swap3A_2083, %swap3A_2084, %swap3A_2085], %add3A_2078 {strides = array<i32>} : memref<4x20x128xi32, #tpu.memory_space<vmem>>, vector<16xi32>,
      %add3A_2087 = arith.constant 13 : i32
      %add3A_2088 = vector.broadcast %add3A_2087 : i32 to vector<16xi32>
      %add3A_2089 = arith.addi %mul3A_1944, %add3A_2088 : vector<16xi32>
      %mul3A_2090 = arith.constant 16 : i32
      %mul3A_2091 = arith.muli %scan3A_1935, %mul3A_2090 : i32
      %swap3A_2092 = arith.constant 0 : i32
      %swap3A_2093 = arith.constant 13 : i32
      %swap3A_2094 = arith.index_cast %swap3A_2092 : i32 to index
      %swap3A_2095 = arith.index_cast %swap3A_2093 : i32 to index
      %swap3A_2096 = arith.index_cast %mul3A_2091 : i32 to index
      %swap3A_2097 = tpu.vector_load %arg9[%swap3A_2094, %swap3A_2095, %swap3A_2096] {strides = array<i32>} : memref<4x20x128xi32, #tpu.memory_space<vmem>>, vector<16xi32>,
      tpu.vector_store %arg9[%swap3A_2094, %swap3A_2095, %swap3A_2096], %add3A_2089 {strides = array<i32>} : memref<4x20x128xi32, #tpu.memory_space<vmem>>, vector<16xi32>,
      %add3A_2098 = arith.constant 14 : i32
      %add3A_2099 = vector.broadcast %add3A_2098 : i32 to vector<16xi32>
      %add3A_2100 = arith.addi %mul3A_1944, %add3A_2099 : vector<16xi32>
      %mul3A_2101 = arith.constant 16 : i32
      %mul3A_2102 = arith.muli %scan3A_1935, %mul3A_2101 : i32
      %swap3A_2103 = arith.constant 0 : i32
      %swap3A_2104 = arith.constant 14 : i32
      %swap3A_2105 = arith.index_cast %swap3A_2103 : i32 to index
      %swap3A_2106 = arith.index_cast %swap3A_2104 : i32 to index
      %swap3A_2107 = arith.index_cast %mul3A_2102 : i32 to index
      %swap3A_2108 = tpu.vector_load %arg9[%swap3A_2105, %swap3A_2106, %swap3A_2107] {strides = array<i32>} : memref<4x20x128xi32, #tpu.memory_space<vmem>>, vector<16xi32>,
      tpu.vector_store %arg9[%swap3A_2105, %swap3A_2106, %swap3A_2107], %add3A_2100 {strides = array<i32>} : memref<4x20x128xi32, #tpu.memory_space<vmem>>, vector<16xi32>,
      %add3A_2109 = arith.constant 15 : i32
      %add3A_2110 = vector.broadcast %add3A_2109 : i32 to vector<16xi32>
      %add3A_2111 = arith.addi %mul3A_1944, %add3A_2110 : vector<16xi32>
      %mul3A_2112 = arith.constant 16 : i32
      %mul3A_2113 = arith.muli %scan3A_1935, %mul3A_2112 : i32
      %swap3A_2114 = arith.constant 0 : i32
      %swap3A_2115 = arith.constant 15 : i32
      %swap3A_2116 = arith.index_cast %swap3A_2114 : i32 to index
      %swap3A_2117 = arith.index_cast %swap3A_2115 : i32 to index
      %swap3A_2118 = arith.index_cast %mul3A_2113 : i32 to index
      %swap3A_2119 = tpu.vector_load %arg9[%swap3A_2116, %swap3A_2117, %swap3A_2118] {strides = array<i32>} : memref<4x20x128xi32, #tpu.memory_space<vmem>>, vector<16xi32>,
      tpu.vector_store %arg9[%swap3A_2116, %swap3A_2117, %swap3A_2118], %add3A_2111 {strides = array<i32>} : memref<4x20x128xi32, #tpu.memory_space<vmem>>, vector<16xi32>,
      %add3A_2120 = arith.constant 16 : i32
      %add3A_2121 = vector.broadcast %add3A_2120 : i32 to vector<16xi32>
      %add3A_2122 = arith.addi %mul3A_1944, %add3A_2121 : vector<16xi32>
      %mul3A_2123 = arith.constant 16 : i32
      %mul3A_2124 = arith.muli %scan3A_1935, %mul3A_2123 : i32
      %swap3A_2125 = arith.constant 0 : i32
      %swap3A_2126 = arith.constant 16 : i32
      %swap3A_2127 = arith.index_cast %swap3A_2125 : i32 to index
      %swap3A_2128 = arith.index_cast %swap3A_2126 : i32 to index
      %swap3A_2129 = arith.index_cast %mul3A_2124 : i32 to index
      %swap3A_2130 = tpu.vector_load %arg9[%swap3A_2127, %swap3A_2128, %swap3A_2129] {strides = array<i32>} : memref<4x20x128xi32, #tpu.memory_space<vmem>>, vector<16xi32>,
      tpu.vector_store %arg9[%swap3A_2127, %swap3A_2128, %swap3A_2129], %add3A_2122 {strides = array<i32>} : memref<4x20x128xi32, #tpu.memory_space<vmem>>, vector<16xi32>,
      %add3A_2131 = arith.constant 17 : i32
      %add3A_2132 = vector.broadcast %add3A_2131 : i32 to vector<16xi32>
      %add3A_2133 = arith.addi %mul3A_1944, %add3A_2132 : vector<16xi32>
      %mul3A_2134 = arith.constant 16 : i32
      %mul3A_2135 = arith.muli %scan3A_1935, %mul3A_2134 : i32
      %swap3A_2136 = arith.constant 0 : i32
      %swap3A_2137 = arith.constant 17 : i32
      %swap3A_2138 = arith.index_cast %swap3A_2136 : i32 to index
      %swap3A_2139 = arith.index_cast %swap3A_2137 : i32 to index
      %swap3A_2140 = arith.index_cast %mul3A_2135 : i32 to index
      %swap3A_2141 = tpu.vector_load %arg9[%swap3A_2138, %swap3A_2139, %swap3A_2140] {strides = array<i32>} : memref<4x20x128xi32, #tpu.memory_space<vmem>>, vector<16xi32>,
      tpu.vector_store %arg9[%swap3A_2138, %swap3A_2139, %swap3A_2140], %add3A_2133 {strides = array<i32>} : memref<4x20x128xi32, #tpu.memory_space<vmem>>, vector<16xi32>,
      %add3A_2142 = arith.constant 18 : i32
      %add3A_2143 = vector.broadcast %add3A_2142 : i32 to vector<16xi32>
      %add3A_2144 = arith.addi %mul3A_1944, %add3A_2143 : vector<16xi32>
      %mul3A_2145 = arith.constant 16 : i32
      %mul3A_2146 = arith.muli %scan3A_1935, %mul3A_2145 : i32
      %swap3A_2147 = arith.constant 0 : i32
      %swap3A_2148 = arith.constant 18 : i32
      %swap3A_2149 = arith.index_cast %swap3A_2147 : i32 to index
      %swap3A_2150 = arith.index_cast %swap3A_2148 : i32 to index
      %swap3A_2151 = arith.index_cast %mul3A_2146 : i32 to index
      %swap3A_2152 = tpu.vector_load %arg9[%swap3A_2149, %swap3A_2150, %swap3A_2151] {strides = array<i32>} : memref<4x20x128xi32, #tpu.memory_space<vmem>>, vector<16xi32>,
      tpu.vector_store %arg9[%swap3A_2149, %swap3A_2150, %swap3A_2151], %add3A_2144 {strides = array<i32>} : memref<4x20x128xi32, #tpu.memory_space<vmem>>, vector<16xi32>,
      %add3A_2153 = arith.constant 19 : i32
      %add3A_2154 = vector.broadcast %add3A_2153 : i32 to vector<16xi32>
      %add3A_2155 = arith.addi %mul3A_1944, %add3A_2154 : vector<16xi32>
      %mul3A_2156 = arith.constant 16 : i32
      %mul3A_2157 = arith.muli %scan3A_1935, %mul3A_2156 : i32
      %swap3A_2158 = arith.constant 0 : i32
      %swap3A_2159 = arith.constant 19 : i32
      %swap3A_2160 = arith.index_cast %swap3A_2158 : i32 to index
      %swap3A_2161 = arith.index_cast %swap3A_2159 : i32 to index
      %swap3A_2162 = arith.index_cast %mul3A_2157 : i32 to index
      %swap3A_2163 = tpu.vector_load %arg9[%swap3A_2160, %swap3A_2161, %swap3A_2162] {strides = array<i32>} : memref<4x20x128xi32, #tpu.memory_space<vmem>>, vector<16xi32>,
      tpu.vector_store %arg9[%swap3A_2160, %swap3A_2161, %swap3A_2162], %add3A_2155 {strides = array<i32>} : memref<4x20x128xi32, #tpu.memory_space<vmem>>, vector<16xi32>,
    }
    %scan3A_5 = arith.constant 8 : i32
    %scan3A_6 = arith.constant 0 : i32
    %scan3A_7 = arith.constant 0 : i32
    %scan3A_8 = arith.constant 8 : i32
    %scan3A_9 = arith.addi %scan3A_7, %scan3A_8 : i32
    %scan3A_10 = arith.constant 1 : i32
    scf.for %scan3A_1935 = %scan3A_7 to %scan3A_9 step %scan3A_10  : i32 {
      %mul3A_1936 = arith.constant 16 : i32
      %mul3A_1937 = arith.muli %scan3A_1935, %mul3A_1936 : i32
      %get3A_1938 = arith.constant 1 : i32
      %get3A_1939 = arith.index_cast %get3A_1938 : i32 to index
      %get3A_1940 = arith.index_cast %mul3A_1937 : i32 to index
      %get3A_1941 = tpu.vector_load %arg8[%get3A_1939, %get3A_1940] {strides = array<i32>} : memref<4x128xi32, #tpu.memory_space<vmem>>, vector<16xi32>,
      %mul3A_1942 = arith.constant 20 : i32
      %mul3A_1943 = vector.broadcast %mul3A_1942 : i32 to vector<16xi32>
      %mul3A_1944 = arith.muli %get3A_1941, %mul3A_1943 : vector<16xi32>
      %add3A_1945 = arith.constant 0 : i32
      %add3A_1946 = vector.broadcast %add3A_1945 : i32 to vector<16xi32>
      %add3A_1947 = arith.addi %mul3A_1944, %add3A_1946 : vector<16xi32>
      %mul3A_1948 = arith.constant 16 : i32
      %mul3A_1949 = arith.muli %scan3A_1935, %mul3A_1948 : i32
      %swap3A = arith.constant 1 : i32
      %swap3A_1950 = arith.constant 0 : i32
      %swap3A_1951 = arith.index_cast %swap3A : i32 to index
      %swap3A_1952 = arith.index_cast %swap3A_1950 : i32 to index
      %swap3A_1953 = arith.index_cast %mul3A_1949 : i32 to index
      %swap3A_1954 = tpu.vector_load %arg9[%swap3A_1951, %swap3A_1952, %swap3A_1953] {strides = array<i32>} : memref<4x20x128xi32, #tpu.memory_space<vmem>>, vector<16xi32>,
      tpu.vector_store %arg9[%swap3A_1951, %swap3A_1952, %swap3A_1953], %add3A_1947 {strides = array<i32>} : memref<4x20x128xi32, #tpu.memory_space<vmem>>, vector<16xi32>,
      %add3A_1955 = arith.constant 1 : i32
      %add3A_1956 = vector.broadcast %add3A_1955 : i32 to vector<16xi32>
      %add3A_1957 = arith.addi %mul3A_1944, %add3A_1956 : vector<16xi32>
      %mul3A_1958 = arith.constant 16 : i32
      %mul3A_1959 = arith.muli %scan3A_1935, %mul3A_1958 : i32
      %swap3A_1960 = arith.constant 1 : i32
      %swap3A_1961 = arith.constant 1 : i32
      %swap3A_1962 = arith.index_cast %swap3A_1960 : i32 to index
      %swap3A_1963 = arith.index_cast %swap3A_1961 : i32 to index
      %swap3A_1964 = arith.index_cast %mul3A_1959 : i32 to index
      %swap3A_1965 = tpu.vector_load %arg9[%swap3A_1962, %swap3A_1963, %swap3A_1964] {strides = array<i32>} : memref<4x20x128xi32, #tpu.memory_space<vmem>>, vector<16xi32>,
      tpu.vector_store %arg9[%swap3A_1962, %swap3A_1963, %swap3A_1964], %add3A_1957 {strides = array<i32>} : memref<4x20x128xi32, #tpu.memory_space<vmem>>, vector<16xi32>,
      %add3A_1966 = arith.constant 2 : i32
      %add3A_1967 = vector.broadcast %add3A_1966 : i32 to vector<16xi32>
      %add3A_1968 = arith.addi %mul3A_1944, %add3A_1967 : vector<16xi32>
      %mul3A_1969 = arith.constant 16 : i32
      %mul3A_1970 = arith.muli %scan3A_1935, %mul3A_1969 : i32
      %swap3A_1971 = arith.constant 1 : i32
      %swap3A_1972 = arith.constant 2 : i32
      %swap3A_1973 = arith.index_cast %swap3A_1971 : i32 to index
      %swap3A_1974 = arith.index_cast %swap3A_1972 : i32 to index
      %swap3A_1975 = arith.index_cast %mul3A_1970 : i32 to index
      %swap3A_1976 = tpu.vector_load %arg9[%swap3A_1973, %swap3A_1974, %swap3A_1975] {strides = array<i32>} : memref<4x20x128xi32, #tpu.memory_space<vmem>>, vector<16xi32>,
      tpu.vector_store %arg9[%swap3A_1973, %swap3A_1974, %swap3A_1975], %add3A_1968 {strides = array<i32>} : memref<4x20x128xi32, #tpu.memory_space<vmem>>, vector<16xi32>,
      %add3A_1977 = arith.constant 3 : i32
      %add3A_1978 = vector.broadcast %add3A_1977 : i32 to vector<16xi32>
      %add3A_1979 = arith.addi %mul3A_1944, %add3A_1978 : vector<16xi32>
      %mul3A_1980 = arith.constant 16 : i32
      %mul3A_1981 = arith.muli %scan3A_1935, %mul3A_1980 : i32
      %swap3A_1982 = arith.constant 1 : i32
      %swap3A_1983 = arith.constant 3 : i32
      %swap3A_1984 = arith.index_cast %swap3A_1982 : i32 to index
      %swap3A_1985 = arith.index_cast %swap3A_1983 : i32 to index
      %swap3A_1986 = arith.index_cast %mul3A_1981 : i32 to index
      %swap3A_1987 = tpu.vector_load %arg9[%swap3A_1984, %swap3A_1985, %swap3A_1986] {strides = array<i32>} : memref<4x20x128xi32, #tpu.memory_space<vmem>>, vector<16xi32>,
      tpu.vector_store %arg9[%swap3A_1984, %swap3A_1985, %swap3A_1986], %add3A_1979 {strides = array<i32>} : memref<4x20x128xi32, #tpu.memory_space<vmem>>, vector<16xi32>,
      %add3A_1988 = arith.constant 4 : i32
      %add3A_1989 = vector.broadcast %add3A_1988 : i32 to vector<16xi32>
      %add3A_1990 = arith.addi %mul3A_1944, %add3A_1989 : vector<16xi32>
      %mul3A_1991 = arith.constant 16 : i32
      %mul3A_1992 = arith.muli %scan3A_1935, %mul3A_1991 : i32
      %swap3A_1993 = arith.constant 1 : i32
      %swap3A_1994 = arith.constant 4 : i32
      %swap3A_1995 = arith.index_cast %swap3A_1993 : i32 to index
      %swap3A_1996 = arith.index_cast %swap3A_1994 : i32 to index
      %swap3A_1997 = arith.index_cast %mul3A_1992 : i32 to index
      %swap3A_1998 = tpu.vector_load %arg9[%swap3A_1995, %swap3A_1996, %swap3A_1997] {strides = array<i32>} : memref<4x20x128xi32, #tpu.memory_space<vmem>>, vector<16xi32>,
      tpu.vector_store %arg9[%swap3A_1995, %swap3A_1996, %swap3A_1997], %add3A_1990 {strides = array<i32>} : memref<4x20x128xi32, #tpu.memory_space<vmem>>, vector<16xi32>,
      %add3A_1999 = arith.constant 5 : i32
      %add3A_2000 = vector.broadcast %add3A_1999 : i32 to vector<16xi32>
      %add3A_2001 = arith.addi %mul3A_1944, %add3A_2000 : vector<16xi32>
      %mul3A_2002 = arith.constant 16 : i32
      %mul3A_2003 = arith.muli %scan3A_1935, %mul3A_2002 : i32
      %swap3A_2004 = arith.constant 1 : i32
      %swap3A_2005 = arith.constant 5 : i32
      %swap3A_2006 = arith.index_cast %swap3A_2004 : i32 to index
      %swap3A_2007 = arith.index_cast %swap3A_2005 : i32 to index
      %swap3A_2008 = arith.index_cast %mul3A_2003 : i32 to index
      %swap3A_2009 = tpu.vector_load %arg9[%swap3A_2006, %swap3A_2007, %swap3A_2008] {strides = array<i32>} : memref<4x20x128xi32, #tpu.memory_space<vmem>>, vector<16xi32>,
      tpu.vector_store %arg9[%swap3A_2006, %swap3A_2007, %swap3A_2008], %add3A_2001 {strides = array<i32>} : memref<4x20x128xi32, #tpu.memory_space<vmem>>, vector<16xi32>,
      %add3A_2010 = arith.constant 6 : i32
      %add3A_2011 = vector.broadcast %add3A_2010 : i32 to vector<16xi32>
      %add3A_2012 = arith.addi %mul3A_1944, %add3A_2011 : vector<16xi32>
      %mul3A_2013 = arith.constant 16 : i32
      %mul3A_2014 = arith.muli %scan3A_1935, %mul3A_2013 : i32
      %swap3A_2015 = arith.constant 1 : i32
      %swap3A_2016 = arith.constant 6 : i32
      %swap3A_2017 = arith.index_cast %swap3A_2015 : i32 to index
      %swap3A_2018 = arith.index_cast %swap3A_2016 : i32 to index
      %swap3A_2019 = arith.index_cast %mul3A_2014 : i32 to index
      %swap3A_2020 = tpu.vector_load %arg9[%swap3A_2017, %swap3A_2018, %swap3A_2019] {strides = array<i32>} : memref<4x20x128xi32, #tpu.memory_space<vmem>>, vector<16xi32>,
      tpu.vector_store %arg9[%swap3A_2017, %swap3A_2018, %swap3A_2019], %add3A_2012 {strides = array<i32>} : memref<4x20x128xi32, #tpu.memory_space<vmem>>, vector<16xi32>,
      %add3A_2021 = arith.constant 7 : i32
      %add3A_2022 = vector.broadcast %add3A_2021 : i32 to vector<16xi32>
      %add3A_2023 = arith.addi %mul3A_1944, %add3A_2022 : vector<16xi32>
      %mul3A_2024 = arith.constant 16 : i32
      %mul3A_2025 = arith.muli %scan3A_1935, %mul3A_2024 : i32
      %swap3A_2026 = arith.constant 1 : i32
      %swap3A_2027 = arith.constant 7 : i32
      %swap3A_2028 = arith.index_cast %swap3A_2026 : i32 to index
      %swap3A_2029 = arith.index_cast %swap3A_2027 : i32 to index
      %swap3A_2030 = arith.index_cast %mul3A_2025 : i32 to index
      %swap3A_2031 = tpu.vector_load %arg9[%swap3A_2028, %swap3A_2029, %swap3A_2030] {strides = array<i32>} : memref<4x20x128xi32, #tpu.memory_space<vmem>>, vector<16xi32>,
      tpu.vector_store %arg9[%swap3A_2028, %swap3A_2029, %swap3A_2030], %add3A_2023 {strides = array<i32>} : memref<4x20x128xi32, #tpu.memory_space<vmem>>, vector<16xi32>,
      %add3A_2032 = arith.constant 8 : i32
      %add3A_2033 = vector.broadcast %add3A_2032 : i32 to vector<16xi32>
      %add3A_2034 = arith.addi %mul3A_1944, %add3A_2033 : vector<16xi32>
      %mul3A_2035 = arith.constant 16 : i32
      %mul3A_2036 = arith.muli %scan3A_1935, %mul3A_2035 : i32
      %swap3A_2037 = arith.constant 1 : i32
      %swap3A_2038 = arith.constant 8 : i32
      %swap3A_2039 = arith.index_cast %swap3A_2037 : i32 to index
      %swap3A_2040 = arith.index_cast %swap3A_2038 : i32 to index
      %swap3A_2041 = arith.index_cast %mul3A_2036 : i32 to index
      %swap3A_2042 = tpu.vector_load %arg9[%swap3A_2039, %swap3A_2040, %swap3A_2041] {strides = array<i32>} : memref<4x20x128xi32, #tpu.memory_space<vmem>>, vector<16xi32>,
      tpu.vector_store %arg9[%swap3A_2039, %swap3A_2040, %swap3A_2041], %add3A_2034 {strides = array<i32>} : memref<4x20x128xi32, #tpu.memory_space<vmem>>, vector<16xi32>,
      %add3A_2043 = arith.constant 9 : i32
      %add3A_2044 = vector.broadcast %add3A_2043 : i32 to vector<16xi32>
      %add3A_2045 = arith.addi %mul3A_1944, %add3A_2044 : vector<16xi32>
      %mul3A_2046 = arith.constant 16 : i32
      %mul3A_2047 = arith.muli %scan3A_1935, %mul3A_2046 : i32
      %swap3A_2048 = arith.constant 1 : i32
      %swap3A_2049 = arith.constant 9 : i32
      %swap3A_2050 = arith.index_cast %swap3A_2048 : i32 to index
      %swap3A_2051 = arith.index_cast %swap3A_2049 : i32 to index
      %swap3A_2052 = arith.index_cast %mul3A_2047 : i32 to index
      %swap3A_2053 = tpu.vector_load %arg9[%swap3A_2050, %swap3A_2051, %swap3A_2052] {strides = array<i32>} : memref<4x20x128xi32, #tpu.memory_space<vmem>>, vector<16xi32>,
      tpu.vector_store %arg9[%swap3A_2050, %swap3A_2051, %swap3A_2052], %add3A_2045 {strides = array<i32>} : memref<4x20x128xi32, #tpu.memory_space<vmem>>, vector<16xi32>,
      %add3A_2054 = arith.constant 10 : i32
      %add3A_2055 = vector.broadcast %add3A_2054 : i32 to vector<16xi32>
      %add3A_2056 = arith.addi %mul3A_1944, %add3A_2055 : vector<16xi32>
      %mul3A_2057 = arith.constant 16 : i32
      %mul3A_2058 = arith.muli %scan3A_1935, %mul3A_2057 : i32
      %swap3A_2059 = arith.constant 1 : i32
      %swap3A_2060 = arith.constant 10 : i32
      %swap3A_2061 = arith.index_cast %swap3A_2059 : i32 to index
      %swap3A_2062 = arith.index_cast %swap3A_2060 : i32 to index
      %swap3A_2063 = arith.index_cast %mul3A_2058 : i32 to index
      %swap3A_2064 = tpu.vector_load %arg9[%swap3A_2061, %swap3A_2062, %swap3A_2063] {strides = array<i32>} : memref<4x20x128xi32, #tpu.memory_space<vmem>>, vector<16xi32>,
      tpu.vector_store %arg9[%swap3A_2061, %swap3A_2062, %swap3A_2063], %add3A_2056 {strides = array<i32>} : memref<4x20x128xi32, #tpu.memory_space<vmem>>, vector<16xi32>,
      %add3A_2065 = arith.constant 11 : i32
      %add3A_2066 = vector.broadcast %add3A_2065 : i32 to vector<16xi32>
      %add3A_2067 = arith.addi %mul3A_1944, %add3A_2066 : vector<16xi32>
      %mul3A_2068 = arith.constant 16 : i32
      %mul3A_2069 = arith.muli %scan3A_1935, %mul3A_2068 : i32
      %swap3A_2070 = arith.constant 1 : i32
      %swap3A_2071 = arith.constant 11 : i32
      %swap3A_2072 = arith.index_cast %swap3A_2070 : i32 to index
      %swap3A_2073 = arith.index_cast %swap3A_2071 : i32 to index
      %swap3A_2074 = arith.index_cast %mul3A_2069 : i32 to index
      %swap3A_2075 = tpu.vector_load %arg9[%swap3A_2072, %swap3A_2073, %swap3A_2074] {strides = array<i32>} : memref<4x20x128xi32, #tpu.memory_space<vmem>>, vector<16xi32>,
      tpu.vector_store %arg9[%swap3A_2072, %swap3A_2073, %swap3A_2074], %add3A_2067 {strides = array<i32>} : memref<4x20x128xi32, #tpu.memory_space<vmem>>, vector<16xi32>,
      %add3A_2076 = arith.constant 12 : i32
      %add3A_2077 = vector.broadcast %add3A_2076 : i32 to vector<16xi32>
      %add3A_2078 = arith.addi %mul3A_1944, %add3A_2077 : vector<16xi32>
      %mul3A_2079 = arith.constant 16 : i32
      %mul3A_2080 = arith.muli %scan3A_1935, %mul3A_2079 : i32
      %swap3A_2081 = arith.constant 1 : i32
      %swap3A_2082 = arith.constant 12 : i32
      %swap3A_2083 = arith.index_cast %swap3A_2081 : i32 to index
      %swap3A_2084 = arith.index_cast %swap3A_2082 : i32 to index
      %swap3A_2085 = arith.index_cast %mul3A_2080 : i32 to index
      %swap3A_2086 = tpu.vector_load %arg9[%swap3A_2083, %swap3A_2084, %swap3A_2085] {strides = array<i32>} : memref<4x20x128xi32, #tpu.memory_space<vmem>>, vector<16xi32>,
      tpu.vector_store %arg9[%swap3A_2083, %swap3A_2084, %swap3A_2085], %add3A_2078 {strides = array<i32>} : memref<4x20x128xi32, #tpu.memory_space<vmem>>, vector<16xi32>,
      %add3A_2087 = arith.constant 13 : i32
      %add3A_2088 = vector.broadcast %add3A_2087 : i32 to vector<16xi32>
      %add3A_2089 = arith.addi %mul3A_1944, %add3A_2088 : vector<16xi32>
      %mul3A_2090 = arith.constant 16 : i32
      %mul3A_2091 = arith.muli %scan3A_1935, %mul3A_2090 : i32
      %swap3A_2092 = arith.constant 1 : i32
      %swap3A_2093 = arith.constant 13 : i32
      %swap3A_2094 = arith.index_cast %swap3A_2092 : i32 to index
      %swap3A_2095 = arith.index_cast %swap3A_2093 : i32 to index
      %swap3A_2096 = arith.index_cast %mul3A_2091 : i32 to index
      %swap3A_2097 = tpu.vector_load %arg9[%swap3A_2094, %swap3A_2095, %swap3A_2096] {strides = array<i32>} : memref<4x20x128xi32, #tpu.memory_space<vmem>>, vector<16xi32>,
      tpu.vector_store %arg9[%swap3A_2094, %swap3A_2095, %swap3A_2096], %add3A_2089 {strides = array<i32>} : memref<4x20x128xi32, #tpu.memory_space<vmem>>, vector<16xi32>,
      %add3A_2098 = arith.constant 14 : i32
      %add3A_2099 = vector.broadcast %add3A_2098 : i32 to vector<16xi32>
      %add3A_2100 = arith.addi %mul3A_1944, %add3A_2099 : vector<16xi32>
      %mul3A_2101 = arith.constant 16 : i32
      %mul3A_2102 = arith.muli %scan3A_1935, %mul3A_2101 : i32
      %swap3A_2103 = arith.constant 1 : i32
      %swap3A_2104 = arith.constant 14 : i32
      %swap3A_2105 = arith.index_cast %swap3A_2103 : i32 to index
      %swap3A_2106 = arith.index_cast %swap3A_2104 : i32 to index
      %swap3A_2107 = arith.index_cast %mul3A_2102 : i32 to index
      %swap3A_2108 = tpu.vector_load %arg9[%swap3A_2105, %swap3A_2106, %swap3A_2107] {strides = array<i32>} : memref<4x20x128xi32, #tpu.memory_space<vmem>>, vector<16xi32>,
      tpu.vector_store %arg9[%swap3A_2105, %swap3A_2106, %swap3A_2107], %add3A_2100 {strides = array<i32>} : memref<4x20x128xi32, #tpu.memory_space<vmem>>, vector<16xi32>,
      %add3A_2109 = arith.constant 15 : i32
      %add3A_2110 = vector.broadcast %add3A_2109 : i32 to vector<16xi32>
      %add3A_2111 = arith.addi %mul3A_1944, %add3A_2110 : vector<16xi32>
      %mul3A_2112 = arith.constant 16 : i32
      %mul3A_2113 = arith.muli %scan3A_1935, %mul3A_2112 : i32
      %swap3A_2114 = arith.constant 1 : i32
      %swap3A_2115 = arith.constant 15 : i32
      %swap3A_2116 = arith.index_cast %swap3A_2114 : i32 to index
      %swap3A_2117 = arith.index_cast %swap3A_2115 : i32 to index
      %swap3A_2118 = arith.index_cast %mul3A_2113 : i32 to index
      %swap3A_2119 = tpu.vector_load %arg9[%swap3A_2116, %swap3A_2117, %swap3A_2118] {strides = array<i32>} : memref<4x20x128xi32, #tpu.memory_space<vmem>>, vector<16xi32>,
      tpu.vector_store %arg9[%swap3A_2116, %swap3A_2117, %swap3A_2118], %add3A_2111 {strides = array<i32>} : memref<4x20x128xi32, #tpu.memory_space<vmem>>, vector<16xi32>,
      %add3A_2120 = arith.constant 16 : i32
      %add3A_2121 = vector.broadcast %add3A_2120 : i32 to vector<16xi32>
      %add3A_2122 = arith.addi %mul3A_1944, %add3A_2121 : vector<16xi32>
      %mul3A_2123 = arith.constant 16 : i32
      %mul3A_2124 = arith.muli %scan3A_1935, %mul3A_2123 : i32
      %swap3A_2125 = arith.constant 1 : i32
      %swap3A_2126 = arith.constant 16 : i32
      %swap3A_2127 = arith.index_cast %swap3A_2125 : i32 to index
      %swap3A_2128 = arith.index_cast %swap3A_2126 : i32 to index
      %swap3A_2129 = arith.index_cast %mul3A_2124 : i32 to index
      %swap3A_2130 = tpu.vector_load %arg9[%swap3A_2127, %swap3A_2128, %swap3A_2129] {strides = array<i32>} : memref<4x20x128xi32, #tpu.memory_space<vmem>>, vector<16xi32>,
      tpu.vector_store %arg9[%swap3A_2127, %swap3A_2128, %swap3A_2129], %add3A_2122 {strides = array<i32>} : memref<4x20x128xi32, #tpu.memory_space<vmem>>, vector<16xi32>,
      %add3A_2131 = arith.constant 17 : i32
      %add3A_2132 = vector.broadcast %add3A_2131 : i32 to vector<16xi32>
      %add3A_2133 = arith.addi %mul3A_1944, %add3A_2132 : vector<16xi32>
      %mul3A_2134 = arith.constant 16 : i32
      %mul3A_2135 = arith.muli %scan3A_1935, %mul3A_2134 : i32
      %swap3A_2136 = arith.constant 1 : i32
      %swap3A_2137 = arith.constant 17 : i32
      %swap3A_2138 = arith.index_cast %swap3A_2136 : i32 to index
      %swap3A_2139 = arith.index_cast %swap3A_2137 : i32 to index
      %swap3A_2140 = arith.index_cast %mul3A_2135 : i32 to index
      %swap3A_2141 = tpu.vector_load %arg9[%swap3A_2138, %swap3A_2139, %swap3A_2140] {strides = array<i32>} : memref<4x20x128xi32, #tpu.memory_space<vmem>>, vector<16xi32>,
      tpu.vector_store %arg9[%swap3A_2138, %swap3A_2139, %swap3A_2140], %add3A_2133 {strides = array<i32>} : memref<4x20x128xi32, #tpu.memory_space<vmem>>, vector<16xi32>,
      %add3A_2142 = arith.constant 18 : i32
      %add3A_2143 = vector.broadcast %add3A_2142 : i32 to vector<16xi32>
      %add3A_2144 = arith.addi %mul3A_1944, %add3A_2143 : vector<16xi32>
      %mul3A_2145 = arith.constant 16 : i32
      %mul3A_2146 = arith.muli %scan3A_1935, %mul3A_2145 : i32
      %swap3A_2147 = arith.constant 1 : i32
      %swap3A_2148 = arith.constant 18 : i32
      %swap3A_2149 = arith.index_cast %swap3A_2147 : i32 to index
      %swap3A_2150 = arith.index_cast %swap3A_2148 : i32 to index
      %swap3A_2151 = arith.index_cast %mul3A_2146 : i32 to index
      %swap3A_2152 = tpu.vector_load %arg9[%swap3A_2149, %swap3A_2150, %swap3A_2151] {strides = array<i32>} : memref<4x20x128xi32, #tpu.memory_space<vmem>>, vector<16xi32>,
      tpu.vector_store %arg9[%swap3A_2149, %swap3A_2150, %swap3A_2151], %add3A_2144 {strides = array<i32>} : memref<4x20x128xi32, #tpu.memory_space<vmem>>, vector<16xi32>,
      %add3A_2153 = arith.constant 19 : i32
      %add3A_2154 = vector.broadcast %add3A_2153 : i32 to vector<16xi32>
      %add3A_2155 = arith.addi %mul3A_1944, %add3A_2154 : vector<16xi32>
      %mul3A_2156 = arith.constant 16 : i32
      %mul3A_2157 = arith.muli %scan3A_1935, %mul3A_2156 : i32
      %swap3A_2158 = arith.constant 1 : i32
      %swap3A_2159 = arith.constant 19 : i32
      %swap3A_2160 = arith.index_cast %swap3A_2158 : i32 to index
      %swap3A_2161 = arith.index_cast %swap3A_2159 : i32 to index
      %swap3A_2162 = arith.index_cast %mul3A_2157 : i32 to index
      %swap3A_2163 = tpu.vector_load %arg9[%swap3A_2160, %swap3A_2161, %swap3A_2162] {strides = array<i32>} : memref<4x20x128xi32, #tpu.memory_space<vmem>>, vector<16xi32>,
      tpu.vector_store %arg9[%swap3A_2160, %swap3A_2161, %swap3A_2162], %add3A_2155 {strides = array<i32>} : memref<4x20x128xi32, #tpu.memory_space<vmem>>, vector<16xi32>,
    }
    %scan3A_11 = arith.constant 8 : i32
    %scan3A_12 = arith.constant 0 : i32
    %scan3A_13 = arith.constant 0 : i32
    %scan3A_14 = arith.constant 8 : i32
    %scan3A_15 = arith.addi %scan3A_13, %scan3A_14 : i32
    %scan3A_16 = arith.constant 1 : i32
    scf.for %scan3A_1935 = %scan3A_13 to %scan3A_15 step %scan3A_16  : i32 {
      %mul3A_1936 = arith.constant 16 : i32
      %mul3A_1937 = arith.muli %scan3A_1935, %mul3A_1936 : i32
      %get3A_1938 = arith.constant 2 : i32
      %get3A_1939 = arith.index_cast %get3A_1938 : i32 to index
      %get3A_1940 = arith.index_cast %mul3A_1937 : i32 to index
      %get3A_1941 = tpu.vector_load %arg8[%get3A_1939, %get3A_1940] {strides = array<i32>} : memref<4x128xi32, #tpu.memory_space<vmem>>, vector<16xi32>,
      %mul3A_1942 = arith.constant 20 : i32
      %mul3A_1943 = vector.broadcast %mul3A_1942 : i32 to vector<16xi32>
      %mul3A_1944 = arith.muli %get3A_1941, %mul3A_1943 : vector<16xi32>
      %add3A_1945 = arith.constant 0 : i32
      %add3A_1946 = vector.broadcast %add3A_1945 : i32 to vector<16xi32>
      %add3A_1947 = arith.addi %mul3A_1944, %add3A_1946 : vector<16xi32>
      %mul3A_1948 = arith.constant 16 : i32
      %mul3A_1949 = arith.muli %scan3A_1935, %mul3A_1948 : i32
      %swap3A = arith.constant 2 : i32
      %swap3A_1950 = arith.constant 0 : i32
      %swap3A_1951 = arith.index_cast %swap3A : i32 to index
      %swap3A_1952 = arith.index_cast %swap3A_1950 : i32 to index
      %swap3A_1953 = arith.index_cast %mul3A_1949 : i32 to index
      %swap3A_1954 = tpu.vector_load %arg9[%swap3A_1951, %swap3A_1952, %swap3A_1953] {strides = array<i32>} : memref<4x20x128xi32, #tpu.memory_space<vmem>>, vector<16xi32>,
      tpu.vector_store %arg9[%swap3A_1951, %swap3A_1952, %swap3A_1953], %add3A_1947 {strides = array<i32>} : memref<4x20x128xi32, #tpu.memory_space<vmem>>, vector<16xi32>,
      %add3A_1955 = arith.constant 1 : i32
      %add3A_1956 = vector.broadcast %add3A_1955 : i32 to vector<16xi32>
      %add3A_1957 = arith.addi %mul3A_1944, %add3A_1956 : vector<16xi32>
      %mul3A_1958 = arith.constant 16 : i32
      %mul3A_1959 = arith.muli %scan3A_1935, %mul3A_1958 : i32
      %swap3A_1960 = arith.constant 2 : i32
      %swap3A_1961 = arith.constant 1 : i32
      %swap3A_1962 = arith.index_cast %swap3A_1960 : i32 to index
      %swap3A_1963 = arith.index_cast %swap3A_1961 : i32 to index
      %swap3A_1964 = arith.index_cast %mul3A_1959 : i32 to index
      %swap3A_1965 = tpu.vector_load %arg9[%swap3A_1962, %swap3A_1963, %swap3A_1964] {strides = array<i32>} : memref<4x20x128xi32, #tpu.memory_space<vmem>>, vector<16xi32>,
      tpu.vector_store %arg9[%swap3A_1962, %swap3A_1963, %swap3A_1964], %add3A_1957 {strides = array<i32>} : memref<4x20x128xi32, #tpu.memory_space<vmem>>, vector<16xi32>,
      %add3A_1966 = arith.constant 2 : i32
      %add3A_1967 = vector.broadcast %add3A_1966 : i32 to vector<16xi32>
      %add3A_1968 = arith.addi %mul3A_1944, %add3A_1967 : vector<16xi32>
      %mul3A_1969 = arith.constant 16 : i32
      %mul3A_1970 = arith.muli %scan3A_1935, %mul3A_1969 : i32
      %swap3A_1971 = arith.constant 2 : i32
      %swap3A_1972 = arith.constant 2 : i32
      %swap3A_1973 = arith.index_cast %swap3A_1971 : i32 to index
      %swap3A_1974 = arith.index_cast %swap3A_1972 : i32 to index
      %swap3A_1975 = arith.index_cast %mul3A_1970 : i32 to index
      %swap3A_1976 = tpu.vector_load %arg9[%swap3A_1973, %swap3A_1974, %swap3A_1975] {strides = array<i32>} : memref<4x20x128xi32, #tpu.memory_space<vmem>>, vector<16xi32>,
      tpu.vector_store %arg9[%swap3A_1973, %swap3A_1974, %swap3A_1975], %add3A_1968 {strides = array<i32>} : memref<4x20x128xi32, #tpu.memory_space<vmem>>, vector<16xi32>,
      %add3A_1977 = arith.constant 3 : i32
      %add3A_1978 = vector.broadcast %add3A_1977 : i32 to vector<16xi32>
      %add3A_1979 = arith.addi %mul3A_1944, %add3A_1978 : vector<16xi32>
      %mul3A_1980 = arith.constant 16 : i32
      %mul3A_1981 = arith.muli %scan3A_1935, %mul3A_1980 : i32
      %swap3A_1982 = arith.constant 2 : i32
      %swap3A_1983 = arith.constant 3 : i32
      %swap3A_1984 = arith.index_cast %swap3A_1982 : i32 to index
      %swap3A_1985 = arith.index_cast %swap3A_1983 : i32 to index
      %swap3A_1986 = arith.index_cast %mul3A_1981 : i32 to index
      %swap3A_1987 = tpu.vector_load %arg9[%swap3A_1984, %swap3A_1985, %swap3A_1986] {strides = array<i32>} : memref<4x20x128xi32, #tpu.memory_space<vmem>>, vector<16xi32>,
      tpu.vector_store %arg9[%swap3A_1984, %swap3A_1985, %swap3A_1986], %add3A_1979 {strides = array<i32>} : memref<4x20x128xi32, #tpu.memory_space<vmem>>, vector<16xi32>,
      %add3A_1988 = arith.constant 4 : i32
      %add3A_1989 = vector.broadcast %add3A_1988 : i32 to vector<16xi32>
      %add3A_1990 = arith.addi %mul3A_1944, %add3A_1989 : vector<16xi32>
      %mul3A_1991 = arith.constant 16 : i32
      %mul3A_1992 = arith.muli %scan3A_1935, %mul3A_1991 : i32
      %swap3A_1993 = arith.constant 2 : i32
      %swap3A_1994 = arith.constant 4 : i32
      %swap3A_1995 = arith.index_cast %swap3A_1993 : i32 to index
      %swap3A_1996 = arith.index_cast %swap3A_1994 : i32 to index
      %swap3A_1997 = arith.index_cast %mul3A_1992 : i32 to index
      %swap3A_1998 = tpu.vector_load %arg9[%swap3A_1995, %swap3A_1996, %swap3A_1997] {strides = array<i32>} : memref<4x20x128xi32, #tpu.memory_space<vmem>>, vector<16xi32>,
      tpu.vector_store %arg9[%swap3A_1995, %swap3A_1996, %swap3A_1997], %add3A_1990 {strides = array<i32>} : memref<4x20x128xi32, #tpu.memory_space<vmem>>, vector<16xi32>,
      %add3A_1999 = arith.constant 5 : i32
      %add3A_2000 = vector.broadcast %add3A_1999 : i32 to vector<16xi32>
      %add3A_2001 = arith.addi %mul3A_1944, %add3A_2000 : vector<16xi32>
      %mul3A_2002 = arith.constant 16 : i32
      %mul3A_2003 = arith.muli %scan3A_1935, %mul3A_2002 : i32
      %swap3A_2004 = arith.constant 2 : i32
      %swap3A_2005 = arith.constant 5 : i32
      %swap3A_2006 = arith.index_cast %swap3A_2004 : i32 to index
      %swap3A_2007 = arith.index_cast %swap3A_2005 : i32 to index
      %swap3A_2008 = arith.index_cast %mul3A_2003 : i32 to index
      %swap3A_2009 = tpu.vector_load %arg9[%swap3A_2006, %swap3A_2007, %swap3A_2008] {strides = array<i32>} : memref<4x20x128xi32, #tpu.memory_space<vmem>>, vector<16xi32>,
      tpu.vector_store %arg9[%swap3A_2006, %swap3A_2007, %swap3A_2008], %add3A_2001 {strides = array<i32>} : memref<4x20x128xi32, #tpu.memory_space<vmem>>, vector<16xi32>,
      %add3A_2010 = arith.constant 6 : i32
      %add3A_2011 = vector.broadcast %add3A_2010 : i32 to vector<16xi32>
      %add3A_2012 = arith.addi %mul3A_1944, %add3A_2011 : vector<16xi32>
      %mul3A_2013 = arith.constant 16 : i32
      %mul3A_2014 = arith.muli %scan3A_1935, %mul3A_2013 : i32
      %swap3A_2015 = arith.constant 2 : i32
      %swap3A_2016 = arith.constant 6 : i32
      %swap3A_2017 = arith.index_cast %swap3A_2015 : i32 to index
      %swap3A_2018 = arith.index_cast %swap3A_2016 : i32 to index
      %swap3A_2019 = arith.index_cast %mul3A_2014 : i32 to index
      %swap3A_2020 = tpu.vector_load %arg9[%swap3A_2017, %swap3A_2018, %swap3A_2019] {strides = array<i32>} : memref<4x20x128xi32, #tpu.memory_space<vmem>>, vector<16xi32>,
      tpu.vector_store %arg9[%swap3A_2017, %swap3A_2018, %swap3A_2019], %add3A_2012 {strides = array<i32>} : memref<4x20x128xi32, #tpu.memory_space<vmem>>, vector<16xi32>,
      %add3A_2021 = arith.constant 7 : i32
      %add3A_2022 = vector.broadcast %add3A_2021 : i32 to vector<16xi32>
      %add3A_2023 = arith.addi %mul3A_1944, %add3A_2022 : vector<16xi32>
      %mul3A_2024 = arith.constant 16 : i32
      %mul3A_2025 = arith.muli %scan3A_1935, %mul3A_2024 : i32
      %swap3A_2026 = arith.constant 2 : i32
      %swap3A_2027 = arith.constant 7 : i32
      %swap3A_2028 = arith.index_cast %swap3A_2026 : i32 to index
      %swap3A_2029 = arith.index_cast %swap3A_2027 : i32 to index
      %swap3A_2030 = arith.index_cast %mul3A_2025 : i32 to index
      %swap3A_2031 = tpu.vector_load %arg9[%swap3A_2028, %swap3A_2029, %swap3A_2030] {strides = array<i32>} : memref<4x20x128xi32, #tpu.memory_space<vmem>>, vector<16xi32>,
      tpu.vector_store %arg9[%swap3A_2028, %swap3A_2029, %swap3A_2030], %add3A_2023 {strides = array<i32>} : memref<4x20x128xi32, #tpu.memory_space<vmem>>, vector<16xi32>,
      %add3A_2032 = arith.constant 8 : i32
      %add3A_2033 = vector.broadcast %add3A_2032 : i32 to vector<16xi32>
      %add3A_2034 = arith.addi %mul3A_1944, %add3A_2033 : vector<16xi32>
      %mul3A_2035 = arith.constant 16 : i32
      %mul3A_2036 = arith.muli %scan3A_1935, %mul3A_2035 : i32
      %swap3A_2037 = arith.constant 2 : i32
      %swap3A_2038 = arith.constant 8 : i32
      %swap3A_2039 = arith.index_cast %swap3A_2037 : i32 to index
      %swap3A_2040 = arith.index_cast %swap3A_2038 : i32 to index
      %swap3A_2041 = arith.index_cast %mul3A_2036 : i32 to index
      %swap3A_2042 = tpu.vector_load %arg9[%swap3A_2039, %swap3A_2040, %swap3A_2041] {strides = array<i32>} : memref<4x20x128xi32, #tpu.memory_space<vmem>>, vector<16xi32>,
      tpu.vector_store %arg9[%swap3A_2039, %swap3A_2040, %swap3A_2041], %add3A_2034 {strides = array<i32>} : memref<4x20x128xi32, #tpu.memory_space<vmem>>, vector<16xi32>,
      %add3A_2043 = arith.constant 9 : i32
      %add3A_2044 = vector.broadcast %add3A_2043 : i32 to vector<16xi32>
      %add3A_2045 = arith.addi %mul3A_1944, %add3A_2044 : vector<16xi32>
      %mul3A_2046 = arith.constant 16 : i32
      %mul3A_2047 = arith.muli %scan3A_1935, %mul3A_2046 : i32
      %swap3A_2048 = arith.constant 2 : i32
      %swap3A_2049 = arith.constant 9 : i32
      %swap3A_2050 = arith.index_cast %swap3A_2048 : i32 to index
      %swap3A_2051 = arith.index_cast %swap3A_2049 : i32 to index
      %swap3A_2052 = arith.index_cast %mul3A_2047 : i32 to index
      %swap3A_2053 = tpu.vector_load %arg9[%swap3A_2050, %swap3A_2051, %swap3A_2052] {strides = array<i32>} : memref<4x20x128xi32, #tpu.memory_space<vmem>>, vector<16xi32>,
      tpu.vector_store %arg9[%swap3A_2050, %swap3A_2051, %swap3A_2052], %add3A_2045 {strides = array<i32>} : memref<4x20x128xi32, #tpu.memory_space<vmem>>, vector<16xi32>,
      %add3A_2054 = arith.constant 10 : i32
      %add3A_2055 = vector.broadcast %add3A_2054 : i32 to vector<16xi32>
      %add3A_2056 = arith.addi %mul3A_1944, %add3A_2055 : vector<16xi32>
      %mul3A_2057 = arith.constant 16 : i32
      %mul3A_2058 = arith.muli %scan3A_1935, %mul3A_2057 : i32
      %swap3A_2059 = arith.constant 2 : i32
      %swap3A_2060 = arith.constant 10 : i32
      %swap3A_2061 = arith.index_cast %swap3A_2059 : i32 to index
      %swap3A_2062 = arith.index_cast %swap3A_2060 : i32 to index
      %swap3A_2063 = arith.index_cast %mul3A_2058 : i32 to index
      %swap3A_2064 = tpu.vector_load %arg9[%swap3A_2061, %swap3A_2062, %swap3A_2063] {strides = array<i32>} : memref<4x20x128xi32, #tpu.memory_space<vmem>>, vector<16xi32>,
      tpu.vector_store %arg9[%swap3A_2061, %swap3A_2062, %swap3A_2063], %add3A_2056 {strides = array<i32>} : memref<4x20x128xi32, #tpu.memory_space<vmem>>, vector<16xi32>,
      %add3A_2065 = arith.constant 11 : i32
      %add3A_2066 = vector.broadcast %add3A_2065 : i32 to vector<16xi32>
      %add3A_2067 = arith.addi %mul3A_1944, %add3A_2066 : vector<16xi32>
      %mul3A_2068 = arith.constant 16 : i32
      %mul3A_2069 = arith.muli %scan3A_1935, %mul3A_2068 : i32
      %swap3A_2070 = arith.constant 2 : i32
      %swap3A_2071 = arith.constant 11 : i32
      %swap3A_2072 = arith.index_cast %swap3A_2070 : i32 to index
      %swap3A_2073 = arith.index_cast %swap3A_2071 : i32 to index
      %swap3A_2074 = arith.index_cast %mul3A_2069 : i32 to index
      %swap3A_2075 = tpu.vector_load %arg9[%swap3A_2072, %swap3A_2073, %swap3A_2074] {strides = array<i32>} : memref<4x20x128xi32, #tpu.memory_space<vmem>>, vector<16xi32>,
      tpu.vector_store %arg9[%swap3A_2072, %swap3A_2073, %swap3A_2074], %add3A_2067 {strides = array<i32>} : memref<4x20x128xi32, #tpu.memory_space<vmem>>, vector<16xi32>,
      %add3A_2076 = arith.constant 12 : i32
      %add3A_2077 = vector.broadcast %add3A_2076 : i32 to vector<16xi32>
      %add3A_2078 = arith.addi %mul3A_1944, %add3A_2077 : vector<16xi32>
      %mul3A_2079 = arith.constant 16 : i32
      %mul3A_2080 = arith.muli %scan3A_1935, %mul3A_2079 : i32
      %swap3A_2081 = arith.constant 2 : i32
      %swap3A_2082 = arith.constant 12 : i32
      %swap3A_2083 = arith.index_cast %swap3A_2081 : i32 to index
      %swap3A_2084 = arith.index_cast %swap3A_2082 : i32 to index
      %swap3A_2085 = arith.index_cast %mul3A_2080 : i32 to index
      %swap3A_2086 = tpu.vector_load %arg9[%swap3A_2083, %swap3A_2084, %swap3A_2085] {strides = array<i32>} : memref<4x20x128xi32, #tpu.memory_space<vmem>>, vector<16xi32>,
      tpu.vector_store %arg9[%swap3A_2083, %swap3A_2084, %swap3A_2085], %add3A_2078 {strides = array<i32>} : memref<4x20x128xi32, #tpu.memory_space<vmem>>, vector<16xi32>,
      %add3A_2087 = arith.constant 13 : i32
      %add3A_2088 = vector.broadcast %add3A_2087 : i32 to vector<16xi32>
      %add3A_2089 = arith.addi %mul3A_1944, %add3A_2088 : vector<16xi32>
      %mul3A_2090 = arith.constant 16 : i32
      %mul3A_2091 = arith.muli %scan3A_1935, %mul3A_2090 : i32
      %swap3A_2092 = arith.constant 2 : i32
      %swap3A_2093 = arith.constant 13 : i32
      %swap3A_2094 = arith.index_cast %swap3A_2092 : i32 to index
      %swap3A_2095 = arith.index_cast %swap3A_2093 : i32 to index
      %swap3A_2096 = arith.index_cast %mul3A_2091 : i32 to index
      %swap3A_2097 = tpu.vector_load %arg9[%swap3A_2094, %swap3A_2095, %swap3A_2096] {strides = array<i32>} : memref<4x20x128xi32, #tpu.memory_space<vmem>>, vector<16xi32>,
      tpu.vector_store %arg9[%swap3A_2094, %swap3A_2095, %swap3A_2096], %add3A_2089 {strides = array<i32>} : memref<4x20x128xi32, #tpu.memory_space<vmem>>, vector<16xi32>,
      %add3A_2098 = arith.constant 14 : i32
      %add3A_2099 = vector.broadcast %add3A_2098 : i32 to vector<16xi32>
      %add3A_2100 = arith.addi %mul3A_1944, %add3A_2099 : vector<16xi32>
      %mul3A_2101 = arith.constant 16 : i32
      %mul3A_2102 = arith.muli %scan3A_1935, %mul3A_2101 : i32
      %swap3A_2103 = arith.constant 2 : i32
      %swap3A_2104 = arith.constant 14 : i32
      %swap3A_2105 = arith.index_cast %swap3A_2103 : i32 to index
      %swap3A_2106 = arith.index_cast %swap3A_2104 : i32 to index
      %swap3A_2107 = arith.index_cast %mul3A_2102 : i32 to index
      %swap3A_2108 = tpu.vector_load %arg9[%swap3A_2105, %swap3A_2106, %swap3A_2107] {strides = array<i32>} : memref<4x20x128xi32, #tpu.memory_space<vmem>>, vector<16xi32>,
      tpu.vector_store %arg9[%swap3A_2105, %swap3A_2106, %swap3A_2107], %add3A_2100 {strides = array<i32>} : memref<4x20x128xi32, #tpu.memory_space<vmem>>, vector<16xi32>,
      %add3A_2109 = arith.constant 15 : i32
      %add3A_2110 = vector.broadcast %add3A_2109 : i32 to vector<16xi32>
      %add3A_2111 = arith.addi %mul3A_1944, %add3A_2110 : vector<16xi32>
      %mul3A_2112 = arith.constant 16 : i32
      %mul3A_2113 = arith.muli %scan3A_1935, %mul3A_2112 : i32
      %swap3A_2114 = arith.constant 2 : i32
      %swap3A_2115 = arith.constant 15 : i32
      %swap3A_2116 = arith.index_cast %swap3A_2114 : i32 to index
      %swap3A_2117 = arith.index_cast %swap3A_2115 : i32 to index
      %swap3A_2118 = arith.index_cast %mul3A_2113 : i32 to index
      %swap3A_2119 = tpu.vector_load %arg9[%swap3A_2116, %swap3A_2117, %swap3A_2118] {strides = array<i32>} : memref<4x20x128xi32, #tpu.memory_space<vmem>>, vector<16xi32>,
      tpu.vector_store %arg9[%swap3A_2116, %swap3A_2117, %swap3A_2118], %add3A_2111 {strides = array<i32>} : memref<4x20x128xi32, #tpu.memory_space<vmem>>, vector<16xi32>,
      %add3A_2120 = arith.constant 16 : i32
      %add3A_2121 = vector.broadcast %add3A_2120 : i32 to vector<16xi32>
      %add3A_2122 = arith.addi %mul3A_1944, %add3A_2121 : vector<16xi32>
      %mul3A_2123 = arith.constant 16 : i32
      %mul3A_2124 = arith.muli %scan3A_1935, %mul3A_2123 : i32
      %swap3A_2125 = arith.constant 2 : i32
      %swap3A_2126 = arith.constant 16 : i32
      %swap3A_2127 = arith.index_cast %swap3A_2125 : i32 to index
      %swap3A_2128 = arith.index_cast %swap3A_2126 : i32 to index
      %swap3A_2129 = arith.index_cast %mul3A_2124 : i32 to index
      %swap3A_2130 = tpu.vector_load %arg9[%swap3A_2127, %swap3A_2128, %swap3A_2129] {strides = array<i32>} : memref<4x20x128xi32, #tpu.memory_space<vmem>>, vector<16xi32>,
      tpu.vector_store %arg9[%swap3A_2127, %swap3A_2128, %swap3A_2129], %add3A_2122 {strides = array<i32>} : memref<4x20x128xi32, #tpu.memory_space<vmem>>, vector<16xi32>,
      %add3A_2131 = arith.constant 17 : i32
      %add3A_2132 = vector.broadcast %add3A_2131 : i32 to vector<16xi32>
      %add3A_2133 = arith.addi %mul3A_1944, %add3A_2132 : vector<16xi32>
      %mul3A_2134 = arith.constant 16 : i32
      %mul3A_2135 = arith.muli %scan3A_1935, %mul3A_2134 : i32
      %swap3A_2136 = arith.constant 2 : i32
      %swap3A_2137 = arith.constant 17 : i32
      %swap3A_2138 = arith.index_cast %swap3A_2136 : i32 to index
      %swap3A_2139 = arith.index_cast %swap3A_2137 : i32 to index
      %swap3A_2140 = arith.index_cast %mul3A_2135 : i32 to index
      %swap3A_2141 = tpu.vector_load %arg9[%swap3A_2138, %swap3A_2139, %swap3A_2140] {strides = array<i32>} : memref<4x20x128xi32, #tpu.memory_space<vmem>>, vector<16xi32>,
      tpu.vector_store %arg9[%swap3A_2138, %swap3A_2139, %swap3A_2140], %add3A_2133 {strides = array<i32>} : memref<4x20x128xi32, #tpu.memory_space<vmem>>, vector<16xi32>,
      %add3A_2142 = arith.constant 18 : i32
      %add3A_2143 = vector.broadcast %add3A_2142 : i32 to vector<16xi32>
      %add3A_2144 = arith.addi %mul3A_1944, %add3A_2143 : vector<16xi32>
      %mul3A_2145 = arith.constant 16 : i32
      %mul3A_2146 = arith.muli %scan3A_1935, %mul3A_2145 : i32
      %swap3A_2147 = arith.constant 2 : i32
      %swap3A_2148 = arith.constant 18 : i32
      %swap3A_2149 = arith.index_cast %swap3A_2147 : i32 to index
      %swap3A_2150 = arith.index_cast %swap3A_2148 : i32 to index
      %swap3A_2151 = arith.index_cast %mul3A_2146 : i32 to index
      %swap3A_2152 = tpu.vector_load %arg9[%swap3A_2149, %swap3A_2150, %swap3A_2151] {strides = array<i32>} : memref<4x20x128xi32, #tpu.memory_space<vmem>>, vector<16xi32>,
      tpu.vector_store %arg9[%swap3A_2149, %swap3A_2150, %swap3A_2151], %add3A_2144 {strides = array<i32>} : memref<4x20x128xi32, #tpu.memory_space<vmem>>, vector<16xi32>,
      %add3A_2153 = arith.constant 19 : i32
      %add3A_2154 = vector.broadcast %add3A_2153 : i32 to vector<16xi32>
      %add3A_2155 = arith.addi %mul3A_1944, %add3A_2154 : vector<16xi32>
      %mul3A_2156 = arith.constant 16 : i32
      %mul3A_2157 = arith.muli %scan3A_1935, %mul3A_2156 : i32
      %swap3A_2158 = arith.constant 2 : i32
      %swap3A_2159 = arith.constant 19 : i32
      %swap3A_2160 = arith.index_cast %swap3A_2158 : i32 to index
      %swap3A_2161 = arith.index_cast %swap3A_2159 : i32 to index
      %swap3A_2162 = arith.index_cast %mul3A_2157 : i32 to index
      %swap3A_2163 = tpu.vector_load %arg9[%swap3A_2160, %swap3A_2161, %swap3A_2162] {strides = array<i32>} : memref<4x20x128xi32, #tpu.memory_space<vmem>>, vector<16xi32>,
      tpu.vector_store %arg9[%swap3A_2160, %swap3A_2161, %swap3A_2162], %add3A_2155 {strides = array<i32>} : memref<4x20x128xi32, #tpu.memory_space<vmem>>, vector<16xi32>,
    }
    %scan3A_17 = arith.constant 8 : i32
    %scan3A_18 = arith.constant 0 : i32
    %scan3A_19 = arith.constant 0 : i32
    %scan3A_20 = arith.constant 8 : i32
    %scan3A_21 = arith.addi %scan3A_19, %scan3A_20 : i32
    %scan3A_22 = arith.constant 1 : i32
    scf.for %scan3A_1935 = %scan3A_19 to %scan3A_21 step %scan3A_22  : i32 {
      %mul3A_1936 = arith.constant 16 : i32
      %mul3A_1937 = arith.muli %scan3A_1935, %mul3A_1936 : i32
      %get3A_1938 = arith.constant 3 : i32
      %get3A_1939 = arith.index_cast %get3A_1938 : i32 to index
      %get3A_1940 = arith.index_cast %mul3A_1937 : i32 to index
      %get3A_1941 = tpu.vector_load %arg8[%get3A_1939, %get3A_1940] {strides = array<i32>} : memref<4x128xi32, #tpu.memory_space<vmem>>, vector<16xi32>,
      %mul3A_1942 = arith.constant 20 : i32
      %mul3A_1943 = vector.broadcast %mul3A_1942 : i32 to vector<16xi32>
      %mul3A_1944 = arith.muli %get3A_1941, %mul3A_1943 : vector<16xi32>
      %add3A_1945 = arith.constant 0 : i32
      %add3A_1946 = vector.broadcast %add3A_1945 : i32 to vector<16xi32>
      %add3A_1947 = arith.addi %mul3A_1944, %add3A_1946 : vector<16xi32>
      %mul3A_1948 = arith.constant 16 : i32
      %mul3A_1949 = arith.muli %scan3A_1935, %mul3A_1948 : i32
      %swap3A = arith.constant 3 : i32
      %swap3A_1950 = arith.constant 0 : i32
      %swap3A_1951 = arith.index_cast %swap3A : i32 to index
      %swap3A_1952 = arith.index_cast %swap3A_1950 : i32 to index
      %swap3A_1953 = arith.index_cast %mul3A_1949 : i32 to index
      %swap3A_1954 = tpu.vector_load %arg9[%swap3A_1951, %swap3A_1952, %swap3A_1953] {strides = array<i32>} : memref<4x20x128xi32, #tpu.memory_space<vmem>>, vector<16xi32>,
      tpu.vector_store %arg9[%swap3A_1951, %swap3A_1952, %swap3A_1953], %add3A_1947 {strides = array<i32>} : memref<4x20x128xi32, #tpu.memory_space<vmem>>, vector<16xi32>,
      %add3A_1955 = arith.constant 1 : i32
      %add3A_1956 = vector.broadcast %add3A_1955 : i32 to vector<16xi32>
      %add3A_1957 = arith.addi %mul3A_1944, %add3A_1956 : vector<16xi32>
      %mul3A_1958 = arith.constant 16 : i32
      %mul3A_1959 = arith.muli %scan3A_1935, %mul3A_1958 : i32
      %swap3A_1960 = arith.constant 3 : i32
      %swap3A_1961 = arith.constant 1 : i32
      %swap3A_1962 = arith.index_cast %swap3A_1960 : i32 to index
      %swap3A_1963 = arith.index_cast %swap3A_1961 : i32 to index
      %swap3A_1964 = arith.index_cast %mul3A_1959 : i32 to index
      %swap3A_1965 = tpu.vector_load %arg9[%swap3A_1962, %swap3A_1963, %swap3A_1964] {strides = array<i32>} : memref<4x20x128xi32, #tpu.memory_space<vmem>>, vector<16xi32>,
      tpu.vector_store %arg9[%swap3A_1962, %swap3A_1963, %swap3A_1964], %add3A_1957 {strides = array<i32>} : memref<4x20x128xi32, #tpu.memory_space<vmem>>, vector<16xi32>,
      %add3A_1966 = arith.constant 2 : i32
      %add3A_1967 = vector.broadcast %add3A_1966 : i32 to vector<16xi32>
      %add3A_1968 = arith.addi %mul3A_1944, %add3A_1967 : vector<16xi32>
      %mul3A_1969 = arith.constant 16 : i32
      %mul3A_1970 = arith.muli %scan3A_1935, %mul3A_1969 : i32
      %swap3A_1971 = arith.constant 3 : i32
      %swap3A_1972 = arith.constant 2 : i32
      %swap3A_1973 = arith.index_cast %swap3A_1971 : i32 to index
      %swap3A_1974 = arith.index_cast %swap3A_1972 : i32 to index
      %swap3A_1975 = arith.index_cast %mul3A_1970 : i32 to index
      %swap3A_1976 = tpu.vector_load %arg9[%swap3A_1973, %swap3A_1974, %swap3A_1975] {strides = array<i32>} : memref<4x20x128xi32, #tpu.memory_space<vmem>>, vector<16xi32>,
      tpu.vector_store %arg9[%swap3A_1973, %swap3A_1974, %swap3A_1975], %add3A_1968 {strides = array<i32>} : memref<4x20x128xi32, #tpu.memory_space<vmem>>, vector<16xi32>,
      %add3A_1977 = arith.constant 3 : i32
      %add3A_1978 = vector.broadcast %add3A_1977 : i32 to vector<16xi32>
      %add3A_1979 = arith.addi %mul3A_1944, %add3A_1978 : vector<16xi32>
      %mul3A_1980 = arith.constant 16 : i32
      %mul3A_1981 = arith.muli %scan3A_1935, %mul3A_1980 : i32
      %swap3A_1982 = arith.constant 3 : i32
      %swap3A_1983 = arith.constant 3 : i32
      %swap3A_1984 = arith.index_cast %swap3A_1982 : i32 to index
      %swap3A_1985 = arith.index_cast %swap3A_1983 : i32 to index
      %swap3A_1986 = arith.index_cast %mul3A_1981 : i32 to index
      %swap3A_1987 = tpu.vector_load %arg9[%swap3A_1984, %swap3A_1985, %swap3A_1986] {strides = array<i32>} : memref<4x20x128xi32, #tpu.memory_space<vmem>>, vector<16xi32>,
      tpu.vector_store %arg9[%swap3A_1984, %swap3A_1985, %swap3A_1986], %add3A_1979 {strides = array<i32>} : memref<4x20x128xi32, #tpu.memory_space<vmem>>, vector<16xi32>,
      %add3A_1988 = arith.constant 4 : i32
      %add3A_1989 = vector.broadcast %add3A_1988 : i32 to vector<16xi32>
      %add3A_1990 = arith.addi %mul3A_1944, %add3A_1989 : vector<16xi32>
      %mul3A_1991 = arith.constant 16 : i32
      %mul3A_1992 = arith.muli %scan3A_1935, %mul3A_1991 : i32
      %swap3A_1993 = arith.constant 3 : i32
      %swap3A_1994 = arith.constant 4 : i32
      %swap3A_1995 = arith.index_cast %swap3A_1993 : i32 to index
      %swap3A_1996 = arith.index_cast %swap3A_1994 : i32 to index
      %swap3A_1997 = arith.index_cast %mul3A_1992 : i32 to index
      %swap3A_1998 = tpu.vector_load %arg9[%swap3A_1995, %swap3A_1996, %swap3A_1997] {strides = array<i32>} : memref<4x20x128xi32, #tpu.memory_space<vmem>>, vector<16xi32>,
      tpu.vector_store %arg9[%swap3A_1995, %swap3A_1996, %swap3A_1997], %add3A_1990 {strides = array<i32>} : memref<4x20x128xi32, #tpu.memory_space<vmem>>, vector<16xi32>,
      %add3A_1999 = arith.constant 5 : i32
      %add3A_2000 = vector.broadcast %add3A_1999 : i32 to vector<16xi32>
      %add3A_2001 = arith.addi %mul3A_1944, %add3A_2000 : vector<16xi32>
      %mul3A_2002 = arith.constant 16 : i32
      %mul3A_2003 = arith.muli %scan3A_1935, %mul3A_2002 : i32
      %swap3A_2004 = arith.constant 3 : i32
      %swap3A_2005 = arith.constant 5 : i32
      %swap3A_2006 = arith.index_cast %swap3A_2004 : i32 to index
      %swap3A_2007 = arith.index_cast %swap3A_2005 : i32 to index
      %swap3A_2008 = arith.index_cast %mul3A_2003 : i32 to index
      %swap3A_2009 = tpu.vector_load %arg9[%swap3A_2006, %swap3A_2007, %swap3A_2008] {strides = array<i32>} : memref<4x20x128xi32, #tpu.memory_space<vmem>>, vector<16xi32>,
      tpu.vector_store %arg9[%swap3A_2006, %swap3A_2007, %swap3A_2008], %add3A_2001 {strides = array<i32>} : memref<4x20x128xi32, #tpu.memory_space<vmem>>, vector<16xi32>,
      %add3A_2010 = arith.constant 6 : i32
      %add3A_2011 = vector.broadcast %add3A_2010 : i32 to vector<16xi32>
      %add3A_2012 = arith.addi %mul3A_1944, %add3A_2011 : vector<16xi32>
      %mul3A_2013 = arith.constant 16 : i32
      %mul3A_2014 = arith.muli %scan3A_1935, %mul3A_2013 : i32
      %swap3A_2015 = arith.constant 3 : i32
      %swap3A_2016 = arith.constant 6 : i32
      %swap3A_2017 = arith.index_cast %swap3A_2015 : i32 to index
      %swap3A_2018 = arith.index_cast %swap3A_2016 : i32 to index
      %swap3A_2019 = arith.index_cast %mul3A_2014 : i32 to index
      %swap3A_2020 = tpu.vector_load %arg9[%swap3A_2017, %swap3A_2018, %swap3A_2019] {strides = array<i32>} : memref<4x20x128xi32, #tpu.memory_space<vmem>>, vector<16xi32>,
      tpu.vector_store %arg9[%swap3A_2017, %swap3A_2018, %swap3A_2019], %add3A_2012 {strides = array<i32>} : memref<4x20x128xi32, #tpu.memory_space<vmem>>, vector<16xi32>,
      %add3A_2021 = arith.constant 7 : i32
      %add3A_2022 = vector.broadcast %add3A_2021 : i32 to vector<16xi32>
      %add3A_2023 = arith.addi %mul3A_1944, %add3A_2022 : vector<16xi32>
      %mul3A_2024 = arith.constant 16 : i32
      %mul3A_2025 = arith.muli %scan3A_1935, %mul3A_2024 : i32
      %swap3A_2026 = arith.constant 3 : i32
      %swap3A_2027 = arith.constant 7 : i32
      %swap3A_2028 = arith.index_cast %swap3A_2026 : i32 to index
      %swap3A_2029 = arith.index_cast %swap3A_2027 : i32 to index
      %swap3A_2030 = arith.index_cast %mul3A_2025 : i32 to index
      %swap3A_2031 = tpu.vector_load %arg9[%swap3A_2028, %swap3A_2029, %swap3A_2030] {strides = array<i32>} : memref<4x20x128xi32, #tpu.memory_space<vmem>>, vector<16xi32>,
      tpu.vector_store %arg9[%swap3A_2028, %swap3A_2029, %swap3A_2030], %add3A_2023 {strides = array<i32>} : memref<4x20x128xi32, #tpu.memory_space<vmem>>, vector<16xi32>,
      %add3A_2032 = arith.constant 8 : i32
      %add3A_2033 = vector.broadcast %add3A_2032 : i32 to vector<16xi32>
      %add3A_2034 = arith.addi %mul3A_1944, %add3A_2033 : vector<16xi32>
      %mul3A_2035 = arith.constant 16 : i32
      %mul3A_2036 = arith.muli %scan3A_1935, %mul3A_2035 : i32
      %swap3A_2037 = arith.constant 3 : i32
      %swap3A_2038 = arith.constant 8 : i32
      %swap3A_2039 = arith.index_cast %swap3A_2037 : i32 to index
      %swap3A_2040 = arith.index_cast %swap3A_2038 : i32 to index
      %swap3A_2041 = arith.index_cast %mul3A_2036 : i32 to index
      %swap3A_2042 = tpu.vector_load %arg9[%swap3A_2039, %swap3A_2040, %swap3A_2041] {strides = array<i32>} : memref<4x20x128xi32, #tpu.memory_space<vmem>>, vector<16xi32>,
      tpu.vector_store %arg9[%swap3A_2039, %swap3A_2040, %swap3A_2041], %add3A_2034 {strides = array<i32>} : memref<4x20x128xi32, #tpu.memory_space<vmem>>, vector<16xi32>,
      %add3A_2043 = arith.constant 9 : i32
      %add3A_2044 = vector.broadcast %add3A_2043 : i32 to vector<16xi32>
      %add3A_2045 = arith.addi %mul3A_1944, %add3A_2044 : vector<16xi32>
      %mul3A_2046 = arith.constant 16 : i32
      %mul3A_2047 = arith.muli %scan3A_1935, %mul3A_2046 : i32
      %swap3A_2048 = arith.constant 3 : i32
      %swap3A_2049 = arith.constant 9 : i32
      %swap3A_2050 = arith.index_cast %swap3A_2048 : i32 to index
      %swap3A_2051 = arith.index_cast %swap3A_2049 : i32 to index
      %swap3A_2052 = arith.index_cast %mul3A_2047 : i32 to index
      %swap3A_2053 = tpu.vector_load %arg9[%swap3A_2050, %swap3A_2051, %swap3A_2052] {strides = array<i32>} : memref<4x20x128xi32, #tpu.memory_space<vmem>>, vector<16xi32>,
      tpu.vector_store %arg9[%swap3A_2050, %swap3A_2051, %swap3A_2052], %add3A_2045 {strides = array<i32>} : memref<4x20x128xi32, #tpu.memory_space<vmem>>, vector<16xi32>,
      %add3A_2054 = arith.constant 10 : i32
      %add3A_2055 = vector.broadcast %add3A_2054 : i32 to vector<16xi32>
      %add3A_2056 = arith.addi %mul3A_1944, %add3A_2055 : vector<16xi32>
      %mul3A_2057 = arith.constant 16 : i32
      %mul3A_2058 = arith.muli %scan3A_1935, %mul3A_2057 : i32
      %swap3A_2059 = arith.constant 3 : i32
      %swap3A_2060 = arith.constant 10 : i32
      %swap3A_2061 = arith.index_cast %swap3A_2059 : i32 to index
      %swap3A_2062 = arith.index_cast %swap3A_2060 : i32 to index
      %swap3A_2063 = arith.index_cast %mul3A_2058 : i32 to index
      %swap3A_2064 = tpu.vector_load %arg9[%swap3A_2061, %swap3A_2062, %swap3A_2063] {strides = array<i32>} : memref<4x20x128xi32, #tpu.memory_space<vmem>>, vector<16xi32>,
      tpu.vector_store %arg9[%swap3A_2061, %swap3A_2062, %swap3A_2063], %add3A_2056 {strides = array<i32>} : memref<4x20x128xi32, #tpu.memory_space<vmem>>, vector<16xi32>,
      %add3A_2065 = arith.constant 11 : i32
      %add3A_2066 = vector.broadcast %add3A_2065 : i32 to vector<16xi32>
      %add3A_2067 = arith.addi %mul3A_1944, %add3A_2066 : vector<16xi32>
      %mul3A_2068 = arith.constant 16 : i32
      %mul3A_2069 = arith.muli %scan3A_1935, %mul3A_2068 : i32
      %swap3A_2070 = arith.constant 3 : i32
      %swap3A_2071 = arith.constant 11 : i32
      %swap3A_2072 = arith.index_cast %swap3A_2070 : i32 to index
      %swap3A_2073 = arith.index_cast %swap3A_2071 : i32 to index
      %swap3A_2074 = arith.index_cast %mul3A_2069 : i32 to index
      %swap3A_2075 = tpu.vector_load %arg9[%swap3A_2072, %swap3A_2073, %swap3A_2074] {strides = array<i32>} : memref<4x20x128xi32, #tpu.memory_space<vmem>>, vector<16xi32>,
      tpu.vector_store %arg9[%swap3A_2072, %swap3A_2073, %swap3A_2074], %add3A_2067 {strides = array<i32>} : memref<4x20x128xi32, #tpu.memory_space<vmem>>, vector<16xi32>,
      %add3A_2076 = arith.constant 12 : i32
      %add3A_2077 = vector.broadcast %add3A_2076 : i32 to vector<16xi32>
      %add3A_2078 = arith.addi %mul3A_1944, %add3A_2077 : vector<16xi32>
      %mul3A_2079 = arith.constant 16 : i32
      %mul3A_2080 = arith.muli %scan3A_1935, %mul3A_2079 : i32
      %swap3A_2081 = arith.constant 3 : i32
      %swap3A_2082 = arith.constant 12 : i32
      %swap3A_2083 = arith.index_cast %swap3A_2081 : i32 to index
      %swap3A_2084 = arith.index_cast %swap3A_2082 : i32 to index
      %swap3A_2085 = arith.index_cast %mul3A_2080 : i32 to index
      %swap3A_2086 = tpu.vector_load %arg9[%swap3A_2083, %swap3A_2084, %swap3A_2085] {strides = array<i32>} : memref<4x20x128xi32, #tpu.memory_space<vmem>>, vector<16xi32>,
      tpu.vector_store %arg9[%swap3A_2083, %swap3A_2084, %swap3A_2085], %add3A_2078 {strides = array<i32>} : memref<4x20x128xi32, #tpu.memory_space<vmem>>, vector<16xi32>,
      %add3A_2087 = arith.constant 13 : i32
      %add3A_2088 = vector.broadcast %add3A_2087 : i32 to vector<16xi32>
      %add3A_2089 = arith.addi %mul3A_1944, %add3A_2088 : vector<16xi32>
      %mul3A_2090 = arith.constant 16 : i32
      %mul3A_2091 = arith.muli %scan3A_1935, %mul3A_2090 : i32
      %swap3A_2092 = arith.constant 3 : i32
      %swap3A_2093 = arith.constant 13 : i32
      %swap3A_2094 = arith.index_cast %swap3A_2092 : i32 to index
      %swap3A_2095 = arith.index_cast %swap3A_2093 : i32 to index
      %swap3A_2096 = arith.index_cast %mul3A_2091 : i32 to index
      %swap3A_2097 = tpu.vector_load %arg9[%swap3A_2094, %swap3A_2095, %swap3A_2096] {strides = array<i32>} : memref<4x20x128xi32, #tpu.memory_space<vmem>>, vector<16xi32>,
      tpu.vector_store %arg9[%swap3A_2094, %swap3A_2095, %swap3A_2096], %add3A_2089 {strides = array<i32>} : memref<4x20x128xi32, #tpu.memory_space<vmem>>, vector<16xi32>,
      %add3A_2098 = arith.constant 14 : i32
      %add3A_2099 = vector.broadcast %add3A_2098 : i32 to vector<16xi32>
      %add3A_2100 = arith.addi %mul3A_1944, %add3A_2099 : vector<16xi32>
      %mul3A_2101 = arith.constant 16 : i32
      %mul3A_2102 = arith.muli %scan3A_1935, %mul3A_2101 : i32
      %swap3A_2103 = arith.constant 3 : i32
      %swap3A_2104 = arith.constant 14 : i32
      %swap3A_2105 = arith.index_cast %swap3A_2103 : i32 to index
      %swap3A_2106 = arith.index_cast %swap3A_2104 : i32 to index
      %swap3A_2107 = arith.index_cast %mul3A_2102 : i32 to index
      %swap3A_2108 = tpu.vector_load %arg9[%swap3A_2105, %swap3A_2106, %swap3A_2107] {strides = array<i32>} : memref<4x20x128xi32, #tpu.memory_space<vmem>>, vector<16xi32>,
      tpu.vector_store %arg9[%swap3A_2105, %swap3A_2106, %swap3A_2107], %add3A_2100 {strides = array<i32>} : memref<4x20x128xi32, #tpu.memory_space<vmem>>, vector<16xi32>,
      %add3A_2109 = arith.constant 15 : i32
      %add3A_2110 = vector.broadcast %add3A_2109 : i32 to vector<16xi32>
      %add3A_2111 = arith.addi %mul3A_1944, %add3A_2110 : vector<16xi32>
      %mul3A_2112 = arith.constant 16 : i32
      %mul3A_2113 = arith.muli %scan3A_1935, %mul3A_2112 : i32
      %swap3A_2114 = arith.constant 3 : i32
      %swap3A_2115 = arith.constant 15 : i32
      %swap3A_2116 = arith.index_cast %swap3A_2114 : i32 to index
      %swap3A_2117 = arith.index_cast %swap3A_2115 : i32 to index
      %swap3A_2118 = arith.index_cast %mul3A_2113 : i32 to index
      %swap3A_2119 = tpu.vector_load %arg9[%swap3A_2116, %swap3A_2117, %swap3A_2118] {strides = array<i32>} : memref<4x20x128xi32, #tpu.memory_space<vmem>>, vector<16xi32>,
      tpu.vector_store %arg9[%swap3A_2116, %swap3A_2117, %swap3A_2118], %add3A_2111 {strides = array<i32>} : memref<4x20x128xi32, #tpu.memory_space<vmem>>, vector<16xi32>,
      %add3A_2120 = arith.constant 16 : i32
      %add3A_2121 = vector.broadcast %add3A_2120 : i32 to vector<16xi32>
      %add3A_2122 = arith.addi %mul3A_1944, %add3A_2121 : vector<16xi32>
      %mul3A_2123 = arith.constant 16 : i32
      %mul3A_2124 = arith.muli %scan3A_1935, %mul3A_2123 : i32
      %swap3A_2125 = arith.constant 3 : i32
      %swap3A_2126 = arith.constant 16 : i32
      %swap3A_2127 = arith.index_cast %swap3A_2125 : i32 to index
      %swap3A_2128 = arith.index_cast %swap3A_2126 : i32 to index
      %swap3A_2129 = arith.index_cast %mul3A_2124 : i32 to index
      %swap3A_2130 = tpu.vector_load %arg9[%swap3A_2127, %swap3A_2128, %swap3A_2129] {strides = array<i32>} : memref<4x20x128xi32, #tpu.memory_space<vmem>>, vector<16xi32>,
      tpu.vector_store %arg9[%swap3A_2127, %swap3A_2128, %swap3A_2129], %add3A_2122 {strides = array<i32>} : memref<4x20x128xi32, #tpu.memory_space<vmem>>, vector<16xi32>,
      %add3A_2131 = arith.constant 17 : i32
      %add3A_2132 = vector.broadcast %add3A_2131 : i32 to vector<16xi32>
      %add3A_2133 = arith.addi %mul3A_1944, %add3A_2132 : vector<16xi32>
      %mul3A_2134 = arith.constant 16 : i32
      %mul3A_2135 = arith.muli %scan3A_1935, %mul3A_2134 : i32
      %swap3A_2136 = arith.constant 3 : i32
      %swap3A_2137 = arith.constant 17 : i32
      %swap3A_2138 = arith.index_cast %swap3A_2136 : i32 to index
      %swap3A_2139 = arith.index_cast %swap3A_2137 : i32 to index
      %swap3A_2140 = arith.index_cast %mul3A_2135 : i32 to index
      %swap3A_2141 = tpu.vector_load %arg9[%swap3A_2138, %swap3A_2139, %swap3A_2140] {strides = array<i32>} : memref<4x20x128xi32, #tpu.memory_space<vmem>>, vector<16xi32>,
      tpu.vector_store %arg9[%swap3A_2138, %swap3A_2139, %swap3A_2140], %add3A_2133 {strides = array<i32>} : memref<4x20x128xi32, #tpu.memory_space<vmem>>, vector<16xi32>,
      %add3A_2142 = arith.constant 18 : i32
      %add3A_2143 = vector.broadcast %add3A_2142 : i32 to vector<16xi32>
      %add3A_2144 = arith.addi %mul3A_1944, %add3A_2143 : vector<16xi32>
      %mul3A_2145 = arith.constant 16 : i32
      %mul3A_2146 = arith.muli %scan3A_1935, %mul3A_2145 : i32
      %swap3A_2147 = arith.constant 3 : i32
      %swap3A_2148 = arith.constant 18 : i32
      %swap3A_2149 = arith.index_cast %swap3A_2147 : i32 to index
      %swap3A_2150 = arith.index_cast %swap3A_2148 : i32 to index
      %swap3A_2151 = arith.index_cast %mul3A_2146 : i32 to index
      %swap3A_2152 = tpu.vector_load %arg9[%swap3A_2149, %swap3A_2150, %swap3A_2151] {strides = array<i32>} : memref<4x20x128xi32, #tpu.memory_space<vmem>>, vector<16xi32>,
      tpu.vector_store %arg9[%swap3A_2149, %swap3A_2150, %swap3A_2151], %add3A_2144 {strides = array<i32>} : memref<4x20x128xi32, #tpu.memory_space<vmem>>, vector<16xi32>,
      %add3A_2153 = arith.constant 19 : i32
      %add3A_2154 = vector.broadcast %add3A_2153 : i32 to vector<16xi32>
      %add3A_2155 = arith.addi %mul3A_1944, %add3A_2154 : vector<16xi32>
      %mul3A_2156 = arith.constant 16 : i32
      %mul3A_2157 = arith.muli %scan3A_1935, %mul3A_2156 : i32
      %swap3A_2158 = arith.constant 3 : i32
      %swap3A_2159 = arith.constant 19 : i32
      %swap3A_2160 = arith.index_cast %swap3A_2158 : i32 to index
      %swap3A_2161 = arith.index_cast %swap3A_2159 : i32 to index
      %swap3A_2162 = arith.index_cast %mul3A_2157 : i32 to index
      %swap3A_2163 = tpu.vector_load %arg9[%swap3A_2160, %swap3A_2161, %swap3A_2162] {strides = array<i32>} : memref<4x20x128xi32, #tpu.memory_space<vmem>>, vector<16xi32>,
      tpu.vector_store %arg9[%swap3A_2160, %swap3A_2161, %swap3A_2162], %add3A_2155 {strides = array<i32>} : memref<4x20x128xi32, #tpu.memory_space<vmem>>, vector<16xi32>,
    }
    %scan3A_23 = arith.constant 8 : i32
    %dma_start3A = arith.constant 0 : i32
    %dma_start3A_24 = arith.constant 0 : i32
    %dma_start3A_25 = arith.constant 0 : i32
    %dma_start3A_26 = arith.constant 0 : i32
    %dma_start3A_27 = tpu.memref_slice %arg10[%dma_start3A_25, %dma_start3A_26] : memref<20x512xf32, #tpu.memory_space<vmem>> -> memref<1x128xf32, #tpu.memory_space<vmem>>
    %dma_start3A_28 = tpu.memref_squeeze %dma_start3A_27 : memref<1x128xf32, #tpu.memory_space<vmem>> -> memref<128xf32, #tpu.memory_space<vmem>>
    %dma_start3A_29 = arith.constant 0 : i32
    %dma_start3A_30 = tpu.memref_slice %arg9[%dma_start3A, %dma_start3A_24, %dma_start3A_29] : memref<4x20x128xi32, #tpu.memory_space<vmem>> -> memref<1x1x128xi32, #tpu.memory_space<vmem>>
    %dma_start3A_31 = tpu.memref_squeeze %dma_start3A_30 : memref<1x1x128xi32, #tpu.memory_space<vmem>> -> memref<128xi32, #tpu.memory_space<vmem>>
    %dma_start3A_32 = arith.constant 0 : i32
    %dma_start3A_33 = tpu.memref_slice %arg2[%dma_start3A_32] : memref<20000000xf32, #tpu.memory_space<hbm>> -> memref<20000000xf32, #tpu.memory_space<hbm>>
    tpu.enqueue_indirect_dma source(%dma_start3A_33 : memref<20000000xf32, #tpu.memory_space<hbm>>) target(%dma_start3A_28 : memref<128xf32, #tpu.memory_space<vmem>>) offsets(%dma_start3A_31 : memref<128xi32, #tpu.memory_space<vmem>>) semaphore(%arg15 : memref<!tpu.dma_semaphore, #tpu.memory_space<semaphore_mem>>)
    %dma_start3A_34 = arith.constant 0 : i32
    %dma_start3A_35 = arith.constant 1 : i32
    %dma_start3A_36 = arith.constant 1 : i32
    %dma_start3A_37 = arith.constant 0 : i32
    %dma_start3A_38 = tpu.memref_slice %arg10[%dma_start3A_36, %dma_start3A_37] : memref<20x512xf32, #tpu.memory_space<vmem>> -> memref<1x128xf32, #tpu.memory_space<vmem>>
    %dma_start3A_39 = tpu.memref_squeeze %dma_start3A_38 : memref<1x128xf32, #tpu.memory_space<vmem>> -> memref<128xf32, #tpu.memory_space<vmem>>
    %dma_start3A_40 = arith.constant 0 : i32
    %dma_start3A_41 = tpu.memref_slice %arg9[%dma_start3A_34, %dma_start3A_35, %dma_start3A_40] : memref<4x20x128xi32, #tpu.memory_space<vmem>> -> memref<1x1x128xi32, #tpu.memory_space<vmem>>
    %dma_start3A_42 = tpu.memref_squeeze %dma_start3A_41 : memref<1x1x128xi32, #tpu.memory_space<vmem>> -> memref<128xi32, #tpu.memory_space<vmem>>
    %dma_start3A_43 = arith.constant 0 : i32
    %dma_start3A_44 = tpu.memref_slice %arg2[%dma_start3A_43] : memref<20000000xf32, #tpu.memory_space<hbm>> -> memref<20000000xf32, #tpu.memory_space<hbm>>
    tpu.enqueue_indirect_dma source(%dma_start3A_44 : memref<20000000xf32, #tpu.memory_space<hbm>>) target(%dma_start3A_39 : memref<128xf32, #tpu.memory_space<vmem>>) offsets(%dma_start3A_42 : memref<128xi32, #tpu.memory_space<vmem>>) semaphore(%arg15 : memref<!tpu.dma_semaphore, #tpu.memory_space<semaphore_mem>>)
    %dma_start3A_45 = arith.constant 0 : i32
    %dma_start3A_46 = arith.constant 2 : i32
    %dma_start3A_47 = arith.constant 2 : i32
    %dma_start3A_48 = arith.constant 0 : i32
    %dma_start3A_49 = tpu.memref_slice %arg10[%dma_start3A_47, %dma_start3A_48] : memref<20x512xf32, #tpu.memory_space<vmem>> -> memref<1x128xf32, #tpu.memory_space<vmem>>
    %dma_start3A_50 = tpu.memref_squeeze %dma_start3A_49 : memref<1x128xf32, #tpu.memory_space<vmem>> -> memref<128xf32, #tpu.memory_space<vmem>>
    %dma_start3A_51 = arith.constant 0 : i32
    %dma_start3A_52 = tpu.memref_slice %arg9[%dma_start3A_45, %dma_start3A_46, %dma_start3A_51] : memref<4x20x128xi32, #tpu.memory_space<vmem>> -> memref<1x1x128xi32, #tpu.memory_space<vmem>>
    %dma_start3A_53 = tpu.memref_squeeze %dma_start3A_52 : memref<1x1x128xi32, #tpu.memory_space<vmem>> -> memref<128xi32, #tpu.memory_space<vmem>>
    %dma_start3A_54 = arith.constant 0 : i32
    %dma_start3A_55 = tpu.memref_slice %arg2[%dma_start3A_54] : memref<20000000xf32, #tpu.memory_space<hbm>> -> memref<20000000xf32, #tpu.memory_space<hbm>>
    tpu.enqueue_indirect_dma source(%dma_start3A_55 : memref<20000000xf32, #tpu.memory_space<hbm>>) target(%dma_start3A_50 : memref<128xf32, #tpu.memory_space<vmem>>) offsets(%dma_start3A_53 : memref<128xi32, #tpu.memory_space<vmem>>) semaphore(%arg15 : memref<!tpu.dma_semaphore, #tpu.memory_space<semaphore_mem>>)
    %dma_start3A_56 = arith.constant 0 : i32
    %dma_start3A_57 = arith.constant 3 : i32
    %dma_start3A_58 = arith.constant 3 : i32
    %dma_start3A_59 = arith.constant 0 : i32
    %dma_start3A_60 = tpu.memref_slice %arg10[%dma_start3A_58, %dma_start3A_59] : memref<20x512xf32, #tpu.memory_space<vmem>> -> memref<1x128xf32, #tpu.memory_space<vmem>>
    %dma_start3A_61 = tpu.memref_squeeze %dma_start3A_60 : memref<1x128xf32, #tpu.memory_space<vmem>> -> memref<128xf32, #tpu.memory_space<vmem>>
    %dma_start3A_62 = arith.constant 0 : i32
    %dma_start3A_63 = tpu.memref_slice %arg9[%dma_start3A_56, %dma_start3A_57, %dma_start3A_62] : memref<4x20x128xi32, #tpu.memory_space<vmem>> -> memref<1x1x128xi32, #tpu.memory_space<vmem>>
    %dma_start3A_64 = tpu.memref_squeeze %dma_start3A_63 : memref<1x1x128xi32, #tpu.memory_space<vmem>> -> memref<128xi32, #tpu.memory_space<vmem>>
    %dma_start3A_65 = arith.constant 0 : i32
    %dma_start3A_66 = tpu.memref_slice %arg2[%dma_start3A_65] : memref<20000000xf32, #tpu.memory_space<hbm>> -> memref<20000000xf32, #tpu.memory_space<hbm>>
    tpu.enqueue_indirect_dma source(%dma_start3A_66 : memref<20000000xf32, #tpu.memory_space<hbm>>) target(%dma_start3A_61 : memref<128xf32, #tpu.memory_space<vmem>>) offsets(%dma_start3A_64 : memref<128xi32, #tpu.memory_space<vmem>>) semaphore(%arg15 : memref<!tpu.dma_semaphore, #tpu.memory_space<semaphore_mem>>)
    %dma_start3A_67 = arith.constant 0 : i32
    %dma_start3A_68 = arith.constant 4 : i32
    %dma_start3A_69 = arith.constant 4 : i32
    %dma_start3A_70 = arith.constant 0 : i32
    %dma_start3A_71 = tpu.memref_slice %arg10[%dma_start3A_69, %dma_start3A_70] : memref<20x512xf32, #tpu.memory_space<vmem>> -> memref<1x128xf32, #tpu.memory_space<vmem>>
    %dma_start3A_72 = tpu.memref_squeeze %dma_start3A_71 : memref<1x128xf32, #tpu.memory_space<vmem>> -> memref<128xf32, #tpu.memory_space<vmem>>
    %dma_start3A_73 = arith.constant 0 : i32
    %dma_start3A_74 = tpu.memref_slice %arg9[%dma_start3A_67, %dma_start3A_68, %dma_start3A_73] : memref<4x20x128xi32, #tpu.memory_space<vmem>> -> memref<1x1x128xi32, #tpu.memory_space<vmem>>
    %dma_start3A_75 = tpu.memref_squeeze %dma_start3A_74 : memref<1x1x128xi32, #tpu.memory_space<vmem>> -> memref<128xi32, #tpu.memory_space<vmem>>
    %dma_start3A_76 = arith.constant 0 : i32
    %dma_start3A_77 = tpu.memref_slice %arg2[%dma_start3A_76] : memref<20000000xf32, #tpu.memory_space<hbm>> -> memref<20000000xf32, #tpu.memory_space<hbm>>
    tpu.enqueue_indirect_dma source(%dma_start3A_77 : memref<20000000xf32, #tpu.memory_space<hbm>>) target(%dma_start3A_72 : memref<128xf32, #tpu.memory_space<vmem>>) offsets(%dma_start3A_75 : memref<128xi32, #tpu.memory_space<vmem>>) semaphore(%arg15 : memref<!tpu.dma_semaphore, #tpu.memory_space<semaphore_mem>>)
    %dma_start3A_78 = arith.constant 0 : i32
    %dma_start3A_79 = arith.constant 5 : i32
    %dma_start3A_80 = arith.constant 5 : i32
    %dma_start3A_81 = arith.constant 0 : i32
    %dma_start3A_82 = tpu.memref_slice %arg10[%dma_start3A_80, %dma_start3A_81] : memref<20x512xf32, #tpu.memory_space<vmem>> -> memref<1x128xf32, #tpu.memory_space<vmem>>
    %dma_start3A_83 = tpu.memref_squeeze %dma_start3A_82 : memref<1x128xf32, #tpu.memory_space<vmem>> -> memref<128xf32, #tpu.memory_space<vmem>>
    %dma_start3A_84 = arith.constant 0 : i32
    %dma_start3A_85 = tpu.memref_slice %arg9[%dma_start3A_78, %dma_start3A_79, %dma_start3A_84] : memref<4x20x128xi32, #tpu.memory_space<vmem>> -> memref<1x1x128xi32, #tpu.memory_space<vmem>>
    %dma_start3A_86 = tpu.memref_squeeze %dma_start3A_85 : memref<1x1x128xi32, #tpu.memory_space<vmem>> -> memref<128xi32, #tpu.memory_space<vmem>>
    %dma_start3A_87 = arith.constant 0 : i32
    %dma_start3A_88 = tpu.memref_slice %arg2[%dma_start3A_87] : memref<20000000xf32, #tpu.memory_space<hbm>> -> memref<20000000xf32, #tpu.memory_space<hbm>>
    tpu.enqueue_indirect_dma source(%dma_start3A_88 : memref<20000000xf32, #tpu.memory_space<hbm>>) target(%dma_start3A_83 : memref<128xf32, #tpu.memory_space<vmem>>) offsets(%dma_start3A_86 : memref<128xi32, #tpu.memory_space<vmem>>) semaphore(%arg15 : memref<!tpu.dma_semaphore, #tpu.memory_space<semaphore_mem>>)
    %dma_start3A_89 = arith.constant 0 : i32
    %dma_start3A_90 = arith.constant 6 : i32
    %dma_start3A_91 = arith.constant 6 : i32
    %dma_start3A_92 = arith.constant 0 : i32
    %dma_start3A_93 = tpu.memref_slice %arg10[%dma_start3A_91, %dma_start3A_92] : memref<20x512xf32, #tpu.memory_space<vmem>> -> memref<1x128xf32, #tpu.memory_space<vmem>>
    %dma_start3A_94 = tpu.memref_squeeze %dma_start3A_93 : memref<1x128xf32, #tpu.memory_space<vmem>> -> memref<128xf32, #tpu.memory_space<vmem>>
    %dma_start3A_95 = arith.constant 0 : i32
    %dma_start3A_96 = tpu.memref_slice %arg9[%dma_start3A_89, %dma_start3A_90, %dma_start3A_95] : memref<4x20x128xi32, #tpu.memory_space<vmem>> -> memref<1x1x128xi32, #tpu.memory_space<vmem>>
    %dma_start3A_97 = tpu.memref_squeeze %dma_start3A_96 : memref<1x1x128xi32, #tpu.memory_space<vmem>> -> memref<128xi32, #tpu.memory_space<vmem>>
    %dma_start3A_98 = arith.constant 0 : i32
    %dma_start3A_99 = tpu.memref_slice %arg2[%dma_start3A_98] : memref<20000000xf32, #tpu.memory_space<hbm>> -> memref<20000000xf32, #tpu.memory_space<hbm>>
    tpu.enqueue_indirect_dma source(%dma_start3A_99 : memref<20000000xf32, #tpu.memory_space<hbm>>) target(%dma_start3A_94 : memref<128xf32, #tpu.memory_space<vmem>>) offsets(%dma_start3A_97 : memref<128xi32, #tpu.memory_space<vmem>>) semaphore(%arg15 : memref<!tpu.dma_semaphore, #tpu.memory_space<semaphore_mem>>)
    %dma_start3A_100 = arith.constant 0 : i32
    %dma_start3A_101 = arith.constant 7 : i32
    %dma_start3A_102 = arith.constant 7 : i32
    %dma_start3A_103 = arith.constant 0 : i32
    %dma_start3A_104 = tpu.memref_slice %arg10[%dma_start3A_102, %dma_start3A_103] : memref<20x512xf32, #tpu.memory_space<vmem>> -> memref<1x128xf32, #tpu.memory_space<vmem>>
    %dma_start3A_105 = tpu.memref_squeeze %dma_start3A_104 : memref<1x128xf32, #tpu.memory_space<vmem>> -> memref<128xf32, #tpu.memory_space<vmem>>
    %dma_start3A_106 = arith.constant 0 : i32
    %dma_start3A_107 = tpu.memref_slice %arg9[%dma_start3A_100, %dma_start3A_101, %dma_start3A_106] : memref<4x20x128xi32, #tpu.memory_space<vmem>> -> memref<1x1x128xi32, #tpu.memory_space<vmem>>
    %dma_start3A_108 = tpu.memref_squeeze %dma_start3A_107 : memref<1x1x128xi32, #tpu.memory_space<vmem>> -> memref<128xi32, #tpu.memory_space<vmem>>
    %dma_start3A_109 = arith.constant 0 : i32
    %dma_start3A_110 = tpu.memref_slice %arg2[%dma_start3A_109] : memref<20000000xf32, #tpu.memory_space<hbm>> -> memref<20000000xf32, #tpu.memory_space<hbm>>
    tpu.enqueue_indirect_dma source(%dma_start3A_110 : memref<20000000xf32, #tpu.memory_space<hbm>>) target(%dma_start3A_105 : memref<128xf32, #tpu.memory_space<vmem>>) offsets(%dma_start3A_108 : memref<128xi32, #tpu.memory_space<vmem>>) semaphore(%arg15 : memref<!tpu.dma_semaphore, #tpu.memory_space<semaphore_mem>>)
    %dma_start3A_111 = arith.constant 0 : i32
    %dma_start3A_112 = arith.constant 8 : i32
    %dma_start3A_113 = arith.constant 8 : i32
    %dma_start3A_114 = arith.constant 0 : i32
    %dma_start3A_115 = tpu.memref_slice %arg10[%dma_start3A_113, %dma_start3A_114] : memref<20x512xf32, #tpu.memory_space<vmem>> -> memref<1x128xf32, #tpu.memory_space<vmem>>
    %dma_start3A_116 = tpu.memref_squeeze %dma_start3A_115 : memref<1x128xf32, #tpu.memory_space<vmem>> -> memref<128xf32, #tpu.memory_space<vmem>>
    %dma_start3A_117 = arith.constant 0 : i32
    %dma_start3A_118 = tpu.memref_slice %arg9[%dma_start3A_111, %dma_start3A_112, %dma_start3A_117] : memref<4x20x128xi32, #tpu.memory_space<vmem>> -> memref<1x1x128xi32, #tpu.memory_space<vmem>>
    %dma_start3A_119 = tpu.memref_squeeze %dma_start3A_118 : memref<1x1x128xi32, #tpu.memory_space<vmem>> -> memref<128xi32, #tpu.memory_space<vmem>>
    %dma_start3A_120 = arith.constant 0 : i32
    %dma_start3A_121 = tpu.memref_slice %arg2[%dma_start3A_120] : memref<20000000xf32, #tpu.memory_space<hbm>> -> memref<20000000xf32, #tpu.memory_space<hbm>>
    tpu.enqueue_indirect_dma source(%dma_start3A_121 : memref<20000000xf32, #tpu.memory_space<hbm>>) target(%dma_start3A_116 : memref<128xf32, #tpu.memory_space<vmem>>) offsets(%dma_start3A_119 : memref<128xi32, #tpu.memory_space<vmem>>) semaphore(%arg15 : memref<!tpu.dma_semaphore, #tpu.memory_space<semaphore_mem>>)
    %dma_start3A_122 = arith.constant 0 : i32
    %dma_start3A_123 = arith.constant 9 : i32
    %dma_start3A_124 = arith.constant 9 : i32
    %dma_start3A_125 = arith.constant 0 : i32
    %dma_start3A_126 = tpu.memref_slice %arg10[%dma_start3A_124, %dma_start3A_125] : memref<20x512xf32, #tpu.memory_space<vmem>> -> memref<1x128xf32, #tpu.memory_space<vmem>>
    %dma_start3A_127 = tpu.memref_squeeze %dma_start3A_126 : memref<1x128xf32, #tpu.memory_space<vmem>> -> memref<128xf32, #tpu.memory_space<vmem>>
    %dma_start3A_128 = arith.constant 0 : i32
    %dma_start3A_129 = tpu.memref_slice %arg9[%dma_start3A_122, %dma_start3A_123, %dma_start3A_128] : memref<4x20x128xi32, #tpu.memory_space<vmem>> -> memref<1x1x128xi32, #tpu.memory_space<vmem>>
    %dma_start3A_130 = tpu.memref_squeeze %dma_start3A_129 : memref<1x1x128xi32, #tpu.memory_space<vmem>> -> memref<128xi32, #tpu.memory_space<vmem>>
    %dma_start3A_131 = arith.constant 0 : i32
    %dma_start3A_132 = tpu.memref_slice %arg2[%dma_start3A_131] : memref<20000000xf32, #tpu.memory_space<hbm>> -> memref<20000000xf32, #tpu.memory_space<hbm>>
    tpu.enqueue_indirect_dma source(%dma_start3A_132 : memref<20000000xf32, #tpu.memory_space<hbm>>) target(%dma_start3A_127 : memref<128xf32, #tpu.memory_space<vmem>>) offsets(%dma_start3A_130 : memref<128xi32, #tpu.memory_space<vmem>>) semaphore(%arg15 : memref<!tpu.dma_semaphore, #tpu.memory_space<semaphore_mem>>)
    %dma_start3A_133 = arith.constant 0 : i32
    %dma_start3A_134 = arith.constant 10 : i32
    %dma_start3A_135 = arith.constant 10 : i32
    %dma_start3A_136 = arith.constant 0 : i32
    %dma_start3A_137 = tpu.memref_slice %arg10[%dma_start3A_135, %dma_start3A_136] : memref<20x512xf32, #tpu.memory_space<vmem>> -> memref<1x128xf32, #tpu.memory_space<vmem>>
    %dma_start3A_138 = tpu.memref_squeeze %dma_start3A_137 : memref<1x128xf32, #tpu.memory_space<vmem>> -> memref<128xf32, #tpu.memory_space<vmem>>
    %dma_start3A_139 = arith.constant 0 : i32
    %dma_start3A_140 = tpu.memref_slice %arg9[%dma_start3A_133, %dma_start3A_134, %dma_start3A_139] : memref<4x20x128xi32, #tpu.memory_space<vmem>> -> memref<1x1x128xi32, #tpu.memory_space<vmem>>
    %dma_start3A_141 = tpu.memref_squeeze %dma_start3A_140 : memref<1x1x128xi32, #tpu.memory_space<vmem>> -> memref<128xi32, #tpu.memory_space<vmem>>
    %dma_start3A_142 = arith.constant 0 : i32
    %dma_start3A_143 = tpu.memref_slice %arg2[%dma_start3A_142] : memref<20000000xf32, #tpu.memory_space<hbm>> -> memref<20000000xf32, #tpu.memory_space<hbm>>
    tpu.enqueue_indirect_dma source(%dma_start3A_143 : memref<20000000xf32, #tpu.memory_space<hbm>>) target(%dma_start3A_138 : memref<128xf32, #tpu.memory_space<vmem>>) offsets(%dma_start3A_141 : memref<128xi32, #tpu.memory_space<vmem>>) semaphore(%arg15 : memref<!tpu.dma_semaphore, #tpu.memory_space<semaphore_mem>>)
    %dma_start3A_144 = arith.constant 0 : i32
    %dma_start3A_145 = arith.constant 11 : i32
    %dma_start3A_146 = arith.constant 11 : i32
    %dma_start3A_147 = arith.constant 0 : i32
    %dma_start3A_148 = tpu.memref_slice %arg10[%dma_start3A_146, %dma_start3A_147] : memref<20x512xf32, #tpu.memory_space<vmem>> -> memref<1x128xf32, #tpu.memory_space<vmem>>
    %dma_start3A_149 = tpu.memref_squeeze %dma_start3A_148 : memref<1x128xf32, #tpu.memory_space<vmem>> -> memref<128xf32, #tpu.memory_space<vmem>>
    %dma_start3A_150 = arith.constant 0 : i32
    %dma_start3A_151 = tpu.memref_slice %arg9[%dma_start3A_144, %dma_start3A_145, %dma_start3A_150] : memref<4x20x128xi32, #tpu.memory_space<vmem>> -> memref<1x1x128xi32, #tpu.memory_space<vmem>>
    %dma_start3A_152 = tpu.memref_squeeze %dma_start3A_151 : memref<1x1x128xi32, #tpu.memory_space<vmem>> -> memref<128xi32, #tpu.memory_space<vmem>>
    %dma_start3A_153 = arith.constant 0 : i32
    %dma_start3A_154 = tpu.memref_slice %arg2[%dma_start3A_153] : memref<20000000xf32, #tpu.memory_space<hbm>> -> memref<20000000xf32, #tpu.memory_space<hbm>>
    tpu.enqueue_indirect_dma source(%dma_start3A_154 : memref<20000000xf32, #tpu.memory_space<hbm>>) target(%dma_start3A_149 : memref<128xf32, #tpu.memory_space<vmem>>) offsets(%dma_start3A_152 : memref<128xi32, #tpu.memory_space<vmem>>) semaphore(%arg15 : memref<!tpu.dma_semaphore, #tpu.memory_space<semaphore_mem>>)
    %dma_start3A_155 = arith.constant 0 : i32
    %dma_start3A_156 = arith.constant 12 : i32
    %dma_start3A_157 = arith.constant 12 : i32
    %dma_start3A_158 = arith.constant 0 : i32
    %dma_start3A_159 = tpu.memref_slice %arg10[%dma_start3A_157, %dma_start3A_158] : memref<20x512xf32, #tpu.memory_space<vmem>> -> memref<1x128xf32, #tpu.memory_space<vmem>>
    %dma_start3A_160 = tpu.memref_squeeze %dma_start3A_159 : memref<1x128xf32, #tpu.memory_space<vmem>> -> memref<128xf32, #tpu.memory_space<vmem>>
    %dma_start3A_161 = arith.constant 0 : i32
    %dma_start3A_162 = tpu.memref_slice %arg9[%dma_start3A_155, %dma_start3A_156, %dma_start3A_161] : memref<4x20x128xi32, #tpu.memory_space<vmem>> -> memref<1x1x128xi32, #tpu.memory_space<vmem>>
    %dma_start3A_163 = tpu.memref_squeeze %dma_start3A_162 : memref<1x1x128xi32, #tpu.memory_space<vmem>> -> memref<128xi32, #tpu.memory_space<vmem>>
    %dma_start3A_164 = arith.constant 0 : i32
    %dma_start3A_165 = tpu.memref_slice %arg2[%dma_start3A_164] : memref<20000000xf32, #tpu.memory_space<hbm>> -> memref<20000000xf32, #tpu.memory_space<hbm>>
    tpu.enqueue_indirect_dma source(%dma_start3A_165 : memref<20000000xf32, #tpu.memory_space<hbm>>) target(%dma_start3A_160 : memref<128xf32, #tpu.memory_space<vmem>>) offsets(%dma_start3A_163 : memref<128xi32, #tpu.memory_space<vmem>>) semaphore(%arg15 : memref<!tpu.dma_semaphore, #tpu.memory_space<semaphore_mem>>)
    %dma_start3A_166 = arith.constant 0 : i32
    %dma_start3A_167 = arith.constant 13 : i32
    %dma_start3A_168 = arith.constant 13 : i32
    %dma_start3A_169 = arith.constant 0 : i32
    %dma_start3A_170 = tpu.memref_slice %arg10[%dma_start3A_168, %dma_start3A_169] : memref<20x512xf32, #tpu.memory_space<vmem>> -> memref<1x128xf32, #tpu.memory_space<vmem>>
    %dma_start3A_171 = tpu.memref_squeeze %dma_start3A_170 : memref<1x128xf32, #tpu.memory_space<vmem>> -> memref<128xf32, #tpu.memory_space<vmem>>
    %dma_start3A_172 = arith.constant 0 : i32
    %dma_start3A_173 = tpu.memref_slice %arg9[%dma_start3A_166, %dma_start3A_167, %dma_start3A_172] : memref<4x20x128xi32, #tpu.memory_space<vmem>> -> memref<1x1x128xi32, #tpu.memory_space<vmem>>
    %dma_start3A_174 = tpu.memref_squeeze %dma_start3A_173 : memref<1x1x128xi32, #tpu.memory_space<vmem>> -> memref<128xi32, #tpu.memory_space<vmem>>
    %dma_start3A_175 = arith.constant 0 : i32
    %dma_start3A_176 = tpu.memref_slice %arg2[%dma_start3A_175] : memref<20000000xf32, #tpu.memory_space<hbm>> -> memref<20000000xf32, #tpu.memory_space<hbm>>
    tpu.enqueue_indirect_dma source(%dma_start3A_176 : memref<20000000xf32, #tpu.memory_space<hbm>>) target(%dma_start3A_171 : memref<128xf32, #tpu.memory_space<vmem>>) offsets(%dma_start3A_174 : memref<128xi32, #tpu.memory_space<vmem>>) semaphore(%arg15 : memref<!tpu.dma_semaphore, #tpu.memory_space<semaphore_mem>>)
    %dma_start3A_177 = arith.constant 0 : i32
    %dma_start3A_178 = arith.constant 14 : i32
    %dma_start3A_179 = arith.constant 14 : i32
    %dma_start3A_180 = arith.constant 0 : i32
    %dma_start3A_181 = tpu.memref_slice %arg10[%dma_start3A_179, %dma_start3A_180] : memref<20x512xf32, #tpu.memory_space<vmem>> -> memref<1x128xf32, #tpu.memory_space<vmem>>
    %dma_start3A_182 = tpu.memref_squeeze %dma_start3A_181 : memref<1x128xf32, #tpu.memory_space<vmem>> -> memref<128xf32, #tpu.memory_space<vmem>>
    %dma_start3A_183 = arith.constant 0 : i32
    %dma_start3A_184 = tpu.memref_slice %arg9[%dma_start3A_177, %dma_start3A_178, %dma_start3A_183] : memref<4x20x128xi32, #tpu.memory_space<vmem>> -> memref<1x1x128xi32, #tpu.memory_space<vmem>>
    %dma_start3A_185 = tpu.memref_squeeze %dma_start3A_184 : memref<1x1x128xi32, #tpu.memory_space<vmem>> -> memref<128xi32, #tpu.memory_space<vmem>>
    %dma_start3A_186 = arith.constant 0 : i32
    %dma_start3A_187 = tpu.memref_slice %arg2[%dma_start3A_186] : memref<20000000xf32, #tpu.memory_space<hbm>> -> memref<20000000xf32, #tpu.memory_space<hbm>>
    tpu.enqueue_indirect_dma source(%dma_start3A_187 : memref<20000000xf32, #tpu.memory_space<hbm>>) target(%dma_start3A_182 : memref<128xf32, #tpu.memory_space<vmem>>) offsets(%dma_start3A_185 : memref<128xi32, #tpu.memory_space<vmem>>) semaphore(%arg15 : memref<!tpu.dma_semaphore, #tpu.memory_space<semaphore_mem>>)
    %dma_start3A_188 = arith.constant 0 : i32
    %dma_start3A_189 = arith.constant 15 : i32
    %dma_start3A_190 = arith.constant 15 : i32
    %dma_start3A_191 = arith.constant 0 : i32
    %dma_start3A_192 = tpu.memref_slice %arg10[%dma_start3A_190, %dma_start3A_191] : memref<20x512xf32, #tpu.memory_space<vmem>> -> memref<1x128xf32, #tpu.memory_space<vmem>>
    %dma_start3A_193 = tpu.memref_squeeze %dma_start3A_192 : memref<1x128xf32, #tpu.memory_space<vmem>> -> memref<128xf32, #tpu.memory_space<vmem>>
    %dma_start3A_194 = arith.constant 0 : i32
    %dma_start3A_195 = tpu.memref_slice %arg9[%dma_start3A_188, %dma_start3A_189, %dma_start3A_194] : memref<4x20x128xi32, #tpu.memory_space<vmem>> -> memref<1x1x128xi32, #tpu.memory_space<vmem>>
    %dma_start3A_196 = tpu.memref_squeeze %dma_start3A_195 : memref<1x1x128xi32, #tpu.memory_space<vmem>> -> memref<128xi32, #tpu.memory_space<vmem>>
    %dma_start3A_197 = arith.constant 0 : i32
    %dma_start3A_198 = tpu.memref_slice %arg2[%dma_start3A_197] : memref<20000000xf32, #tpu.memory_space<hbm>> -> memref<20000000xf32, #tpu.memory_space<hbm>>
    tpu.enqueue_indirect_dma source(%dma_start3A_198 : memref<20000000xf32, #tpu.memory_space<hbm>>) target(%dma_start3A_193 : memref<128xf32, #tpu.memory_space<vmem>>) offsets(%dma_start3A_196 : memref<128xi32, #tpu.memory_space<vmem>>) semaphore(%arg15 : memref<!tpu.dma_semaphore, #tpu.memory_space<semaphore_mem>>)
    %dma_start3A_199 = arith.constant 0 : i32
    %dma_start3A_200 = arith.constant 16 : i32
    %dma_start3A_201 = arith.constant 16 : i32
    %dma_start3A_202 = arith.constant 0 : i32
    %dma_start3A_203 = tpu.memref_slice %arg10[%dma_start3A_201, %dma_start3A_202] : memref<20x512xf32, #tpu.memory_space<vmem>> -> memref<1x128xf32, #tpu.memory_space<vmem>>
    %dma_start3A_204 = tpu.memref_squeeze %dma_start3A_203 : memref<1x128xf32, #tpu.memory_space<vmem>> -> memref<128xf32, #tpu.memory_space<vmem>>
    %dma_start3A_205 = arith.constant 0 : i32
    %dma_start3A_206 = tpu.memref_slice %arg9[%dma_start3A_199, %dma_start3A_200, %dma_start3A_205] : memref<4x20x128xi32, #tpu.memory_space<vmem>> -> memref<1x1x128xi32, #tpu.memory_space<vmem>>
    %dma_start3A_207 = tpu.memref_squeeze %dma_start3A_206 : memref<1x1x128xi32, #tpu.memory_space<vmem>> -> memref<128xi32, #tpu.memory_space<vmem>>
    %dma_start3A_208 = arith.constant 0 : i32
    %dma_start3A_209 = tpu.memref_slice %arg2[%dma_start3A_208] : memref<20000000xf32, #tpu.memory_space<hbm>> -> memref<20000000xf32, #tpu.memory_space<hbm>>
    tpu.enqueue_indirect_dma source(%dma_start3A_209 : memref<20000000xf32, #tpu.memory_space<hbm>>) target(%dma_start3A_204 : memref<128xf32, #tpu.memory_space<vmem>>) offsets(%dma_start3A_207 : memref<128xi32, #tpu.memory_space<vmem>>) semaphore(%arg15 : memref<!tpu.dma_semaphore, #tpu.memory_space<semaphore_mem>>)
    %dma_start3A_210 = arith.constant 0 : i32
    %dma_start3A_211 = arith.constant 17 : i32
    %dma_start3A_212 = arith.constant 17 : i32
    %dma_start3A_213 = arith.constant 0 : i32
    %dma_start3A_214 = tpu.memref_slice %arg10[%dma_start3A_212, %dma_start3A_213] : memref<20x512xf32, #tpu.memory_space<vmem>> -> memref<1x128xf32, #tpu.memory_space<vmem>>
    %dma_start3A_215 = tpu.memref_squeeze %dma_start3A_214 : memref<1x128xf32, #tpu.memory_space<vmem>> -> memref<128xf32, #tpu.memory_space<vmem>>
    %dma_start3A_216 = arith.constant 0 : i32
    %dma_start3A_217 = tpu.memref_slice %arg9[%dma_start3A_210, %dma_start3A_211, %dma_start3A_216] : memref<4x20x128xi32, #tpu.memory_space<vmem>> -> memref<1x1x128xi32, #tpu.memory_space<vmem>>
    %dma_start3A_218 = tpu.memref_squeeze %dma_start3A_217 : memref<1x1x128xi32, #tpu.memory_space<vmem>> -> memref<128xi32, #tpu.memory_space<vmem>>
    %dma_start3A_219 = arith.constant 0 : i32
    %dma_start3A_220 = tpu.memref_slice %arg2[%dma_start3A_219] : memref<20000000xf32, #tpu.memory_space<hbm>> -> memref<20000000xf32, #tpu.memory_space<hbm>>
    tpu.enqueue_indirect_dma source(%dma_start3A_220 : memref<20000000xf32, #tpu.memory_space<hbm>>) target(%dma_start3A_215 : memref<128xf32, #tpu.memory_space<vmem>>) offsets(%dma_start3A_218 : memref<128xi32, #tpu.memory_space<vmem>>) semaphore(%arg15 : memref<!tpu.dma_semaphore, #tpu.memory_space<semaphore_mem>>)
    %dma_start3A_221 = arith.constant 0 : i32
    %dma_start3A_222 = arith.constant 18 : i32
    %dma_start3A_223 = arith.constant 18 : i32
    %dma_start3A_224 = arith.constant 0 : i32
    %dma_start3A_225 = tpu.memref_slice %arg10[%dma_start3A_223, %dma_start3A_224] : memref<20x512xf32, #tpu.memory_space<vmem>> -> memref<1x128xf32, #tpu.memory_space<vmem>>
    %dma_start3A_226 = tpu.memref_squeeze %dma_start3A_225 : memref<1x128xf32, #tpu.memory_space<vmem>> -> memref<128xf32, #tpu.memory_space<vmem>>
    %dma_start3A_227 = arith.constant 0 : i32
    %dma_start3A_228 = tpu.memref_slice %arg9[%dma_start3A_221, %dma_start3A_222, %dma_start3A_227] : memref<4x20x128xi32, #tpu.memory_space<vmem>> -> memref<1x1x128xi32, #tpu.memory_space<vmem>>
    %dma_start3A_229 = tpu.memref_squeeze %dma_start3A_228 : memref<1x1x128xi32, #tpu.memory_space<vmem>> -> memref<128xi32, #tpu.memory_space<vmem>>
    %dma_start3A_230 = arith.constant 0 : i32
    %dma_start3A_231 = tpu.memref_slice %arg2[%dma_start3A_230] : memref<20000000xf32, #tpu.memory_space<hbm>> -> memref<20000000xf32, #tpu.memory_space<hbm>>
    tpu.enqueue_indirect_dma source(%dma_start3A_231 : memref<20000000xf32, #tpu.memory_space<hbm>>) target(%dma_start3A_226 : memref<128xf32, #tpu.memory_space<vmem>>) offsets(%dma_start3A_229 : memref<128xi32, #tpu.memory_space<vmem>>) semaphore(%arg15 : memref<!tpu.dma_semaphore, #tpu.memory_space<semaphore_mem>>)
    %dma_start3A_232 = arith.constant 0 : i32
    %dma_start3A_233 = arith.constant 19 : i32
    %dma_start3A_234 = arith.constant 19 : i32
    %dma_start3A_235 = arith.constant 0 : i32
    %dma_start3A_236 = tpu.memref_slice %arg10[%dma_start3A_234, %dma_start3A_235] : memref<20x512xf32, #tpu.memory_space<vmem>> -> memref<1x128xf32, #tpu.memory_space<vmem>>
    %dma_start3A_237 = tpu.memref_squeeze %dma_start3A_236 : memref<1x128xf32, #tpu.memory_space<vmem>> -> memref<128xf32, #tpu.memory_space<vmem>>
    %dma_start3A_238 = arith.constant 0 : i32
    %dma_start3A_239 = tpu.memref_slice %arg9[%dma_start3A_232, %dma_start3A_233, %dma_start3A_238] : memref<4x20x128xi32, #tpu.memory_space<vmem>> -> memref<1x1x128xi32, #tpu.memory_space<vmem>>
    %dma_start3A_240 = tpu.memref_squeeze %dma_start3A_239 : memref<1x1x128xi32, #tpu.memory_space<vmem>> -> memref<128xi32, #tpu.memory_space<vmem>>
    %dma_start3A_241 = arith.constant 0 : i32
    %dma_start3A_242 = tpu.memref_slice %arg2[%dma_start3A_241] : memref<20000000xf32, #tpu.memory_space<hbm>> -> memref<20000000xf32, #tpu.memory_space<hbm>>
    tpu.enqueue_indirect_dma source(%dma_start3A_242 : memref<20000000xf32, #tpu.memory_space<hbm>>) target(%dma_start3A_237 : memref<128xf32, #tpu.memory_space<vmem>>) offsets(%dma_start3A_240 : memref<128xi32, #tpu.memory_space<vmem>>) semaphore(%arg15 : memref<!tpu.dma_semaphore, #tpu.memory_space<semaphore_mem>>)
    %dma_start3A_243 = arith.constant 0 : i32
    %dma_start3A_244 = arith.constant 0 : i32
    %dma_start3A_245 = tpu.memref_slice %arg12[%dma_start3A_244] : memref<512xf32, #tpu.memory_space<vmem>> -> memref<128xf32, #tpu.memory_space<vmem>>
    %dma_start3A_246 = arith.constant 0 : i32
    %dma_start3A_247 = tpu.memref_slice %arg8[%dma_start3A_243, %dma_start3A_246] : memref<4x128xi32, #tpu.memory_space<vmem>> -> memref<1x128xi32, #tpu.memory_space<vmem>>
    %dma_start3A_248 = tpu.memref_squeeze %dma_start3A_247 : memref<1x128xi32, #tpu.memory_space<vmem>> -> memref<128xi32, #tpu.memory_space<vmem>>
    %dma_start3A_249 = arith.constant 0 : i32
    %dma_start3A_250 = tpu.memref_slice %arg3[%dma_start3A_249] : memref<1000000xf32, #tpu.memory_space<hbm>> -> memref<1000000xf32, #tpu.memory_space<hbm>>
    tpu.enqueue_indirect_dma source(%dma_start3A_250 : memref<1000000xf32, #tpu.memory_space<hbm>>) target(%dma_start3A_245 : memref<128xf32, #tpu.memory_space<vmem>>) offsets(%dma_start3A_248 : memref<128xi32, #tpu.memory_space<vmem>>) semaphore(%arg15 : memref<!tpu.dma_semaphore, #tpu.memory_space<semaphore_mem>>)
    %dma_start3A_251 = arith.constant 1 : i32
    %dma_start3A_252 = arith.constant 0 : i32
    %dma_start3A_253 = arith.constant 0 : i32
    %dma_start3A_254 = arith.constant 128 : i32
    %dma_start3A_255 = tpu.memref_slice %arg10[%dma_start3A_253, %dma_start3A_254] : memref<20x512xf32, #tpu.memory_space<vmem>> -> memref<1x128xf32, #tpu.memory_space<vmem>>
    %dma_start3A_256 = tpu.memref_squeeze %dma_start3A_255 : memref<1x128xf32, #tpu.memory_space<vmem>> -> memref<128xf32, #tpu.memory_space<vmem>>
    %dma_start3A_257 = arith.constant 0 : i32
    %dma_start3A_258 = tpu.memref_slice %arg9[%dma_start3A_251, %dma_start3A_252, %dma_start3A_257] : memref<4x20x128xi32, #tpu.memory_space<vmem>> -> memref<1x1x128xi32, #tpu.memory_space<vmem>>
    %dma_start3A_259 = tpu.memref_squeeze %dma_start3A_258 : memref<1x1x128xi32, #tpu.memory_space<vmem>> -> memref<128xi32, #tpu.memory_space<vmem>>
    %dma_start3A_260 = arith.constant 0 : i32
    %dma_start3A_261 = tpu.memref_slice %arg2[%dma_start3A_260] : memref<20000000xf32, #tpu.memory_space<hbm>> -> memref<20000000xf32, #tpu.memory_space<hbm>>
    tpu.enqueue_indirect_dma source(%dma_start3A_261 : memref<20000000xf32, #tpu.memory_space<hbm>>) target(%dma_start3A_256 : memref<128xf32, #tpu.memory_space<vmem>>) offsets(%dma_start3A_259 : memref<128xi32, #tpu.memory_space<vmem>>) semaphore(%arg15 : memref<!tpu.dma_semaphore, #tpu.memory_space<semaphore_mem>>)
    %dma_start3A_262 = arith.constant 1 : i32
    %dma_start3A_263 = arith.constant 1 : i32
    %dma_start3A_264 = arith.constant 1 : i32
    %dma_start3A_265 = arith.constant 128 : i32
    %dma_start3A_266 = tpu.memref_slice %arg10[%dma_start3A_264, %dma_start3A_265] : memref<20x512xf32, #tpu.memory_space<vmem>> -> memref<1x128xf32, #tpu.memory_space<vmem>>
    %dma_start3A_267 = tpu.memref_squeeze %dma_start3A_266 : memref<1x128xf32, #tpu.memory_space<vmem>> -> memref<128xf32, #tpu.memory_space<vmem>>
    %dma_start3A_268 = arith.constant 0 : i32
    %dma_start3A_269 = tpu.memref_slice %arg9[%dma_start3A_262, %dma_start3A_263, %dma_start3A_268] : memref<4x20x128xi32, #tpu.memory_space<vmem>> -> memref<1x1x128xi32, #tpu.memory_space<vmem>>
    %dma_start3A_270 = tpu.memref_squeeze %dma_start3A_269 : memref<1x1x128xi32, #tpu.memory_space<vmem>> -> memref<128xi32, #tpu.memory_space<vmem>>
    %dma_start3A_271 = arith.constant 0 : i32
    %dma_start3A_272 = tpu.memref_slice %arg2[%dma_start3A_271] : memref<20000000xf32, #tpu.memory_space<hbm>> -> memref<20000000xf32, #tpu.memory_space<hbm>>
    tpu.enqueue_indirect_dma source(%dma_start3A_272 : memref<20000000xf32, #tpu.memory_space<hbm>>) target(%dma_start3A_267 : memref<128xf32, #tpu.memory_space<vmem>>) offsets(%dma_start3A_270 : memref<128xi32, #tpu.memory_space<vmem>>) semaphore(%arg15 : memref<!tpu.dma_semaphore, #tpu.memory_space<semaphore_mem>>)
    %dma_start3A_273 = arith.constant 1 : i32
    %dma_start3A_274 = arith.constant 2 : i32
    %dma_start3A_275 = arith.constant 2 : i32
    %dma_start3A_276 = arith.constant 128 : i32
    %dma_start3A_277 = tpu.memref_slice %arg10[%dma_start3A_275, %dma_start3A_276] : memref<20x512xf32, #tpu.memory_space<vmem>> -> memref<1x128xf32, #tpu.memory_space<vmem>>
    %dma_start3A_278 = tpu.memref_squeeze %dma_start3A_277 : memref<1x128xf32, #tpu.memory_space<vmem>> -> memref<128xf32, #tpu.memory_space<vmem>>
    %dma_start3A_279 = arith.constant 0 : i32
    %dma_start3A_280 = tpu.memref_slice %arg9[%dma_start3A_273, %dma_start3A_274, %dma_start3A_279] : memref<4x20x128xi32, #tpu.memory_space<vmem>> -> memref<1x1x128xi32, #tpu.memory_space<vmem>>
    %dma_start3A_281 = tpu.memref_squeeze %dma_start3A_280 : memref<1x1x128xi32, #tpu.memory_space<vmem>> -> memref<128xi32, #tpu.memory_space<vmem>>
    %dma_start3A_282 = arith.constant 0 : i32
    %dma_start3A_283 = tpu.memref_slice %arg2[%dma_start3A_282] : memref<20000000xf32, #tpu.memory_space<hbm>> -> memref<20000000xf32, #tpu.memory_space<hbm>>
    tpu.enqueue_indirect_dma source(%dma_start3A_283 : memref<20000000xf32, #tpu.memory_space<hbm>>) target(%dma_start3A_278 : memref<128xf32, #tpu.memory_space<vmem>>) offsets(%dma_start3A_281 : memref<128xi32, #tpu.memory_space<vmem>>) semaphore(%arg15 : memref<!tpu.dma_semaphore, #tpu.memory_space<semaphore_mem>>)
    %dma_start3A_284 = arith.constant 1 : i32
    %dma_start3A_285 = arith.constant 3 : i32
    %dma_start3A_286 = arith.constant 3 : i32
    %dma_start3A_287 = arith.constant 128 : i32
    %dma_start3A_288 = tpu.memref_slice %arg10[%dma_start3A_286, %dma_start3A_287] : memref<20x512xf32, #tpu.memory_space<vmem>> -> memref<1x128xf32, #tpu.memory_space<vmem>>
    %dma_start3A_289 = tpu.memref_squeeze %dma_start3A_288 : memref<1x128xf32, #tpu.memory_space<vmem>> -> memref<128xf32, #tpu.memory_space<vmem>>
    %dma_start3A_290 = arith.constant 0 : i32
    %dma_start3A_291 = tpu.memref_slice %arg9[%dma_start3A_284, %dma_start3A_285, %dma_start3A_290] : memref<4x20x128xi32, #tpu.memory_space<vmem>> -> memref<1x1x128xi32, #tpu.memory_space<vmem>>
    %dma_start3A_292 = tpu.memref_squeeze %dma_start3A_291 : memref<1x1x128xi32, #tpu.memory_space<vmem>> -> memref<128xi32, #tpu.memory_space<vmem>>
    %dma_start3A_293 = arith.constant 0 : i32
    %dma_start3A_294 = tpu.memref_slice %arg2[%dma_start3A_293] : memref<20000000xf32, #tpu.memory_space<hbm>> -> memref<20000000xf32, #tpu.memory_space<hbm>>
    tpu.enqueue_indirect_dma source(%dma_start3A_294 : memref<20000000xf32, #tpu.memory_space<hbm>>) target(%dma_start3A_289 : memref<128xf32, #tpu.memory_space<vmem>>) offsets(%dma_start3A_292 : memref<128xi32, #tpu.memory_space<vmem>>) semaphore(%arg15 : memref<!tpu.dma_semaphore, #tpu.memory_space<semaphore_mem>>)
    %dma_start3A_295 = arith.constant 1 : i32
    %dma_start3A_296 = arith.constant 4 : i32
    %dma_start3A_297 = arith.constant 4 : i32
    %dma_start3A_298 = arith.constant 128 : i32
    %dma_start3A_299 = tpu.memref_slice %arg10[%dma_start3A_297, %dma_start3A_298] : memref<20x512xf32, #tpu.memory_space<vmem>> -> memref<1x128xf32, #tpu.memory_space<vmem>>
    %dma_start3A_300 = tpu.memref_squeeze %dma_start3A_299 : memref<1x128xf32, #tpu.memory_space<vmem>> -> memref<128xf32, #tpu.memory_space<vmem>>
    %dma_start3A_301 = arith.constant 0 : i32
    %dma_start3A_302 = tpu.memref_slice %arg9[%dma_start3A_295, %dma_start3A_296, %dma_start3A_301] : memref<4x20x128xi32, #tpu.memory_space<vmem>> -> memref<1x1x128xi32, #tpu.memory_space<vmem>>
    %dma_start3A_303 = tpu.memref_squeeze %dma_start3A_302 : memref<1x1x128xi32, #tpu.memory_space<vmem>> -> memref<128xi32, #tpu.memory_space<vmem>>
    %dma_start3A_304 = arith.constant 0 : i32
    %dma_start3A_305 = tpu.memref_slice %arg2[%dma_start3A_304] : memref<20000000xf32, #tpu.memory_space<hbm>> -> memref<20000000xf32, #tpu.memory_space<hbm>>
    tpu.enqueue_indirect_dma source(%dma_start3A_305 : memref<20000000xf32, #tpu.memory_space<hbm>>) target(%dma_start3A_300 : memref<128xf32, #tpu.memory_space<vmem>>) offsets(%dma_start3A_303 : memref<128xi32, #tpu.memory_space<vmem>>) semaphore(%arg15 : memref<!tpu.dma_semaphore, #tpu.memory_space<semaphore_mem>>)
    %dma_start3A_306 = arith.constant 1 : i32
    %dma_start3A_307 = arith.constant 5 : i32
    %dma_start3A_308 = arith.constant 5 : i32
    %dma_start3A_309 = arith.constant 128 : i32
    %dma_start3A_310 = tpu.memref_slice %arg10[%dma_start3A_308, %dma_start3A_309] : memref<20x512xf32, #tpu.memory_space<vmem>> -> memref<1x128xf32, #tpu.memory_space<vmem>>
    %dma_start3A_311 = tpu.memref_squeeze %dma_start3A_310 : memref<1x128xf32, #tpu.memory_space<vmem>> -> memref<128xf32, #tpu.memory_space<vmem>>
    %dma_start3A_312 = arith.constant 0 : i32
    %dma_start3A_313 = tpu.memref_slice %arg9[%dma_start3A_306, %dma_start3A_307, %dma_start3A_312] : memref<4x20x128xi32, #tpu.memory_space<vmem>> -> memref<1x1x128xi32, #tpu.memory_space<vmem>>
    %dma_start3A_314 = tpu.memref_squeeze %dma_start3A_313 : memref<1x1x128xi32, #tpu.memory_space<vmem>> -> memref<128xi32, #tpu.memory_space<vmem>>
    %dma_start3A_315 = arith.constant 0 : i32
    %dma_start3A_316 = tpu.memref_slice %arg2[%dma_start3A_315] : memref<20000000xf32, #tpu.memory_space<hbm>> -> memref<20000000xf32, #tpu.memory_space<hbm>>
    tpu.enqueue_indirect_dma source(%dma_start3A_316 : memref<20000000xf32, #tpu.memory_space<hbm>>) target(%dma_start3A_311 : memref<128xf32, #tpu.memory_space<vmem>>) offsets(%dma_start3A_314 : memref<128xi32, #tpu.memory_space<vmem>>) semaphore(%arg15 : memref<!tpu.dma_semaphore, #tpu.memory_space<semaphore_mem>>)
    %dma_start3A_317 = arith.constant 1 : i32
    %dma_start3A_318 = arith.constant 6 : i32
    %dma_start3A_319 = arith.constant 6 : i32
    %dma_start3A_320 = arith.constant 128 : i32
    %dma_start3A_321 = tpu.memref_slice %arg10[%dma_start3A_319, %dma_start3A_320] : memref<20x512xf32, #tpu.memory_space<vmem>> -> memref<1x128xf32, #tpu.memory_space<vmem>>
    %dma_start3A_322 = tpu.memref_squeeze %dma_start3A_321 : memref<1x128xf32, #tpu.memory_space<vmem>> -> memref<128xf32, #tpu.memory_space<vmem>>
    %dma_start3A_323 = arith.constant 0 : i32
    %dma_start3A_324 = tpu.memref_slice %arg9[%dma_start3A_317, %dma_start3A_318, %dma_start3A_323] : memref<4x20x128xi32, #tpu.memory_space<vmem>> -> memref<1x1x128xi32, #tpu.memory_space<vmem>>
    %dma_start3A_325 = tpu.memref_squeeze %dma_start3A_324 : memref<1x1x128xi32, #tpu.memory_space<vmem>> -> memref<128xi32, #tpu.memory_space<vmem>>
    %dma_start3A_326 = arith.constant 0 : i32
    %dma_start3A_327 = tpu.memref_slice %arg2[%dma_start3A_326] : memref<20000000xf32, #tpu.memory_space<hbm>> -> memref<20000000xf32, #tpu.memory_space<hbm>>
    tpu.enqueue_indirect_dma source(%dma_start3A_327 : memref<20000000xf32, #tpu.memory_space<hbm>>) target(%dma_start3A_322 : memref<128xf32, #tpu.memory_space<vmem>>) offsets(%dma_start3A_325 : memref<128xi32, #tpu.memory_space<vmem>>) semaphore(%arg15 : memref<!tpu.dma_semaphore, #tpu.memory_space<semaphore_mem>>)
    %dma_start3A_328 = arith.constant 1 : i32
    %dma_start3A_329 = arith.constant 7 : i32
    %dma_start3A_330 = arith.constant 7 : i32
    %dma_start3A_331 = arith.constant 128 : i32
    %dma_start3A_332 = tpu.memref_slice %arg10[%dma_start3A_330, %dma_start3A_331] : memref<20x512xf32, #tpu.memory_space<vmem>> -> memref<1x128xf32, #tpu.memory_space<vmem>>
    %dma_start3A_333 = tpu.memref_squeeze %dma_start3A_332 : memref<1x128xf32, #tpu.memory_space<vmem>> -> memref<128xf32, #tpu.memory_space<vmem>>
    %dma_start3A_334 = arith.constant 0 : i32
    %dma_start3A_335 = tpu.memref_slice %arg9[%dma_start3A_328, %dma_start3A_329, %dma_start3A_334] : memref<4x20x128xi32, #tpu.memory_space<vmem>> -> memref<1x1x128xi32, #tpu.memory_space<vmem>>
    %dma_start3A_336 = tpu.memref_squeeze %dma_start3A_335 : memref<1x1x128xi32, #tpu.memory_space<vmem>> -> memref<128xi32, #tpu.memory_space<vmem>>
    %dma_start3A_337 = arith.constant 0 : i32
    %dma_start3A_338 = tpu.memref_slice %arg2[%dma_start3A_337] : memref<20000000xf32, #tpu.memory_space<hbm>> -> memref<20000000xf32, #tpu.memory_space<hbm>>
    tpu.enqueue_indirect_dma source(%dma_start3A_338 : memref<20000000xf32, #tpu.memory_space<hbm>>) target(%dma_start3A_333 : memref<128xf32, #tpu.memory_space<vmem>>) offsets(%dma_start3A_336 : memref<128xi32, #tpu.memory_space<vmem>>) semaphore(%arg15 : memref<!tpu.dma_semaphore, #tpu.memory_space<semaphore_mem>>)
    %dma_start3A_339 = arith.constant 1 : i32
    %dma_start3A_340 = arith.constant 8 : i32
    %dma_start3A_341 = arith.constant 8 : i32
    %dma_start3A_342 = arith.constant 128 : i32
    %dma_start3A_343 = tpu.memref_slice %arg10[%dma_start3A_341, %dma_start3A_342] : memref<20x512xf32, #tpu.memory_space<vmem>> -> memref<1x128xf32, #tpu.memory_space<vmem>>
    %dma_start3A_344 = tpu.memref_squeeze %dma_start3A_343 : memref<1x128xf32, #tpu.memory_space<vmem>> -> memref<128xf32, #tpu.memory_space<vmem>>
    %dma_start3A_345 = arith.constant 0 : i32
    %dma_start3A_346 = tpu.memref_slice %arg9[%dma_start3A_339, %dma_start3A_340, %dma_start3A_345] : memref<4x20x128xi32, #tpu.memory_space<vmem>> -> memref<1x1x128xi32, #tpu.memory_space<vmem>>
    %dma_start3A_347 = tpu.memref_squeeze %dma_start3A_346 : memref<1x1x128xi32, #tpu.memory_space<vmem>> -> memref<128xi32, #tpu.memory_space<vmem>>
    %dma_start3A_348 = arith.constant 0 : i32
    %dma_start3A_349 = tpu.memref_slice %arg2[%dma_start3A_348] : memref<20000000xf32, #tpu.memory_space<hbm>> -> memref<20000000xf32, #tpu.memory_space<hbm>>
    tpu.enqueue_indirect_dma source(%dma_start3A_349 : memref<20000000xf32, #tpu.memory_space<hbm>>) target(%dma_start3A_344 : memref<128xf32, #tpu.memory_space<vmem>>) offsets(%dma_start3A_347 : memref<128xi32, #tpu.memory_space<vmem>>) semaphore(%arg15 : memref<!tpu.dma_semaphore, #tpu.memory_space<semaphore_mem>>)
    %dma_start3A_350 = arith.constant 1 : i32
    %dma_start3A_351 = arith.constant 9 : i32
    %dma_start3A_352 = arith.constant 9 : i32
    %dma_start3A_353 = arith.constant 128 : i32
    %dma_start3A_354 = tpu.memref_slice %arg10[%dma_start3A_352, %dma_start3A_353] : memref<20x512xf32, #tpu.memory_space<vmem>> -> memref<1x128xf32, #tpu.memory_space<vmem>>
    %dma_start3A_355 = tpu.memref_squeeze %dma_start3A_354 : memref<1x128xf32, #tpu.memory_space<vmem>> -> memref<128xf32, #tpu.memory_space<vmem>>
    %dma_start3A_356 = arith.constant 0 : i32
    %dma_start3A_357 = tpu.memref_slice %arg9[%dma_start3A_350, %dma_start3A_351, %dma_start3A_356] : memref<4x20x128xi32, #tpu.memory_space<vmem>> -> memref<1x1x128xi32, #tpu.memory_space<vmem>>
    %dma_start3A_358 = tpu.memref_squeeze %dma_start3A_357 : memref<1x1x128xi32, #tpu.memory_space<vmem>> -> memref<128xi32, #tpu.memory_space<vmem>>
    %dma_start3A_359 = arith.constant 0 : i32
    %dma_start3A_360 = tpu.memref_slice %arg2[%dma_start3A_359] : memref<20000000xf32, #tpu.memory_space<hbm>> -> memref<20000000xf32, #tpu.memory_space<hbm>>
    tpu.enqueue_indirect_dma source(%dma_start3A_360 : memref<20000000xf32, #tpu.memory_space<hbm>>) target(%dma_start3A_355 : memref<128xf32, #tpu.memory_space<vmem>>) offsets(%dma_start3A_358 : memref<128xi32, #tpu.memory_space<vmem>>) semaphore(%arg15 : memref<!tpu.dma_semaphore, #tpu.memory_space<semaphore_mem>>)
    %dma_start3A_361 = arith.constant 1 : i32
    %dma_start3A_362 = arith.constant 10 : i32
    %dma_start3A_363 = arith.constant 10 : i32
    %dma_start3A_364 = arith.constant 128 : i32
    %dma_start3A_365 = tpu.memref_slice %arg10[%dma_start3A_363, %dma_start3A_364] : memref<20x512xf32, #tpu.memory_space<vmem>> -> memref<1x128xf32, #tpu.memory_space<vmem>>
    %dma_start3A_366 = tpu.memref_squeeze %dma_start3A_365 : memref<1x128xf32, #tpu.memory_space<vmem>> -> memref<128xf32, #tpu.memory_space<vmem>>
    %dma_start3A_367 = arith.constant 0 : i32
    %dma_start3A_368 = tpu.memref_slice %arg9[%dma_start3A_361, %dma_start3A_362, %dma_start3A_367] : memref<4x20x128xi32, #tpu.memory_space<vmem>> -> memref<1x1x128xi32, #tpu.memory_space<vmem>>
    %dma_start3A_369 = tpu.memref_squeeze %dma_start3A_368 : memref<1x1x128xi32, #tpu.memory_space<vmem>> -> memref<128xi32, #tpu.memory_space<vmem>>
    %dma_start3A_370 = arith.constant 0 : i32
    %dma_start3A_371 = tpu.memref_slice %arg2[%dma_start3A_370] : memref<20000000xf32, #tpu.memory_space<hbm>> -> memref<20000000xf32, #tpu.memory_space<hbm>>
    tpu.enqueue_indirect_dma source(%dma_start3A_371 : memref<20000000xf32, #tpu.memory_space<hbm>>) target(%dma_start3A_366 : memref<128xf32, #tpu.memory_space<vmem>>) offsets(%dma_start3A_369 : memref<128xi32, #tpu.memory_space<vmem>>) semaphore(%arg15 : memref<!tpu.dma_semaphore, #tpu.memory_space<semaphore_mem>>)
    %dma_start3A_372 = arith.constant 1 : i32
    %dma_start3A_373 = arith.constant 11 : i32
    %dma_start3A_374 = arith.constant 11 : i32
    %dma_start3A_375 = arith.constant 128 : i32
    %dma_start3A_376 = tpu.memref_slice %arg10[%dma_start3A_374, %dma_start3A_375] : memref<20x512xf32, #tpu.memory_space<vmem>> -> memref<1x128xf32, #tpu.memory_space<vmem>>
    %dma_start3A_377 = tpu.memref_squeeze %dma_start3A_376 : memref<1x128xf32, #tpu.memory_space<vmem>> -> memref<128xf32, #tpu.memory_space<vmem>>
    %dma_start3A_378 = arith.constant 0 : i32
    %dma_start3A_379 = tpu.memref_slice %arg9[%dma_start3A_372, %dma_start3A_373, %dma_start3A_378] : memref<4x20x128xi32, #tpu.memory_space<vmem>> -> memref<1x1x128xi32, #tpu.memory_space<vmem>>
    %dma_start3A_380 = tpu.memref_squeeze %dma_start3A_379 : memref<1x1x128xi32, #tpu.memory_space<vmem>> -> memref<128xi32, #tpu.memory_space<vmem>>
    %dma_start3A_381 = arith.constant 0 : i32
    %dma_start3A_382 = tpu.memref_slice %arg2[%dma_start3A_381] : memref<20000000xf32, #tpu.memory_space<hbm>> -> memref<20000000xf32, #tpu.memory_space<hbm>>
    tpu.enqueue_indirect_dma source(%dma_start3A_382 : memref<20000000xf32, #tpu.memory_space<hbm>>) target(%dma_start3A_377 : memref<128xf32, #tpu.memory_space<vmem>>) offsets(%dma_start3A_380 : memref<128xi32, #tpu.memory_space<vmem>>) semaphore(%arg15 : memref<!tpu.dma_semaphore, #tpu.memory_space<semaphore_mem>>)
    %dma_start3A_383 = arith.constant 1 : i32
    %dma_start3A_384 = arith.constant 12 : i32
    %dma_start3A_385 = arith.constant 12 : i32
    %dma_start3A_386 = arith.constant 128 : i32
    %dma_start3A_387 = tpu.memref_slice %arg10[%dma_start3A_385, %dma_start3A_386] : memref<20x512xf32, #tpu.memory_space<vmem>> -> memref<1x128xf32, #tpu.memory_space<vmem>>
    %dma_start3A_388 = tpu.memref_squeeze %dma_start3A_387 : memref<1x128xf32, #tpu.memory_space<vmem>> -> memref<128xf32, #tpu.memory_space<vmem>>
    %dma_start3A_389 = arith.constant 0 : i32
    %dma_start3A_390 = tpu.memref_slice %arg9[%dma_start3A_383, %dma_start3A_384, %dma_start3A_389] : memref<4x20x128xi32, #tpu.memory_space<vmem>> -> memref<1x1x128xi32, #tpu.memory_space<vmem>>
    %dma_start3A_391 = tpu.memref_squeeze %dma_start3A_390 : memref<1x1x128xi32, #tpu.memory_space<vmem>> -> memref<128xi32, #tpu.memory_space<vmem>>
    %dma_start3A_392 = arith.constant 0 : i32
    %dma_start3A_393 = tpu.memref_slice %arg2[%dma_start3A_392] : memref<20000000xf32, #tpu.memory_space<hbm>> -> memref<20000000xf32, #tpu.memory_space<hbm>>
    tpu.enqueue_indirect_dma source(%dma_start3A_393 : memref<20000000xf32, #tpu.memory_space<hbm>>) target(%dma_start3A_388 : memref<128xf32, #tpu.memory_space<vmem>>) offsets(%dma_start3A_391 : memref<128xi32, #tpu.memory_space<vmem>>) semaphore(%arg15 : memref<!tpu.dma_semaphore, #tpu.memory_space<semaphore_mem>>)
    %dma_start3A_394 = arith.constant 1 : i32
    %dma_start3A_395 = arith.constant 13 : i32
    %dma_start3A_396 = arith.constant 13 : i32
    %dma_start3A_397 = arith.constant 128 : i32
    %dma_start3A_398 = tpu.memref_slice %arg10[%dma_start3A_396, %dma_start3A_397] : memref<20x512xf32, #tpu.memory_space<vmem>> -> memref<1x128xf32, #tpu.memory_space<vmem>>
    %dma_start3A_399 = tpu.memref_squeeze %dma_start3A_398 : memref<1x128xf32, #tpu.memory_space<vmem>> -> memref<128xf32, #tpu.memory_space<vmem>>
    %dma_start3A_400 = arith.constant 0 : i32
    %dma_start3A_401 = tpu.memref_slice %arg9[%dma_start3A_394, %dma_start3A_395, %dma_start3A_400] : memref<4x20x128xi32, #tpu.memory_space<vmem>> -> memref<1x1x128xi32, #tpu.memory_space<vmem>>
    %dma_start3A_402 = tpu.memref_squeeze %dma_start3A_401 : memref<1x1x128xi32, #tpu.memory_space<vmem>> -> memref<128xi32, #tpu.memory_space<vmem>>
    %dma_start3A_403 = arith.constant 0 : i32
    %dma_start3A_404 = tpu.memref_slice %arg2[%dma_start3A_403] : memref<20000000xf32, #tpu.memory_space<hbm>> -> memref<20000000xf32, #tpu.memory_space<hbm>>
    tpu.enqueue_indirect_dma source(%dma_start3A_404 : memref<20000000xf32, #tpu.memory_space<hbm>>) target(%dma_start3A_399 : memref<128xf32, #tpu.memory_space<vmem>>) offsets(%dma_start3A_402 : memref<128xi32, #tpu.memory_space<vmem>>) semaphore(%arg15 : memref<!tpu.dma_semaphore, #tpu.memory_space<semaphore_mem>>)
    %dma_start3A_405 = arith.constant 1 : i32
    %dma_start3A_406 = arith.constant 14 : i32
    %dma_start3A_407 = arith.constant 14 : i32
    %dma_start3A_408 = arith.constant 128 : i32
    %dma_start3A_409 = tpu.memref_slice %arg10[%dma_start3A_407, %dma_start3A_408] : memref<20x512xf32, #tpu.memory_space<vmem>> -> memref<1x128xf32, #tpu.memory_space<vmem>>
    %dma_start3A_410 = tpu.memref_squeeze %dma_start3A_409 : memref<1x128xf32, #tpu.memory_space<vmem>> -> memref<128xf32, #tpu.memory_space<vmem>>
    %dma_start3A_411 = arith.constant 0 : i32
    %dma_start3A_412 = tpu.memref_slice %arg9[%dma_start3A_405, %dma_start3A_406, %dma_start3A_411] : memref<4x20x128xi32, #tpu.memory_space<vmem>> -> memref<1x1x128xi32, #tpu.memory_space<vmem>>
    %dma_start3A_413 = tpu.memref_squeeze %dma_start3A_412 : memref<1x1x128xi32, #tpu.memory_space<vmem>> -> memref<128xi32, #tpu.memory_space<vmem>>
    %dma_start3A_414 = arith.constant 0 : i32
    %dma_start3A_415 = tpu.memref_slice %arg2[%dma_start3A_414] : memref<20000000xf32, #tpu.memory_space<hbm>> -> memref<20000000xf32, #tpu.memory_space<hbm>>
    tpu.enqueue_indirect_dma source(%dma_start3A_415 : memref<20000000xf32, #tpu.memory_space<hbm>>) target(%dma_start3A_410 : memref<128xf32, #tpu.memory_space<vmem>>) offsets(%dma_start3A_413 : memref<128xi32, #tpu.memory_space<vmem>>) semaphore(%arg15 : memref<!tpu.dma_semaphore, #tpu.memory_space<semaphore_mem>>)
    %dma_start3A_416 = arith.constant 1 : i32
    %dma_start3A_417 = arith.constant 15 : i32
    %dma_start3A_418 = arith.constant 15 : i32
    %dma_start3A_419 = arith.constant 128 : i32
    %dma_start3A_420 = tpu.memref_slice %arg10[%dma_start3A_418, %dma_start3A_419] : memref<20x512xf32, #tpu.memory_space<vmem>> -> memref<1x128xf32, #tpu.memory_space<vmem>>
    %dma_start3A_421 = tpu.memref_squeeze %dma_start3A_420 : memref<1x128xf32, #tpu.memory_space<vmem>> -> memref<128xf32, #tpu.memory_space<vmem>>
    %dma_start3A_422 = arith.constant 0 : i32
    %dma_start3A_423 = tpu.memref_slice %arg9[%dma_start3A_416, %dma_start3A_417, %dma_start3A_422] : memref<4x20x128xi32, #tpu.memory_space<vmem>> -> memref<1x1x128xi32, #tpu.memory_space<vmem>>
    %dma_start3A_424 = tpu.memref_squeeze %dma_start3A_423 : memref<1x1x128xi32, #tpu.memory_space<vmem>> -> memref<128xi32, #tpu.memory_space<vmem>>
    %dma_start3A_425 = arith.constant 0 : i32
    %dma_start3A_426 = tpu.memref_slice %arg2[%dma_start3A_425] : memref<20000000xf32, #tpu.memory_space<hbm>> -> memref<20000000xf32, #tpu.memory_space<hbm>>
    tpu.enqueue_indirect_dma source(%dma_start3A_426 : memref<20000000xf32, #tpu.memory_space<hbm>>) target(%dma_start3A_421 : memref<128xf32, #tpu.memory_space<vmem>>) offsets(%dma_start3A_424 : memref<128xi32, #tpu.memory_space<vmem>>) semaphore(%arg15 : memref<!tpu.dma_semaphore, #tpu.memory_space<semaphore_mem>>)
    %dma_start3A_427 = arith.constant 1 : i32
    %dma_start3A_428 = arith.constant 16 : i32
    %dma_start3A_429 = arith.constant 16 : i32
    %dma_start3A_430 = arith.constant 128 : i32
    %dma_start3A_431 = tpu.memref_slice %arg10[%dma_start3A_429, %dma_start3A_430] : memref<20x512xf32, #tpu.memory_space<vmem>> -> memref<1x128xf32, #tpu.memory_space<vmem>>
    %dma_start3A_432 = tpu.memref_squeeze %dma_start3A_431 : memref<1x128xf32, #tpu.memory_space<vmem>> -> memref<128xf32, #tpu.memory_space<vmem>>
    %dma_start3A_433 = arith.constant 0 : i32
    %dma_start3A_434 = tpu.memref_slice %arg9[%dma_start3A_427, %dma_start3A_428, %dma_start3A_433] : memref<4x20x128xi32, #tpu.memory_space<vmem>> -> memref<1x1x128xi32, #tpu.memory_space<vmem>>
    %dma_start3A_435 = tpu.memref_squeeze %dma_start3A_434 : memref<1x1x128xi32, #tpu.memory_space<vmem>> -> memref<128xi32, #tpu.memory_space<vmem>>
    %dma_start3A_436 = arith.constant 0 : i32
    %dma_start3A_437 = tpu.memref_slice %arg2[%dma_start3A_436] : memref<20000000xf32, #tpu.memory_space<hbm>> -> memref<20000000xf32, #tpu.memory_space<hbm>>
    tpu.enqueue_indirect_dma source(%dma_start3A_437 : memref<20000000xf32, #tpu.memory_space<hbm>>) target(%dma_start3A_432 : memref<128xf32, #tpu.memory_space<vmem>>) offsets(%dma_start3A_435 : memref<128xi32, #tpu.memory_space<vmem>>) semaphore(%arg15 : memref<!tpu.dma_semaphore, #tpu.memory_space<semaphore_mem>>)
    %dma_start3A_438 = arith.constant 1 : i32
    %dma_start3A_439 = arith.constant 17 : i32
    %dma_start3A_440 = arith.constant 17 : i32
    %dma_start3A_441 = arith.constant 128 : i32
    %dma_start3A_442 = tpu.memref_slice %arg10[%dma_start3A_440, %dma_start3A_441] : memref<20x512xf32, #tpu.memory_space<vmem>> -> memref<1x128xf32, #tpu.memory_space<vmem>>
    %dma_start3A_443 = tpu.memref_squeeze %dma_start3A_442 : memref<1x128xf32, #tpu.memory_space<vmem>> -> memref<128xf32, #tpu.memory_space<vmem>>
    %dma_start3A_444 = arith.constant 0 : i32
    %dma_start3A_445 = tpu.memref_slice %arg9[%dma_start3A_438, %dma_start3A_439, %dma_start3A_444] : memref<4x20x128xi32, #tpu.memory_space<vmem>> -> memref<1x1x128xi32, #tpu.memory_space<vmem>>
    %dma_start3A_446 = tpu.memref_squeeze %dma_start3A_445 : memref<1x1x128xi32, #tpu.memory_space<vmem>> -> memref<128xi32, #tpu.memory_space<vmem>>
    %dma_start3A_447 = arith.constant 0 : i32
    %dma_start3A_448 = tpu.memref_slice %arg2[%dma_start3A_447] : memref<20000000xf32, #tpu.memory_space<hbm>> -> memref<20000000xf32, #tpu.memory_space<hbm>>
    tpu.enqueue_indirect_dma source(%dma_start3A_448 : memref<20000000xf32, #tpu.memory_space<hbm>>) target(%dma_start3A_443 : memref<128xf32, #tpu.memory_space<vmem>>) offsets(%dma_start3A_446 : memref<128xi32, #tpu.memory_space<vmem>>) semaphore(%arg15 : memref<!tpu.dma_semaphore, #tpu.memory_space<semaphore_mem>>)
    %dma_start3A_449 = arith.constant 1 : i32
    %dma_start3A_450 = arith.constant 18 : i32
    %dma_start3A_451 = arith.constant 18 : i32
    %dma_start3A_452 = arith.constant 128 : i32
    %dma_start3A_453 = tpu.memref_slice %arg10[%dma_start3A_451, %dma_start3A_452] : memref<20x512xf32, #tpu.memory_space<vmem>> -> memref<1x128xf32, #tpu.memory_space<vmem>>
    %dma_start3A_454 = tpu.memref_squeeze %dma_start3A_453 : memref<1x128xf32, #tpu.memory_space<vmem>> -> memref<128xf32, #tpu.memory_space<vmem>>
    %dma_start3A_455 = arith.constant 0 : i32
    %dma_start3A_456 = tpu.memref_slice %arg9[%dma_start3A_449, %dma_start3A_450, %dma_start3A_455] : memref<4x20x128xi32, #tpu.memory_space<vmem>> -> memref<1x1x128xi32, #tpu.memory_space<vmem>>
    %dma_start3A_457 = tpu.memref_squeeze %dma_start3A_456 : memref<1x1x128xi32, #tpu.memory_space<vmem>> -> memref<128xi32, #tpu.memory_space<vmem>>
    %dma_start3A_458 = arith.constant 0 : i32
    %dma_start3A_459 = tpu.memref_slice %arg2[%dma_start3A_458] : memref<20000000xf32, #tpu.memory_space<hbm>> -> memref<20000000xf32, #tpu.memory_space<hbm>>
    tpu.enqueue_indirect_dma source(%dma_start3A_459 : memref<20000000xf32, #tpu.memory_space<hbm>>) target(%dma_start3A_454 : memref<128xf32, #tpu.memory_space<vmem>>) offsets(%dma_start3A_457 : memref<128xi32, #tpu.memory_space<vmem>>) semaphore(%arg15 : memref<!tpu.dma_semaphore, #tpu.memory_space<semaphore_mem>>)
    %dma_start3A_460 = arith.constant 1 : i32
    %dma_start3A_461 = arith.constant 19 : i32
    %dma_start3A_462 = arith.constant 19 : i32
    %dma_start3A_463 = arith.constant 128 : i32
    %dma_start3A_464 = tpu.memref_slice %arg10[%dma_start3A_462, %dma_start3A_463] : memref<20x512xf32, #tpu.memory_space<vmem>> -> memref<1x128xf32, #tpu.memory_space<vmem>>
    %dma_start3A_465 = tpu.memref_squeeze %dma_start3A_464 : memref<1x128xf32, #tpu.memory_space<vmem>> -> memref<128xf32, #tpu.memory_space<vmem>>
    %dma_start3A_466 = arith.constant 0 : i32
    %dma_start3A_467 = tpu.memref_slice %arg9[%dma_start3A_460, %dma_start3A_461, %dma_start3A_466] : memref<4x20x128xi32, #tpu.memory_space<vmem>> -> memref<1x1x128xi32, #tpu.memory_space<vmem>>
    %dma_start3A_468 = tpu.memref_squeeze %dma_start3A_467 : memref<1x1x128xi32, #tpu.memory_space<vmem>> -> memref<128xi32, #tpu.memory_space<vmem>>
    %dma_start3A_469 = arith.constant 0 : i32
    %dma_start3A_470 = tpu.memref_slice %arg2[%dma_start3A_469] : memref<20000000xf32, #tpu.memory_space<hbm>> -> memref<20000000xf32, #tpu.memory_space<hbm>>
    tpu.enqueue_indirect_dma source(%dma_start3A_470 : memref<20000000xf32, #tpu.memory_space<hbm>>) target(%dma_start3A_465 : memref<128xf32, #tpu.memory_space<vmem>>) offsets(%dma_start3A_468 : memref<128xi32, #tpu.memory_space<vmem>>) semaphore(%arg15 : memref<!tpu.dma_semaphore, #tpu.memory_space<semaphore_mem>>)
    %dma_start3A_471 = arith.constant 1 : i32
    %dma_start3A_472 = arith.constant 128 : i32
    %dma_start3A_473 = tpu.memref_slice %arg12[%dma_start3A_472] : memref<512xf32, #tpu.memory_space<vmem>> -> memref<128xf32, #tpu.memory_space<vmem>>
    %dma_start3A_474 = arith.constant 0 : i32
    %dma_start3A_475 = tpu.memref_slice %arg8[%dma_start3A_471, %dma_start3A_474] : memref<4x128xi32, #tpu.memory_space<vmem>> -> memref<1x128xi32, #tpu.memory_space<vmem>>
    %dma_start3A_476 = tpu.memref_squeeze %dma_start3A_475 : memref<1x128xi32, #tpu.memory_space<vmem>> -> memref<128xi32, #tpu.memory_space<vmem>>
    %dma_start3A_477 = arith.constant 0 : i32
    %dma_start3A_478 = tpu.memref_slice %arg3[%dma_start3A_477] : memref<1000000xf32, #tpu.memory_space<hbm>> -> memref<1000000xf32, #tpu.memory_space<hbm>>
    tpu.enqueue_indirect_dma source(%dma_start3A_478 : memref<1000000xf32, #tpu.memory_space<hbm>>) target(%dma_start3A_473 : memref<128xf32, #tpu.memory_space<vmem>>) offsets(%dma_start3A_476 : memref<128xi32, #tpu.memory_space<vmem>>) semaphore(%arg15 : memref<!tpu.dma_semaphore, #tpu.memory_space<semaphore_mem>>)
    %dma_start3A_479 = arith.constant 2 : i32
    %dma_start3A_480 = arith.constant 0 : i32
    %dma_start3A_481 = arith.constant 0 : i32
    %dma_start3A_482 = arith.constant 256 : i32
    %dma_start3A_483 = tpu.memref_slice %arg10[%dma_start3A_481, %dma_start3A_482] : memref<20x512xf32, #tpu.memory_space<vmem>> -> memref<1x128xf32, #tpu.memory_space<vmem>>
    %dma_start3A_484 = tpu.memref_squeeze %dma_start3A_483 : memref<1x128xf32, #tpu.memory_space<vmem>> -> memref<128xf32, #tpu.memory_space<vmem>>
    %dma_start3A_485 = arith.constant 0 : i32
    %dma_start3A_486 = tpu.memref_slice %arg9[%dma_start3A_479, %dma_start3A_480, %dma_start3A_485] : memref<4x20x128xi32, #tpu.memory_space<vmem>> -> memref<1x1x128xi32, #tpu.memory_space<vmem>>
    %dma_start3A_487 = tpu.memref_squeeze %dma_start3A_486 : memref<1x1x128xi32, #tpu.memory_space<vmem>> -> memref<128xi32, #tpu.memory_space<vmem>>
    %dma_start3A_488 = arith.constant 0 : i32
    %dma_start3A_489 = tpu.memref_slice %arg2[%dma_start3A_488] : memref<20000000xf32, #tpu.memory_space<hbm>> -> memref<20000000xf32, #tpu.memory_space<hbm>>
    tpu.enqueue_indirect_dma source(%dma_start3A_489 : memref<20000000xf32, #tpu.memory_space<hbm>>) target(%dma_start3A_484 : memref<128xf32, #tpu.memory_space<vmem>>) offsets(%dma_start3A_487 : memref<128xi32, #tpu.memory_space<vmem>>) semaphore(%arg15 : memref<!tpu.dma_semaphore, #tpu.memory_space<semaphore_mem>>)
    %dma_start3A_490 = arith.constant 2 : i32
    %dma_start3A_491 = arith.constant 1 : i32
    %dma_start3A_492 = arith.constant 1 : i32
    %dma_start3A_493 = arith.constant 256 : i32
    %dma_start3A_494 = tpu.memref_slice %arg10[%dma_start3A_492, %dma_start3A_493] : memref<20x512xf32, #tpu.memory_space<vmem>> -> memref<1x128xf32, #tpu.memory_space<vmem>>
    %dma_start3A_495 = tpu.memref_squeeze %dma_start3A_494 : memref<1x128xf32, #tpu.memory_space<vmem>> -> memref<128xf32, #tpu.memory_space<vmem>>
    %dma_start3A_496 = arith.constant 0 : i32
    %dma_start3A_497 = tpu.memref_slice %arg9[%dma_start3A_490, %dma_start3A_491, %dma_start3A_496] : memref<4x20x128xi32, #tpu.memory_space<vmem>> -> memref<1x1x128xi32, #tpu.memory_space<vmem>>
    %dma_start3A_498 = tpu.memref_squeeze %dma_start3A_497 : memref<1x1x128xi32, #tpu.memory_space<vmem>> -> memref<128xi32, #tpu.memory_space<vmem>>
    %dma_start3A_499 = arith.constant 0 : i32
    %dma_start3A_500 = tpu.memref_slice %arg2[%dma_start3A_499] : memref<20000000xf32, #tpu.memory_space<hbm>> -> memref<20000000xf32, #tpu.memory_space<hbm>>
    tpu.enqueue_indirect_dma source(%dma_start3A_500 : memref<20000000xf32, #tpu.memory_space<hbm>>) target(%dma_start3A_495 : memref<128xf32, #tpu.memory_space<vmem>>) offsets(%dma_start3A_498 : memref<128xi32, #tpu.memory_space<vmem>>) semaphore(%arg15 : memref<!tpu.dma_semaphore, #tpu.memory_space<semaphore_mem>>)
    %dma_start3A_501 = arith.constant 2 : i32
    %dma_start3A_502 = arith.constant 2 : i32
    %dma_start3A_503 = arith.constant 2 : i32
    %dma_start3A_504 = arith.constant 256 : i32
    %dma_start3A_505 = tpu.memref_slice %arg10[%dma_start3A_503, %dma_start3A_504] : memref<20x512xf32, #tpu.memory_space<vmem>> -> memref<1x128xf32, #tpu.memory_space<vmem>>
    %dma_start3A_506 = tpu.memref_squeeze %dma_start3A_505 : memref<1x128xf32, #tpu.memory_space<vmem>> -> memref<128xf32, #tpu.memory_space<vmem>>
    %dma_start3A_507 = arith.constant 0 : i32
    %dma_start3A_508 = tpu.memref_slice %arg9[%dma_start3A_501, %dma_start3A_502, %dma_start3A_507] : memref<4x20x128xi32, #tpu.memory_space<vmem>> -> memref<1x1x128xi32, #tpu.memory_space<vmem>>
    %dma_start3A_509 = tpu.memref_squeeze %dma_start3A_508 : memref<1x1x128xi32, #tpu.memory_space<vmem>> -> memref<128xi32, #tpu.memory_space<vmem>>
    %dma_start3A_510 = arith.constant 0 : i32
    %dma_start3A_511 = tpu.memref_slice %arg2[%dma_start3A_510] : memref<20000000xf32, #tpu.memory_space<hbm>> -> memref<20000000xf32, #tpu.memory_space<hbm>>
    tpu.enqueue_indirect_dma source(%dma_start3A_511 : memref<20000000xf32, #tpu.memory_space<hbm>>) target(%dma_start3A_506 : memref<128xf32, #tpu.memory_space<vmem>>) offsets(%dma_start3A_509 : memref<128xi32, #tpu.memory_space<vmem>>) semaphore(%arg15 : memref<!tpu.dma_semaphore, #tpu.memory_space<semaphore_mem>>)
    %dma_start3A_512 = arith.constant 2 : i32
    %dma_start3A_513 = arith.constant 3 : i32
    %dma_start3A_514 = arith.constant 3 : i32
    %dma_start3A_515 = arith.constant 256 : i32
    %dma_start3A_516 = tpu.memref_slice %arg10[%dma_start3A_514, %dma_start3A_515] : memref<20x512xf32, #tpu.memory_space<vmem>> -> memref<1x128xf32, #tpu.memory_space<vmem>>
    %dma_start3A_517 = tpu.memref_squeeze %dma_start3A_516 : memref<1x128xf32, #tpu.memory_space<vmem>> -> memref<128xf32, #tpu.memory_space<vmem>>
    %dma_start3A_518 = arith.constant 0 : i32
    %dma_start3A_519 = tpu.memref_slice %arg9[%dma_start3A_512, %dma_start3A_513, %dma_start3A_518] : memref<4x20x128xi32, #tpu.memory_space<vmem>> -> memref<1x1x128xi32, #tpu.memory_space<vmem>>
    %dma_start3A_520 = tpu.memref_squeeze %dma_start3A_519 : memref<1x1x128xi32, #tpu.memory_space<vmem>> -> memref<128xi32, #tpu.memory_space<vmem>>
    %dma_start3A_521 = arith.constant 0 : i32
    %dma_start3A_522 = tpu.memref_slice %arg2[%dma_start3A_521] : memref<20000000xf32, #tpu.memory_space<hbm>> -> memref<20000000xf32, #tpu.memory_space<hbm>>
    tpu.enqueue_indirect_dma source(%dma_start3A_522 : memref<20000000xf32, #tpu.memory_space<hbm>>) target(%dma_start3A_517 : memref<128xf32, #tpu.memory_space<vmem>>) offsets(%dma_start3A_520 : memref<128xi32, #tpu.memory_space<vmem>>) semaphore(%arg15 : memref<!tpu.dma_semaphore, #tpu.memory_space<semaphore_mem>>)
    %dma_start3A_523 = arith.constant 2 : i32
    %dma_start3A_524 = arith.constant 4 : i32
    %dma_start3A_525 = arith.constant 4 : i32
    %dma_start3A_526 = arith.constant 256 : i32
    %dma_start3A_527 = tpu.memref_slice %arg10[%dma_start3A_525, %dma_start3A_526] : memref<20x512xf32, #tpu.memory_space<vmem>> -> memref<1x128xf32, #tpu.memory_space<vmem>>
    %dma_start3A_528 = tpu.memref_squeeze %dma_start3A_527 : memref<1x128xf32, #tpu.memory_space<vmem>> -> memref<128xf32, #tpu.memory_space<vmem>>
    %dma_start3A_529 = arith.constant 0 : i32
    %dma_start3A_530 = tpu.memref_slice %arg9[%dma_start3A_523, %dma_start3A_524, %dma_start3A_529] : memref<4x20x128xi32, #tpu.memory_space<vmem>> -> memref<1x1x128xi32, #tpu.memory_space<vmem>>
    %dma_start3A_531 = tpu.memref_squeeze %dma_start3A_530 : memref<1x1x128xi32, #tpu.memory_space<vmem>> -> memref<128xi32, #tpu.memory_space<vmem>>
    %dma_start3A_532 = arith.constant 0 : i32
    %dma_start3A_533 = tpu.memref_slice %arg2[%dma_start3A_532] : memref<20000000xf32, #tpu.memory_space<hbm>> -> memref<20000000xf32, #tpu.memory_space<hbm>>
    tpu.enqueue_indirect_dma source(%dma_start3A_533 : memref<20000000xf32, #tpu.memory_space<hbm>>) target(%dma_start3A_528 : memref<128xf32, #tpu.memory_space<vmem>>) offsets(%dma_start3A_531 : memref<128xi32, #tpu.memory_space<vmem>>) semaphore(%arg15 : memref<!tpu.dma_semaphore, #tpu.memory_space<semaphore_mem>>)
    %dma_start3A_534 = arith.constant 2 : i32
    %dma_start3A_535 = arith.constant 5 : i32
    %dma_start3A_536 = arith.constant 5 : i32
    %dma_start3A_537 = arith.constant 256 : i32
    %dma_start3A_538 = tpu.memref_slice %arg10[%dma_start3A_536, %dma_start3A_537] : memref<20x512xf32, #tpu.memory_space<vmem>> -> memref<1x128xf32, #tpu.memory_space<vmem>>
    %dma_start3A_539 = tpu.memref_squeeze %dma_start3A_538 : memref<1x128xf32, #tpu.memory_space<vmem>> -> memref<128xf32, #tpu.memory_space<vmem>>
    %dma_start3A_540 = arith.constant 0 : i32
    %dma_start3A_541 = tpu.memref_slice %arg9[%dma_start3A_534, %dma_start3A_535, %dma_start3A_540] : memref<4x20x128xi32, #tpu.memory_space<vmem>> -> memref<1x1x128xi32, #tpu.memory_space<vmem>>
    %dma_start3A_542 = tpu.memref_squeeze %dma_start3A_541 : memref<1x1x128xi32, #tpu.memory_space<vmem>> -> memref<128xi32, #tpu.memory_space<vmem>>
    %dma_start3A_543 = arith.constant 0 : i32
    %dma_start3A_544 = tpu.memref_slice %arg2[%dma_start3A_543] : memref<20000000xf32, #tpu.memory_space<hbm>> -> memref<20000000xf32, #tpu.memory_space<hbm>>
    tpu.enqueue_indirect_dma source(%dma_start3A_544 : memref<20000000xf32, #tpu.memory_space<hbm>>) target(%dma_start3A_539 : memref<128xf32, #tpu.memory_space<vmem>>) offsets(%dma_start3A_542 : memref<128xi32, #tpu.memory_space<vmem>>) semaphore(%arg15 : memref<!tpu.dma_semaphore, #tpu.memory_space<semaphore_mem>>)
    %dma_start3A_545 = arith.constant 2 : i32
    %dma_start3A_546 = arith.constant 6 : i32
    %dma_start3A_547 = arith.constant 6 : i32
    %dma_start3A_548 = arith.constant 256 : i32
    %dma_start3A_549 = tpu.memref_slice %arg10[%dma_start3A_547, %dma_start3A_548] : memref<20x512xf32, #tpu.memory_space<vmem>> -> memref<1x128xf32, #tpu.memory_space<vmem>>
    %dma_start3A_550 = tpu.memref_squeeze %dma_start3A_549 : memref<1x128xf32, #tpu.memory_space<vmem>> -> memref<128xf32, #tpu.memory_space<vmem>>
    %dma_start3A_551 = arith.constant 0 : i32
    %dma_start3A_552 = tpu.memref_slice %arg9[%dma_start3A_545, %dma_start3A_546, %dma_start3A_551] : memref<4x20x128xi32, #tpu.memory_space<vmem>> -> memref<1x1x128xi32, #tpu.memory_space<vmem>>
    %dma_start3A_553 = tpu.memref_squeeze %dma_start3A_552 : memref<1x1x128xi32, #tpu.memory_space<vmem>> -> memref<128xi32, #tpu.memory_space<vmem>>
    %dma_start3A_554 = arith.constant 0 : i32
    %dma_start3A_555 = tpu.memref_slice %arg2[%dma_start3A_554] : memref<20000000xf32, #tpu.memory_space<hbm>> -> memref<20000000xf32, #tpu.memory_space<hbm>>
    tpu.enqueue_indirect_dma source(%dma_start3A_555 : memref<20000000xf32, #tpu.memory_space<hbm>>) target(%dma_start3A_550 : memref<128xf32, #tpu.memory_space<vmem>>) offsets(%dma_start3A_553 : memref<128xi32, #tpu.memory_space<vmem>>) semaphore(%arg15 : memref<!tpu.dma_semaphore, #tpu.memory_space<semaphore_mem>>)
    %dma_start3A_556 = arith.constant 2 : i32
    %dma_start3A_557 = arith.constant 7 : i32
    %dma_start3A_558 = arith.constant 7 : i32
    %dma_start3A_559 = arith.constant 256 : i32
    %dma_start3A_560 = tpu.memref_slice %arg10[%dma_start3A_558, %dma_start3A_559] : memref<20x512xf32, #tpu.memory_space<vmem>> -> memref<1x128xf32, #tpu.memory_space<vmem>>
    %dma_start3A_561 = tpu.memref_squeeze %dma_start3A_560 : memref<1x128xf32, #tpu.memory_space<vmem>> -> memref<128xf32, #tpu.memory_space<vmem>>
    %dma_start3A_562 = arith.constant 0 : i32
    %dma_start3A_563 = tpu.memref_slice %arg9[%dma_start3A_556, %dma_start3A_557, %dma_start3A_562] : memref<4x20x128xi32, #tpu.memory_space<vmem>> -> memref<1x1x128xi32, #tpu.memory_space<vmem>>
    %dma_start3A_564 = tpu.memref_squeeze %dma_start3A_563 : memref<1x1x128xi32, #tpu.memory_space<vmem>> -> memref<128xi32, #tpu.memory_space<vmem>>
    %dma_start3A_565 = arith.constant 0 : i32
    %dma_start3A_566 = tpu.memref_slice %arg2[%dma_start3A_565] : memref<20000000xf32, #tpu.memory_space<hbm>> -> memref<20000000xf32, #tpu.memory_space<hbm>>
    tpu.enqueue_indirect_dma source(%dma_start3A_566 : memref<20000000xf32, #tpu.memory_space<hbm>>) target(%dma_start3A_561 : memref<128xf32, #tpu.memory_space<vmem>>) offsets(%dma_start3A_564 : memref<128xi32, #tpu.memory_space<vmem>>) semaphore(%arg15 : memref<!tpu.dma_semaphore, #tpu.memory_space<semaphore_mem>>)
    %dma_start3A_567 = arith.constant 2 : i32
    %dma_start3A_568 = arith.constant 8 : i32
    %dma_start3A_569 = arith.constant 8 : i32
    %dma_start3A_570 = arith.constant 256 : i32
    %dma_start3A_571 = tpu.memref_slice %arg10[%dma_start3A_569, %dma_start3A_570] : memref<20x512xf32, #tpu.memory_space<vmem>> -> memref<1x128xf32, #tpu.memory_space<vmem>>
    %dma_start3A_572 = tpu.memref_squeeze %dma_start3A_571 : memref<1x128xf32, #tpu.memory_space<vmem>> -> memref<128xf32, #tpu.memory_space<vmem>>
    %dma_start3A_573 = arith.constant 0 : i32
    %dma_start3A_574 = tpu.memref_slice %arg9[%dma_start3A_567, %dma_start3A_568, %dma_start3A_573] : memref<4x20x128xi32, #tpu.memory_space<vmem>> -> memref<1x1x128xi32, #tpu.memory_space<vmem>>
    %dma_start3A_575 = tpu.memref_squeeze %dma_start3A_574 : memref<1x1x128xi32, #tpu.memory_space<vmem>> -> memref<128xi32, #tpu.memory_space<vmem>>
    %dma_start3A_576 = arith.constant 0 : i32
    %dma_start3A_577 = tpu.memref_slice %arg2[%dma_start3A_576] : memref<20000000xf32, #tpu.memory_space<hbm>> -> memref<20000000xf32, #tpu.memory_space<hbm>>
    tpu.enqueue_indirect_dma source(%dma_start3A_577 : memref<20000000xf32, #tpu.memory_space<hbm>>) target(%dma_start3A_572 : memref<128xf32, #tpu.memory_space<vmem>>) offsets(%dma_start3A_575 : memref<128xi32, #tpu.memory_space<vmem>>) semaphore(%arg15 : memref<!tpu.dma_semaphore, #tpu.memory_space<semaphore_mem>>)
    %dma_start3A_578 = arith.constant 2 : i32
    %dma_start3A_579 = arith.constant 9 : i32
    %dma_start3A_580 = arith.constant 9 : i32
    %dma_start3A_581 = arith.constant 256 : i32
    %dma_start3A_582 = tpu.memref_slice %arg10[%dma_start3A_580, %dma_start3A_581] : memref<20x512xf32, #tpu.memory_space<vmem>> -> memref<1x128xf32, #tpu.memory_space<vmem>>
    %dma_start3A_583 = tpu.memref_squeeze %dma_start3A_582 : memref<1x128xf32, #tpu.memory_space<vmem>> -> memref<128xf32, #tpu.memory_space<vmem>>
    %dma_start3A_584 = arith.constant 0 : i32
    %dma_start3A_585 = tpu.memref_slice %arg9[%dma_start3A_578, %dma_start3A_579, %dma_start3A_584] : memref<4x20x128xi32, #tpu.memory_space<vmem>> -> memref<1x1x128xi32, #tpu.memory_space<vmem>>
    %dma_start3A_586 = tpu.memref_squeeze %dma_start3A_585 : memref<1x1x128xi32, #tpu.memory_space<vmem>> -> memref<128xi32, #tpu.memory_space<vmem>>
    %dma_start3A_587 = arith.constant 0 : i32
    %dma_start3A_588 = tpu.memref_slice %arg2[%dma_start3A_587] : memref<20000000xf32, #tpu.memory_space<hbm>> -> memref<20000000xf32, #tpu.memory_space<hbm>>
    tpu.enqueue_indirect_dma source(%dma_start3A_588 : memref<20000000xf32, #tpu.memory_space<hbm>>) target(%dma_start3A_583 : memref<128xf32, #tpu.memory_space<vmem>>) offsets(%dma_start3A_586 : memref<128xi32, #tpu.memory_space<vmem>>) semaphore(%arg15 : memref<!tpu.dma_semaphore, #tpu.memory_space<semaphore_mem>>)
    %dma_start3A_589 = arith.constant 2 : i32
    %dma_start3A_590 = arith.constant 10 : i32
    %dma_start3A_591 = arith.constant 10 : i32
    %dma_start3A_592 = arith.constant 256 : i32
    %dma_start3A_593 = tpu.memref_slice %arg10[%dma_start3A_591, %dma_start3A_592] : memref<20x512xf32, #tpu.memory_space<vmem>> -> memref<1x128xf32, #tpu.memory_space<vmem>>
    %dma_start3A_594 = tpu.memref_squeeze %dma_start3A_593 : memref<1x128xf32, #tpu.memory_space<vmem>> -> memref<128xf32, #tpu.memory_space<vmem>>
    %dma_start3A_595 = arith.constant 0 : i32
    %dma_start3A_596 = tpu.memref_slice %arg9[%dma_start3A_589, %dma_start3A_590, %dma_start3A_595] : memref<4x20x128xi32, #tpu.memory_space<vmem>> -> memref<1x1x128xi32, #tpu.memory_space<vmem>>
    %dma_start3A_597 = tpu.memref_squeeze %dma_start3A_596 : memref<1x1x128xi32, #tpu.memory_space<vmem>> -> memref<128xi32, #tpu.memory_space<vmem>>
    %dma_start3A_598 = arith.constant 0 : i32
    %dma_start3A_599 = tpu.memref_slice %arg2[%dma_start3A_598] : memref<20000000xf32, #tpu.memory_space<hbm>> -> memref<20000000xf32, #tpu.memory_space<hbm>>
    tpu.enqueue_indirect_dma source(%dma_start3A_599 : memref<20000000xf32, #tpu.memory_space<hbm>>) target(%dma_start3A_594 : memref<128xf32, #tpu.memory_space<vmem>>) offsets(%dma_start3A_597 : memref<128xi32, #tpu.memory_space<vmem>>) semaphore(%arg15 : memref<!tpu.dma_semaphore, #tpu.memory_space<semaphore_mem>>)
    %dma_start3A_600 = arith.constant 2 : i32
    %dma_start3A_601 = arith.constant 11 : i32
    %dma_start3A_602 = arith.constant 11 : i32
    %dma_start3A_603 = arith.constant 256 : i32
    %dma_start3A_604 = tpu.memref_slice %arg10[%dma_start3A_602, %dma_start3A_603] : memref<20x512xf32, #tpu.memory_space<vmem>> -> memref<1x128xf32, #tpu.memory_space<vmem>>
    %dma_start3A_605 = tpu.memref_squeeze %dma_start3A_604 : memref<1x128xf32, #tpu.memory_space<vmem>> -> memref<128xf32, #tpu.memory_space<vmem>>
    %dma_start3A_606 = arith.constant 0 : i32
    %dma_start3A_607 = tpu.memref_slice %arg9[%dma_start3A_600, %dma_start3A_601, %dma_start3A_606] : memref<4x20x128xi32, #tpu.memory_space<vmem>> -> memref<1x1x128xi32, #tpu.memory_space<vmem>>
    %dma_start3A_608 = tpu.memref_squeeze %dma_start3A_607 : memref<1x1x128xi32, #tpu.memory_space<vmem>> -> memref<128xi32, #tpu.memory_space<vmem>>
    %dma_start3A_609 = arith.constant 0 : i32
    %dma_start3A_610 = tpu.memref_slice %arg2[%dma_start3A_609] : memref<20000000xf32, #tpu.memory_space<hbm>> -> memref<20000000xf32, #tpu.memory_space<hbm>>
    tpu.enqueue_indirect_dma source(%dma_start3A_610 : memref<20000000xf32, #tpu.memory_space<hbm>>) target(%dma_start3A_605 : memref<128xf32, #tpu.memory_space<vmem>>) offsets(%dma_start3A_608 : memref<128xi32, #tpu.memory_space<vmem>>) semaphore(%arg15 : memref<!tpu.dma_semaphore, #tpu.memory_space<semaphore_mem>>)
    %dma_start3A_611 = arith.constant 2 : i32
    %dma_start3A_612 = arith.constant 12 : i32
    %dma_start3A_613 = arith.constant 12 : i32
    %dma_start3A_614 = arith.constant 256 : i32
    %dma_start3A_615 = tpu.memref_slice %arg10[%dma_start3A_613, %dma_start3A_614] : memref<20x512xf32, #tpu.memory_space<vmem>> -> memref<1x128xf32, #tpu.memory_space<vmem>>
    %dma_start3A_616 = tpu.memref_squeeze %dma_start3A_615 : memref<1x128xf32, #tpu.memory_space<vmem>> -> memref<128xf32, #tpu.memory_space<vmem>>
    %dma_start3A_617 = arith.constant 0 : i32
    %dma_start3A_618 = tpu.memref_slice %arg9[%dma_start3A_611, %dma_start3A_612, %dma_start3A_617] : memref<4x20x128xi32, #tpu.memory_space<vmem>> -> memref<1x1x128xi32, #tpu.memory_space<vmem>>
    %dma_start3A_619 = tpu.memref_squeeze %dma_start3A_618 : memref<1x1x128xi32, #tpu.memory_space<vmem>> -> memref<128xi32, #tpu.memory_space<vmem>>
    %dma_start3A_620 = arith.constant 0 : i32
    %dma_start3A_621 = tpu.memref_slice %arg2[%dma_start3A_620] : memref<20000000xf32, #tpu.memory_space<hbm>> -> memref<20000000xf32, #tpu.memory_space<hbm>>
    tpu.enqueue_indirect_dma source(%dma_start3A_621 : memref<20000000xf32, #tpu.memory_space<hbm>>) target(%dma_start3A_616 : memref<128xf32, #tpu.memory_space<vmem>>) offsets(%dma_start3A_619 : memref<128xi32, #tpu.memory_space<vmem>>) semaphore(%arg15 : memref<!tpu.dma_semaphore, #tpu.memory_space<semaphore_mem>>)
    %dma_start3A_622 = arith.constant 2 : i32
    %dma_start3A_623 = arith.constant 13 : i32
    %dma_start3A_624 = arith.constant 13 : i32
    %dma_start3A_625 = arith.constant 256 : i32
    %dma_start3A_626 = tpu.memref_slice %arg10[%dma_start3A_624, %dma_start3A_625] : memref<20x512xf32, #tpu.memory_space<vmem>> -> memref<1x128xf32, #tpu.memory_space<vmem>>
    %dma_start3A_627 = tpu.memref_squeeze %dma_start3A_626 : memref<1x128xf32, #tpu.memory_space<vmem>> -> memref<128xf32, #tpu.memory_space<vmem>>
    %dma_start3A_628 = arith.constant 0 : i32
    %dma_start3A_629 = tpu.memref_slice %arg9[%dma_start3A_622, %dma_start3A_623, %dma_start3A_628] : memref<4x20x128xi32, #tpu.memory_space<vmem>> -> memref<1x1x128xi32, #tpu.memory_space<vmem>>
    %dma_start3A_630 = tpu.memref_squeeze %dma_start3A_629 : memref<1x1x128xi32, #tpu.memory_space<vmem>> -> memref<128xi32, #tpu.memory_space<vmem>>
    %dma_start3A_631 = arith.constant 0 : i32
    %dma_start3A_632 = tpu.memref_slice %arg2[%dma_start3A_631] : memref<20000000xf32, #tpu.memory_space<hbm>> -> memref<20000000xf32, #tpu.memory_space<hbm>>
    tpu.enqueue_indirect_dma source(%dma_start3A_632 : memref<20000000xf32, #tpu.memory_space<hbm>>) target(%dma_start3A_627 : memref<128xf32, #tpu.memory_space<vmem>>) offsets(%dma_start3A_630 : memref<128xi32, #tpu.memory_space<vmem>>) semaphore(%arg15 : memref<!tpu.dma_semaphore, #tpu.memory_space<semaphore_mem>>)
    %dma_start3A_633 = arith.constant 2 : i32
    %dma_start3A_634 = arith.constant 14 : i32
    %dma_start3A_635 = arith.constant 14 : i32
    %dma_start3A_636 = arith.constant 256 : i32
    %dma_start3A_637 = tpu.memref_slice %arg10[%dma_start3A_635, %dma_start3A_636] : memref<20x512xf32, #tpu.memory_space<vmem>> -> memref<1x128xf32, #tpu.memory_space<vmem>>
    %dma_start3A_638 = tpu.memref_squeeze %dma_start3A_637 : memref<1x128xf32, #tpu.memory_space<vmem>> -> memref<128xf32, #tpu.memory_space<vmem>>
    %dma_start3A_639 = arith.constant 0 : i32
    %dma_start3A_640 = tpu.memref_slice %arg9[%dma_start3A_633, %dma_start3A_634, %dma_start3A_639] : memref<4x20x128xi32, #tpu.memory_space<vmem>> -> memref<1x1x128xi32, #tpu.memory_space<vmem>>
    %dma_start3A_641 = tpu.memref_squeeze %dma_start3A_640 : memref<1x1x128xi32, #tpu.memory_space<vmem>> -> memref<128xi32, #tpu.memory_space<vmem>>
    %dma_start3A_642 = arith.constant 0 : i32
    %dma_start3A_643 = tpu.memref_slice %arg2[%dma_start3A_642] : memref<20000000xf32, #tpu.memory_space<hbm>> -> memref<20000000xf32, #tpu.memory_space<hbm>>
    tpu.enqueue_indirect_dma source(%dma_start3A_643 : memref<20000000xf32, #tpu.memory_space<hbm>>) target(%dma_start3A_638 : memref<128xf32, #tpu.memory_space<vmem>>) offsets(%dma_start3A_641 : memref<128xi32, #tpu.memory_space<vmem>>) semaphore(%arg15 : memref<!tpu.dma_semaphore, #tpu.memory_space<semaphore_mem>>)
    %dma_start3A_644 = arith.constant 2 : i32
    %dma_start3A_645 = arith.constant 15 : i32
    %dma_start3A_646 = arith.constant 15 : i32
    %dma_start3A_647 = arith.constant 256 : i32
    %dma_start3A_648 = tpu.memref_slice %arg10[%dma_start3A_646, %dma_start3A_647] : memref<20x512xf32, #tpu.memory_space<vmem>> -> memref<1x128xf32, #tpu.memory_space<vmem>>
    %dma_start3A_649 = tpu.memref_squeeze %dma_start3A_648 : memref<1x128xf32, #tpu.memory_space<vmem>> -> memref<128xf32, #tpu.memory_space<vmem>>
    %dma_start3A_650 = arith.constant 0 : i32
    %dma_start3A_651 = tpu.memref_slice %arg9[%dma_start3A_644, %dma_start3A_645, %dma_start3A_650] : memref<4x20x128xi32, #tpu.memory_space<vmem>> -> memref<1x1x128xi32, #tpu.memory_space<vmem>>
    %dma_start3A_652 = tpu.memref_squeeze %dma_start3A_651 : memref<1x1x128xi32, #tpu.memory_space<vmem>> -> memref<128xi32, #tpu.memory_space<vmem>>
    %dma_start3A_653 = arith.constant 0 : i32
    %dma_start3A_654 = tpu.memref_slice %arg2[%dma_start3A_653] : memref<20000000xf32, #tpu.memory_space<hbm>> -> memref<20000000xf32, #tpu.memory_space<hbm>>
    tpu.enqueue_indirect_dma source(%dma_start3A_654 : memref<20000000xf32, #tpu.memory_space<hbm>>) target(%dma_start3A_649 : memref<128xf32, #tpu.memory_space<vmem>>) offsets(%dma_start3A_652 : memref<128xi32, #tpu.memory_space<vmem>>) semaphore(%arg15 : memref<!tpu.dma_semaphore, #tpu.memory_space<semaphore_mem>>)
    %dma_start3A_655 = arith.constant 2 : i32
    %dma_start3A_656 = arith.constant 16 : i32
    %dma_start3A_657 = arith.constant 16 : i32
    %dma_start3A_658 = arith.constant 256 : i32
    %dma_start3A_659 = tpu.memref_slice %arg10[%dma_start3A_657, %dma_start3A_658] : memref<20x512xf32, #tpu.memory_space<vmem>> -> memref<1x128xf32, #tpu.memory_space<vmem>>
    %dma_start3A_660 = tpu.memref_squeeze %dma_start3A_659 : memref<1x128xf32, #tpu.memory_space<vmem>> -> memref<128xf32, #tpu.memory_space<vmem>>
    %dma_start3A_661 = arith.constant 0 : i32
    %dma_start3A_662 = tpu.memref_slice %arg9[%dma_start3A_655, %dma_start3A_656, %dma_start3A_661] : memref<4x20x128xi32, #tpu.memory_space<vmem>> -> memref<1x1x128xi32, #tpu.memory_space<vmem>>
    %dma_start3A_663 = tpu.memref_squeeze %dma_start3A_662 : memref<1x1x128xi32, #tpu.memory_space<vmem>> -> memref<128xi32, #tpu.memory_space<vmem>>
    %dma_start3A_664 = arith.constant 0 : i32
    %dma_start3A_665 = tpu.memref_slice %arg2[%dma_start3A_664] : memref<20000000xf32, #tpu.memory_space<hbm>> -> memref<20000000xf32, #tpu.memory_space<hbm>>
    tpu.enqueue_indirect_dma source(%dma_start3A_665 : memref<20000000xf32, #tpu.memory_space<hbm>>) target(%dma_start3A_660 : memref<128xf32, #tpu.memory_space<vmem>>) offsets(%dma_start3A_663 : memref<128xi32, #tpu.memory_space<vmem>>) semaphore(%arg15 : memref<!tpu.dma_semaphore, #tpu.memory_space<semaphore_mem>>)
    %dma_start3A_666 = arith.constant 2 : i32
    %dma_start3A_667 = arith.constant 17 : i32
    %dma_start3A_668 = arith.constant 17 : i32
    %dma_start3A_669 = arith.constant 256 : i32
    %dma_start3A_670 = tpu.memref_slice %arg10[%dma_start3A_668, %dma_start3A_669] : memref<20x512xf32, #tpu.memory_space<vmem>> -> memref<1x128xf32, #tpu.memory_space<vmem>>
    %dma_start3A_671 = tpu.memref_squeeze %dma_start3A_670 : memref<1x128xf32, #tpu.memory_space<vmem>> -> memref<128xf32, #tpu.memory_space<vmem>>
    %dma_start3A_672 = arith.constant 0 : i32
    %dma_start3A_673 = tpu.memref_slice %arg9[%dma_start3A_666, %dma_start3A_667, %dma_start3A_672] : memref<4x20x128xi32, #tpu.memory_space<vmem>> -> memref<1x1x128xi32, #tpu.memory_space<vmem>>
    %dma_start3A_674 = tpu.memref_squeeze %dma_start3A_673 : memref<1x1x128xi32, #tpu.memory_space<vmem>> -> memref<128xi32, #tpu.memory_space<vmem>>
    %dma_start3A_675 = arith.constant 0 : i32
    %dma_start3A_676 = tpu.memref_slice %arg2[%dma_start3A_675] : memref<20000000xf32, #tpu.memory_space<hbm>> -> memref<20000000xf32, #tpu.memory_space<hbm>>
    tpu.enqueue_indirect_dma source(%dma_start3A_676 : memref<20000000xf32, #tpu.memory_space<hbm>>) target(%dma_start3A_671 : memref<128xf32, #tpu.memory_space<vmem>>) offsets(%dma_start3A_674 : memref<128xi32, #tpu.memory_space<vmem>>) semaphore(%arg15 : memref<!tpu.dma_semaphore, #tpu.memory_space<semaphore_mem>>)
    %dma_start3A_677 = arith.constant 2 : i32
    %dma_start3A_678 = arith.constant 18 : i32
    %dma_start3A_679 = arith.constant 18 : i32
    %dma_start3A_680 = arith.constant 256 : i32
    %dma_start3A_681 = tpu.memref_slice %arg10[%dma_start3A_679, %dma_start3A_680] : memref<20x512xf32, #tpu.memory_space<vmem>> -> memref<1x128xf32, #tpu.memory_space<vmem>>
    %dma_start3A_682 = tpu.memref_squeeze %dma_start3A_681 : memref<1x128xf32, #tpu.memory_space<vmem>> -> memref<128xf32, #tpu.memory_space<vmem>>
    %dma_start3A_683 = arith.constant 0 : i32
    %dma_start3A_684 = tpu.memref_slice %arg9[%dma_start3A_677, %dma_start3A_678, %dma_start3A_683] : memref<4x20x128xi32, #tpu.memory_space<vmem>> -> memref<1x1x128xi32, #tpu.memory_space<vmem>>
    %dma_start3A_685 = tpu.memref_squeeze %dma_start3A_684 : memref<1x1x128xi32, #tpu.memory_space<vmem>> -> memref<128xi32, #tpu.memory_space<vmem>>
    %dma_start3A_686 = arith.constant 0 : i32
    %dma_start3A_687 = tpu.memref_slice %arg2[%dma_start3A_686] : memref<20000000xf32, #tpu.memory_space<hbm>> -> memref<20000000xf32, #tpu.memory_space<hbm>>
    tpu.enqueue_indirect_dma source(%dma_start3A_687 : memref<20000000xf32, #tpu.memory_space<hbm>>) target(%dma_start3A_682 : memref<128xf32, #tpu.memory_space<vmem>>) offsets(%dma_start3A_685 : memref<128xi32, #tpu.memory_space<vmem>>) semaphore(%arg15 : memref<!tpu.dma_semaphore, #tpu.memory_space<semaphore_mem>>)
    %dma_start3A_688 = arith.constant 2 : i32
    %dma_start3A_689 = arith.constant 19 : i32
    %dma_start3A_690 = arith.constant 19 : i32
    %dma_start3A_691 = arith.constant 256 : i32
    %dma_start3A_692 = tpu.memref_slice %arg10[%dma_start3A_690, %dma_start3A_691] : memref<20x512xf32, #tpu.memory_space<vmem>> -> memref<1x128xf32, #tpu.memory_space<vmem>>
    %dma_start3A_693 = tpu.memref_squeeze %dma_start3A_692 : memref<1x128xf32, #tpu.memory_space<vmem>> -> memref<128xf32, #tpu.memory_space<vmem>>
    %dma_start3A_694 = arith.constant 0 : i32
    %dma_start3A_695 = tpu.memref_slice %arg9[%dma_start3A_688, %dma_start3A_689, %dma_start3A_694] : memref<4x20x128xi32, #tpu.memory_space<vmem>> -> memref<1x1x128xi32, #tpu.memory_space<vmem>>
    %dma_start3A_696 = tpu.memref_squeeze %dma_start3A_695 : memref<1x1x128xi32, #tpu.memory_space<vmem>> -> memref<128xi32, #tpu.memory_space<vmem>>
    %dma_start3A_697 = arith.constant 0 : i32
    %dma_start3A_698 = tpu.memref_slice %arg2[%dma_start3A_697] : memref<20000000xf32, #tpu.memory_space<hbm>> -> memref<20000000xf32, #tpu.memory_space<hbm>>
    tpu.enqueue_indirect_dma source(%dma_start3A_698 : memref<20000000xf32, #tpu.memory_space<hbm>>) target(%dma_start3A_693 : memref<128xf32, #tpu.memory_space<vmem>>) offsets(%dma_start3A_696 : memref<128xi32, #tpu.memory_space<vmem>>) semaphore(%arg15 : memref<!tpu.dma_semaphore, #tpu.memory_space<semaphore_mem>>)
    %dma_start3A_699 = arith.constant 2 : i32
    %dma_start3A_700 = arith.constant 256 : i32
    %dma_start3A_701 = tpu.memref_slice %arg12[%dma_start3A_700] : memref<512xf32, #tpu.memory_space<vmem>> -> memref<128xf32, #tpu.memory_space<vmem>>
    %dma_start3A_702 = arith.constant 0 : i32
    %dma_start3A_703 = tpu.memref_slice %arg8[%dma_start3A_699, %dma_start3A_702] : memref<4x128xi32, #tpu.memory_space<vmem>> -> memref<1x128xi32, #tpu.memory_space<vmem>>
    %dma_start3A_704 = tpu.memref_squeeze %dma_start3A_703 : memref<1x128xi32, #tpu.memory_space<vmem>> -> memref<128xi32, #tpu.memory_space<vmem>>
    %dma_start3A_705 = arith.constant 0 : i32
    %dma_start3A_706 = tpu.memref_slice %arg3[%dma_start3A_705] : memref<1000000xf32, #tpu.memory_space<hbm>> -> memref<1000000xf32, #tpu.memory_space<hbm>>
    tpu.enqueue_indirect_dma source(%dma_start3A_706 : memref<1000000xf32, #tpu.memory_space<hbm>>) target(%dma_start3A_701 : memref<128xf32, #tpu.memory_space<vmem>>) offsets(%dma_start3A_704 : memref<128xi32, #tpu.memory_space<vmem>>) semaphore(%arg15 : memref<!tpu.dma_semaphore, #tpu.memory_space<semaphore_mem>>)
    %dma_start3A_707 = arith.constant 3 : i32
    %dma_start3A_708 = arith.constant 0 : i32
    %dma_start3A_709 = arith.constant 0 : i32
    %dma_start3A_710 = arith.constant 384 : i32
    %dma_start3A_711 = tpu.memref_slice %arg10[%dma_start3A_709, %dma_start3A_710] : memref<20x512xf32, #tpu.memory_space<vmem>> -> memref<1x128xf32, #tpu.memory_space<vmem>>
    %dma_start3A_712 = tpu.memref_squeeze %dma_start3A_711 : memref<1x128xf32, #tpu.memory_space<vmem>> -> memref<128xf32, #tpu.memory_space<vmem>>
    %dma_start3A_713 = arith.constant 0 : i32
    %dma_start3A_714 = tpu.memref_slice %arg9[%dma_start3A_707, %dma_start3A_708, %dma_start3A_713] : memref<4x20x128xi32, #tpu.memory_space<vmem>> -> memref<1x1x128xi32, #tpu.memory_space<vmem>>
    %dma_start3A_715 = tpu.memref_squeeze %dma_start3A_714 : memref<1x1x128xi32, #tpu.memory_space<vmem>> -> memref<128xi32, #tpu.memory_space<vmem>>
    %dma_start3A_716 = arith.constant 0 : i32
    %dma_start3A_717 = tpu.memref_slice %arg2[%dma_start3A_716] : memref<20000000xf32, #tpu.memory_space<hbm>> -> memref<20000000xf32, #tpu.memory_space<hbm>>
    tpu.enqueue_indirect_dma source(%dma_start3A_717 : memref<20000000xf32, #tpu.memory_space<hbm>>) target(%dma_start3A_712 : memref<128xf32, #tpu.memory_space<vmem>>) offsets(%dma_start3A_715 : memref<128xi32, #tpu.memory_space<vmem>>) semaphore(%arg15 : memref<!tpu.dma_semaphore, #tpu.memory_space<semaphore_mem>>)
    %dma_start3A_718 = arith.constant 3 : i32
    %dma_start3A_719 = arith.constant 1 : i32
    %dma_start3A_720 = arith.constant 1 : i32
    %dma_start3A_721 = arith.constant 384 : i32
    %dma_start3A_722 = tpu.memref_slice %arg10[%dma_start3A_720, %dma_start3A_721] : memref<20x512xf32, #tpu.memory_space<vmem>> -> memref<1x128xf32, #tpu.memory_space<vmem>>
    %dma_start3A_723 = tpu.memref_squeeze %dma_start3A_722 : memref<1x128xf32, #tpu.memory_space<vmem>> -> memref<128xf32, #tpu.memory_space<vmem>>
    %dma_start3A_724 = arith.constant 0 : i32
    %dma_start3A_725 = tpu.memref_slice %arg9[%dma_start3A_718, %dma_start3A_719, %dma_start3A_724] : memref<4x20x128xi32, #tpu.memory_space<vmem>> -> memref<1x1x128xi32, #tpu.memory_space<vmem>>
    %dma_start3A_726 = tpu.memref_squeeze %dma_start3A_725 : memref<1x1x128xi32, #tpu.memory_space<vmem>> -> memref<128xi32, #tpu.memory_space<vmem>>
    %dma_start3A_727 = arith.constant 0 : i32
    %dma_start3A_728 = tpu.memref_slice %arg2[%dma_start3A_727] : memref<20000000xf32, #tpu.memory_space<hbm>> -> memref<20000000xf32, #tpu.memory_space<hbm>>
    tpu.enqueue_indirect_dma source(%dma_start3A_728 : memref<20000000xf32, #tpu.memory_space<hbm>>) target(%dma_start3A_723 : memref<128xf32, #tpu.memory_space<vmem>>) offsets(%dma_start3A_726 : memref<128xi32, #tpu.memory_space<vmem>>) semaphore(%arg15 : memref<!tpu.dma_semaphore, #tpu.memory_space<semaphore_mem>>)
    %dma_start3A_729 = arith.constant 3 : i32
    %dma_start3A_730 = arith.constant 2 : i32
    %dma_start3A_731 = arith.constant 2 : i32
    %dma_start3A_732 = arith.constant 384 : i32
    %dma_start3A_733 = tpu.memref_slice %arg10[%dma_start3A_731, %dma_start3A_732] : memref<20x512xf32, #tpu.memory_space<vmem>> -> memref<1x128xf32, #tpu.memory_space<vmem>>
    %dma_start3A_734 = tpu.memref_squeeze %dma_start3A_733 : memref<1x128xf32, #tpu.memory_space<vmem>> -> memref<128xf32, #tpu.memory_space<vmem>>
    %dma_start3A_735 = arith.constant 0 : i32
    %dma_start3A_736 = tpu.memref_slice %arg9[%dma_start3A_729, %dma_start3A_730, %dma_start3A_735] : memref<4x20x128xi32, #tpu.memory_space<vmem>> -> memref<1x1x128xi32, #tpu.memory_space<vmem>>
    %dma_start3A_737 = tpu.memref_squeeze %dma_start3A_736 : memref<1x1x128xi32, #tpu.memory_space<vmem>> -> memref<128xi32, #tpu.memory_space<vmem>>
    %dma_start3A_738 = arith.constant 0 : i32
    %dma_start3A_739 = tpu.memref_slice %arg2[%dma_start3A_738] : memref<20000000xf32, #tpu.memory_space<hbm>> -> memref<20000000xf32, #tpu.memory_space<hbm>>
    tpu.enqueue_indirect_dma source(%dma_start3A_739 : memref<20000000xf32, #tpu.memory_space<hbm>>) target(%dma_start3A_734 : memref<128xf32, #tpu.memory_space<vmem>>) offsets(%dma_start3A_737 : memref<128xi32, #tpu.memory_space<vmem>>) semaphore(%arg15 : memref<!tpu.dma_semaphore, #tpu.memory_space<semaphore_mem>>)
    %dma_start3A_740 = arith.constant 3 : i32
    %dma_start3A_741 = arith.constant 3 : i32
    %dma_start3A_742 = arith.constant 3 : i32
    %dma_start3A_743 = arith.constant 384 : i32
    %dma_start3A_744 = tpu.memref_slice %arg10[%dma_start3A_742, %dma_start3A_743] : memref<20x512xf32, #tpu.memory_space<vmem>> -> memref<1x128xf32, #tpu.memory_space<vmem>>
    %dma_start3A_745 = tpu.memref_squeeze %dma_start3A_744 : memref<1x128xf32, #tpu.memory_space<vmem>> -> memref<128xf32, #tpu.memory_space<vmem>>
    %dma_start3A_746 = arith.constant 0 : i32
    %dma_start3A_747 = tpu.memref_slice %arg9[%dma_start3A_740, %dma_start3A_741, %dma_start3A_746] : memref<4x20x128xi32, #tpu.memory_space<vmem>> -> memref<1x1x128xi32, #tpu.memory_space<vmem>>
    %dma_start3A_748 = tpu.memref_squeeze %dma_start3A_747 : memref<1x1x128xi32, #tpu.memory_space<vmem>> -> memref<128xi32, #tpu.memory_space<vmem>>
    %dma_start3A_749 = arith.constant 0 : i32
    %dma_start3A_750 = tpu.memref_slice %arg2[%dma_start3A_749] : memref<20000000xf32, #tpu.memory_space<hbm>> -> memref<20000000xf32, #tpu.memory_space<hbm>>
    tpu.enqueue_indirect_dma source(%dma_start3A_750 : memref<20000000xf32, #tpu.memory_space<hbm>>) target(%dma_start3A_745 : memref<128xf32, #tpu.memory_space<vmem>>) offsets(%dma_start3A_748 : memref<128xi32, #tpu.memory_space<vmem>>) semaphore(%arg15 : memref<!tpu.dma_semaphore, #tpu.memory_space<semaphore_mem>>)
    %dma_start3A_751 = arith.constant 3 : i32
    %dma_start3A_752 = arith.constant 4 : i32
    %dma_start3A_753 = arith.constant 4 : i32
    %dma_start3A_754 = arith.constant 384 : i32
    %dma_start3A_755 = tpu.memref_slice %arg10[%dma_start3A_753, %dma_start3A_754] : memref<20x512xf32, #tpu.memory_space<vmem>> -> memref<1x128xf32, #tpu.memory_space<vmem>>
    %dma_start3A_756 = tpu.memref_squeeze %dma_start3A_755 : memref<1x128xf32, #tpu.memory_space<vmem>> -> memref<128xf32, #tpu.memory_space<vmem>>
    %dma_start3A_757 = arith.constant 0 : i32
    %dma_start3A_758 = tpu.memref_slice %arg9[%dma_start3A_751, %dma_start3A_752, %dma_start3A_757] : memref<4x20x128xi32, #tpu.memory_space<vmem>> -> memref<1x1x128xi32, #tpu.memory_space<vmem>>
    %dma_start3A_759 = tpu.memref_squeeze %dma_start3A_758 : memref<1x1x128xi32, #tpu.memory_space<vmem>> -> memref<128xi32, #tpu.memory_space<vmem>>
    %dma_start3A_760 = arith.constant 0 : i32
    %dma_start3A_761 = tpu.memref_slice %arg2[%dma_start3A_760] : memref<20000000xf32, #tpu.memory_space<hbm>> -> memref<20000000xf32, #tpu.memory_space<hbm>>
    tpu.enqueue_indirect_dma source(%dma_start3A_761 : memref<20000000xf32, #tpu.memory_space<hbm>>) target(%dma_start3A_756 : memref<128xf32, #tpu.memory_space<vmem>>) offsets(%dma_start3A_759 : memref<128xi32, #tpu.memory_space<vmem>>) semaphore(%arg15 : memref<!tpu.dma_semaphore, #tpu.memory_space<semaphore_mem>>)
    %dma_start3A_762 = arith.constant 3 : i32
    %dma_start3A_763 = arith.constant 5 : i32
    %dma_start3A_764 = arith.constant 5 : i32
    %dma_start3A_765 = arith.constant 384 : i32
    %dma_start3A_766 = tpu.memref_slice %arg10[%dma_start3A_764, %dma_start3A_765] : memref<20x512xf32, #tpu.memory_space<vmem>> -> memref<1x128xf32, #tpu.memory_space<vmem>>
    %dma_start3A_767 = tpu.memref_squeeze %dma_start3A_766 : memref<1x128xf32, #tpu.memory_space<vmem>> -> memref<128xf32, #tpu.memory_space<vmem>>
    %dma_start3A_768 = arith.constant 0 : i32
    %dma_start3A_769 = tpu.memref_slice %arg9[%dma_start3A_762, %dma_start3A_763, %dma_start3A_768] : memref<4x20x128xi32, #tpu.memory_space<vmem>> -> memref<1x1x128xi32, #tpu.memory_space<vmem>>
    %dma_start3A_770 = tpu.memref_squeeze %dma_start3A_769 : memref<1x1x128xi32, #tpu.memory_space<vmem>> -> memref<128xi32, #tpu.memory_space<vmem>>
    %dma_start3A_771 = arith.constant 0 : i32
    %dma_start3A_772 = tpu.memref_slice %arg2[%dma_start3A_771] : memref<20000000xf32, #tpu.memory_space<hbm>> -> memref<20000000xf32, #tpu.memory_space<hbm>>
    tpu.enqueue_indirect_dma source(%dma_start3A_772 : memref<20000000xf32, #tpu.memory_space<hbm>>) target(%dma_start3A_767 : memref<128xf32, #tpu.memory_space<vmem>>) offsets(%dma_start3A_770 : memref<128xi32, #tpu.memory_space<vmem>>) semaphore(%arg15 : memref<!tpu.dma_semaphore, #tpu.memory_space<semaphore_mem>>)
    %dma_start3A_773 = arith.constant 3 : i32
    %dma_start3A_774 = arith.constant 6 : i32
    %dma_start3A_775 = arith.constant 6 : i32
    %dma_start3A_776 = arith.constant 384 : i32
    %dma_start3A_777 = tpu.memref_slice %arg10[%dma_start3A_775, %dma_start3A_776] : memref<20x512xf32, #tpu.memory_space<vmem>> -> memref<1x128xf32, #tpu.memory_space<vmem>>
    %dma_start3A_778 = tpu.memref_squeeze %dma_start3A_777 : memref<1x128xf32, #tpu.memory_space<vmem>> -> memref<128xf32, #tpu.memory_space<vmem>>
    %dma_start3A_779 = arith.constant 0 : i32
    %dma_start3A_780 = tpu.memref_slice %arg9[%dma_start3A_773, %dma_start3A_774, %dma_start3A_779] : memref<4x20x128xi32, #tpu.memory_space<vmem>> -> memref<1x1x128xi32, #tpu.memory_space<vmem>>
    %dma_start3A_781 = tpu.memref_squeeze %dma_start3A_780 : memref<1x1x128xi32, #tpu.memory_space<vmem>> -> memref<128xi32, #tpu.memory_space<vmem>>
    %dma_start3A_782 = arith.constant 0 : i32
    %dma_start3A_783 = tpu.memref_slice %arg2[%dma_start3A_782] : memref<20000000xf32, #tpu.memory_space<hbm>> -> memref<20000000xf32, #tpu.memory_space<hbm>>
    tpu.enqueue_indirect_dma source(%dma_start3A_783 : memref<20000000xf32, #tpu.memory_space<hbm>>) target(%dma_start3A_778 : memref<128xf32, #tpu.memory_space<vmem>>) offsets(%dma_start3A_781 : memref<128xi32, #tpu.memory_space<vmem>>) semaphore(%arg15 : memref<!tpu.dma_semaphore, #tpu.memory_space<semaphore_mem>>)
    %dma_start3A_784 = arith.constant 3 : i32
    %dma_start3A_785 = arith.constant 7 : i32
    %dma_start3A_786 = arith.constant 7 : i32
    %dma_start3A_787 = arith.constant 384 : i32
    %dma_start3A_788 = tpu.memref_slice %arg10[%dma_start3A_786, %dma_start3A_787] : memref<20x512xf32, #tpu.memory_space<vmem>> -> memref<1x128xf32, #tpu.memory_space<vmem>>
    %dma_start3A_789 = tpu.memref_squeeze %dma_start3A_788 : memref<1x128xf32, #tpu.memory_space<vmem>> -> memref<128xf32, #tpu.memory_space<vmem>>
    %dma_start3A_790 = arith.constant 0 : i32
    %dma_start3A_791 = tpu.memref_slice %arg9[%dma_start3A_784, %dma_start3A_785, %dma_start3A_790] : memref<4x20x128xi32, #tpu.memory_space<vmem>> -> memref<1x1x128xi32, #tpu.memory_space<vmem>>
    %dma_start3A_792 = tpu.memref_squeeze %dma_start3A_791 : memref<1x1x128xi32, #tpu.memory_space<vmem>> -> memref<128xi32, #tpu.memory_space<vmem>>
    %dma_start3A_793 = arith.constant 0 : i32
    %dma_start3A_794 = tpu.memref_slice %arg2[%dma_start3A_793] : memref<20000000xf32, #tpu.memory_space<hbm>> -> memref<20000000xf32, #tpu.memory_space<hbm>>
    tpu.enqueue_indirect_dma source(%dma_start3A_794 : memref<20000000xf32, #tpu.memory_space<hbm>>) target(%dma_start3A_789 : memref<128xf32, #tpu.memory_space<vmem>>) offsets(%dma_start3A_792 : memref<128xi32, #tpu.memory_space<vmem>>) semaphore(%arg15 : memref<!tpu.dma_semaphore, #tpu.memory_space<semaphore_mem>>)
    %dma_start3A_795 = arith.constant 3 : i32
    %dma_start3A_796 = arith.constant 8 : i32
    %dma_start3A_797 = arith.constant 8 : i32
    %dma_start3A_798 = arith.constant 384 : i32
    %dma_start3A_799 = tpu.memref_slice %arg10[%dma_start3A_797, %dma_start3A_798] : memref<20x512xf32, #tpu.memory_space<vmem>> -> memref<1x128xf32, #tpu.memory_space<vmem>>
    %dma_start3A_800 = tpu.memref_squeeze %dma_start3A_799 : memref<1x128xf32, #tpu.memory_space<vmem>> -> memref<128xf32, #tpu.memory_space<vmem>>
    %dma_start3A_801 = arith.constant 0 : i32
    %dma_start3A_802 = tpu.memref_slice %arg9[%dma_start3A_795, %dma_start3A_796, %dma_start3A_801] : memref<4x20x128xi32, #tpu.memory_space<vmem>> -> memref<1x1x128xi32, #tpu.memory_space<vmem>>
    %dma_start3A_803 = tpu.memref_squeeze %dma_start3A_802 : memref<1x1x128xi32, #tpu.memory_space<vmem>> -> memref<128xi32, #tpu.memory_space<vmem>>
    %dma_start3A_804 = arith.constant 0 : i32
    %dma_start3A_805 = tpu.memref_slice %arg2[%dma_start3A_804] : memref<20000000xf32, #tpu.memory_space<hbm>> -> memref<20000000xf32, #tpu.memory_space<hbm>>
    tpu.enqueue_indirect_dma source(%dma_start3A_805 : memref<20000000xf32, #tpu.memory_space<hbm>>) target(%dma_start3A_800 : memref<128xf32, #tpu.memory_space<vmem>>) offsets(%dma_start3A_803 : memref<128xi32, #tpu.memory_space<vmem>>) semaphore(%arg15 : memref<!tpu.dma_semaphore, #tpu.memory_space<semaphore_mem>>)
    %dma_start3A_806 = arith.constant 3 : i32
    %dma_start3A_807 = arith.constant 9 : i32
    %dma_start3A_808 = arith.constant 9 : i32
    %dma_start3A_809 = arith.constant 384 : i32
    %dma_start3A_810 = tpu.memref_slice %arg10[%dma_start3A_808, %dma_start3A_809] : memref<20x512xf32, #tpu.memory_space<vmem>> -> memref<1x128xf32, #tpu.memory_space<vmem>>
    %dma_start3A_811 = tpu.memref_squeeze %dma_start3A_810 : memref<1x128xf32, #tpu.memory_space<vmem>> -> memref<128xf32, #tpu.memory_space<vmem>>
    %dma_start3A_812 = arith.constant 0 : i32
    %dma_start3A_813 = tpu.memref_slice %arg9[%dma_start3A_806, %dma_start3A_807, %dma_start3A_812] : memref<4x20x128xi32, #tpu.memory_space<vmem>> -> memref<1x1x128xi32, #tpu.memory_space<vmem>>
    %dma_start3A_814 = tpu.memref_squeeze %dma_start3A_813 : memref<1x1x128xi32, #tpu.memory_space<vmem>> -> memref<128xi32, #tpu.memory_space<vmem>>
    %dma_start3A_815 = arith.constant 0 : i32
    %dma_start3A_816 = tpu.memref_slice %arg2[%dma_start3A_815] : memref<20000000xf32, #tpu.memory_space<hbm>> -> memref<20000000xf32, #tpu.memory_space<hbm>>
    tpu.enqueue_indirect_dma source(%dma_start3A_816 : memref<20000000xf32, #tpu.memory_space<hbm>>) target(%dma_start3A_811 : memref<128xf32, #tpu.memory_space<vmem>>) offsets(%dma_start3A_814 : memref<128xi32, #tpu.memory_space<vmem>>) semaphore(%arg15 : memref<!tpu.dma_semaphore, #tpu.memory_space<semaphore_mem>>)
    %dma_start3A_817 = arith.constant 3 : i32
    %dma_start3A_818 = arith.constant 10 : i32
    %dma_start3A_819 = arith.constant 10 : i32
    %dma_start3A_820 = arith.constant 384 : i32
    %dma_start3A_821 = tpu.memref_slice %arg10[%dma_start3A_819, %dma_start3A_820] : memref<20x512xf32, #tpu.memory_space<vmem>> -> memref<1x128xf32, #tpu.memory_space<vmem>>
    %dma_start3A_822 = tpu.memref_squeeze %dma_start3A_821 : memref<1x128xf32, #tpu.memory_space<vmem>> -> memref<128xf32, #tpu.memory_space<vmem>>
    %dma_start3A_823 = arith.constant 0 : i32
    %dma_start3A_824 = tpu.memref_slice %arg9[%dma_start3A_817, %dma_start3A_818, %dma_start3A_823] : memref<4x20x128xi32, #tpu.memory_space<vmem>> -> memref<1x1x128xi32, #tpu.memory_space<vmem>>
    %dma_start3A_825 = tpu.memref_squeeze %dma_start3A_824 : memref<1x1x128xi32, #tpu.memory_space<vmem>> -> memref<128xi32, #tpu.memory_space<vmem>>
    %dma_start3A_826 = arith.constant 0 : i32
    %dma_start3A_827 = tpu.memref_slice %arg2[%dma_start3A_826] : memref<20000000xf32, #tpu.memory_space<hbm>> -> memref<20000000xf32, #tpu.memory_space<hbm>>
    tpu.enqueue_indirect_dma source(%dma_start3A_827 : memref<20000000xf32, #tpu.memory_space<hbm>>) target(%dma_start3A_822 : memref<128xf32, #tpu.memory_space<vmem>>) offsets(%dma_start3A_825 : memref<128xi32, #tpu.memory_space<vmem>>) semaphore(%arg15 : memref<!tpu.dma_semaphore, #tpu.memory_space<semaphore_mem>>)
    %dma_start3A_828 = arith.constant 3 : i32
    %dma_start3A_829 = arith.constant 11 : i32
    %dma_start3A_830 = arith.constant 11 : i32
    %dma_start3A_831 = arith.constant 384 : i32
    %dma_start3A_832 = tpu.memref_slice %arg10[%dma_start3A_830, %dma_start3A_831] : memref<20x512xf32, #tpu.memory_space<vmem>> -> memref<1x128xf32, #tpu.memory_space<vmem>>
    %dma_start3A_833 = tpu.memref_squeeze %dma_start3A_832 : memref<1x128xf32, #tpu.memory_space<vmem>> -> memref<128xf32, #tpu.memory_space<vmem>>
    %dma_start3A_834 = arith.constant 0 : i32
    %dma_start3A_835 = tpu.memref_slice %arg9[%dma_start3A_828, %dma_start3A_829, %dma_start3A_834] : memref<4x20x128xi32, #tpu.memory_space<vmem>> -> memref<1x1x128xi32, #tpu.memory_space<vmem>>
    %dma_start3A_836 = tpu.memref_squeeze %dma_start3A_835 : memref<1x1x128xi32, #tpu.memory_space<vmem>> -> memref<128xi32, #tpu.memory_space<vmem>>
    %dma_start3A_837 = arith.constant 0 : i32
    %dma_start3A_838 = tpu.memref_slice %arg2[%dma_start3A_837] : memref<20000000xf32, #tpu.memory_space<hbm>> -> memref<20000000xf32, #tpu.memory_space<hbm>>
    tpu.enqueue_indirect_dma source(%dma_start3A_838 : memref<20000000xf32, #tpu.memory_space<hbm>>) target(%dma_start3A_833 : memref<128xf32, #tpu.memory_space<vmem>>) offsets(%dma_start3A_836 : memref<128xi32, #tpu.memory_space<vmem>>) semaphore(%arg15 : memref<!tpu.dma_semaphore, #tpu.memory_space<semaphore_mem>>)
    %dma_start3A_839 = arith.constant 3 : i32
    %dma_start3A_840 = arith.constant 12 : i32
    %dma_start3A_841 = arith.constant 12 : i32
    %dma_start3A_842 = arith.constant 384 : i32
    %dma_start3A_843 = tpu.memref_slice %arg10[%dma_start3A_841, %dma_start3A_842] : memref<20x512xf32, #tpu.memory_space<vmem>> -> memref<1x128xf32, #tpu.memory_space<vmem>>
    %dma_start3A_844 = tpu.memref_squeeze %dma_start3A_843 : memref<1x128xf32, #tpu.memory_space<vmem>> -> memref<128xf32, #tpu.memory_space<vmem>>
    %dma_start3A_845 = arith.constant 0 : i32
    %dma_start3A_846 = tpu.memref_slice %arg9[%dma_start3A_839, %dma_start3A_840, %dma_start3A_845] : memref<4x20x128xi32, #tpu.memory_space<vmem>> -> memref<1x1x128xi32, #tpu.memory_space<vmem>>
    %dma_start3A_847 = tpu.memref_squeeze %dma_start3A_846 : memref<1x1x128xi32, #tpu.memory_space<vmem>> -> memref<128xi32, #tpu.memory_space<vmem>>
    %dma_start3A_848 = arith.constant 0 : i32
    %dma_start3A_849 = tpu.memref_slice %arg2[%dma_start3A_848] : memref<20000000xf32, #tpu.memory_space<hbm>> -> memref<20000000xf32, #tpu.memory_space<hbm>>
    tpu.enqueue_indirect_dma source(%dma_start3A_849 : memref<20000000xf32, #tpu.memory_space<hbm>>) target(%dma_start3A_844 : memref<128xf32, #tpu.memory_space<vmem>>) offsets(%dma_start3A_847 : memref<128xi32, #tpu.memory_space<vmem>>) semaphore(%arg15 : memref<!tpu.dma_semaphore, #tpu.memory_space<semaphore_mem>>)
    %dma_start3A_850 = arith.constant 3 : i32
    %dma_start3A_851 = arith.constant 13 : i32
    %dma_start3A_852 = arith.constant 13 : i32
    %dma_start3A_853 = arith.constant 384 : i32
    %dma_start3A_854 = tpu.memref_slice %arg10[%dma_start3A_852, %dma_start3A_853] : memref<20x512xf32, #tpu.memory_space<vmem>> -> memref<1x128xf32, #tpu.memory_space<vmem>>
    %dma_start3A_855 = tpu.memref_squeeze %dma_start3A_854 : memref<1x128xf32, #tpu.memory_space<vmem>> -> memref<128xf32, #tpu.memory_space<vmem>>
    %dma_start3A_856 = arith.constant 0 : i32
    %dma_start3A_857 = tpu.memref_slice %arg9[%dma_start3A_850, %dma_start3A_851, %dma_start3A_856] : memref<4x20x128xi32, #tpu.memory_space<vmem>> -> memref<1x1x128xi32, #tpu.memory_space<vmem>>
    %dma_start3A_858 = tpu.memref_squeeze %dma_start3A_857 : memref<1x1x128xi32, #tpu.memory_space<vmem>> -> memref<128xi32, #tpu.memory_space<vmem>>
    %dma_start3A_859 = arith.constant 0 : i32
    %dma_start3A_860 = tpu.memref_slice %arg2[%dma_start3A_859] : memref<20000000xf32, #tpu.memory_space<hbm>> -> memref<20000000xf32, #tpu.memory_space<hbm>>
    tpu.enqueue_indirect_dma source(%dma_start3A_860 : memref<20000000xf32, #tpu.memory_space<hbm>>) target(%dma_start3A_855 : memref<128xf32, #tpu.memory_space<vmem>>) offsets(%dma_start3A_858 : memref<128xi32, #tpu.memory_space<vmem>>) semaphore(%arg15 : memref<!tpu.dma_semaphore, #tpu.memory_space<semaphore_mem>>)
    %dma_start3A_861 = arith.constant 3 : i32
    %dma_start3A_862 = arith.constant 14 : i32
    %dma_start3A_863 = arith.constant 14 : i32
    %dma_start3A_864 = arith.constant 384 : i32
    %dma_start3A_865 = tpu.memref_slice %arg10[%dma_start3A_863, %dma_start3A_864] : memref<20x512xf32, #tpu.memory_space<vmem>> -> memref<1x128xf32, #tpu.memory_space<vmem>>
    %dma_start3A_866 = tpu.memref_squeeze %dma_start3A_865 : memref<1x128xf32, #tpu.memory_space<vmem>> -> memref<128xf32, #tpu.memory_space<vmem>>
    %dma_start3A_867 = arith.constant 0 : i32
    %dma_start3A_868 = tpu.memref_slice %arg9[%dma_start3A_861, %dma_start3A_862, %dma_start3A_867] : memref<4x20x128xi32, #tpu.memory_space<vmem>> -> memref<1x1x128xi32, #tpu.memory_space<vmem>>
    %dma_start3A_869 = tpu.memref_squeeze %dma_start3A_868 : memref<1x1x128xi32, #tpu.memory_space<vmem>> -> memref<128xi32, #tpu.memory_space<vmem>>
    %dma_start3A_870 = arith.constant 0 : i32
    %dma_start3A_871 = tpu.memref_slice %arg2[%dma_start3A_870] : memref<20000000xf32, #tpu.memory_space<hbm>> -> memref<20000000xf32, #tpu.memory_space<hbm>>
    tpu.enqueue_indirect_dma source(%dma_start3A_871 : memref<20000000xf32, #tpu.memory_space<hbm>>) target(%dma_start3A_866 : memref<128xf32, #tpu.memory_space<vmem>>) offsets(%dma_start3A_869 : memref<128xi32, #tpu.memory_space<vmem>>) semaphore(%arg15 : memref<!tpu.dma_semaphore, #tpu.memory_space<semaphore_mem>>)
    %dma_start3A_872 = arith.constant 3 : i32
    %dma_start3A_873 = arith.constant 15 : i32
    %dma_start3A_874 = arith.constant 15 : i32
    %dma_start3A_875 = arith.constant 384 : i32
    %dma_start3A_876 = tpu.memref_slice %arg10[%dma_start3A_874, %dma_start3A_875] : memref<20x512xf32, #tpu.memory_space<vmem>> -> memref<1x128xf32, #tpu.memory_space<vmem>>
    %dma_start3A_877 = tpu.memref_squeeze %dma_start3A_876 : memref<1x128xf32, #tpu.memory_space<vmem>> -> memref<128xf32, #tpu.memory_space<vmem>>
    %dma_start3A_878 = arith.constant 0 : i32
    %dma_start3A_879 = tpu.memref_slice %arg9[%dma_start3A_872, %dma_start3A_873, %dma_start3A_878] : memref<4x20x128xi32, #tpu.memory_space<vmem>> -> memref<1x1x128xi32, #tpu.memory_space<vmem>>
    %dma_start3A_880 = tpu.memref_squeeze %dma_start3A_879 : memref<1x1x128xi32, #tpu.memory_space<vmem>> -> memref<128xi32, #tpu.memory_space<vmem>>
    %dma_start3A_881 = arith.constant 0 : i32
    %dma_start3A_882 = tpu.memref_slice %arg2[%dma_start3A_881] : memref<20000000xf32, #tpu.memory_space<hbm>> -> memref<20000000xf32, #tpu.memory_space<hbm>>
    tpu.enqueue_indirect_dma source(%dma_start3A_882 : memref<20000000xf32, #tpu.memory_space<hbm>>) target(%dma_start3A_877 : memref<128xf32, #tpu.memory_space<vmem>>) offsets(%dma_start3A_880 : memref<128xi32, #tpu.memory_space<vmem>>) semaphore(%arg15 : memref<!tpu.dma_semaphore, #tpu.memory_space<semaphore_mem>>)
    %dma_start3A_883 = arith.constant 3 : i32
    %dma_start3A_884 = arith.constant 16 : i32
    %dma_start3A_885 = arith.constant 16 : i32
    %dma_start3A_886 = arith.constant 384 : i32
    %dma_start3A_887 = tpu.memref_slice %arg10[%dma_start3A_885, %dma_start3A_886] : memref<20x512xf32, #tpu.memory_space<vmem>> -> memref<1x128xf32, #tpu.memory_space<vmem>>
    %dma_start3A_888 = tpu.memref_squeeze %dma_start3A_887 : memref<1x128xf32, #tpu.memory_space<vmem>> -> memref<128xf32, #tpu.memory_space<vmem>>
    %dma_start3A_889 = arith.constant 0 : i32
    %dma_start3A_890 = tpu.memref_slice %arg9[%dma_start3A_883, %dma_start3A_884, %dma_start3A_889] : memref<4x20x128xi32, #tpu.memory_space<vmem>> -> memref<1x1x128xi32, #tpu.memory_space<vmem>>
    %dma_start3A_891 = tpu.memref_squeeze %dma_start3A_890 : memref<1x1x128xi32, #tpu.memory_space<vmem>> -> memref<128xi32, #tpu.memory_space<vmem>>
    %dma_start3A_892 = arith.constant 0 : i32
    %dma_start3A_893 = tpu.memref_slice %arg2[%dma_start3A_892] : memref<20000000xf32, #tpu.memory_space<hbm>> -> memref<20000000xf32, #tpu.memory_space<hbm>>
    tpu.enqueue_indirect_dma source(%dma_start3A_893 : memref<20000000xf32, #tpu.memory_space<hbm>>) target(%dma_start3A_888 : memref<128xf32, #tpu.memory_space<vmem>>) offsets(%dma_start3A_891 : memref<128xi32, #tpu.memory_space<vmem>>) semaphore(%arg15 : memref<!tpu.dma_semaphore, #tpu.memory_space<semaphore_mem>>)
    %dma_start3A_894 = arith.constant 3 : i32
    %dma_start3A_895 = arith.constant 17 : i32
    %dma_start3A_896 = arith.constant 17 : i32
    %dma_start3A_897 = arith.constant 384 : i32
    %dma_start3A_898 = tpu.memref_slice %arg10[%dma_start3A_896, %dma_start3A_897] : memref<20x512xf32, #tpu.memory_space<vmem>> -> memref<1x128xf32, #tpu.memory_space<vmem>>
    %dma_start3A_899 = tpu.memref_squeeze %dma_start3A_898 : memref<1x128xf32, #tpu.memory_space<vmem>> -> memref<128xf32, #tpu.memory_space<vmem>>
    %dma_start3A_900 = arith.constant 0 : i32
    %dma_start3A_901 = tpu.memref_slice %arg9[%dma_start3A_894, %dma_start3A_895, %dma_start3A_900] : memref<4x20x128xi32, #tpu.memory_space<vmem>> -> memref<1x1x128xi32, #tpu.memory_space<vmem>>
    %dma_start3A_902 = tpu.memref_squeeze %dma_start3A_901 : memref<1x1x128xi32, #tpu.memory_space<vmem>> -> memref<128xi32, #tpu.memory_space<vmem>>
    %dma_start3A_903 = arith.constant 0 : i32
    %dma_start3A_904 = tpu.memref_slice %arg2[%dma_start3A_903] : memref<20000000xf32, #tpu.memory_space<hbm>> -> memref<20000000xf32, #tpu.memory_space<hbm>>
    tpu.enqueue_indirect_dma source(%dma_start3A_904 : memref<20000000xf32, #tpu.memory_space<hbm>>) target(%dma_start3A_899 : memref<128xf32, #tpu.memory_space<vmem>>) offsets(%dma_start3A_902 : memref<128xi32, #tpu.memory_space<vmem>>) semaphore(%arg15 : memref<!tpu.dma_semaphore, #tpu.memory_space<semaphore_mem>>)
    %dma_start3A_905 = arith.constant 3 : i32
    %dma_start3A_906 = arith.constant 18 : i32
    %dma_start3A_907 = arith.constant 18 : i32
    %dma_start3A_908 = arith.constant 384 : i32
    %dma_start3A_909 = tpu.memref_slice %arg10[%dma_start3A_907, %dma_start3A_908] : memref<20x512xf32, #tpu.memory_space<vmem>> -> memref<1x128xf32, #tpu.memory_space<vmem>>
    %dma_start3A_910 = tpu.memref_squeeze %dma_start3A_909 : memref<1x128xf32, #tpu.memory_space<vmem>> -> memref<128xf32, #tpu.memory_space<vmem>>
    %dma_start3A_911 = arith.constant 0 : i32
    %dma_start3A_912 = tpu.memref_slice %arg9[%dma_start3A_905, %dma_start3A_906, %dma_start3A_911] : memref<4x20x128xi32, #tpu.memory_space<vmem>> -> memref<1x1x128xi32, #tpu.memory_space<vmem>>
    %dma_start3A_913 = tpu.memref_squeeze %dma_start3A_912 : memref<1x1x128xi32, #tpu.memory_space<vmem>> -> memref<128xi32, #tpu.memory_space<vmem>>
    %dma_start3A_914 = arith.constant 0 : i32
    %dma_start3A_915 = tpu.memref_slice %arg2[%dma_start3A_914] : memref<20000000xf32, #tpu.memory_space<hbm>> -> memref<20000000xf32, #tpu.memory_space<hbm>>
    tpu.enqueue_indirect_dma source(%dma_start3A_915 : memref<20000000xf32, #tpu.memory_space<hbm>>) target(%dma_start3A_910 : memref<128xf32, #tpu.memory_space<vmem>>) offsets(%dma_start3A_913 : memref<128xi32, #tpu.memory_space<vmem>>) semaphore(%arg15 : memref<!tpu.dma_semaphore, #tpu.memory_space<semaphore_mem>>)
    %dma_start3A_916 = arith.constant 3 : i32
    %dma_start3A_917 = arith.constant 19 : i32
    %dma_start3A_918 = arith.constant 19 : i32
    %dma_start3A_919 = arith.constant 384 : i32
    %dma_start3A_920 = tpu.memref_slice %arg10[%dma_start3A_918, %dma_start3A_919] : memref<20x512xf32, #tpu.memory_space<vmem>> -> memref<1x128xf32, #tpu.memory_space<vmem>>
    %dma_start3A_921 = tpu.memref_squeeze %dma_start3A_920 : memref<1x128xf32, #tpu.memory_space<vmem>> -> memref<128xf32, #tpu.memory_space<vmem>>
    %dma_start3A_922 = arith.constant 0 : i32
    %dma_start3A_923 = tpu.memref_slice %arg9[%dma_start3A_916, %dma_start3A_917, %dma_start3A_922] : memref<4x20x128xi32, #tpu.memory_space<vmem>> -> memref<1x1x128xi32, #tpu.memory_space<vmem>>
    %dma_start3A_924 = tpu.memref_squeeze %dma_start3A_923 : memref<1x1x128xi32, #tpu.memory_space<vmem>> -> memref<128xi32, #tpu.memory_space<vmem>>
    %dma_start3A_925 = arith.constant 0 : i32
    %dma_start3A_926 = tpu.memref_slice %arg2[%dma_start3A_925] : memref<20000000xf32, #tpu.memory_space<hbm>> -> memref<20000000xf32, #tpu.memory_space<hbm>>
    tpu.enqueue_indirect_dma source(%dma_start3A_926 : memref<20000000xf32, #tpu.memory_space<hbm>>) target(%dma_start3A_921 : memref<128xf32, #tpu.memory_space<vmem>>) offsets(%dma_start3A_924 : memref<128xi32, #tpu.memory_space<vmem>>) semaphore(%arg15 : memref<!tpu.dma_semaphore, #tpu.memory_space<semaphore_mem>>)
    %dma_start3A_927 = arith.constant 3 : i32
    %dma_start3A_928 = arith.constant 384 : i32
    %dma_start3A_929 = tpu.memref_slice %arg12[%dma_start3A_928] : memref<512xf32, #tpu.memory_space<vmem>> -> memref<128xf32, #tpu.memory_space<vmem>>
    %dma_start3A_930 = arith.constant 0 : i32
    %dma_start3A_931 = tpu.memref_slice %arg8[%dma_start3A_927, %dma_start3A_930] : memref<4x128xi32, #tpu.memory_space<vmem>> -> memref<1x128xi32, #tpu.memory_space<vmem>>
    %dma_start3A_932 = tpu.memref_squeeze %dma_start3A_931 : memref<1x128xi32, #tpu.memory_space<vmem>> -> memref<128xi32, #tpu.memory_space<vmem>>
    %dma_start3A_933 = arith.constant 0 : i32
    %dma_start3A_934 = tpu.memref_slice %arg3[%dma_start3A_933] : memref<1000000xf32, #tpu.memory_space<hbm>> -> memref<1000000xf32, #tpu.memory_space<hbm>>
    tpu.enqueue_indirect_dma source(%dma_start3A_934 : memref<1000000xf32, #tpu.memory_space<hbm>>) target(%dma_start3A_929 : memref<128xf32, #tpu.memory_space<vmem>>) offsets(%dma_start3A_932 : memref<128xi32, #tpu.memory_space<vmem>>) semaphore(%arg15 : memref<!tpu.dma_semaphore, #tpu.memory_space<semaphore_mem>>)
    %dma_wait3A = arith.constant 0 : i32
    %dma_wait3A_935 = arith.constant 0 : i32
    %dma_wait3A_936 = arith.constant 0 : i32
    %dma_wait3A_937 = arith.constant 0 : i32
    %dma_wait3A_938 = tpu.memref_slice %arg10[%dma_wait3A_936, %dma_wait3A_937] : memref<20x512xf32, #tpu.memory_space<vmem>> -> memref<1x128xf32, #tpu.memory_space<vmem>>
    %dma_wait3A_939 = tpu.memref_squeeze %dma_wait3A_938 : memref<1x128xf32, #tpu.memory_space<vmem>> -> memref<128xf32, #tpu.memory_space<vmem>>
    %dma_wait3A_940 = arith.constant 0 : i32
    %dma_wait3A_941 = tpu.memref_slice %arg9[%dma_wait3A, %dma_wait3A_935, %dma_wait3A_940] : memref<4x20x128xi32, #tpu.memory_space<vmem>> -> memref<1x1x128xi32, #tpu.memory_space<vmem>>
    %dma_wait3A_942 = tpu.memref_squeeze %dma_wait3A_941 : memref<1x1x128xi32, #tpu.memory_space<vmem>> -> memref<128xi32, #tpu.memory_space<vmem>>
    %dma_wait3A_943 = arith.constant 0 : i32
    %dma_wait3A_944 = tpu.memref_slice %arg2[%dma_wait3A_943] : memref<20000000xf32, #tpu.memory_space<hbm>> -> memref<20000000xf32, #tpu.memory_space<hbm>>
    tpu.wait_indirect_dma semaphore(%arg15 : memref<!tpu.dma_semaphore, #tpu.memory_space<semaphore_mem>>) src(%dma_wait3A_944 : memref<20000000xf32, #tpu.memory_space<hbm>>) dst(%dma_wait3A_939 : memref<128xf32, #tpu.memory_space<vmem>>)
    %dma_wait3A_945 = arith.constant 0 : i32
    %dma_wait3A_946 = arith.constant 1 : i32
    %dma_wait3A_947 = arith.constant 1 : i32
    %dma_wait3A_948 = arith.constant 0 : i32
    %dma_wait3A_949 = tpu.memref_slice %arg10[%dma_wait3A_947, %dma_wait3A_948] : memref<20x512xf32, #tpu.memory_space<vmem>> -> memref<1x128xf32, #tpu.memory_space<vmem>>
    %dma_wait3A_950 = tpu.memref_squeeze %dma_wait3A_949 : memref<1x128xf32, #tpu.memory_space<vmem>> -> memref<128xf32, #tpu.memory_space<vmem>>
    %dma_wait3A_951 = arith.constant 0 : i32
    %dma_wait3A_952 = tpu.memref_slice %arg9[%dma_wait3A_945, %dma_wait3A_946, %dma_wait3A_951] : memref<4x20x128xi32, #tpu.memory_space<vmem>> -> memref<1x1x128xi32, #tpu.memory_space<vmem>>
    %dma_wait3A_953 = tpu.memref_squeeze %dma_wait3A_952 : memref<1x1x128xi32, #tpu.memory_space<vmem>> -> memref<128xi32, #tpu.memory_space<vmem>>
    %dma_wait3A_954 = arith.constant 0 : i32
    %dma_wait3A_955 = tpu.memref_slice %arg2[%dma_wait3A_954] : memref<20000000xf32, #tpu.memory_space<hbm>> -> memref<20000000xf32, #tpu.memory_space<hbm>>
    tpu.wait_indirect_dma semaphore(%arg15 : memref<!tpu.dma_semaphore, #tpu.memory_space<semaphore_mem>>) src(%dma_wait3A_955 : memref<20000000xf32, #tpu.memory_space<hbm>>) dst(%dma_wait3A_950 : memref<128xf32, #tpu.memory_space<vmem>>)
    %dma_wait3A_956 = arith.constant 0 : i32
    %dma_wait3A_957 = arith.constant 2 : i32
    %dma_wait3A_958 = arith.constant 2 : i32
    %dma_wait3A_959 = arith.constant 0 : i32
    %dma_wait3A_960 = tpu.memref_slice %arg10[%dma_wait3A_958, %dma_wait3A_959] : memref<20x512xf32, #tpu.memory_space<vmem>> -> memref<1x128xf32, #tpu.memory_space<vmem>>
    %dma_wait3A_961 = tpu.memref_squeeze %dma_wait3A_960 : memref<1x128xf32, #tpu.memory_space<vmem>> -> memref<128xf32, #tpu.memory_space<vmem>>
    %dma_wait3A_962 = arith.constant 0 : i32
    %dma_wait3A_963 = tpu.memref_slice %arg9[%dma_wait3A_956, %dma_wait3A_957, %dma_wait3A_962] : memref<4x20x128xi32, #tpu.memory_space<vmem>> -> memref<1x1x128xi32, #tpu.memory_space<vmem>>
    %dma_wait3A_964 = tpu.memref_squeeze %dma_wait3A_963 : memref<1x1x128xi32, #tpu.memory_space<vmem>> -> memref<128xi32, #tpu.memory_space<vmem>>
    %dma_wait3A_965 = arith.constant 0 : i32
    %dma_wait3A_966 = tpu.memref_slice %arg2[%dma_wait3A_965] : memref<20000000xf32, #tpu.memory_space<hbm>> -> memref<20000000xf32, #tpu.memory_space<hbm>>
    tpu.wait_indirect_dma semaphore(%arg15 : memref<!tpu.dma_semaphore, #tpu.memory_space<semaphore_mem>>) src(%dma_wait3A_966 : memref<20000000xf32, #tpu.memory_space<hbm>>) dst(%dma_wait3A_961 : memref<128xf32, #tpu.memory_space<vmem>>)
    %dma_wait3A_967 = arith.constant 0 : i32
    %dma_wait3A_968 = arith.constant 3 : i32
    %dma_wait3A_969 = arith.constant 3 : i32
    %dma_wait3A_970 = arith.constant 0 : i32
    %dma_wait3A_971 = tpu.memref_slice %arg10[%dma_wait3A_969, %dma_wait3A_970] : memref<20x512xf32, #tpu.memory_space<vmem>> -> memref<1x128xf32, #tpu.memory_space<vmem>>
    %dma_wait3A_972 = tpu.memref_squeeze %dma_wait3A_971 : memref<1x128xf32, #tpu.memory_space<vmem>> -> memref<128xf32, #tpu.memory_space<vmem>>
    %dma_wait3A_973 = arith.constant 0 : i32
    %dma_wait3A_974 = tpu.memref_slice %arg9[%dma_wait3A_967, %dma_wait3A_968, %dma_wait3A_973] : memref<4x20x128xi32, #tpu.memory_space<vmem>> -> memref<1x1x128xi32, #tpu.memory_space<vmem>>
    %dma_wait3A_975 = tpu.memref_squeeze %dma_wait3A_974 : memref<1x1x128xi32, #tpu.memory_space<vmem>> -> memref<128xi32, #tpu.memory_space<vmem>>
    %dma_wait3A_976 = arith.constant 0 : i32
    %dma_wait3A_977 = tpu.memref_slice %arg2[%dma_wait3A_976] : memref<20000000xf32, #tpu.memory_space<hbm>> -> memref<20000000xf32, #tpu.memory_space<hbm>>
    tpu.wait_indirect_dma semaphore(%arg15 : memref<!tpu.dma_semaphore, #tpu.memory_space<semaphore_mem>>) src(%dma_wait3A_977 : memref<20000000xf32, #tpu.memory_space<hbm>>) dst(%dma_wait3A_972 : memref<128xf32, #tpu.memory_space<vmem>>)
    %dma_wait3A_978 = arith.constant 0 : i32
    %dma_wait3A_979 = arith.constant 4 : i32
    %dma_wait3A_980 = arith.constant 4 : i32
    %dma_wait3A_981 = arith.constant 0 : i32
    %dma_wait3A_982 = tpu.memref_slice %arg10[%dma_wait3A_980, %dma_wait3A_981] : memref<20x512xf32, #tpu.memory_space<vmem>> -> memref<1x128xf32, #tpu.memory_space<vmem>>
    %dma_wait3A_983 = tpu.memref_squeeze %dma_wait3A_982 : memref<1x128xf32, #tpu.memory_space<vmem>> -> memref<128xf32, #tpu.memory_space<vmem>>
    %dma_wait3A_984 = arith.constant 0 : i32
    %dma_wait3A_985 = tpu.memref_slice %arg9[%dma_wait3A_978, %dma_wait3A_979, %dma_wait3A_984] : memref<4x20x128xi32, #tpu.memory_space<vmem>> -> memref<1x1x128xi32, #tpu.memory_space<vmem>>
    %dma_wait3A_986 = tpu.memref_squeeze %dma_wait3A_985 : memref<1x1x128xi32, #tpu.memory_space<vmem>> -> memref<128xi32, #tpu.memory_space<vmem>>
    %dma_wait3A_987 = arith.constant 0 : i32
    %dma_wait3A_988 = tpu.memref_slice %arg2[%dma_wait3A_987] : memref<20000000xf32, #tpu.memory_space<hbm>> -> memref<20000000xf32, #tpu.memory_space<hbm>>
    tpu.wait_indirect_dma semaphore(%arg15 : memref<!tpu.dma_semaphore, #tpu.memory_space<semaphore_mem>>) src(%dma_wait3A_988 : memref<20000000xf32, #tpu.memory_space<hbm>>) dst(%dma_wait3A_983 : memref<128xf32, #tpu.memory_space<vmem>>)
    %dma_wait3A_989 = arith.constant 0 : i32
    %dma_wait3A_990 = arith.constant 5 : i32
    %dma_wait3A_991 = arith.constant 5 : i32
    %dma_wait3A_992 = arith.constant 0 : i32
    %dma_wait3A_993 = tpu.memref_slice %arg10[%dma_wait3A_991, %dma_wait3A_992] : memref<20x512xf32, #tpu.memory_space<vmem>> -> memref<1x128xf32, #tpu.memory_space<vmem>>
    %dma_wait3A_994 = tpu.memref_squeeze %dma_wait3A_993 : memref<1x128xf32, #tpu.memory_space<vmem>> -> memref<128xf32, #tpu.memory_space<vmem>>
    %dma_wait3A_995 = arith.constant 0 : i32
    %dma_wait3A_996 = tpu.memref_slice %arg9[%dma_wait3A_989, %dma_wait3A_990, %dma_wait3A_995] : memref<4x20x128xi32, #tpu.memory_space<vmem>> -> memref<1x1x128xi32, #tpu.memory_space<vmem>>
    %dma_wait3A_997 = tpu.memref_squeeze %dma_wait3A_996 : memref<1x1x128xi32, #tpu.memory_space<vmem>> -> memref<128xi32, #tpu.memory_space<vmem>>
    %dma_wait3A_998 = arith.constant 0 : i32
    %dma_wait3A_999 = tpu.memref_slice %arg2[%dma_wait3A_998] : memref<20000000xf32, #tpu.memory_space<hbm>> -> memref<20000000xf32, #tpu.memory_space<hbm>>
    tpu.wait_indirect_dma semaphore(%arg15 : memref<!tpu.dma_semaphore, #tpu.memory_space<semaphore_mem>>) src(%dma_wait3A_999 : memref<20000000xf32, #tpu.memory_space<hbm>>) dst(%dma_wait3A_994 : memref<128xf32, #tpu.memory_space<vmem>>)
    %dma_wait3A_1000 = arith.constant 0 : i32
    %dma_wait3A_1001 = arith.constant 6 : i32
    %dma_wait3A_1002 = arith.constant 6 : i32
    %dma_wait3A_1003 = arith.constant 0 : i32
    %dma_wait3A_1004 = tpu.memref_slice %arg10[%dma_wait3A_1002, %dma_wait3A_1003] : memref<20x512xf32, #tpu.memory_space<vmem>> -> memref<1x128xf32, #tpu.memory_space<vmem>>
    %dma_wait3A_1005 = tpu.memref_squeeze %dma_wait3A_1004 : memref<1x128xf32, #tpu.memory_space<vmem>> -> memref<128xf32, #tpu.memory_space<vmem>>
    %dma_wait3A_1006 = arith.constant 0 : i32
    %dma_wait3A_1007 = tpu.memref_slice %arg9[%dma_wait3A_1000, %dma_wait3A_1001, %dma_wait3A_1006] : memref<4x20x128xi32, #tpu.memory_space<vmem>> -> memref<1x1x128xi32, #tpu.memory_space<vmem>>
    %dma_wait3A_1008 = tpu.memref_squeeze %dma_wait3A_1007 : memref<1x1x128xi32, #tpu.memory_space<vmem>> -> memref<128xi32, #tpu.memory_space<vmem>>
    %dma_wait3A_1009 = arith.constant 0 : i32
    %dma_wait3A_1010 = tpu.memref_slice %arg2[%dma_wait3A_1009] : memref<20000000xf32, #tpu.memory_space<hbm>> -> memref<20000000xf32, #tpu.memory_space<hbm>>
    tpu.wait_indirect_dma semaphore(%arg15 : memref<!tpu.dma_semaphore, #tpu.memory_space<semaphore_mem>>) src(%dma_wait3A_1010 : memref<20000000xf32, #tpu.memory_space<hbm>>) dst(%dma_wait3A_1005 : memref<128xf32, #tpu.memory_space<vmem>>)
    %dma_wait3A_1011 = arith.constant 0 : i32
    %dma_wait3A_1012 = arith.constant 7 : i32
    %dma_wait3A_1013 = arith.constant 7 : i32
    %dma_wait3A_1014 = arith.constant 0 : i32
    %dma_wait3A_1015 = tpu.memref_slice %arg10[%dma_wait3A_1013, %dma_wait3A_1014] : memref<20x512xf32, #tpu.memory_space<vmem>> -> memref<1x128xf32, #tpu.memory_space<vmem>>
    %dma_wait3A_1016 = tpu.memref_squeeze %dma_wait3A_1015 : memref<1x128xf32, #tpu.memory_space<vmem>> -> memref<128xf32, #tpu.memory_space<vmem>>
    %dma_wait3A_1017 = arith.constant 0 : i32
    %dma_wait3A_1018 = tpu.memref_slice %arg9[%dma_wait3A_1011, %dma_wait3A_1012, %dma_wait3A_1017] : memref<4x20x128xi32, #tpu.memory_space<vmem>> -> memref<1x1x128xi32, #tpu.memory_space<vmem>>
    %dma_wait3A_1019 = tpu.memref_squeeze %dma_wait3A_1018 : memref<1x1x128xi32, #tpu.memory_space<vmem>> -> memref<128xi32, #tpu.memory_space<vmem>>
    %dma_wait3A_1020 = arith.constant 0 : i32
    %dma_wait3A_1021 = tpu.memref_slice %arg2[%dma_wait3A_1020] : memref<20000000xf32, #tpu.memory_space<hbm>> -> memref<20000000xf32, #tpu.memory_space<hbm>>
    tpu.wait_indirect_dma semaphore(%arg15 : memref<!tpu.dma_semaphore, #tpu.memory_space<semaphore_mem>>) src(%dma_wait3A_1021 : memref<20000000xf32, #tpu.memory_space<hbm>>) dst(%dma_wait3A_1016 : memref<128xf32, #tpu.memory_space<vmem>>)
    %dma_wait3A_1022 = arith.constant 0 : i32
    %dma_wait3A_1023 = arith.constant 8 : i32
    %dma_wait3A_1024 = arith.constant 8 : i32
    %dma_wait3A_1025 = arith.constant 0 : i32
    %dma_wait3A_1026 = tpu.memref_slice %arg10[%dma_wait3A_1024, %dma_wait3A_1025] : memref<20x512xf32, #tpu.memory_space<vmem>> -> memref<1x128xf32, #tpu.memory_space<vmem>>
    %dma_wait3A_1027 = tpu.memref_squeeze %dma_wait3A_1026 : memref<1x128xf32, #tpu.memory_space<vmem>> -> memref<128xf32, #tpu.memory_space<vmem>>
    %dma_wait3A_1028 = arith.constant 0 : i32
    %dma_wait3A_1029 = tpu.memref_slice %arg9[%dma_wait3A_1022, %dma_wait3A_1023, %dma_wait3A_1028] : memref<4x20x128xi32, #tpu.memory_space<vmem>> -> memref<1x1x128xi32, #tpu.memory_space<vmem>>
    %dma_wait3A_1030 = tpu.memref_squeeze %dma_wait3A_1029 : memref<1x1x128xi32, #tpu.memory_space<vmem>> -> memref<128xi32, #tpu.memory_space<vmem>>
    %dma_wait3A_1031 = arith.constant 0 : i32
    %dma_wait3A_1032 = tpu.memref_slice %arg2[%dma_wait3A_1031] : memref<20000000xf32, #tpu.memory_space<hbm>> -> memref<20000000xf32, #tpu.memory_space<hbm>>
    tpu.wait_indirect_dma semaphore(%arg15 : memref<!tpu.dma_semaphore, #tpu.memory_space<semaphore_mem>>) src(%dma_wait3A_1032 : memref<20000000xf32, #tpu.memory_space<hbm>>) dst(%dma_wait3A_1027 : memref<128xf32, #tpu.memory_space<vmem>>)
    %dma_wait3A_1033 = arith.constant 0 : i32
    %dma_wait3A_1034 = arith.constant 9 : i32
    %dma_wait3A_1035 = arith.constant 9 : i32
    %dma_wait3A_1036 = arith.constant 0 : i32
    %dma_wait3A_1037 = tpu.memref_slice %arg10[%dma_wait3A_1035, %dma_wait3A_1036] : memref<20x512xf32, #tpu.memory_space<vmem>> -> memref<1x128xf32, #tpu.memory_space<vmem>>
    %dma_wait3A_1038 = tpu.memref_squeeze %dma_wait3A_1037 : memref<1x128xf32, #tpu.memory_space<vmem>> -> memref<128xf32, #tpu.memory_space<vmem>>
    %dma_wait3A_1039 = arith.constant 0 : i32
    %dma_wait3A_1040 = tpu.memref_slice %arg9[%dma_wait3A_1033, %dma_wait3A_1034, %dma_wait3A_1039] : memref<4x20x128xi32, #tpu.memory_space<vmem>> -> memref<1x1x128xi32, #tpu.memory_space<vmem>>
    %dma_wait3A_1041 = tpu.memref_squeeze %dma_wait3A_1040 : memref<1x1x128xi32, #tpu.memory_space<vmem>> -> memref<128xi32, #tpu.memory_space<vmem>>
    %dma_wait3A_1042 = arith.constant 0 : i32
    %dma_wait3A_1043 = tpu.memref_slice %arg2[%dma_wait3A_1042] : memref<20000000xf32, #tpu.memory_space<hbm>> -> memref<20000000xf32, #tpu.memory_space<hbm>>
    tpu.wait_indirect_dma semaphore(%arg15 : memref<!tpu.dma_semaphore, #tpu.memory_space<semaphore_mem>>) src(%dma_wait3A_1043 : memref<20000000xf32, #tpu.memory_space<hbm>>) dst(%dma_wait3A_1038 : memref<128xf32, #tpu.memory_space<vmem>>)
    %dma_wait3A_1044 = arith.constant 0 : i32
    %dma_wait3A_1045 = arith.constant 10 : i32
    %dma_wait3A_1046 = arith.constant 10 : i32
    %dma_wait3A_1047 = arith.constant 0 : i32
    %dma_wait3A_1048 = tpu.memref_slice %arg10[%dma_wait3A_1046, %dma_wait3A_1047] : memref<20x512xf32, #tpu.memory_space<vmem>> -> memref<1x128xf32, #tpu.memory_space<vmem>>
    %dma_wait3A_1049 = tpu.memref_squeeze %dma_wait3A_1048 : memref<1x128xf32, #tpu.memory_space<vmem>> -> memref<128xf32, #tpu.memory_space<vmem>>
    %dma_wait3A_1050 = arith.constant 0 : i32
    %dma_wait3A_1051 = tpu.memref_slice %arg9[%dma_wait3A_1044, %dma_wait3A_1045, %dma_wait3A_1050] : memref<4x20x128xi32, #tpu.memory_space<vmem>> -> memref<1x1x128xi32, #tpu.memory_space<vmem>>
    %dma_wait3A_1052 = tpu.memref_squeeze %dma_wait3A_1051 : memref<1x1x128xi32, #tpu.memory_space<vmem>> -> memref<128xi32, #tpu.memory_space<vmem>>
    %dma_wait3A_1053 = arith.constant 0 : i32
    %dma_wait3A_1054 = tpu.memref_slice %arg2[%dma_wait3A_1053] : memref<20000000xf32, #tpu.memory_space<hbm>> -> memref<20000000xf32, #tpu.memory_space<hbm>>
    tpu.wait_indirect_dma semaphore(%arg15 : memref<!tpu.dma_semaphore, #tpu.memory_space<semaphore_mem>>) src(%dma_wait3A_1054 : memref<20000000xf32, #tpu.memory_space<hbm>>) dst(%dma_wait3A_1049 : memref<128xf32, #tpu.memory_space<vmem>>)
    %dma_wait3A_1055 = arith.constant 0 : i32
    %dma_wait3A_1056 = arith.constant 11 : i32
    %dma_wait3A_1057 = arith.constant 11 : i32
    %dma_wait3A_1058 = arith.constant 0 : i32
    %dma_wait3A_1059 = tpu.memref_slice %arg10[%dma_wait3A_1057, %dma_wait3A_1058] : memref<20x512xf32, #tpu.memory_space<vmem>> -> memref<1x128xf32, #tpu.memory_space<vmem>>
    %dma_wait3A_1060 = tpu.memref_squeeze %dma_wait3A_1059 : memref<1x128xf32, #tpu.memory_space<vmem>> -> memref<128xf32, #tpu.memory_space<vmem>>
    %dma_wait3A_1061 = arith.constant 0 : i32
    %dma_wait3A_1062 = tpu.memref_slice %arg9[%dma_wait3A_1055, %dma_wait3A_1056, %dma_wait3A_1061] : memref<4x20x128xi32, #tpu.memory_space<vmem>> -> memref<1x1x128xi32, #tpu.memory_space<vmem>>
    %dma_wait3A_1063 = tpu.memref_squeeze %dma_wait3A_1062 : memref<1x1x128xi32, #tpu.memory_space<vmem>> -> memref<128xi32, #tpu.memory_space<vmem>>
    %dma_wait3A_1064 = arith.constant 0 : i32
    %dma_wait3A_1065 = tpu.memref_slice %arg2[%dma_wait3A_1064] : memref<20000000xf32, #tpu.memory_space<hbm>> -> memref<20000000xf32, #tpu.memory_space<hbm>>
    tpu.wait_indirect_dma semaphore(%arg15 : memref<!tpu.dma_semaphore, #tpu.memory_space<semaphore_mem>>) src(%dma_wait3A_1065 : memref<20000000xf32, #tpu.memory_space<hbm>>) dst(%dma_wait3A_1060 : memref<128xf32, #tpu.memory_space<vmem>>)
    %dma_wait3A_1066 = arith.constant 0 : i32
    %dma_wait3A_1067 = arith.constant 12 : i32
    %dma_wait3A_1068 = arith.constant 12 : i32
    %dma_wait3A_1069 = arith.constant 0 : i32
    %dma_wait3A_1070 = tpu.memref_slice %arg10[%dma_wait3A_1068, %dma_wait3A_1069] : memref<20x512xf32, #tpu.memory_space<vmem>> -> memref<1x128xf32, #tpu.memory_space<vmem>>
    %dma_wait3A_1071 = tpu.memref_squeeze %dma_wait3A_1070 : memref<1x128xf32, #tpu.memory_space<vmem>> -> memref<128xf32, #tpu.memory_space<vmem>>
    %dma_wait3A_1072 = arith.constant 0 : i32
    %dma_wait3A_1073 = tpu.memref_slice %arg9[%dma_wait3A_1066, %dma_wait3A_1067, %dma_wait3A_1072] : memref<4x20x128xi32, #tpu.memory_space<vmem>> -> memref<1x1x128xi32, #tpu.memory_space<vmem>>
    %dma_wait3A_1074 = tpu.memref_squeeze %dma_wait3A_1073 : memref<1x1x128xi32, #tpu.memory_space<vmem>> -> memref<128xi32, #tpu.memory_space<vmem>>
    %dma_wait3A_1075 = arith.constant 0 : i32
    %dma_wait3A_1076 = tpu.memref_slice %arg2[%dma_wait3A_1075] : memref<20000000xf32, #tpu.memory_space<hbm>> -> memref<20000000xf32, #tpu.memory_space<hbm>>
    tpu.wait_indirect_dma semaphore(%arg15 : memref<!tpu.dma_semaphore, #tpu.memory_space<semaphore_mem>>) src(%dma_wait3A_1076 : memref<20000000xf32, #tpu.memory_space<hbm>>) dst(%dma_wait3A_1071 : memref<128xf32, #tpu.memory_space<vmem>>)
    %dma_wait3A_1077 = arith.constant 0 : i32
    %dma_wait3A_1078 = arith.constant 13 : i32
    %dma_wait3A_1079 = arith.constant 13 : i32
    %dma_wait3A_1080 = arith.constant 0 : i32
    %dma_wait3A_1081 = tpu.memref_slice %arg10[%dma_wait3A_1079, %dma_wait3A_1080] : memref<20x512xf32, #tpu.memory_space<vmem>> -> memref<1x128xf32, #tpu.memory_space<vmem>>
    %dma_wait3A_1082 = tpu.memref_squeeze %dma_wait3A_1081 : memref<1x128xf32, #tpu.memory_space<vmem>> -> memref<128xf32, #tpu.memory_space<vmem>>
    %dma_wait3A_1083 = arith.constant 0 : i32
    %dma_wait3A_1084 = tpu.memref_slice %arg9[%dma_wait3A_1077, %dma_wait3A_1078, %dma_wait3A_1083] : memref<4x20x128xi32, #tpu.memory_space<vmem>> -> memref<1x1x128xi32, #tpu.memory_space<vmem>>
    %dma_wait3A_1085 = tpu.memref_squeeze %dma_wait3A_1084 : memref<1x1x128xi32, #tpu.memory_space<vmem>> -> memref<128xi32, #tpu.memory_space<vmem>>
    %dma_wait3A_1086 = arith.constant 0 : i32
    %dma_wait3A_1087 = tpu.memref_slice %arg2[%dma_wait3A_1086] : memref<20000000xf32, #tpu.memory_space<hbm>> -> memref<20000000xf32, #tpu.memory_space<hbm>>
    tpu.wait_indirect_dma semaphore(%arg15 : memref<!tpu.dma_semaphore, #tpu.memory_space<semaphore_mem>>) src(%dma_wait3A_1087 : memref<20000000xf32, #tpu.memory_space<hbm>>) dst(%dma_wait3A_1082 : memref<128xf32, #tpu.memory_space<vmem>>)
    %dma_wait3A_1088 = arith.constant 0 : i32
    %dma_wait3A_1089 = arith.constant 14 : i32
    %dma_wait3A_1090 = arith.constant 14 : i32
    %dma_wait3A_1091 = arith.constant 0 : i32
    %dma_wait3A_1092 = tpu.memref_slice %arg10[%dma_wait3A_1090, %dma_wait3A_1091] : memref<20x512xf32, #tpu.memory_space<vmem>> -> memref<1x128xf32, #tpu.memory_space<vmem>>
    %dma_wait3A_1093 = tpu.memref_squeeze %dma_wait3A_1092 : memref<1x128xf32, #tpu.memory_space<vmem>> -> memref<128xf32, #tpu.memory_space<vmem>>
    %dma_wait3A_1094 = arith.constant 0 : i32
    %dma_wait3A_1095 = tpu.memref_slice %arg9[%dma_wait3A_1088, %dma_wait3A_1089, %dma_wait3A_1094] : memref<4x20x128xi32, #tpu.memory_space<vmem>> -> memref<1x1x128xi32, #tpu.memory_space<vmem>>
    %dma_wait3A_1096 = tpu.memref_squeeze %dma_wait3A_1095 : memref<1x1x128xi32, #tpu.memory_space<vmem>> -> memref<128xi32, #tpu.memory_space<vmem>>
    %dma_wait3A_1097 = arith.constant 0 : i32
    %dma_wait3A_1098 = tpu.memref_slice %arg2[%dma_wait3A_1097] : memref<20000000xf32, #tpu.memory_space<hbm>> -> memref<20000000xf32, #tpu.memory_space<hbm>>
    tpu.wait_indirect_dma semaphore(%arg15 : memref<!tpu.dma_semaphore, #tpu.memory_space<semaphore_mem>>) src(%dma_wait3A_1098 : memref<20000000xf32, #tpu.memory_space<hbm>>) dst(%dma_wait3A_1093 : memref<128xf32, #tpu.memory_space<vmem>>)
    %dma_wait3A_1099 = arith.constant 0 : i32
    %dma_wait3A_1100 = arith.constant 15 : i32
    %dma_wait3A_1101 = arith.constant 15 : i32
    %dma_wait3A_1102 = arith.constant 0 : i32
    %dma_wait3A_1103 = tpu.memref_slice %arg10[%dma_wait3A_1101, %dma_wait3A_1102] : memref<20x512xf32, #tpu.memory_space<vmem>> -> memref<1x128xf32, #tpu.memory_space<vmem>>
    %dma_wait3A_1104 = tpu.memref_squeeze %dma_wait3A_1103 : memref<1x128xf32, #tpu.memory_space<vmem>> -> memref<128xf32, #tpu.memory_space<vmem>>
    %dma_wait3A_1105 = arith.constant 0 : i32
    %dma_wait3A_1106 = tpu.memref_slice %arg9[%dma_wait3A_1099, %dma_wait3A_1100, %dma_wait3A_1105] : memref<4x20x128xi32, #tpu.memory_space<vmem>> -> memref<1x1x128xi32, #tpu.memory_space<vmem>>
    %dma_wait3A_1107 = tpu.memref_squeeze %dma_wait3A_1106 : memref<1x1x128xi32, #tpu.memory_space<vmem>> -> memref<128xi32, #tpu.memory_space<vmem>>
    %dma_wait3A_1108 = arith.constant 0 : i32
    %dma_wait3A_1109 = tpu.memref_slice %arg2[%dma_wait3A_1108] : memref<20000000xf32, #tpu.memory_space<hbm>> -> memref<20000000xf32, #tpu.memory_space<hbm>>
    tpu.wait_indirect_dma semaphore(%arg15 : memref<!tpu.dma_semaphore, #tpu.memory_space<semaphore_mem>>) src(%dma_wait3A_1109 : memref<20000000xf32, #tpu.memory_space<hbm>>) dst(%dma_wait3A_1104 : memref<128xf32, #tpu.memory_space<vmem>>)
    %dma_wait3A_1110 = arith.constant 0 : i32
    %dma_wait3A_1111 = arith.constant 16 : i32
    %dma_wait3A_1112 = arith.constant 16 : i32
    %dma_wait3A_1113 = arith.constant 0 : i32
    %dma_wait3A_1114 = tpu.memref_slice %arg10[%dma_wait3A_1112, %dma_wait3A_1113] : memref<20x512xf32, #tpu.memory_space<vmem>> -> memref<1x128xf32, #tpu.memory_space<vmem>>
    %dma_wait3A_1115 = tpu.memref_squeeze %dma_wait3A_1114 : memref<1x128xf32, #tpu.memory_space<vmem>> -> memref<128xf32, #tpu.memory_space<vmem>>
    %dma_wait3A_1116 = arith.constant 0 : i32
    %dma_wait3A_1117 = tpu.memref_slice %arg9[%dma_wait3A_1110, %dma_wait3A_1111, %dma_wait3A_1116] : memref<4x20x128xi32, #tpu.memory_space<vmem>> -> memref<1x1x128xi32, #tpu.memory_space<vmem>>
    %dma_wait3A_1118 = tpu.memref_squeeze %dma_wait3A_1117 : memref<1x1x128xi32, #tpu.memory_space<vmem>> -> memref<128xi32, #tpu.memory_space<vmem>>
    %dma_wait3A_1119 = arith.constant 0 : i32
    %dma_wait3A_1120 = tpu.memref_slice %arg2[%dma_wait3A_1119] : memref<20000000xf32, #tpu.memory_space<hbm>> -> memref<20000000xf32, #tpu.memory_space<hbm>>
    tpu.wait_indirect_dma semaphore(%arg15 : memref<!tpu.dma_semaphore, #tpu.memory_space<semaphore_mem>>) src(%dma_wait3A_1120 : memref<20000000xf32, #tpu.memory_space<hbm>>) dst(%dma_wait3A_1115 : memref<128xf32, #tpu.memory_space<vmem>>)
    %dma_wait3A_1121 = arith.constant 0 : i32
    %dma_wait3A_1122 = arith.constant 17 : i32
    %dma_wait3A_1123 = arith.constant 17 : i32
    %dma_wait3A_1124 = arith.constant 0 : i32
    %dma_wait3A_1125 = tpu.memref_slice %arg10[%dma_wait3A_1123, %dma_wait3A_1124] : memref<20x512xf32, #tpu.memory_space<vmem>> -> memref<1x128xf32, #tpu.memory_space<vmem>>
    %dma_wait3A_1126 = tpu.memref_squeeze %dma_wait3A_1125 : memref<1x128xf32, #tpu.memory_space<vmem>> -> memref<128xf32, #tpu.memory_space<vmem>>
    %dma_wait3A_1127 = arith.constant 0 : i32
    %dma_wait3A_1128 = tpu.memref_slice %arg9[%dma_wait3A_1121, %dma_wait3A_1122, %dma_wait3A_1127] : memref<4x20x128xi32, #tpu.memory_space<vmem>> -> memref<1x1x128xi32, #tpu.memory_space<vmem>>
    %dma_wait3A_1129 = tpu.memref_squeeze %dma_wait3A_1128 : memref<1x1x128xi32, #tpu.memory_space<vmem>> -> memref<128xi32, #tpu.memory_space<vmem>>
    %dma_wait3A_1130 = arith.constant 0 : i32
    %dma_wait3A_1131 = tpu.memref_slice %arg2[%dma_wait3A_1130] : memref<20000000xf32, #tpu.memory_space<hbm>> -> memref<20000000xf32, #tpu.memory_space<hbm>>
    tpu.wait_indirect_dma semaphore(%arg15 : memref<!tpu.dma_semaphore, #tpu.memory_space<semaphore_mem>>) src(%dma_wait3A_1131 : memref<20000000xf32, #tpu.memory_space<hbm>>) dst(%dma_wait3A_1126 : memref<128xf32, #tpu.memory_space<vmem>>)
    %dma_wait3A_1132 = arith.constant 0 : i32
    %dma_wait3A_1133 = arith.constant 18 : i32
    %dma_wait3A_1134 = arith.constant 18 : i32
    %dma_wait3A_1135 = arith.constant 0 : i32
    %dma_wait3A_1136 = tpu.memref_slice %arg10[%dma_wait3A_1134, %dma_wait3A_1135] : memref<20x512xf32, #tpu.memory_space<vmem>> -> memref<1x128xf32, #tpu.memory_space<vmem>>
    %dma_wait3A_1137 = tpu.memref_squeeze %dma_wait3A_1136 : memref<1x128xf32, #tpu.memory_space<vmem>> -> memref<128xf32, #tpu.memory_space<vmem>>
    %dma_wait3A_1138 = arith.constant 0 : i32
    %dma_wait3A_1139 = tpu.memref_slice %arg9[%dma_wait3A_1132, %dma_wait3A_1133, %dma_wait3A_1138] : memref<4x20x128xi32, #tpu.memory_space<vmem>> -> memref<1x1x128xi32, #tpu.memory_space<vmem>>
    %dma_wait3A_1140 = tpu.memref_squeeze %dma_wait3A_1139 : memref<1x1x128xi32, #tpu.memory_space<vmem>> -> memref<128xi32, #tpu.memory_space<vmem>>
    %dma_wait3A_1141 = arith.constant 0 : i32
    %dma_wait3A_1142 = tpu.memref_slice %arg2[%dma_wait3A_1141] : memref<20000000xf32, #tpu.memory_space<hbm>> -> memref<20000000xf32, #tpu.memory_space<hbm>>
    tpu.wait_indirect_dma semaphore(%arg15 : memref<!tpu.dma_semaphore, #tpu.memory_space<semaphore_mem>>) src(%dma_wait3A_1142 : memref<20000000xf32, #tpu.memory_space<hbm>>) dst(%dma_wait3A_1137 : memref<128xf32, #tpu.memory_space<vmem>>)
    %dma_wait3A_1143 = arith.constant 0 : i32
    %dma_wait3A_1144 = arith.constant 19 : i32
    %dma_wait3A_1145 = arith.constant 19 : i32
    %dma_wait3A_1146 = arith.constant 0 : i32
    %dma_wait3A_1147 = tpu.memref_slice %arg10[%dma_wait3A_1145, %dma_wait3A_1146] : memref<20x512xf32, #tpu.memory_space<vmem>> -> memref<1x128xf32, #tpu.memory_space<vmem>>
    %dma_wait3A_1148 = tpu.memref_squeeze %dma_wait3A_1147 : memref<1x128xf32, #tpu.memory_space<vmem>> -> memref<128xf32, #tpu.memory_space<vmem>>
    %dma_wait3A_1149 = arith.constant 0 : i32
    %dma_wait3A_1150 = tpu.memref_slice %arg9[%dma_wait3A_1143, %dma_wait3A_1144, %dma_wait3A_1149] : memref<4x20x128xi32, #tpu.memory_space<vmem>> -> memref<1x1x128xi32, #tpu.memory_space<vmem>>
    %dma_wait3A_1151 = tpu.memref_squeeze %dma_wait3A_1150 : memref<1x1x128xi32, #tpu.memory_space<vmem>> -> memref<128xi32, #tpu.memory_space<vmem>>
    %dma_wait3A_1152 = arith.constant 0 : i32
    %dma_wait3A_1153 = tpu.memref_slice %arg2[%dma_wait3A_1152] : memref<20000000xf32, #tpu.memory_space<hbm>> -> memref<20000000xf32, #tpu.memory_space<hbm>>
    tpu.wait_indirect_dma semaphore(%arg15 : memref<!tpu.dma_semaphore, #tpu.memory_space<semaphore_mem>>) src(%dma_wait3A_1153 : memref<20000000xf32, #tpu.memory_space<hbm>>) dst(%dma_wait3A_1148 : memref<128xf32, #tpu.memory_space<vmem>>)
    %dma_wait3A_1154 = arith.constant 0 : i32
    %dma_wait3A_1155 = arith.constant 0 : i32
    %dma_wait3A_1156 = tpu.memref_slice %arg12[%dma_wait3A_1155] : memref<512xf32, #tpu.memory_space<vmem>> -> memref<128xf32, #tpu.memory_space<vmem>>
    %dma_wait3A_1157 = arith.constant 0 : i32
    %dma_wait3A_1158 = tpu.memref_slice %arg8[%dma_wait3A_1154, %dma_wait3A_1157] : memref<4x128xi32, #tpu.memory_space<vmem>> -> memref<1x128xi32, #tpu.memory_space<vmem>>
    %dma_wait3A_1159 = tpu.memref_squeeze %dma_wait3A_1158 : memref<1x128xi32, #tpu.memory_space<vmem>> -> memref<128xi32, #tpu.memory_space<vmem>>
    %dma_wait3A_1160 = arith.constant 0 : i32
    %dma_wait3A_1161 = tpu.memref_slice %arg3[%dma_wait3A_1160] : memref<1000000xf32, #tpu.memory_space<hbm>> -> memref<1000000xf32, #tpu.memory_space<hbm>>
    tpu.wait_indirect_dma semaphore(%arg15 : memref<!tpu.dma_semaphore, #tpu.memory_space<semaphore_mem>>) src(%dma_wait3A_1161 : memref<1000000xf32, #tpu.memory_space<hbm>>) dst(%dma_wait3A_1156 : memref<128xf32, #tpu.memory_space<vmem>>)
    %dma_wait3A_1162 = arith.constant 1 : i32
    %dma_wait3A_1163 = arith.constant 0 : i32
    %dma_wait3A_1164 = arith.constant 0 : i32
    %dma_wait3A_1165 = arith.constant 128 : i32
    %dma_wait3A_1166 = tpu.memref_slice %arg10[%dma_wait3A_1164, %dma_wait3A_1165] : memref<20x512xf32, #tpu.memory_space<vmem>> -> memref<1x128xf32, #tpu.memory_space<vmem>>
    %dma_wait3A_1167 = tpu.memref_squeeze %dma_wait3A_1166 : memref<1x128xf32, #tpu.memory_space<vmem>> -> memref<128xf32, #tpu.memory_space<vmem>>
    %dma_wait3A_1168 = arith.constant 0 : i32
    %dma_wait3A_1169 = tpu.memref_slice %arg9[%dma_wait3A_1162, %dma_wait3A_1163, %dma_wait3A_1168] : memref<4x20x128xi32, #tpu.memory_space<vmem>> -> memref<1x1x128xi32, #tpu.memory_space<vmem>>
    %dma_wait3A_1170 = tpu.memref_squeeze %dma_wait3A_1169 : memref<1x1x128xi32, #tpu.memory_space<vmem>> -> memref<128xi32, #tpu.memory_space<vmem>>
    %dma_wait3A_1171 = arith.constant 0 : i32
    %dma_wait3A_1172 = tpu.memref_slice %arg2[%dma_wait3A_1171] : memref<20000000xf32, #tpu.memory_space<hbm>> -> memref<20000000xf32, #tpu.memory_space<hbm>>
    tpu.wait_indirect_dma semaphore(%arg15 : memref<!tpu.dma_semaphore, #tpu.memory_space<semaphore_mem>>) src(%dma_wait3A_1172 : memref<20000000xf32, #tpu.memory_space<hbm>>) dst(%dma_wait3A_1167 : memref<128xf32, #tpu.memory_space<vmem>>)
    %dma_wait3A_1173 = arith.constant 1 : i32
    %dma_wait3A_1174 = arith.constant 1 : i32
    %dma_wait3A_1175 = arith.constant 1 : i32
    %dma_wait3A_1176 = arith.constant 128 : i32
    %dma_wait3A_1177 = tpu.memref_slice %arg10[%dma_wait3A_1175, %dma_wait3A_1176] : memref<20x512xf32, #tpu.memory_space<vmem>> -> memref<1x128xf32, #tpu.memory_space<vmem>>
    %dma_wait3A_1178 = tpu.memref_squeeze %dma_wait3A_1177 : memref<1x128xf32, #tpu.memory_space<vmem>> -> memref<128xf32, #tpu.memory_space<vmem>>
    %dma_wait3A_1179 = arith.constant 0 : i32
    %dma_wait3A_1180 = tpu.memref_slice %arg9[%dma_wait3A_1173, %dma_wait3A_1174, %dma_wait3A_1179] : memref<4x20x128xi32, #tpu.memory_space<vmem>> -> memref<1x1x128xi32, #tpu.memory_space<vmem>>
    %dma_wait3A_1181 = tpu.memref_squeeze %dma_wait3A_1180 : memref<1x1x128xi32, #tpu.memory_space<vmem>> -> memref<128xi32, #tpu.memory_space<vmem>>
    %dma_wait3A_1182 = arith.constant 0 : i32
    %dma_wait3A_1183 = tpu.memref_slice %arg2[%dma_wait3A_1182] : memref<20000000xf32, #tpu.memory_space<hbm>> -> memref<20000000xf32, #tpu.memory_space<hbm>>
    tpu.wait_indirect_dma semaphore(%arg15 : memref<!tpu.dma_semaphore, #tpu.memory_space<semaphore_mem>>) src(%dma_wait3A_1183 : memref<20000000xf32, #tpu.memory_space<hbm>>) dst(%dma_wait3A_1178 : memref<128xf32, #tpu.memory_space<vmem>>)
    %dma_wait3A_1184 = arith.constant 1 : i32
    %dma_wait3A_1185 = arith.constant 2 : i32
    %dma_wait3A_1186 = arith.constant 2 : i32
    %dma_wait3A_1187 = arith.constant 128 : i32
    %dma_wait3A_1188 = tpu.memref_slice %arg10[%dma_wait3A_1186, %dma_wait3A_1187] : memref<20x512xf32, #tpu.memory_space<vmem>> -> memref<1x128xf32, #tpu.memory_space<vmem>>
    %dma_wait3A_1189 = tpu.memref_squeeze %dma_wait3A_1188 : memref<1x128xf32, #tpu.memory_space<vmem>> -> memref<128xf32, #tpu.memory_space<vmem>>
    %dma_wait3A_1190 = arith.constant 0 : i32
    %dma_wait3A_1191 = tpu.memref_slice %arg9[%dma_wait3A_1184, %dma_wait3A_1185, %dma_wait3A_1190] : memref<4x20x128xi32, #tpu.memory_space<vmem>> -> memref<1x1x128xi32, #tpu.memory_space<vmem>>
    %dma_wait3A_1192 = tpu.memref_squeeze %dma_wait3A_1191 : memref<1x1x128xi32, #tpu.memory_space<vmem>> -> memref<128xi32, #tpu.memory_space<vmem>>
    %dma_wait3A_1193 = arith.constant 0 : i32
    %dma_wait3A_1194 = tpu.memref_slice %arg2[%dma_wait3A_1193] : memref<20000000xf32, #tpu.memory_space<hbm>> -> memref<20000000xf32, #tpu.memory_space<hbm>>
    tpu.wait_indirect_dma semaphore(%arg15 : memref<!tpu.dma_semaphore, #tpu.memory_space<semaphore_mem>>) src(%dma_wait3A_1194 : memref<20000000xf32, #tpu.memory_space<hbm>>) dst(%dma_wait3A_1189 : memref<128xf32, #tpu.memory_space<vmem>>)
    %dma_wait3A_1195 = arith.constant 1 : i32
    %dma_wait3A_1196 = arith.constant 3 : i32
    %dma_wait3A_1197 = arith.constant 3 : i32
    %dma_wait3A_1198 = arith.constant 128 : i32
    %dma_wait3A_1199 = tpu.memref_slice %arg10[%dma_wait3A_1197, %dma_wait3A_1198] : memref<20x512xf32, #tpu.memory_space<vmem>> -> memref<1x128xf32, #tpu.memory_space<vmem>>
    %dma_wait3A_1200 = tpu.memref_squeeze %dma_wait3A_1199 : memref<1x128xf32, #tpu.memory_space<vmem>> -> memref<128xf32, #tpu.memory_space<vmem>>
    %dma_wait3A_1201 = arith.constant 0 : i32
    %dma_wait3A_1202 = tpu.memref_slice %arg9[%dma_wait3A_1195, %dma_wait3A_1196, %dma_wait3A_1201] : memref<4x20x128xi32, #tpu.memory_space<vmem>> -> memref<1x1x128xi32, #tpu.memory_space<vmem>>
    %dma_wait3A_1203 = tpu.memref_squeeze %dma_wait3A_1202 : memref<1x1x128xi32, #tpu.memory_space<vmem>> -> memref<128xi32, #tpu.memory_space<vmem>>
    %dma_wait3A_1204 = arith.constant 0 : i32
    %dma_wait3A_1205 = tpu.memref_slice %arg2[%dma_wait3A_1204] : memref<20000000xf32, #tpu.memory_space<hbm>> -> memref<20000000xf32, #tpu.memory_space<hbm>>
    tpu.wait_indirect_dma semaphore(%arg15 : memref<!tpu.dma_semaphore, #tpu.memory_space<semaphore_mem>>) src(%dma_wait3A_1205 : memref<20000000xf32, #tpu.memory_space<hbm>>) dst(%dma_wait3A_1200 : memref<128xf32, #tpu.memory_space<vmem>>)
    %dma_wait3A_1206 = arith.constant 1 : i32
    %dma_wait3A_1207 = arith.constant 4 : i32
    %dma_wait3A_1208 = arith.constant 4 : i32
    %dma_wait3A_1209 = arith.constant 128 : i32
    %dma_wait3A_1210 = tpu.memref_slice %arg10[%dma_wait3A_1208, %dma_wait3A_1209] : memref<20x512xf32, #tpu.memory_space<vmem>> -> memref<1x128xf32, #tpu.memory_space<vmem>>
    %dma_wait3A_1211 = tpu.memref_squeeze %dma_wait3A_1210 : memref<1x128xf32, #tpu.memory_space<vmem>> -> memref<128xf32, #tpu.memory_space<vmem>>
    %dma_wait3A_1212 = arith.constant 0 : i32
    %dma_wait3A_1213 = tpu.memref_slice %arg9[%dma_wait3A_1206, %dma_wait3A_1207, %dma_wait3A_1212] : memref<4x20x128xi32, #tpu.memory_space<vmem>> -> memref<1x1x128xi32, #tpu.memory_space<vmem>>
    %dma_wait3A_1214 = tpu.memref_squeeze %dma_wait3A_1213 : memref<1x1x128xi32, #tpu.memory_space<vmem>> -> memref<128xi32, #tpu.memory_space<vmem>>
    %dma_wait3A_1215 = arith.constant 0 : i32
    %dma_wait3A_1216 = tpu.memref_slice %arg2[%dma_wait3A_1215] : memref<20000000xf32, #tpu.memory_space<hbm>> -> memref<20000000xf32, #tpu.memory_space<hbm>>
    tpu.wait_indirect_dma semaphore(%arg15 : memref<!tpu.dma_semaphore, #tpu.memory_space<semaphore_mem>>) src(%dma_wait3A_1216 : memref<20000000xf32, #tpu.memory_space<hbm>>) dst(%dma_wait3A_1211 : memref<128xf32, #tpu.memory_space<vmem>>)
    %dma_wait3A_1217 = arith.constant 1 : i32
    %dma_wait3A_1218 = arith.constant 5 : i32
    %dma_wait3A_1219 = arith.constant 5 : i32
    %dma_wait3A_1220 = arith.constant 128 : i32
    %dma_wait3A_1221 = tpu.memref_slice %arg10[%dma_wait3A_1219, %dma_wait3A_1220] : memref<20x512xf32, #tpu.memory_space<vmem>> -> memref<1x128xf32, #tpu.memory_space<vmem>>
    %dma_wait3A_1222 = tpu.memref_squeeze %dma_wait3A_1221 : memref<1x128xf32, #tpu.memory_space<vmem>> -> memref<128xf32, #tpu.memory_space<vmem>>
    %dma_wait3A_1223 = arith.constant 0 : i32
    %dma_wait3A_1224 = tpu.memref_slice %arg9[%dma_wait3A_1217, %dma_wait3A_1218, %dma_wait3A_1223] : memref<4x20x128xi32, #tpu.memory_space<vmem>> -> memref<1x1x128xi32, #tpu.memory_space<vmem>>
    %dma_wait3A_1225 = tpu.memref_squeeze %dma_wait3A_1224 : memref<1x1x128xi32, #tpu.memory_space<vmem>> -> memref<128xi32, #tpu.memory_space<vmem>>
    %dma_wait3A_1226 = arith.constant 0 : i32
    %dma_wait3A_1227 = tpu.memref_slice %arg2[%dma_wait3A_1226] : memref<20000000xf32, #tpu.memory_space<hbm>> -> memref<20000000xf32, #tpu.memory_space<hbm>>
    tpu.wait_indirect_dma semaphore(%arg15 : memref<!tpu.dma_semaphore, #tpu.memory_space<semaphore_mem>>) src(%dma_wait3A_1227 : memref<20000000xf32, #tpu.memory_space<hbm>>) dst(%dma_wait3A_1222 : memref<128xf32, #tpu.memory_space<vmem>>)
    %dma_wait3A_1228 = arith.constant 1 : i32
    %dma_wait3A_1229 = arith.constant 6 : i32
    %dma_wait3A_1230 = arith.constant 6 : i32
    %dma_wait3A_1231 = arith.constant 128 : i32
    %dma_wait3A_1232 = tpu.memref_slice %arg10[%dma_wait3A_1230, %dma_wait3A_1231] : memref<20x512xf32, #tpu.memory_space<vmem>> -> memref<1x128xf32, #tpu.memory_space<vmem>>
    %dma_wait3A_1233 = tpu.memref_squeeze %dma_wait3A_1232 : memref<1x128xf32, #tpu.memory_space<vmem>> -> memref<128xf32, #tpu.memory_space<vmem>>
    %dma_wait3A_1234 = arith.constant 0 : i32
    %dma_wait3A_1235 = tpu.memref_slice %arg9[%dma_wait3A_1228, %dma_wait3A_1229, %dma_wait3A_1234] : memref<4x20x128xi32, #tpu.memory_space<vmem>> -> memref<1x1x128xi32, #tpu.memory_space<vmem>>
    %dma_wait3A_1236 = tpu.memref_squeeze %dma_wait3A_1235 : memref<1x1x128xi32, #tpu.memory_space<vmem>> -> memref<128xi32, #tpu.memory_space<vmem>>
    %dma_wait3A_1237 = arith.constant 0 : i32
    %dma_wait3A_1238 = tpu.memref_slice %arg2[%dma_wait3A_1237] : memref<20000000xf32, #tpu.memory_space<hbm>> -> memref<20000000xf32, #tpu.memory_space<hbm>>
    tpu.wait_indirect_dma semaphore(%arg15 : memref<!tpu.dma_semaphore, #tpu.memory_space<semaphore_mem>>) src(%dma_wait3A_1238 : memref<20000000xf32, #tpu.memory_space<hbm>>) dst(%dma_wait3A_1233 : memref<128xf32, #tpu.memory_space<vmem>>)
    %dma_wait3A_1239 = arith.constant 1 : i32
    %dma_wait3A_1240 = arith.constant 7 : i32
    %dma_wait3A_1241 = arith.constant 7 : i32
    %dma_wait3A_1242 = arith.constant 128 : i32
    %dma_wait3A_1243 = tpu.memref_slice %arg10[%dma_wait3A_1241, %dma_wait3A_1242] : memref<20x512xf32, #tpu.memory_space<vmem>> -> memref<1x128xf32, #tpu.memory_space<vmem>>
    %dma_wait3A_1244 = tpu.memref_squeeze %dma_wait3A_1243 : memref<1x128xf32, #tpu.memory_space<vmem>> -> memref<128xf32, #tpu.memory_space<vmem>>
    %dma_wait3A_1245 = arith.constant 0 : i32
    %dma_wait3A_1246 = tpu.memref_slice %arg9[%dma_wait3A_1239, %dma_wait3A_1240, %dma_wait3A_1245] : memref<4x20x128xi32, #tpu.memory_space<vmem>> -> memref<1x1x128xi32, #tpu.memory_space<vmem>>
    %dma_wait3A_1247 = tpu.memref_squeeze %dma_wait3A_1246 : memref<1x1x128xi32, #tpu.memory_space<vmem>> -> memref<128xi32, #tpu.memory_space<vmem>>
    %dma_wait3A_1248 = arith.constant 0 : i32
    %dma_wait3A_1249 = tpu.memref_slice %arg2[%dma_wait3A_1248] : memref<20000000xf32, #tpu.memory_space<hbm>> -> memref<20000000xf32, #tpu.memory_space<hbm>>
    tpu.wait_indirect_dma semaphore(%arg15 : memref<!tpu.dma_semaphore, #tpu.memory_space<semaphore_mem>>) src(%dma_wait3A_1249 : memref<20000000xf32, #tpu.memory_space<hbm>>) dst(%dma_wait3A_1244 : memref<128xf32, #tpu.memory_space<vmem>>)
    %dma_wait3A_1250 = arith.constant 1 : i32
    %dma_wait3A_1251 = arith.constant 8 : i32
    %dma_wait3A_1252 = arith.constant 8 : i32
    %dma_wait3A_1253 = arith.constant 128 : i32
    %dma_wait3A_1254 = tpu.memref_slice %arg10[%dma_wait3A_1252, %dma_wait3A_1253] : memref<20x512xf32, #tpu.memory_space<vmem>> -> memref<1x128xf32, #tpu.memory_space<vmem>>
    %dma_wait3A_1255 = tpu.memref_squeeze %dma_wait3A_1254 : memref<1x128xf32, #tpu.memory_space<vmem>> -> memref<128xf32, #tpu.memory_space<vmem>>
    %dma_wait3A_1256 = arith.constant 0 : i32
    %dma_wait3A_1257 = tpu.memref_slice %arg9[%dma_wait3A_1250, %dma_wait3A_1251, %dma_wait3A_1256] : memref<4x20x128xi32, #tpu.memory_space<vmem>> -> memref<1x1x128xi32, #tpu.memory_space<vmem>>
    %dma_wait3A_1258 = tpu.memref_squeeze %dma_wait3A_1257 : memref<1x1x128xi32, #tpu.memory_space<vmem>> -> memref<128xi32, #tpu.memory_space<vmem>>
    %dma_wait3A_1259 = arith.constant 0 : i32
    %dma_wait3A_1260 = tpu.memref_slice %arg2[%dma_wait3A_1259] : memref<20000000xf32, #tpu.memory_space<hbm>> -> memref<20000000xf32, #tpu.memory_space<hbm>>
    tpu.wait_indirect_dma semaphore(%arg15 : memref<!tpu.dma_semaphore, #tpu.memory_space<semaphore_mem>>) src(%dma_wait3A_1260 : memref<20000000xf32, #tpu.memory_space<hbm>>) dst(%dma_wait3A_1255 : memref<128xf32, #tpu.memory_space<vmem>>)
    %dma_wait3A_1261 = arith.constant 1 : i32
    %dma_wait3A_1262 = arith.constant 9 : i32
    %dma_wait3A_1263 = arith.constant 9 : i32
    %dma_wait3A_1264 = arith.constant 128 : i32
    %dma_wait3A_1265 = tpu.memref_slice %arg10[%dma_wait3A_1263, %dma_wait3A_1264] : memref<20x512xf32, #tpu.memory_space<vmem>> -> memref<1x128xf32, #tpu.memory_space<vmem>>
    %dma_wait3A_1266 = tpu.memref_squeeze %dma_wait3A_1265 : memref<1x128xf32, #tpu.memory_space<vmem>> -> memref<128xf32, #tpu.memory_space<vmem>>
    %dma_wait3A_1267 = arith.constant 0 : i32
    %dma_wait3A_1268 = tpu.memref_slice %arg9[%dma_wait3A_1261, %dma_wait3A_1262, %dma_wait3A_1267] : memref<4x20x128xi32, #tpu.memory_space<vmem>> -> memref<1x1x128xi32, #tpu.memory_space<vmem>>
    %dma_wait3A_1269 = tpu.memref_squeeze %dma_wait3A_1268 : memref<1x1x128xi32, #tpu.memory_space<vmem>> -> memref<128xi32, #tpu.memory_space<vmem>>
    %dma_wait3A_1270 = arith.constant 0 : i32
    %dma_wait3A_1271 = tpu.memref_slice %arg2[%dma_wait3A_1270] : memref<20000000xf32, #tpu.memory_space<hbm>> -> memref<20000000xf32, #tpu.memory_space<hbm>>
    tpu.wait_indirect_dma semaphore(%arg15 : memref<!tpu.dma_semaphore, #tpu.memory_space<semaphore_mem>>) src(%dma_wait3A_1271 : memref<20000000xf32, #tpu.memory_space<hbm>>) dst(%dma_wait3A_1266 : memref<128xf32, #tpu.memory_space<vmem>>)
    %dma_wait3A_1272 = arith.constant 1 : i32
    %dma_wait3A_1273 = arith.constant 10 : i32
    %dma_wait3A_1274 = arith.constant 10 : i32
    %dma_wait3A_1275 = arith.constant 128 : i32
    %dma_wait3A_1276 = tpu.memref_slice %arg10[%dma_wait3A_1274, %dma_wait3A_1275] : memref<20x512xf32, #tpu.memory_space<vmem>> -> memref<1x128xf32, #tpu.memory_space<vmem>>
    %dma_wait3A_1277 = tpu.memref_squeeze %dma_wait3A_1276 : memref<1x128xf32, #tpu.memory_space<vmem>> -> memref<128xf32, #tpu.memory_space<vmem>>
    %dma_wait3A_1278 = arith.constant 0 : i32
    %dma_wait3A_1279 = tpu.memref_slice %arg9[%dma_wait3A_1272, %dma_wait3A_1273, %dma_wait3A_1278] : memref<4x20x128xi32, #tpu.memory_space<vmem>> -> memref<1x1x128xi32, #tpu.memory_space<vmem>>
    %dma_wait3A_1280 = tpu.memref_squeeze %dma_wait3A_1279 : memref<1x1x128xi32, #tpu.memory_space<vmem>> -> memref<128xi32, #tpu.memory_space<vmem>>
    %dma_wait3A_1281 = arith.constant 0 : i32
    %dma_wait3A_1282 = tpu.memref_slice %arg2[%dma_wait3A_1281] : memref<20000000xf32, #tpu.memory_space<hbm>> -> memref<20000000xf32, #tpu.memory_space<hbm>>
    tpu.wait_indirect_dma semaphore(%arg15 : memref<!tpu.dma_semaphore, #tpu.memory_space<semaphore_mem>>) src(%dma_wait3A_1282 : memref<20000000xf32, #tpu.memory_space<hbm>>) dst(%dma_wait3A_1277 : memref<128xf32, #tpu.memory_space<vmem>>)
    %dma_wait3A_1283 = arith.constant 1 : i32
    %dma_wait3A_1284 = arith.constant 11 : i32
    %dma_wait3A_1285 = arith.constant 11 : i32
    %dma_wait3A_1286 = arith.constant 128 : i32
    %dma_wait3A_1287 = tpu.memref_slice %arg10[%dma_wait3A_1285, %dma_wait3A_1286] : memref<20x512xf32, #tpu.memory_space<vmem>> -> memref<1x128xf32, #tpu.memory_space<vmem>>
    %dma_wait3A_1288 = tpu.memref_squeeze %dma_wait3A_1287 : memref<1x128xf32, #tpu.memory_space<vmem>> -> memref<128xf32, #tpu.memory_space<vmem>>
    %dma_wait3A_1289 = arith.constant 0 : i32
    %dma_wait3A_1290 = tpu.memref_slice %arg9[%dma_wait3A_1283, %dma_wait3A_1284, %dma_wait3A_1289] : memref<4x20x128xi32, #tpu.memory_space<vmem>> -> memref<1x1x128xi32, #tpu.memory_space<vmem>>
    %dma_wait3A_1291 = tpu.memref_squeeze %dma_wait3A_1290 : memref<1x1x128xi32, #tpu.memory_space<vmem>> -> memref<128xi32, #tpu.memory_space<vmem>>
    %dma_wait3A_1292 = arith.constant 0 : i32
    %dma_wait3A_1293 = tpu.memref_slice %arg2[%dma_wait3A_1292] : memref<20000000xf32, #tpu.memory_space<hbm>> -> memref<20000000xf32, #tpu.memory_space<hbm>>
    tpu.wait_indirect_dma semaphore(%arg15 : memref<!tpu.dma_semaphore, #tpu.memory_space<semaphore_mem>>) src(%dma_wait3A_1293 : memref<20000000xf32, #tpu.memory_space<hbm>>) dst(%dma_wait3A_1288 : memref<128xf32, #tpu.memory_space<vmem>>)
    %dma_wait3A_1294 = arith.constant 1 : i32
    %dma_wait3A_1295 = arith.constant 12 : i32
    %dma_wait3A_1296 = arith.constant 12 : i32
    %dma_wait3A_1297 = arith.constant 128 : i32
    %dma_wait3A_1298 = tpu.memref_slice %arg10[%dma_wait3A_1296, %dma_wait3A_1297] : memref<20x512xf32, #tpu.memory_space<vmem>> -> memref<1x128xf32, #tpu.memory_space<vmem>>
    %dma_wait3A_1299 = tpu.memref_squeeze %dma_wait3A_1298 : memref<1x128xf32, #tpu.memory_space<vmem>> -> memref<128xf32, #tpu.memory_space<vmem>>
    %dma_wait3A_1300 = arith.constant 0 : i32
    %dma_wait3A_1301 = tpu.memref_slice %arg9[%dma_wait3A_1294, %dma_wait3A_1295, %dma_wait3A_1300] : memref<4x20x128xi32, #tpu.memory_space<vmem>> -> memref<1x1x128xi32, #tpu.memory_space<vmem>>
    %dma_wait3A_1302 = tpu.memref_squeeze %dma_wait3A_1301 : memref<1x1x128xi32, #tpu.memory_space<vmem>> -> memref<128xi32, #tpu.memory_space<vmem>>
    %dma_wait3A_1303 = arith.constant 0 : i32
    %dma_wait3A_1304 = tpu.memref_slice %arg2[%dma_wait3A_1303] : memref<20000000xf32, #tpu.memory_space<hbm>> -> memref<20000000xf32, #tpu.memory_space<hbm>>
    tpu.wait_indirect_dma semaphore(%arg15 : memref<!tpu.dma_semaphore, #tpu.memory_space<semaphore_mem>>) src(%dma_wait3A_1304 : memref<20000000xf32, #tpu.memory_space<hbm>>) dst(%dma_wait3A_1299 : memref<128xf32, #tpu.memory_space<vmem>>)
    %dma_wait3A_1305 = arith.constant 1 : i32
    %dma_wait3A_1306 = arith.constant 13 : i32
    %dma_wait3A_1307 = arith.constant 13 : i32
    %dma_wait3A_1308 = arith.constant 128 : i32
    %dma_wait3A_1309 = tpu.memref_slice %arg10[%dma_wait3A_1307, %dma_wait3A_1308] : memref<20x512xf32, #tpu.memory_space<vmem>> -> memref<1x128xf32, #tpu.memory_space<vmem>>
    %dma_wait3A_1310 = tpu.memref_squeeze %dma_wait3A_1309 : memref<1x128xf32, #tpu.memory_space<vmem>> -> memref<128xf32, #tpu.memory_space<vmem>>
    %dma_wait3A_1311 = arith.constant 0 : i32
    %dma_wait3A_1312 = tpu.memref_slice %arg9[%dma_wait3A_1305, %dma_wait3A_1306, %dma_wait3A_1311] : memref<4x20x128xi32, #tpu.memory_space<vmem>> -> memref<1x1x128xi32, #tpu.memory_space<vmem>>
    %dma_wait3A_1313 = tpu.memref_squeeze %dma_wait3A_1312 : memref<1x1x128xi32, #tpu.memory_space<vmem>> -> memref<128xi32, #tpu.memory_space<vmem>>
    %dma_wait3A_1314 = arith.constant 0 : i32
    %dma_wait3A_1315 = tpu.memref_slice %arg2[%dma_wait3A_1314] : memref<20000000xf32, #tpu.memory_space<hbm>> -> memref<20000000xf32, #tpu.memory_space<hbm>>
    tpu.wait_indirect_dma semaphore(%arg15 : memref<!tpu.dma_semaphore, #tpu.memory_space<semaphore_mem>>) src(%dma_wait3A_1315 : memref<20000000xf32, #tpu.memory_space<hbm>>) dst(%dma_wait3A_1310 : memref<128xf32, #tpu.memory_space<vmem>>)
    %dma_wait3A_1316 = arith.constant 1 : i32
    %dma_wait3A_1317 = arith.constant 14 : i32
    %dma_wait3A_1318 = arith.constant 14 : i32
    %dma_wait3A_1319 = arith.constant 128 : i32
    %dma_wait3A_1320 = tpu.memref_slice %arg10[%dma_wait3A_1318, %dma_wait3A_1319] : memref<20x512xf32, #tpu.memory_space<vmem>> -> memref<1x128xf32, #tpu.memory_space<vmem>>
    %dma_wait3A_1321 = tpu.memref_squeeze %dma_wait3A_1320 : memref<1x128xf32, #tpu.memory_space<vmem>> -> memref<128xf32, #tpu.memory_space<vmem>>
    %dma_wait3A_1322 = arith.constant 0 : i32
    %dma_wait3A_1323 = tpu.memref_slice %arg9[%dma_wait3A_1316, %dma_wait3A_1317, %dma_wait3A_1322] : memref<4x20x128xi32, #tpu.memory_space<vmem>> -> memref<1x1x128xi32, #tpu.memory_space<vmem>>
    %dma_wait3A_1324 = tpu.memref_squeeze %dma_wait3A_1323 : memref<1x1x128xi32, #tpu.memory_space<vmem>> -> memref<128xi32, #tpu.memory_space<vmem>>
    %dma_wait3A_1325 = arith.constant 0 : i32
    %dma_wait3A_1326 = tpu.memref_slice %arg2[%dma_wait3A_1325] : memref<20000000xf32, #tpu.memory_space<hbm>> -> memref<20000000xf32, #tpu.memory_space<hbm>>
    tpu.wait_indirect_dma semaphore(%arg15 : memref<!tpu.dma_semaphore, #tpu.memory_space<semaphore_mem>>) src(%dma_wait3A_1326 : memref<20000000xf32, #tpu.memory_space<hbm>>) dst(%dma_wait3A_1321 : memref<128xf32, #tpu.memory_space<vmem>>)
    %dma_wait3A_1327 = arith.constant 1 : i32
    %dma_wait3A_1328 = arith.constant 15 : i32
    %dma_wait3A_1329 = arith.constant 15 : i32
    %dma_wait3A_1330 = arith.constant 128 : i32
    %dma_wait3A_1331 = tpu.memref_slice %arg10[%dma_wait3A_1329, %dma_wait3A_1330] : memref<20x512xf32, #tpu.memory_space<vmem>> -> memref<1x128xf32, #tpu.memory_space<vmem>>
    %dma_wait3A_1332 = tpu.memref_squeeze %dma_wait3A_1331 : memref<1x128xf32, #tpu.memory_space<vmem>> -> memref<128xf32, #tpu.memory_space<vmem>>
    %dma_wait3A_1333 = arith.constant 0 : i32
    %dma_wait3A_1334 = tpu.memref_slice %arg9[%dma_wait3A_1327, %dma_wait3A_1328, %dma_wait3A_1333] : memref<4x20x128xi32, #tpu.memory_space<vmem>> -> memref<1x1x128xi32, #tpu.memory_space<vmem>>
    %dma_wait3A_1335 = tpu.memref_squeeze %dma_wait3A_1334 : memref<1x1x128xi32, #tpu.memory_space<vmem>> -> memref<128xi32, #tpu.memory_space<vmem>>
    %dma_wait3A_1336 = arith.constant 0 : i32
    %dma_wait3A_1337 = tpu.memref_slice %arg2[%dma_wait3A_1336] : memref<20000000xf32, #tpu.memory_space<hbm>> -> memref<20000000xf32, #tpu.memory_space<hbm>>
    tpu.wait_indirect_dma semaphore(%arg15 : memref<!tpu.dma_semaphore, #tpu.memory_space<semaphore_mem>>) src(%dma_wait3A_1337 : memref<20000000xf32, #tpu.memory_space<hbm>>) dst(%dma_wait3A_1332 : memref<128xf32, #tpu.memory_space<vmem>>)
    %dma_wait3A_1338 = arith.constant 1 : i32
    %dma_wait3A_1339 = arith.constant 16 : i32
    %dma_wait3A_1340 = arith.constant 16 : i32
    %dma_wait3A_1341 = arith.constant 128 : i32
    %dma_wait3A_1342 = tpu.memref_slice %arg10[%dma_wait3A_1340, %dma_wait3A_1341] : memref<20x512xf32, #tpu.memory_space<vmem>> -> memref<1x128xf32, #tpu.memory_space<vmem>>
    %dma_wait3A_1343 = tpu.memref_squeeze %dma_wait3A_1342 : memref<1x128xf32, #tpu.memory_space<vmem>> -> memref<128xf32, #tpu.memory_space<vmem>>
    %dma_wait3A_1344 = arith.constant 0 : i32
    %dma_wait3A_1345 = tpu.memref_slice %arg9[%dma_wait3A_1338, %dma_wait3A_1339, %dma_wait3A_1344] : memref<4x20x128xi32, #tpu.memory_space<vmem>> -> memref<1x1x128xi32, #tpu.memory_space<vmem>>
    %dma_wait3A_1346 = tpu.memref_squeeze %dma_wait3A_1345 : memref<1x1x128xi32, #tpu.memory_space<vmem>> -> memref<128xi32, #tpu.memory_space<vmem>>
    %dma_wait3A_1347 = arith.constant 0 : i32
    %dma_wait3A_1348 = tpu.memref_slice %arg2[%dma_wait3A_1347] : memref<20000000xf32, #tpu.memory_space<hbm>> -> memref<20000000xf32, #tpu.memory_space<hbm>>
    tpu.wait_indirect_dma semaphore(%arg15 : memref<!tpu.dma_semaphore, #tpu.memory_space<semaphore_mem>>) src(%dma_wait3A_1348 : memref<20000000xf32, #tpu.memory_space<hbm>>) dst(%dma_wait3A_1343 : memref<128xf32, #tpu.memory_space<vmem>>)
    %dma_wait3A_1349 = arith.constant 1 : i32
    %dma_wait3A_1350 = arith.constant 17 : i32
    %dma_wait3A_1351 = arith.constant 17 : i32
    %dma_wait3A_1352 = arith.constant 128 : i32
    %dma_wait3A_1353 = tpu.memref_slice %arg10[%dma_wait3A_1351, %dma_wait3A_1352] : memref<20x512xf32, #tpu.memory_space<vmem>> -> memref<1x128xf32, #tpu.memory_space<vmem>>
    %dma_wait3A_1354 = tpu.memref_squeeze %dma_wait3A_1353 : memref<1x128xf32, #tpu.memory_space<vmem>> -> memref<128xf32, #tpu.memory_space<vmem>>
    %dma_wait3A_1355 = arith.constant 0 : i32
    %dma_wait3A_1356 = tpu.memref_slice %arg9[%dma_wait3A_1349, %dma_wait3A_1350, %dma_wait3A_1355] : memref<4x20x128xi32, #tpu.memory_space<vmem>> -> memref<1x1x128xi32, #tpu.memory_space<vmem>>
    %dma_wait3A_1357 = tpu.memref_squeeze %dma_wait3A_1356 : memref<1x1x128xi32, #tpu.memory_space<vmem>> -> memref<128xi32, #tpu.memory_space<vmem>>
    %dma_wait3A_1358 = arith.constant 0 : i32
    %dma_wait3A_1359 = tpu.memref_slice %arg2[%dma_wait3A_1358] : memref<20000000xf32, #tpu.memory_space<hbm>> -> memref<20000000xf32, #tpu.memory_space<hbm>>
    tpu.wait_indirect_dma semaphore(%arg15 : memref<!tpu.dma_semaphore, #tpu.memory_space<semaphore_mem>>) src(%dma_wait3A_1359 : memref<20000000xf32, #tpu.memory_space<hbm>>) dst(%dma_wait3A_1354 : memref<128xf32, #tpu.memory_space<vmem>>)
    %dma_wait3A_1360 = arith.constant 1 : i32
    %dma_wait3A_1361 = arith.constant 18 : i32
    %dma_wait3A_1362 = arith.constant 18 : i32
    %dma_wait3A_1363 = arith.constant 128 : i32
    %dma_wait3A_1364 = tpu.memref_slice %arg10[%dma_wait3A_1362, %dma_wait3A_1363] : memref<20x512xf32, #tpu.memory_space<vmem>> -> memref<1x128xf32, #tpu.memory_space<vmem>>
    %dma_wait3A_1365 = tpu.memref_squeeze %dma_wait3A_1364 : memref<1x128xf32, #tpu.memory_space<vmem>> -> memref<128xf32, #tpu.memory_space<vmem>>
    %dma_wait3A_1366 = arith.constant 0 : i32
    %dma_wait3A_1367 = tpu.memref_slice %arg9[%dma_wait3A_1360, %dma_wait3A_1361, %dma_wait3A_1366] : memref<4x20x128xi32, #tpu.memory_space<vmem>> -> memref<1x1x128xi32, #tpu.memory_space<vmem>>
    %dma_wait3A_1368 = tpu.memref_squeeze %dma_wait3A_1367 : memref<1x1x128xi32, #tpu.memory_space<vmem>> -> memref<128xi32, #tpu.memory_space<vmem>>
    %dma_wait3A_1369 = arith.constant 0 : i32
    %dma_wait3A_1370 = tpu.memref_slice %arg2[%dma_wait3A_1369] : memref<20000000xf32, #tpu.memory_space<hbm>> -> memref<20000000xf32, #tpu.memory_space<hbm>>
    tpu.wait_indirect_dma semaphore(%arg15 : memref<!tpu.dma_semaphore, #tpu.memory_space<semaphore_mem>>) src(%dma_wait3A_1370 : memref<20000000xf32, #tpu.memory_space<hbm>>) dst(%dma_wait3A_1365 : memref<128xf32, #tpu.memory_space<vmem>>)
    %dma_wait3A_1371 = arith.constant 1 : i32
    %dma_wait3A_1372 = arith.constant 19 : i32
    %dma_wait3A_1373 = arith.constant 19 : i32
    %dma_wait3A_1374 = arith.constant 128 : i32
    %dma_wait3A_1375 = tpu.memref_slice %arg10[%dma_wait3A_1373, %dma_wait3A_1374] : memref<20x512xf32, #tpu.memory_space<vmem>> -> memref<1x128xf32, #tpu.memory_space<vmem>>
    %dma_wait3A_1376 = tpu.memref_squeeze %dma_wait3A_1375 : memref<1x128xf32, #tpu.memory_space<vmem>> -> memref<128xf32, #tpu.memory_space<vmem>>
    %dma_wait3A_1377 = arith.constant 0 : i32
    %dma_wait3A_1378 = tpu.memref_slice %arg9[%dma_wait3A_1371, %dma_wait3A_1372, %dma_wait3A_1377] : memref<4x20x128xi32, #tpu.memory_space<vmem>> -> memref<1x1x128xi32, #tpu.memory_space<vmem>>
    %dma_wait3A_1379 = tpu.memref_squeeze %dma_wait3A_1378 : memref<1x1x128xi32, #tpu.memory_space<vmem>> -> memref<128xi32, #tpu.memory_space<vmem>>
    %dma_wait3A_1380 = arith.constant 0 : i32
    %dma_wait3A_1381 = tpu.memref_slice %arg2[%dma_wait3A_1380] : memref<20000000xf32, #tpu.memory_space<hbm>> -> memref<20000000xf32, #tpu.memory_space<hbm>>
    tpu.wait_indirect_dma semaphore(%arg15 : memref<!tpu.dma_semaphore, #tpu.memory_space<semaphore_mem>>) src(%dma_wait3A_1381 : memref<20000000xf32, #tpu.memory_space<hbm>>) dst(%dma_wait3A_1376 : memref<128xf32, #tpu.memory_space<vmem>>)
    %dma_wait3A_1382 = arith.constant 1 : i32
    %dma_wait3A_1383 = arith.constant 128 : i32
    %dma_wait3A_1384 = tpu.memref_slice %arg12[%dma_wait3A_1383] : memref<512xf32, #tpu.memory_space<vmem>> -> memref<128xf32, #tpu.memory_space<vmem>>
    %dma_wait3A_1385 = arith.constant 0 : i32
    %dma_wait3A_1386 = tpu.memref_slice %arg8[%dma_wait3A_1382, %dma_wait3A_1385] : memref<4x128xi32, #tpu.memory_space<vmem>> -> memref<1x128xi32, #tpu.memory_space<vmem>>
    %dma_wait3A_1387 = tpu.memref_squeeze %dma_wait3A_1386 : memref<1x128xi32, #tpu.memory_space<vmem>> -> memref<128xi32, #tpu.memory_space<vmem>>
    %dma_wait3A_1388 = arith.constant 0 : i32
    %dma_wait3A_1389 = tpu.memref_slice %arg3[%dma_wait3A_1388] : memref<1000000xf32, #tpu.memory_space<hbm>> -> memref<1000000xf32, #tpu.memory_space<hbm>>
    tpu.wait_indirect_dma semaphore(%arg15 : memref<!tpu.dma_semaphore, #tpu.memory_space<semaphore_mem>>) src(%dma_wait3A_1389 : memref<1000000xf32, #tpu.memory_space<hbm>>) dst(%dma_wait3A_1384 : memref<128xf32, #tpu.memory_space<vmem>>)
    %dma_wait3A_1390 = arith.constant 2 : i32
    %dma_wait3A_1391 = arith.constant 0 : i32
    %dma_wait3A_1392 = arith.constant 0 : i32
    %dma_wait3A_1393 = arith.constant 256 : i32
    %dma_wait3A_1394 = tpu.memref_slice %arg10[%dma_wait3A_1392, %dma_wait3A_1393] : memref<20x512xf32, #tpu.memory_space<vmem>> -> memref<1x128xf32, #tpu.memory_space<vmem>>
    %dma_wait3A_1395 = tpu.memref_squeeze %dma_wait3A_1394 : memref<1x128xf32, #tpu.memory_space<vmem>> -> memref<128xf32, #tpu.memory_space<vmem>>
    %dma_wait3A_1396 = arith.constant 0 : i32
    %dma_wait3A_1397 = tpu.memref_slice %arg9[%dma_wait3A_1390, %dma_wait3A_1391, %dma_wait3A_1396] : memref<4x20x128xi32, #tpu.memory_space<vmem>> -> memref<1x1x128xi32, #tpu.memory_space<vmem>>
    %dma_wait3A_1398 = tpu.memref_squeeze %dma_wait3A_1397 : memref<1x1x128xi32, #tpu.memory_space<vmem>> -> memref<128xi32, #tpu.memory_space<vmem>>
    %dma_wait3A_1399 = arith.constant 0 : i32
    %dma_wait3A_1400 = tpu.memref_slice %arg2[%dma_wait3A_1399] : memref<20000000xf32, #tpu.memory_space<hbm>> -> memref<20000000xf32, #tpu.memory_space<hbm>>
    tpu.wait_indirect_dma semaphore(%arg15 : memref<!tpu.dma_semaphore, #tpu.memory_space<semaphore_mem>>) src(%dma_wait3A_1400 : memref<20000000xf32, #tpu.memory_space<hbm>>) dst(%dma_wait3A_1395 : memref<128xf32, #tpu.memory_space<vmem>>)
    %dma_wait3A_1401 = arith.constant 2 : i32
    %dma_wait3A_1402 = arith.constant 1 : i32
    %dma_wait3A_1403 = arith.constant 1 : i32
    %dma_wait3A_1404 = arith.constant 256 : i32
    %dma_wait3A_1405 = tpu.memref_slice %arg10[%dma_wait3A_1403, %dma_wait3A_1404] : memref<20x512xf32, #tpu.memory_space<vmem>> -> memref<1x128xf32, #tpu.memory_space<vmem>>
    %dma_wait3A_1406 = tpu.memref_squeeze %dma_wait3A_1405 : memref<1x128xf32, #tpu.memory_space<vmem>> -> memref<128xf32, #tpu.memory_space<vmem>>
    %dma_wait3A_1407 = arith.constant 0 : i32
    %dma_wait3A_1408 = tpu.memref_slice %arg9[%dma_wait3A_1401, %dma_wait3A_1402, %dma_wait3A_1407] : memref<4x20x128xi32, #tpu.memory_space<vmem>> -> memref<1x1x128xi32, #tpu.memory_space<vmem>>
    %dma_wait3A_1409 = tpu.memref_squeeze %dma_wait3A_1408 : memref<1x1x128xi32, #tpu.memory_space<vmem>> -> memref<128xi32, #tpu.memory_space<vmem>>
    %dma_wait3A_1410 = arith.constant 0 : i32
    %dma_wait3A_1411 = tpu.memref_slice %arg2[%dma_wait3A_1410] : memref<20000000xf32, #tpu.memory_space<hbm>> -> memref<20000000xf32, #tpu.memory_space<hbm>>
    tpu.wait_indirect_dma semaphore(%arg15 : memref<!tpu.dma_semaphore, #tpu.memory_space<semaphore_mem>>) src(%dma_wait3A_1411 : memref<20000000xf32, #tpu.memory_space<hbm>>) dst(%dma_wait3A_1406 : memref<128xf32, #tpu.memory_space<vmem>>)
    %dma_wait3A_1412 = arith.constant 2 : i32
    %dma_wait3A_1413 = arith.constant 2 : i32
    %dma_wait3A_1414 = arith.constant 2 : i32
    %dma_wait3A_1415 = arith.constant 256 : i32
    %dma_wait3A_1416 = tpu.memref_slice %arg10[%dma_wait3A_1414, %dma_wait3A_1415] : memref<20x512xf32, #tpu.memory_space<vmem>> -> memref<1x128xf32, #tpu.memory_space<vmem>>
    %dma_wait3A_1417 = tpu.memref_squeeze %dma_wait3A_1416 : memref<1x128xf32, #tpu.memory_space<vmem>> -> memref<128xf32, #tpu.memory_space<vmem>>
    %dma_wait3A_1418 = arith.constant 0 : i32
    %dma_wait3A_1419 = tpu.memref_slice %arg9[%dma_wait3A_1412, %dma_wait3A_1413, %dma_wait3A_1418] : memref<4x20x128xi32, #tpu.memory_space<vmem>> -> memref<1x1x128xi32, #tpu.memory_space<vmem>>
    %dma_wait3A_1420 = tpu.memref_squeeze %dma_wait3A_1419 : memref<1x1x128xi32, #tpu.memory_space<vmem>> -> memref<128xi32, #tpu.memory_space<vmem>>
    %dma_wait3A_1421 = arith.constant 0 : i32
    %dma_wait3A_1422 = tpu.memref_slice %arg2[%dma_wait3A_1421] : memref<20000000xf32, #tpu.memory_space<hbm>> -> memref<20000000xf32, #tpu.memory_space<hbm>>
    tpu.wait_indirect_dma semaphore(%arg15 : memref<!tpu.dma_semaphore, #tpu.memory_space<semaphore_mem>>) src(%dma_wait3A_1422 : memref<20000000xf32, #tpu.memory_space<hbm>>) dst(%dma_wait3A_1417 : memref<128xf32, #tpu.memory_space<vmem>>)
    %dma_wait3A_1423 = arith.constant 2 : i32
    %dma_wait3A_1424 = arith.constant 3 : i32
    %dma_wait3A_1425 = arith.constant 3 : i32
    %dma_wait3A_1426 = arith.constant 256 : i32
    %dma_wait3A_1427 = tpu.memref_slice %arg10[%dma_wait3A_1425, %dma_wait3A_1426] : memref<20x512xf32, #tpu.memory_space<vmem>> -> memref<1x128xf32, #tpu.memory_space<vmem>>
    %dma_wait3A_1428 = tpu.memref_squeeze %dma_wait3A_1427 : memref<1x128xf32, #tpu.memory_space<vmem>> -> memref<128xf32, #tpu.memory_space<vmem>>
    %dma_wait3A_1429 = arith.constant 0 : i32
    %dma_wait3A_1430 = tpu.memref_slice %arg9[%dma_wait3A_1423, %dma_wait3A_1424, %dma_wait3A_1429] : memref<4x20x128xi32, #tpu.memory_space<vmem>> -> memref<1x1x128xi32, #tpu.memory_space<vmem>>
    %dma_wait3A_1431 = tpu.memref_squeeze %dma_wait3A_1430 : memref<1x1x128xi32, #tpu.memory_space<vmem>> -> memref<128xi32, #tpu.memory_space<vmem>>
    %dma_wait3A_1432 = arith.constant 0 : i32
    %dma_wait3A_1433 = tpu.memref_slice %arg2[%dma_wait3A_1432] : memref<20000000xf32, #tpu.memory_space<hbm>> -> memref<20000000xf32, #tpu.memory_space<hbm>>
    tpu.wait_indirect_dma semaphore(%arg15 : memref<!tpu.dma_semaphore, #tpu.memory_space<semaphore_mem>>) src(%dma_wait3A_1433 : memref<20000000xf32, #tpu.memory_space<hbm>>) dst(%dma_wait3A_1428 : memref<128xf32, #tpu.memory_space<vmem>>)
    %dma_wait3A_1434 = arith.constant 2 : i32
    %dma_wait3A_1435 = arith.constant 4 : i32
    %dma_wait3A_1436 = arith.constant 4 : i32
    %dma_wait3A_1437 = arith.constant 256 : i32
    %dma_wait3A_1438 = tpu.memref_slice %arg10[%dma_wait3A_1436, %dma_wait3A_1437] : memref<20x512xf32, #tpu.memory_space<vmem>> -> memref<1x128xf32, #tpu.memory_space<vmem>>
    %dma_wait3A_1439 = tpu.memref_squeeze %dma_wait3A_1438 : memref<1x128xf32, #tpu.memory_space<vmem>> -> memref<128xf32, #tpu.memory_space<vmem>>
    %dma_wait3A_1440 = arith.constant 0 : i32
    %dma_wait3A_1441 = tpu.memref_slice %arg9[%dma_wait3A_1434, %dma_wait3A_1435, %dma_wait3A_1440] : memref<4x20x128xi32, #tpu.memory_space<vmem>> -> memref<1x1x128xi32, #tpu.memory_space<vmem>>
    %dma_wait3A_1442 = tpu.memref_squeeze %dma_wait3A_1441 : memref<1x1x128xi32, #tpu.memory_space<vmem>> -> memref<128xi32, #tpu.memory_space<vmem>>
    %dma_wait3A_1443 = arith.constant 0 : i32
    %dma_wait3A_1444 = tpu.memref_slice %arg2[%dma_wait3A_1443] : memref<20000000xf32, #tpu.memory_space<hbm>> -> memref<20000000xf32, #tpu.memory_space<hbm>>
    tpu.wait_indirect_dma semaphore(%arg15 : memref<!tpu.dma_semaphore, #tpu.memory_space<semaphore_mem>>) src(%dma_wait3A_1444 : memref<20000000xf32, #tpu.memory_space<hbm>>) dst(%dma_wait3A_1439 : memref<128xf32, #tpu.memory_space<vmem>>)
    %dma_wait3A_1445 = arith.constant 2 : i32
    %dma_wait3A_1446 = arith.constant 5 : i32
    %dma_wait3A_1447 = arith.constant 5 : i32
    %dma_wait3A_1448 = arith.constant 256 : i32
    %dma_wait3A_1449 = tpu.memref_slice %arg10[%dma_wait3A_1447, %dma_wait3A_1448] : memref<20x512xf32, #tpu.memory_space<vmem>> -> memref<1x128xf32, #tpu.memory_space<vmem>>
    %dma_wait3A_1450 = tpu.memref_squeeze %dma_wait3A_1449 : memref<1x128xf32, #tpu.memory_space<vmem>> -> memref<128xf32, #tpu.memory_space<vmem>>
    %dma_wait3A_1451 = arith.constant 0 : i32
    %dma_wait3A_1452 = tpu.memref_slice %arg9[%dma_wait3A_1445, %dma_wait3A_1446, %dma_wait3A_1451] : memref<4x20x128xi32, #tpu.memory_space<vmem>> -> memref<1x1x128xi32, #tpu.memory_space<vmem>>
    %dma_wait3A_1453 = tpu.memref_squeeze %dma_wait3A_1452 : memref<1x1x128xi32, #tpu.memory_space<vmem>> -> memref<128xi32, #tpu.memory_space<vmem>>
    %dma_wait3A_1454 = arith.constant 0 : i32
    %dma_wait3A_1455 = tpu.memref_slice %arg2[%dma_wait3A_1454] : memref<20000000xf32, #tpu.memory_space<hbm>> -> memref<20000000xf32, #tpu.memory_space<hbm>>
    tpu.wait_indirect_dma semaphore(%arg15 : memref<!tpu.dma_semaphore, #tpu.memory_space<semaphore_mem>>) src(%dma_wait3A_1455 : memref<20000000xf32, #tpu.memory_space<hbm>>) dst(%dma_wait3A_1450 : memref<128xf32, #tpu.memory_space<vmem>>)
    %dma_wait3A_1456 = arith.constant 2 : i32
    %dma_wait3A_1457 = arith.constant 6 : i32
    %dma_wait3A_1458 = arith.constant 6 : i32
    %dma_wait3A_1459 = arith.constant 256 : i32
    %dma_wait3A_1460 = tpu.memref_slice %arg10[%dma_wait3A_1458, %dma_wait3A_1459] : memref<20x512xf32, #tpu.memory_space<vmem>> -> memref<1x128xf32, #tpu.memory_space<vmem>>
    %dma_wait3A_1461 = tpu.memref_squeeze %dma_wait3A_1460 : memref<1x128xf32, #tpu.memory_space<vmem>> -> memref<128xf32, #tpu.memory_space<vmem>>
    %dma_wait3A_1462 = arith.constant 0 : i32
    %dma_wait3A_1463 = tpu.memref_slice %arg9[%dma_wait3A_1456, %dma_wait3A_1457, %dma_wait3A_1462] : memref<4x20x128xi32, #tpu.memory_space<vmem>> -> memref<1x1x128xi32, #tpu.memory_space<vmem>>
    %dma_wait3A_1464 = tpu.memref_squeeze %dma_wait3A_1463 : memref<1x1x128xi32, #tpu.memory_space<vmem>> -> memref<128xi32, #tpu.memory_space<vmem>>
    %dma_wait3A_1465 = arith.constant 0 : i32
    %dma_wait3A_1466 = tpu.memref_slice %arg2[%dma_wait3A_1465] : memref<20000000xf32, #tpu.memory_space<hbm>> -> memref<20000000xf32, #tpu.memory_space<hbm>>
    tpu.wait_indirect_dma semaphore(%arg15 : memref<!tpu.dma_semaphore, #tpu.memory_space<semaphore_mem>>) src(%dma_wait3A_1466 : memref<20000000xf32, #tpu.memory_space<hbm>>) dst(%dma_wait3A_1461 : memref<128xf32, #tpu.memory_space<vmem>>)
    %dma_wait3A_1467 = arith.constant 2 : i32
    %dma_wait3A_1468 = arith.constant 7 : i32
    %dma_wait3A_1469 = arith.constant 7 : i32
    %dma_wait3A_1470 = arith.constant 256 : i32
    %dma_wait3A_1471 = tpu.memref_slice %arg10[%dma_wait3A_1469, %dma_wait3A_1470] : memref<20x512xf32, #tpu.memory_space<vmem>> -> memref<1x128xf32, #tpu.memory_space<vmem>>
    %dma_wait3A_1472 = tpu.memref_squeeze %dma_wait3A_1471 : memref<1x128xf32, #tpu.memory_space<vmem>> -> memref<128xf32, #tpu.memory_space<vmem>>
    %dma_wait3A_1473 = arith.constant 0 : i32
    %dma_wait3A_1474 = tpu.memref_slice %arg9[%dma_wait3A_1467, %dma_wait3A_1468, %dma_wait3A_1473] : memref<4x20x128xi32, #tpu.memory_space<vmem>> -> memref<1x1x128xi32, #tpu.memory_space<vmem>>
    %dma_wait3A_1475 = tpu.memref_squeeze %dma_wait3A_1474 : memref<1x1x128xi32, #tpu.memory_space<vmem>> -> memref<128xi32, #tpu.memory_space<vmem>>
    %dma_wait3A_1476 = arith.constant 0 : i32
    %dma_wait3A_1477 = tpu.memref_slice %arg2[%dma_wait3A_1476] : memref<20000000xf32, #tpu.memory_space<hbm>> -> memref<20000000xf32, #tpu.memory_space<hbm>>
    tpu.wait_indirect_dma semaphore(%arg15 : memref<!tpu.dma_semaphore, #tpu.memory_space<semaphore_mem>>) src(%dma_wait3A_1477 : memref<20000000xf32, #tpu.memory_space<hbm>>) dst(%dma_wait3A_1472 : memref<128xf32, #tpu.memory_space<vmem>>)
    %dma_wait3A_1478 = arith.constant 2 : i32
    %dma_wait3A_1479 = arith.constant 8 : i32
    %dma_wait3A_1480 = arith.constant 8 : i32
    %dma_wait3A_1481 = arith.constant 256 : i32
    %dma_wait3A_1482 = tpu.memref_slice %arg10[%dma_wait3A_1480, %dma_wait3A_1481] : memref<20x512xf32, #tpu.memory_space<vmem>> -> memref<1x128xf32, #tpu.memory_space<vmem>>
    %dma_wait3A_1483 = tpu.memref_squeeze %dma_wait3A_1482 : memref<1x128xf32, #tpu.memory_space<vmem>> -> memref<128xf32, #tpu.memory_space<vmem>>
    %dma_wait3A_1484 = arith.constant 0 : i32
    %dma_wait3A_1485 = tpu.memref_slice %arg9[%dma_wait3A_1478, %dma_wait3A_1479, %dma_wait3A_1484] : memref<4x20x128xi32, #tpu.memory_space<vmem>> -> memref<1x1x128xi32, #tpu.memory_space<vmem>>
    %dma_wait3A_1486 = tpu.memref_squeeze %dma_wait3A_1485 : memref<1x1x128xi32, #tpu.memory_space<vmem>> -> memref<128xi32, #tpu.memory_space<vmem>>
    %dma_wait3A_1487 = arith.constant 0 : i32
    %dma_wait3A_1488 = tpu.memref_slice %arg2[%dma_wait3A_1487] : memref<20000000xf32, #tpu.memory_space<hbm>> -> memref<20000000xf32, #tpu.memory_space<hbm>>
    tpu.wait_indirect_dma semaphore(%arg15 : memref<!tpu.dma_semaphore, #tpu.memory_space<semaphore_mem>>) src(%dma_wait3A_1488 : memref<20000000xf32, #tpu.memory_space<hbm>>) dst(%dma_wait3A_1483 : memref<128xf32, #tpu.memory_space<vmem>>)
    %dma_wait3A_1489 = arith.constant 2 : i32
    %dma_wait3A_1490 = arith.constant 9 : i32
    %dma_wait3A_1491 = arith.constant 9 : i32
    %dma_wait3A_1492 = arith.constant 256 : i32
    %dma_wait3A_1493 = tpu.memref_slice %arg10[%dma_wait3A_1491, %dma_wait3A_1492] : memref<20x512xf32, #tpu.memory_space<vmem>> -> memref<1x128xf32, #tpu.memory_space<vmem>>
    %dma_wait3A_1494 = tpu.memref_squeeze %dma_wait3A_1493 : memref<1x128xf32, #tpu.memory_space<vmem>> -> memref<128xf32, #tpu.memory_space<vmem>>
    %dma_wait3A_1495 = arith.constant 0 : i32
    %dma_wait3A_1496 = tpu.memref_slice %arg9[%dma_wait3A_1489, %dma_wait3A_1490, %dma_wait3A_1495] : memref<4x20x128xi32, #tpu.memory_space<vmem>> -> memref<1x1x128xi32, #tpu.memory_space<vmem>>
    %dma_wait3A_1497 = tpu.memref_squeeze %dma_wait3A_1496 : memref<1x1x128xi32, #tpu.memory_space<vmem>> -> memref<128xi32, #tpu.memory_space<vmem>>
    %dma_wait3A_1498 = arith.constant 0 : i32
    %dma_wait3A_1499 = tpu.memref_slice %arg2[%dma_wait3A_1498] : memref<20000000xf32, #tpu.memory_space<hbm>> -> memref<20000000xf32, #tpu.memory_space<hbm>>
    tpu.wait_indirect_dma semaphore(%arg15 : memref<!tpu.dma_semaphore, #tpu.memory_space<semaphore_mem>>) src(%dma_wait3A_1499 : memref<20000000xf32, #tpu.memory_space<hbm>>) dst(%dma_wait3A_1494 : memref<128xf32, #tpu.memory_space<vmem>>)
    %dma_wait3A_1500 = arith.constant 2 : i32
    %dma_wait3A_1501 = arith.constant 10 : i32
    %dma_wait3A_1502 = arith.constant 10 : i32
    %dma_wait3A_1503 = arith.constant 256 : i32
    %dma_wait3A_1504 = tpu.memref_slice %arg10[%dma_wait3A_1502, %dma_wait3A_1503] : memref<20x512xf32, #tpu.memory_space<vmem>> -> memref<1x128xf32, #tpu.memory_space<vmem>>
    %dma_wait3A_1505 = tpu.memref_squeeze %dma_wait3A_1504 : memref<1x128xf32, #tpu.memory_space<vmem>> -> memref<128xf32, #tpu.memory_space<vmem>>
    %dma_wait3A_1506 = arith.constant 0 : i32
    %dma_wait3A_1507 = tpu.memref_slice %arg9[%dma_wait3A_1500, %dma_wait3A_1501, %dma_wait3A_1506] : memref<4x20x128xi32, #tpu.memory_space<vmem>> -> memref<1x1x128xi32, #tpu.memory_space<vmem>>
    %dma_wait3A_1508 = tpu.memref_squeeze %dma_wait3A_1507 : memref<1x1x128xi32, #tpu.memory_space<vmem>> -> memref<128xi32, #tpu.memory_space<vmem>>
    %dma_wait3A_1509 = arith.constant 0 : i32
    %dma_wait3A_1510 = tpu.memref_slice %arg2[%dma_wait3A_1509] : memref<20000000xf32, #tpu.memory_space<hbm>> -> memref<20000000xf32, #tpu.memory_space<hbm>>
    tpu.wait_indirect_dma semaphore(%arg15 : memref<!tpu.dma_semaphore, #tpu.memory_space<semaphore_mem>>) src(%dma_wait3A_1510 : memref<20000000xf32, #tpu.memory_space<hbm>>) dst(%dma_wait3A_1505 : memref<128xf32, #tpu.memory_space<vmem>>)
    %dma_wait3A_1511 = arith.constant 2 : i32
    %dma_wait3A_1512 = arith.constant 11 : i32
    %dma_wait3A_1513 = arith.constant 11 : i32
    %dma_wait3A_1514 = arith.constant 256 : i32
    %dma_wait3A_1515 = tpu.memref_slice %arg10[%dma_wait3A_1513, %dma_wait3A_1514] : memref<20x512xf32, #tpu.memory_space<vmem>> -> memref<1x128xf32, #tpu.memory_space<vmem>>
    %dma_wait3A_1516 = tpu.memref_squeeze %dma_wait3A_1515 : memref<1x128xf32, #tpu.memory_space<vmem>> -> memref<128xf32, #tpu.memory_space<vmem>>
    %dma_wait3A_1517 = arith.constant 0 : i32
    %dma_wait3A_1518 = tpu.memref_slice %arg9[%dma_wait3A_1511, %dma_wait3A_1512, %dma_wait3A_1517] : memref<4x20x128xi32, #tpu.memory_space<vmem>> -> memref<1x1x128xi32, #tpu.memory_space<vmem>>
    %dma_wait3A_1519 = tpu.memref_squeeze %dma_wait3A_1518 : memref<1x1x128xi32, #tpu.memory_space<vmem>> -> memref<128xi32, #tpu.memory_space<vmem>>
    %dma_wait3A_1520 = arith.constant 0 : i32
    %dma_wait3A_1521 = tpu.memref_slice %arg2[%dma_wait3A_1520] : memref<20000000xf32, #tpu.memory_space<hbm>> -> memref<20000000xf32, #tpu.memory_space<hbm>>
    tpu.wait_indirect_dma semaphore(%arg15 : memref<!tpu.dma_semaphore, #tpu.memory_space<semaphore_mem>>) src(%dma_wait3A_1521 : memref<20000000xf32, #tpu.memory_space<hbm>>) dst(%dma_wait3A_1516 : memref<128xf32, #tpu.memory_space<vmem>>)
    %dma_wait3A_1522 = arith.constant 2 : i32
    %dma_wait3A_1523 = arith.constant 12 : i32
    %dma_wait3A_1524 = arith.constant 12 : i32
    %dma_wait3A_1525 = arith.constant 256 : i32
    %dma_wait3A_1526 = tpu.memref_slice %arg10[%dma_wait3A_1524, %dma_wait3A_1525] : memref<20x512xf32, #tpu.memory_space<vmem>> -> memref<1x128xf32, #tpu.memory_space<vmem>>
    %dma_wait3A_1527 = tpu.memref_squeeze %dma_wait3A_1526 : memref<1x128xf32, #tpu.memory_space<vmem>> -> memref<128xf32, #tpu.memory_space<vmem>>
    %dma_wait3A_1528 = arith.constant 0 : i32
    %dma_wait3A_1529 = tpu.memref_slice %arg9[%dma_wait3A_1522, %dma_wait3A_1523, %dma_wait3A_1528] : memref<4x20x128xi32, #tpu.memory_space<vmem>> -> memref<1x1x128xi32, #tpu.memory_space<vmem>>
    %dma_wait3A_1530 = tpu.memref_squeeze %dma_wait3A_1529 : memref<1x1x128xi32, #tpu.memory_space<vmem>> -> memref<128xi32, #tpu.memory_space<vmem>>
    %dma_wait3A_1531 = arith.constant 0 : i32
    %dma_wait3A_1532 = tpu.memref_slice %arg2[%dma_wait3A_1531] : memref<20000000xf32, #tpu.memory_space<hbm>> -> memref<20000000xf32, #tpu.memory_space<hbm>>
    tpu.wait_indirect_dma semaphore(%arg15 : memref<!tpu.dma_semaphore, #tpu.memory_space<semaphore_mem>>) src(%dma_wait3A_1532 : memref<20000000xf32, #tpu.memory_space<hbm>>) dst(%dma_wait3A_1527 : memref<128xf32, #tpu.memory_space<vmem>>)
    %dma_wait3A_1533 = arith.constant 2 : i32
    %dma_wait3A_1534 = arith.constant 13 : i32
    %dma_wait3A_1535 = arith.constant 13 : i32
    %dma_wait3A_1536 = arith.constant 256 : i32
    %dma_wait3A_1537 = tpu.memref_slice %arg10[%dma_wait3A_1535, %dma_wait3A_1536] : memref<20x512xf32, #tpu.memory_space<vmem>> -> memref<1x128xf32, #tpu.memory_space<vmem>>
    %dma_wait3A_1538 = tpu.memref_squeeze %dma_wait3A_1537 : memref<1x128xf32, #tpu.memory_space<vmem>> -> memref<128xf32, #tpu.memory_space<vmem>>
    %dma_wait3A_1539 = arith.constant 0 : i32
    %dma_wait3A_1540 = tpu.memref_slice %arg9[%dma_wait3A_1533, %dma_wait3A_1534, %dma_wait3A_1539] : memref<4x20x128xi32, #tpu.memory_space<vmem>> -> memref<1x1x128xi32, #tpu.memory_space<vmem>>
    %dma_wait3A_1541 = tpu.memref_squeeze %dma_wait3A_1540 : memref<1x1x128xi32, #tpu.memory_space<vmem>> -> memref<128xi32, #tpu.memory_space<vmem>>
    %dma_wait3A_1542 = arith.constant 0 : i32
    %dma_wait3A_1543 = tpu.memref_slice %arg2[%dma_wait3A_1542] : memref<20000000xf32, #tpu.memory_space<hbm>> -> memref<20000000xf32, #tpu.memory_space<hbm>>
    tpu.wait_indirect_dma semaphore(%arg15 : memref<!tpu.dma_semaphore, #tpu.memory_space<semaphore_mem>>) src(%dma_wait3A_1543 : memref<20000000xf32, #tpu.memory_space<hbm>>) dst(%dma_wait3A_1538 : memref<128xf32, #tpu.memory_space<vmem>>)
    %dma_wait3A_1544 = arith.constant 2 : i32
    %dma_wait3A_1545 = arith.constant 14 : i32
    %dma_wait3A_1546 = arith.constant 14 : i32
    %dma_wait3A_1547 = arith.constant 256 : i32
    %dma_wait3A_1548 = tpu.memref_slice %arg10[%dma_wait3A_1546, %dma_wait3A_1547] : memref<20x512xf32, #tpu.memory_space<vmem>> -> memref<1x128xf32, #tpu.memory_space<vmem>>
    %dma_wait3A_1549 = tpu.memref_squeeze %dma_wait3A_1548 : memref<1x128xf32, #tpu.memory_space<vmem>> -> memref<128xf32, #tpu.memory_space<vmem>>
    %dma_wait3A_1550 = arith.constant 0 : i32
    %dma_wait3A_1551 = tpu.memref_slice %arg9[%dma_wait3A_1544, %dma_wait3A_1545, %dma_wait3A_1550] : memref<4x20x128xi32, #tpu.memory_space<vmem>> -> memref<1x1x128xi32, #tpu.memory_space<vmem>>
    %dma_wait3A_1552 = tpu.memref_squeeze %dma_wait3A_1551 : memref<1x1x128xi32, #tpu.memory_space<vmem>> -> memref<128xi32, #tpu.memory_space<vmem>>
    %dma_wait3A_1553 = arith.constant 0 : i32
    %dma_wait3A_1554 = tpu.memref_slice %arg2[%dma_wait3A_1553] : memref<20000000xf32, #tpu.memory_space<hbm>> -> memref<20000000xf32, #tpu.memory_space<hbm>>
    tpu.wait_indirect_dma semaphore(%arg15 : memref<!tpu.dma_semaphore, #tpu.memory_space<semaphore_mem>>) src(%dma_wait3A_1554 : memref<20000000xf32, #tpu.memory_space<hbm>>) dst(%dma_wait3A_1549 : memref<128xf32, #tpu.memory_space<vmem>>)
    %dma_wait3A_1555 = arith.constant 2 : i32
    %dma_wait3A_1556 = arith.constant 15 : i32
    %dma_wait3A_1557 = arith.constant 15 : i32
    %dma_wait3A_1558 = arith.constant 256 : i32
    %dma_wait3A_1559 = tpu.memref_slice %arg10[%dma_wait3A_1557, %dma_wait3A_1558] : memref<20x512xf32, #tpu.memory_space<vmem>> -> memref<1x128xf32, #tpu.memory_space<vmem>>
    %dma_wait3A_1560 = tpu.memref_squeeze %dma_wait3A_1559 : memref<1x128xf32, #tpu.memory_space<vmem>> -> memref<128xf32, #tpu.memory_space<vmem>>
    %dma_wait3A_1561 = arith.constant 0 : i32
    %dma_wait3A_1562 = tpu.memref_slice %arg9[%dma_wait3A_1555, %dma_wait3A_1556, %dma_wait3A_1561] : memref<4x20x128xi32, #tpu.memory_space<vmem>> -> memref<1x1x128xi32, #tpu.memory_space<vmem>>
    %dma_wait3A_1563 = tpu.memref_squeeze %dma_wait3A_1562 : memref<1x1x128xi32, #tpu.memory_space<vmem>> -> memref<128xi32, #tpu.memory_space<vmem>>
    %dma_wait3A_1564 = arith.constant 0 : i32
    %dma_wait3A_1565 = tpu.memref_slice %arg2[%dma_wait3A_1564] : memref<20000000xf32, #tpu.memory_space<hbm>> -> memref<20000000xf32, #tpu.memory_space<hbm>>
    tpu.wait_indirect_dma semaphore(%arg15 : memref<!tpu.dma_semaphore, #tpu.memory_space<semaphore_mem>>) src(%dma_wait3A_1565 : memref<20000000xf32, #tpu.memory_space<hbm>>) dst(%dma_wait3A_1560 : memref<128xf32, #tpu.memory_space<vmem>>)
    %dma_wait3A_1566 = arith.constant 2 : i32
    %dma_wait3A_1567 = arith.constant 16 : i32
    %dma_wait3A_1568 = arith.constant 16 : i32
    %dma_wait3A_1569 = arith.constant 256 : i32
    %dma_wait3A_1570 = tpu.memref_slice %arg10[%dma_wait3A_1568, %dma_wait3A_1569] : memref<20x512xf32, #tpu.memory_space<vmem>> -> memref<1x128xf32, #tpu.memory_space<vmem>>
    %dma_wait3A_1571 = tpu.memref_squeeze %dma_wait3A_1570 : memref<1x128xf32, #tpu.memory_space<vmem>> -> memref<128xf32, #tpu.memory_space<vmem>>
    %dma_wait3A_1572 = arith.constant 0 : i32
    %dma_wait3A_1573 = tpu.memref_slice %arg9[%dma_wait3A_1566, %dma_wait3A_1567, %dma_wait3A_1572] : memref<4x20x128xi32, #tpu.memory_space<vmem>> -> memref<1x1x128xi32, #tpu.memory_space<vmem>>
    %dma_wait3A_1574 = tpu.memref_squeeze %dma_wait3A_1573 : memref<1x1x128xi32, #tpu.memory_space<vmem>> -> memref<128xi32, #tpu.memory_space<vmem>>
    %dma_wait3A_1575 = arith.constant 0 : i32
    %dma_wait3A_1576 = tpu.memref_slice %arg2[%dma_wait3A_1575] : memref<20000000xf32, #tpu.memory_space<hbm>> -> memref<20000000xf32, #tpu.memory_space<hbm>>
    tpu.wait_indirect_dma semaphore(%arg15 : memref<!tpu.dma_semaphore, #tpu.memory_space<semaphore_mem>>) src(%dma_wait3A_1576 : memref<20000000xf32, #tpu.memory_space<hbm>>) dst(%dma_wait3A_1571 : memref<128xf32, #tpu.memory_space<vmem>>)
    %dma_wait3A_1577 = arith.constant 2 : i32
    %dma_wait3A_1578 = arith.constant 17 : i32
    %dma_wait3A_1579 = arith.constant 17 : i32
    %dma_wait3A_1580 = arith.constant 256 : i32
    %dma_wait3A_1581 = tpu.memref_slice %arg10[%dma_wait3A_1579, %dma_wait3A_1580] : memref<20x512xf32, #tpu.memory_space<vmem>> -> memref<1x128xf32, #tpu.memory_space<vmem>>
    %dma_wait3A_1582 = tpu.memref_squeeze %dma_wait3A_1581 : memref<1x128xf32, #tpu.memory_space<vmem>> -> memref<128xf32, #tpu.memory_space<vmem>>
    %dma_wait3A_1583 = arith.constant 0 : i32
    %dma_wait3A_1584 = tpu.memref_slice %arg9[%dma_wait3A_1577, %dma_wait3A_1578, %dma_wait3A_1583] : memref<4x20x128xi32, #tpu.memory_space<vmem>> -> memref<1x1x128xi32, #tpu.memory_space<vmem>>
    %dma_wait3A_1585 = tpu.memref_squeeze %dma_wait3A_1584 : memref<1x1x128xi32, #tpu.memory_space<vmem>> -> memref<128xi32, #tpu.memory_space<vmem>>
    %dma_wait3A_1586 = arith.constant 0 : i32
    %dma_wait3A_1587 = tpu.memref_slice %arg2[%dma_wait3A_1586] : memref<20000000xf32, #tpu.memory_space<hbm>> -> memref<20000000xf32, #tpu.memory_space<hbm>>
    tpu.wait_indirect_dma semaphore(%arg15 : memref<!tpu.dma_semaphore, #tpu.memory_space<semaphore_mem>>) src(%dma_wait3A_1587 : memref<20000000xf32, #tpu.memory_space<hbm>>) dst(%dma_wait3A_1582 : memref<128xf32, #tpu.memory_space<vmem>>)
    %dma_wait3A_1588 = arith.constant 2 : i32
    %dma_wait3A_1589 = arith.constant 18 : i32
    %dma_wait3A_1590 = arith.constant 18 : i32
    %dma_wait3A_1591 = arith.constant 256 : i32
    %dma_wait3A_1592 = tpu.memref_slice %arg10[%dma_wait3A_1590, %dma_wait3A_1591] : memref<20x512xf32, #tpu.memory_space<vmem>> -> memref<1x128xf32, #tpu.memory_space<vmem>>
    %dma_wait3A_1593 = tpu.memref_squeeze %dma_wait3A_1592 : memref<1x128xf32, #tpu.memory_space<vmem>> -> memref<128xf32, #tpu.memory_space<vmem>>
    %dma_wait3A_1594 = arith.constant 0 : i32
    %dma_wait3A_1595 = tpu.memref_slice %arg9[%dma_wait3A_1588, %dma_wait3A_1589, %dma_wait3A_1594] : memref<4x20x128xi32, #tpu.memory_space<vmem>> -> memref<1x1x128xi32, #tpu.memory_space<vmem>>
    %dma_wait3A_1596 = tpu.memref_squeeze %dma_wait3A_1595 : memref<1x1x128xi32, #tpu.memory_space<vmem>> -> memref<128xi32, #tpu.memory_space<vmem>>
    %dma_wait3A_1597 = arith.constant 0 : i32
    %dma_wait3A_1598 = tpu.memref_slice %arg2[%dma_wait3A_1597] : memref<20000000xf32, #tpu.memory_space<hbm>> -> memref<20000000xf32, #tpu.memory_space<hbm>>
    tpu.wait_indirect_dma semaphore(%arg15 : memref<!tpu.dma_semaphore, #tpu.memory_space<semaphore_mem>>) src(%dma_wait3A_1598 : memref<20000000xf32, #tpu.memory_space<hbm>>) dst(%dma_wait3A_1593 : memref<128xf32, #tpu.memory_space<vmem>>)
    %dma_wait3A_1599 = arith.constant 2 : i32
    %dma_wait3A_1600 = arith.constant 19 : i32
    %dma_wait3A_1601 = arith.constant 19 : i32
    %dma_wait3A_1602 = arith.constant 256 : i32
    %dma_wait3A_1603 = tpu.memref_slice %arg10[%dma_wait3A_1601, %dma_wait3A_1602] : memref<20x512xf32, #tpu.memory_space<vmem>> -> memref<1x128xf32, #tpu.memory_space<vmem>>
    %dma_wait3A_1604 = tpu.memref_squeeze %dma_wait3A_1603 : memref<1x128xf32, #tpu.memory_space<vmem>> -> memref<128xf32, #tpu.memory_space<vmem>>
    %dma_wait3A_1605 = arith.constant 0 : i32
    %dma_wait3A_1606 = tpu.memref_slice %arg9[%dma_wait3A_1599, %dma_wait3A_1600, %dma_wait3A_1605] : memref<4x20x128xi32, #tpu.memory_space<vmem>> -> memref<1x1x128xi32, #tpu.memory_space<vmem>>
    %dma_wait3A_1607 = tpu.memref_squeeze %dma_wait3A_1606 : memref<1x1x128xi32, #tpu.memory_space<vmem>> -> memref<128xi32, #tpu.memory_space<vmem>>
    %dma_wait3A_1608 = arith.constant 0 : i32
    %dma_wait3A_1609 = tpu.memref_slice %arg2[%dma_wait3A_1608] : memref<20000000xf32, #tpu.memory_space<hbm>> -> memref<20000000xf32, #tpu.memory_space<hbm>>
    tpu.wait_indirect_dma semaphore(%arg15 : memref<!tpu.dma_semaphore, #tpu.memory_space<semaphore_mem>>) src(%dma_wait3A_1609 : memref<20000000xf32, #tpu.memory_space<hbm>>) dst(%dma_wait3A_1604 : memref<128xf32, #tpu.memory_space<vmem>>)
    %dma_wait3A_1610 = arith.constant 2 : i32
    %dma_wait3A_1611 = arith.constant 256 : i32
    %dma_wait3A_1612 = tpu.memref_slice %arg12[%dma_wait3A_1611] : memref<512xf32, #tpu.memory_space<vmem>> -> memref<128xf32, #tpu.memory_space<vmem>>
    %dma_wait3A_1613 = arith.constant 0 : i32
    %dma_wait3A_1614 = tpu.memref_slice %arg8[%dma_wait3A_1610, %dma_wait3A_1613] : memref<4x128xi32, #tpu.memory_space<vmem>> -> memref<1x128xi32, #tpu.memory_space<vmem>>
    %dma_wait3A_1615 = tpu.memref_squeeze %dma_wait3A_1614 : memref<1x128xi32, #tpu.memory_space<vmem>> -> memref<128xi32, #tpu.memory_space<vmem>>
    %dma_wait3A_1616 = arith.constant 0 : i32
    %dma_wait3A_1617 = tpu.memref_slice %arg3[%dma_wait3A_1616] : memref<1000000xf32, #tpu.memory_space<hbm>> -> memref<1000000xf32, #tpu.memory_space<hbm>>
    tpu.wait_indirect_dma semaphore(%arg15 : memref<!tpu.dma_semaphore, #tpu.memory_space<semaphore_mem>>) src(%dma_wait3A_1617 : memref<1000000xf32, #tpu.memory_space<hbm>>) dst(%dma_wait3A_1612 : memref<128xf32, #tpu.memory_space<vmem>>)
    %dma_wait3A_1618 = arith.constant 3 : i32
    %dma_wait3A_1619 = arith.constant 0 : i32
    %dma_wait3A_1620 = arith.constant 0 : i32
    %dma_wait3A_1621 = arith.constant 384 : i32
    %dma_wait3A_1622 = tpu.memref_slice %arg10[%dma_wait3A_1620, %dma_wait3A_1621] : memref<20x512xf32, #tpu.memory_space<vmem>> -> memref<1x128xf32, #tpu.memory_space<vmem>>
    %dma_wait3A_1623 = tpu.memref_squeeze %dma_wait3A_1622 : memref<1x128xf32, #tpu.memory_space<vmem>> -> memref<128xf32, #tpu.memory_space<vmem>>
    %dma_wait3A_1624 = arith.constant 0 : i32
    %dma_wait3A_1625 = tpu.memref_slice %arg9[%dma_wait3A_1618, %dma_wait3A_1619, %dma_wait3A_1624] : memref<4x20x128xi32, #tpu.memory_space<vmem>> -> memref<1x1x128xi32, #tpu.memory_space<vmem>>
    %dma_wait3A_1626 = tpu.memref_squeeze %dma_wait3A_1625 : memref<1x1x128xi32, #tpu.memory_space<vmem>> -> memref<128xi32, #tpu.memory_space<vmem>>
    %dma_wait3A_1627 = arith.constant 0 : i32
    %dma_wait3A_1628 = tpu.memref_slice %arg2[%dma_wait3A_1627] : memref<20000000xf32, #tpu.memory_space<hbm>> -> memref<20000000xf32, #tpu.memory_space<hbm>>
    tpu.wait_indirect_dma semaphore(%arg15 : memref<!tpu.dma_semaphore, #tpu.memory_space<semaphore_mem>>) src(%dma_wait3A_1628 : memref<20000000xf32, #tpu.memory_space<hbm>>) dst(%dma_wait3A_1623 : memref<128xf32, #tpu.memory_space<vmem>>)
    %dma_wait3A_1629 = arith.constant 3 : i32
    %dma_wait3A_1630 = arith.constant 1 : i32
    %dma_wait3A_1631 = arith.constant 1 : i32
    %dma_wait3A_1632 = arith.constant 384 : i32
    %dma_wait3A_1633 = tpu.memref_slice %arg10[%dma_wait3A_1631, %dma_wait3A_1632] : memref<20x512xf32, #tpu.memory_space<vmem>> -> memref<1x128xf32, #tpu.memory_space<vmem>>
    %dma_wait3A_1634 = tpu.memref_squeeze %dma_wait3A_1633 : memref<1x128xf32, #tpu.memory_space<vmem>> -> memref<128xf32, #tpu.memory_space<vmem>>
    %dma_wait3A_1635 = arith.constant 0 : i32
    %dma_wait3A_1636 = tpu.memref_slice %arg9[%dma_wait3A_1629, %dma_wait3A_1630, %dma_wait3A_1635] : memref<4x20x128xi32, #tpu.memory_space<vmem>> -> memref<1x1x128xi32, #tpu.memory_space<vmem>>
    %dma_wait3A_1637 = tpu.memref_squeeze %dma_wait3A_1636 : memref<1x1x128xi32, #tpu.memory_space<vmem>> -> memref<128xi32, #tpu.memory_space<vmem>>
    %dma_wait3A_1638 = arith.constant 0 : i32
    %dma_wait3A_1639 = tpu.memref_slice %arg2[%dma_wait3A_1638] : memref<20000000xf32, #tpu.memory_space<hbm>> -> memref<20000000xf32, #tpu.memory_space<hbm>>
    tpu.wait_indirect_dma semaphore(%arg15 : memref<!tpu.dma_semaphore, #tpu.memory_space<semaphore_mem>>) src(%dma_wait3A_1639 : memref<20000000xf32, #tpu.memory_space<hbm>>) dst(%dma_wait3A_1634 : memref<128xf32, #tpu.memory_space<vmem>>)
    %dma_wait3A_1640 = arith.constant 3 : i32
    %dma_wait3A_1641 = arith.constant 2 : i32
    %dma_wait3A_1642 = arith.constant 2 : i32
    %dma_wait3A_1643 = arith.constant 384 : i32
    %dma_wait3A_1644 = tpu.memref_slice %arg10[%dma_wait3A_1642, %dma_wait3A_1643] : memref<20x512xf32, #tpu.memory_space<vmem>> -> memref<1x128xf32, #tpu.memory_space<vmem>>
    %dma_wait3A_1645 = tpu.memref_squeeze %dma_wait3A_1644 : memref<1x128xf32, #tpu.memory_space<vmem>> -> memref<128xf32, #tpu.memory_space<vmem>>
    %dma_wait3A_1646 = arith.constant 0 : i32
    %dma_wait3A_1647 = tpu.memref_slice %arg9[%dma_wait3A_1640, %dma_wait3A_1641, %dma_wait3A_1646] : memref<4x20x128xi32, #tpu.memory_space<vmem>> -> memref<1x1x128xi32, #tpu.memory_space<vmem>>
    %dma_wait3A_1648 = tpu.memref_squeeze %dma_wait3A_1647 : memref<1x1x128xi32, #tpu.memory_space<vmem>> -> memref<128xi32, #tpu.memory_space<vmem>>
    %dma_wait3A_1649 = arith.constant 0 : i32
    %dma_wait3A_1650 = tpu.memref_slice %arg2[%dma_wait3A_1649] : memref<20000000xf32, #tpu.memory_space<hbm>> -> memref<20000000xf32, #tpu.memory_space<hbm>>
    tpu.wait_indirect_dma semaphore(%arg15 : memref<!tpu.dma_semaphore, #tpu.memory_space<semaphore_mem>>) src(%dma_wait3A_1650 : memref<20000000xf32, #tpu.memory_space<hbm>>) dst(%dma_wait3A_1645 : memref<128xf32, #tpu.memory_space<vmem>>)
    %dma_wait3A_1651 = arith.constant 3 : i32
    %dma_wait3A_1652 = arith.constant 3 : i32
    %dma_wait3A_1653 = arith.constant 3 : i32
    %dma_wait3A_1654 = arith.constant 384 : i32
    %dma_wait3A_1655 = tpu.memref_slice %arg10[%dma_wait3A_1653, %dma_wait3A_1654] : memref<20x512xf32, #tpu.memory_space<vmem>> -> memref<1x128xf32, #tpu.memory_space<vmem>>
    %dma_wait3A_1656 = tpu.memref_squeeze %dma_wait3A_1655 : memref<1x128xf32, #tpu.memory_space<vmem>> -> memref<128xf32, #tpu.memory_space<vmem>>
    %dma_wait3A_1657 = arith.constant 0 : i32
    %dma_wait3A_1658 = tpu.memref_slice %arg9[%dma_wait3A_1651, %dma_wait3A_1652, %dma_wait3A_1657] : memref<4x20x128xi32, #tpu.memory_space<vmem>> -> memref<1x1x128xi32, #tpu.memory_space<vmem>>
    %dma_wait3A_1659 = tpu.memref_squeeze %dma_wait3A_1658 : memref<1x1x128xi32, #tpu.memory_space<vmem>> -> memref<128xi32, #tpu.memory_space<vmem>>
    %dma_wait3A_1660 = arith.constant 0 : i32
    %dma_wait3A_1661 = tpu.memref_slice %arg2[%dma_wait3A_1660] : memref<20000000xf32, #tpu.memory_space<hbm>> -> memref<20000000xf32, #tpu.memory_space<hbm>>
    tpu.wait_indirect_dma semaphore(%arg15 : memref<!tpu.dma_semaphore, #tpu.memory_space<semaphore_mem>>) src(%dma_wait3A_1661 : memref<20000000xf32, #tpu.memory_space<hbm>>) dst(%dma_wait3A_1656 : memref<128xf32, #tpu.memory_space<vmem>>)
    %dma_wait3A_1662 = arith.constant 3 : i32
    %dma_wait3A_1663 = arith.constant 4 : i32
    %dma_wait3A_1664 = arith.constant 4 : i32
    %dma_wait3A_1665 = arith.constant 384 : i32
    %dma_wait3A_1666 = tpu.memref_slice %arg10[%dma_wait3A_1664, %dma_wait3A_1665] : memref<20x512xf32, #tpu.memory_space<vmem>> -> memref<1x128xf32, #tpu.memory_space<vmem>>
    %dma_wait3A_1667 = tpu.memref_squeeze %dma_wait3A_1666 : memref<1x128xf32, #tpu.memory_space<vmem>> -> memref<128xf32, #tpu.memory_space<vmem>>
    %dma_wait3A_1668 = arith.constant 0 : i32
    %dma_wait3A_1669 = tpu.memref_slice %arg9[%dma_wait3A_1662, %dma_wait3A_1663, %dma_wait3A_1668] : memref<4x20x128xi32, #tpu.memory_space<vmem>> -> memref<1x1x128xi32, #tpu.memory_space<vmem>>
    %dma_wait3A_1670 = tpu.memref_squeeze %dma_wait3A_1669 : memref<1x1x128xi32, #tpu.memory_space<vmem>> -> memref<128xi32, #tpu.memory_space<vmem>>
    %dma_wait3A_1671 = arith.constant 0 : i32
    %dma_wait3A_1672 = tpu.memref_slice %arg2[%dma_wait3A_1671] : memref<20000000xf32, #tpu.memory_space<hbm>> -> memref<20000000xf32, #tpu.memory_space<hbm>>
    tpu.wait_indirect_dma semaphore(%arg15 : memref<!tpu.dma_semaphore, #tpu.memory_space<semaphore_mem>>) src(%dma_wait3A_1672 : memref<20000000xf32, #tpu.memory_space<hbm>>) dst(%dma_wait3A_1667 : memref<128xf32, #tpu.memory_space<vmem>>)
    %dma_wait3A_1673 = arith.constant 3 : i32
    %dma_wait3A_1674 = arith.constant 5 : i32
    %dma_wait3A_1675 = arith.constant 5 : i32
    %dma_wait3A_1676 = arith.constant 384 : i32
    %dma_wait3A_1677 = tpu.memref_slice %arg10[%dma_wait3A_1675, %dma_wait3A_1676] : memref<20x512xf32, #tpu.memory_space<vmem>> -> memref<1x128xf32, #tpu.memory_space<vmem>>
    %dma_wait3A_1678 = tpu.memref_squeeze %dma_wait3A_1677 : memref<1x128xf32, #tpu.memory_space<vmem>> -> memref<128xf32, #tpu.memory_space<vmem>>
    %dma_wait3A_1679 = arith.constant 0 : i32
    %dma_wait3A_1680 = tpu.memref_slice %arg9[%dma_wait3A_1673, %dma_wait3A_1674, %dma_wait3A_1679] : memref<4x20x128xi32, #tpu.memory_space<vmem>> -> memref<1x1x128xi32, #tpu.memory_space<vmem>>
    %dma_wait3A_1681 = tpu.memref_squeeze %dma_wait3A_1680 : memref<1x1x128xi32, #tpu.memory_space<vmem>> -> memref<128xi32, #tpu.memory_space<vmem>>
    %dma_wait3A_1682 = arith.constant 0 : i32
    %dma_wait3A_1683 = tpu.memref_slice %arg2[%dma_wait3A_1682] : memref<20000000xf32, #tpu.memory_space<hbm>> -> memref<20000000xf32, #tpu.memory_space<hbm>>
    tpu.wait_indirect_dma semaphore(%arg15 : memref<!tpu.dma_semaphore, #tpu.memory_space<semaphore_mem>>) src(%dma_wait3A_1683 : memref<20000000xf32, #tpu.memory_space<hbm>>) dst(%dma_wait3A_1678 : memref<128xf32, #tpu.memory_space<vmem>>)
    %dma_wait3A_1684 = arith.constant 3 : i32
    %dma_wait3A_1685 = arith.constant 6 : i32
    %dma_wait3A_1686 = arith.constant 6 : i32
    %dma_wait3A_1687 = arith.constant 384 : i32
    %dma_wait3A_1688 = tpu.memref_slice %arg10[%dma_wait3A_1686, %dma_wait3A_1687] : memref<20x512xf32, #tpu.memory_space<vmem>> -> memref<1x128xf32, #tpu.memory_space<vmem>>
    %dma_wait3A_1689 = tpu.memref_squeeze %dma_wait3A_1688 : memref<1x128xf32, #tpu.memory_space<vmem>> -> memref<128xf32, #tpu.memory_space<vmem>>
    %dma_wait3A_1690 = arith.constant 0 : i32
    %dma_wait3A_1691 = tpu.memref_slice %arg9[%dma_wait3A_1684, %dma_wait3A_1685, %dma_wait3A_1690] : memref<4x20x128xi32, #tpu.memory_space<vmem>> -> memref<1x1x128xi32, #tpu.memory_space<vmem>>
    %dma_wait3A_1692 = tpu.memref_squeeze %dma_wait3A_1691 : memref<1x1x128xi32, #tpu.memory_space<vmem>> -> memref<128xi32, #tpu.memory_space<vmem>>
    %dma_wait3A_1693 = arith.constant 0 : i32
    %dma_wait3A_1694 = tpu.memref_slice %arg2[%dma_wait3A_1693] : memref<20000000xf32, #tpu.memory_space<hbm>> -> memref<20000000xf32, #tpu.memory_space<hbm>>
    tpu.wait_indirect_dma semaphore(%arg15 : memref<!tpu.dma_semaphore, #tpu.memory_space<semaphore_mem>>) src(%dma_wait3A_1694 : memref<20000000xf32, #tpu.memory_space<hbm>>) dst(%dma_wait3A_1689 : memref<128xf32, #tpu.memory_space<vmem>>)
    %dma_wait3A_1695 = arith.constant 3 : i32
    %dma_wait3A_1696 = arith.constant 7 : i32
    %dma_wait3A_1697 = arith.constant 7 : i32
    %dma_wait3A_1698 = arith.constant 384 : i32
    %dma_wait3A_1699 = tpu.memref_slice %arg10[%dma_wait3A_1697, %dma_wait3A_1698] : memref<20x512xf32, #tpu.memory_space<vmem>> -> memref<1x128xf32, #tpu.memory_space<vmem>>
    %dma_wait3A_1700 = tpu.memref_squeeze %dma_wait3A_1699 : memref<1x128xf32, #tpu.memory_space<vmem>> -> memref<128xf32, #tpu.memory_space<vmem>>
    %dma_wait3A_1701 = arith.constant 0 : i32
    %dma_wait3A_1702 = tpu.memref_slice %arg9[%dma_wait3A_1695, %dma_wait3A_1696, %dma_wait3A_1701] : memref<4x20x128xi32, #tpu.memory_space<vmem>> -> memref<1x1x128xi32, #tpu.memory_space<vmem>>
    %dma_wait3A_1703 = tpu.memref_squeeze %dma_wait3A_1702 : memref<1x1x128xi32, #tpu.memory_space<vmem>> -> memref<128xi32, #tpu.memory_space<vmem>>
    %dma_wait3A_1704 = arith.constant 0 : i32
    %dma_wait3A_1705 = tpu.memref_slice %arg2[%dma_wait3A_1704] : memref<20000000xf32, #tpu.memory_space<hbm>> -> memref<20000000xf32, #tpu.memory_space<hbm>>
    tpu.wait_indirect_dma semaphore(%arg15 : memref<!tpu.dma_semaphore, #tpu.memory_space<semaphore_mem>>) src(%dma_wait3A_1705 : memref<20000000xf32, #tpu.memory_space<hbm>>) dst(%dma_wait3A_1700 : memref<128xf32, #tpu.memory_space<vmem>>)
    %dma_wait3A_1706 = arith.constant 3 : i32
    %dma_wait3A_1707 = arith.constant 8 : i32
    %dma_wait3A_1708 = arith.constant 8 : i32
    %dma_wait3A_1709 = arith.constant 384 : i32
    %dma_wait3A_1710 = tpu.memref_slice %arg10[%dma_wait3A_1708, %dma_wait3A_1709] : memref<20x512xf32, #tpu.memory_space<vmem>> -> memref<1x128xf32, #tpu.memory_space<vmem>>
    %dma_wait3A_1711 = tpu.memref_squeeze %dma_wait3A_1710 : memref<1x128xf32, #tpu.memory_space<vmem>> -> memref<128xf32, #tpu.memory_space<vmem>>
    %dma_wait3A_1712 = arith.constant 0 : i32
    %dma_wait3A_1713 = tpu.memref_slice %arg9[%dma_wait3A_1706, %dma_wait3A_1707, %dma_wait3A_1712] : memref<4x20x128xi32, #tpu.memory_space<vmem>> -> memref<1x1x128xi32, #tpu.memory_space<vmem>>
    %dma_wait3A_1714 = tpu.memref_squeeze %dma_wait3A_1713 : memref<1x1x128xi32, #tpu.memory_space<vmem>> -> memref<128xi32, #tpu.memory_space<vmem>>
    %dma_wait3A_1715 = arith.constant 0 : i32
    %dma_wait3A_1716 = tpu.memref_slice %arg2[%dma_wait3A_1715] : memref<20000000xf32, #tpu.memory_space<hbm>> -> memref<20000000xf32, #tpu.memory_space<hbm>>
    tpu.wait_indirect_dma semaphore(%arg15 : memref<!tpu.dma_semaphore, #tpu.memory_space<semaphore_mem>>) src(%dma_wait3A_1716 : memref<20000000xf32, #tpu.memory_space<hbm>>) dst(%dma_wait3A_1711 : memref<128xf32, #tpu.memory_space<vmem>>)
    %dma_wait3A_1717 = arith.constant 3 : i32
    %dma_wait3A_1718 = arith.constant 9 : i32
    %dma_wait3A_1719 = arith.constant 9 : i32
    %dma_wait3A_1720 = arith.constant 384 : i32
    %dma_wait3A_1721 = tpu.memref_slice %arg10[%dma_wait3A_1719, %dma_wait3A_1720] : memref<20x512xf32, #tpu.memory_space<vmem>> -> memref<1x128xf32, #tpu.memory_space<vmem>>
    %dma_wait3A_1722 = tpu.memref_squeeze %dma_wait3A_1721 : memref<1x128xf32, #tpu.memory_space<vmem>> -> memref<128xf32, #tpu.memory_space<vmem>>
    %dma_wait3A_1723 = arith.constant 0 : i32
    %dma_wait3A_1724 = tpu.memref_slice %arg9[%dma_wait3A_1717, %dma_wait3A_1718, %dma_wait3A_1723] : memref<4x20x128xi32, #tpu.memory_space<vmem>> -> memref<1x1x128xi32, #tpu.memory_space<vmem>>
    %dma_wait3A_1725 = tpu.memref_squeeze %dma_wait3A_1724 : memref<1x1x128xi32, #tpu.memory_space<vmem>> -> memref<128xi32, #tpu.memory_space<vmem>>
    %dma_wait3A_1726 = arith.constant 0 : i32
    %dma_wait3A_1727 = tpu.memref_slice %arg2[%dma_wait3A_1726] : memref<20000000xf32, #tpu.memory_space<hbm>> -> memref<20000000xf32, #tpu.memory_space<hbm>>
    tpu.wait_indirect_dma semaphore(%arg15 : memref<!tpu.dma_semaphore, #tpu.memory_space<semaphore_mem>>) src(%dma_wait3A_1727 : memref<20000000xf32, #tpu.memory_space<hbm>>) dst(%dma_wait3A_1722 : memref<128xf32, #tpu.memory_space<vmem>>)
    %dma_wait3A_1728 = arith.constant 3 : i32
    %dma_wait3A_1729 = arith.constant 10 : i32
    %dma_wait3A_1730 = arith.constant 10 : i32
    %dma_wait3A_1731 = arith.constant 384 : i32
    %dma_wait3A_1732 = tpu.memref_slice %arg10[%dma_wait3A_1730, %dma_wait3A_1731] : memref<20x512xf32, #tpu.memory_space<vmem>> -> memref<1x128xf32, #tpu.memory_space<vmem>>
    %dma_wait3A_1733 = tpu.memref_squeeze %dma_wait3A_1732 : memref<1x128xf32, #tpu.memory_space<vmem>> -> memref<128xf32, #tpu.memory_space<vmem>>
    %dma_wait3A_1734 = arith.constant 0 : i32
    %dma_wait3A_1735 = tpu.memref_slice %arg9[%dma_wait3A_1728, %dma_wait3A_1729, %dma_wait3A_1734] : memref<4x20x128xi32, #tpu.memory_space<vmem>> -> memref<1x1x128xi32, #tpu.memory_space<vmem>>
    %dma_wait3A_1736 = tpu.memref_squeeze %dma_wait3A_1735 : memref<1x1x128xi32, #tpu.memory_space<vmem>> -> memref<128xi32, #tpu.memory_space<vmem>>
    %dma_wait3A_1737 = arith.constant 0 : i32
    %dma_wait3A_1738 = tpu.memref_slice %arg2[%dma_wait3A_1737] : memref<20000000xf32, #tpu.memory_space<hbm>> -> memref<20000000xf32, #tpu.memory_space<hbm>>
    tpu.wait_indirect_dma semaphore(%arg15 : memref<!tpu.dma_semaphore, #tpu.memory_space<semaphore_mem>>) src(%dma_wait3A_1738 : memref<20000000xf32, #tpu.memory_space<hbm>>) dst(%dma_wait3A_1733 : memref<128xf32, #tpu.memory_space<vmem>>)
    %dma_wait3A_1739 = arith.constant 3 : i32
    %dma_wait3A_1740 = arith.constant 11 : i32
    %dma_wait3A_1741 = arith.constant 11 : i32
    %dma_wait3A_1742 = arith.constant 384 : i32
    %dma_wait3A_1743 = tpu.memref_slice %arg10[%dma_wait3A_1741, %dma_wait3A_1742] : memref<20x512xf32, #tpu.memory_space<vmem>> -> memref<1x128xf32, #tpu.memory_space<vmem>>
    %dma_wait3A_1744 = tpu.memref_squeeze %dma_wait3A_1743 : memref<1x128xf32, #tpu.memory_space<vmem>> -> memref<128xf32, #tpu.memory_space<vmem>>
    %dma_wait3A_1745 = arith.constant 0 : i32
    %dma_wait3A_1746 = tpu.memref_slice %arg9[%dma_wait3A_1739, %dma_wait3A_1740, %dma_wait3A_1745] : memref<4x20x128xi32, #tpu.memory_space<vmem>> -> memref<1x1x128xi32, #tpu.memory_space<vmem>>
    %dma_wait3A_1747 = tpu.memref_squeeze %dma_wait3A_1746 : memref<1x1x128xi32, #tpu.memory_space<vmem>> -> memref<128xi32, #tpu.memory_space<vmem>>
    %dma_wait3A_1748 = arith.constant 0 : i32
    %dma_wait3A_1749 = tpu.memref_slice %arg2[%dma_wait3A_1748] : memref<20000000xf32, #tpu.memory_space<hbm>> -> memref<20000000xf32, #tpu.memory_space<hbm>>
    tpu.wait_indirect_dma semaphore(%arg15 : memref<!tpu.dma_semaphore, #tpu.memory_space<semaphore_mem>>) src(%dma_wait3A_1749 : memref<20000000xf32, #tpu.memory_space<hbm>>) dst(%dma_wait3A_1744 : memref<128xf32, #tpu.memory_space<vmem>>)
    %dma_wait3A_1750 = arith.constant 3 : i32
    %dma_wait3A_1751 = arith.constant 12 : i32
    %dma_wait3A_1752 = arith.constant 12 : i32
    %dma_wait3A_1753 = arith.constant 384 : i32
    %dma_wait3A_1754 = tpu.memref_slice %arg10[%dma_wait3A_1752, %dma_wait3A_1753] : memref<20x512xf32, #tpu.memory_space<vmem>> -> memref<1x128xf32, #tpu.memory_space<vmem>>
    %dma_wait3A_1755 = tpu.memref_squeeze %dma_wait3A_1754 : memref<1x128xf32, #tpu.memory_space<vmem>> -> memref<128xf32, #tpu.memory_space<vmem>>
    %dma_wait3A_1756 = arith.constant 0 : i32
    %dma_wait3A_1757 = tpu.memref_slice %arg9[%dma_wait3A_1750, %dma_wait3A_1751, %dma_wait3A_1756] : memref<4x20x128xi32, #tpu.memory_space<vmem>> -> memref<1x1x128xi32, #tpu.memory_space<vmem>>
    %dma_wait3A_1758 = tpu.memref_squeeze %dma_wait3A_1757 : memref<1x1x128xi32, #tpu.memory_space<vmem>> -> memref<128xi32, #tpu.memory_space<vmem>>
    %dma_wait3A_1759 = arith.constant 0 : i32
    %dma_wait3A_1760 = tpu.memref_slice %arg2[%dma_wait3A_1759] : memref<20000000xf32, #tpu.memory_space<hbm>> -> memref<20000000xf32, #tpu.memory_space<hbm>>
    tpu.wait_indirect_dma semaphore(%arg15 : memref<!tpu.dma_semaphore, #tpu.memory_space<semaphore_mem>>) src(%dma_wait3A_1760 : memref<20000000xf32, #tpu.memory_space<hbm>>) dst(%dma_wait3A_1755 : memref<128xf32, #tpu.memory_space<vmem>>)
    %dma_wait3A_1761 = arith.constant 3 : i32
    %dma_wait3A_1762 = arith.constant 13 : i32
    %dma_wait3A_1763 = arith.constant 13 : i32
    %dma_wait3A_1764 = arith.constant 384 : i32
    %dma_wait3A_1765 = tpu.memref_slice %arg10[%dma_wait3A_1763, %dma_wait3A_1764] : memref<20x512xf32, #tpu.memory_space<vmem>> -> memref<1x128xf32, #tpu.memory_space<vmem>>
    %dma_wait3A_1766 = tpu.memref_squeeze %dma_wait3A_1765 : memref<1x128xf32, #tpu.memory_space<vmem>> -> memref<128xf32, #tpu.memory_space<vmem>>
    %dma_wait3A_1767 = arith.constant 0 : i32
    %dma_wait3A_1768 = tpu.memref_slice %arg9[%dma_wait3A_1761, %dma_wait3A_1762, %dma_wait3A_1767] : memref<4x20x128xi32, #tpu.memory_space<vmem>> -> memref<1x1x128xi32, #tpu.memory_space<vmem>>
    %dma_wait3A_1769 = tpu.memref_squeeze %dma_wait3A_1768 : memref<1x1x128xi32, #tpu.memory_space<vmem>> -> memref<128xi32, #tpu.memory_space<vmem>>
    %dma_wait3A_1770 = arith.constant 0 : i32
    %dma_wait3A_1771 = tpu.memref_slice %arg2[%dma_wait3A_1770] : memref<20000000xf32, #tpu.memory_space<hbm>> -> memref<20000000xf32, #tpu.memory_space<hbm>>
    tpu.wait_indirect_dma semaphore(%arg15 : memref<!tpu.dma_semaphore, #tpu.memory_space<semaphore_mem>>) src(%dma_wait3A_1771 : memref<20000000xf32, #tpu.memory_space<hbm>>) dst(%dma_wait3A_1766 : memref<128xf32, #tpu.memory_space<vmem>>)
    %dma_wait3A_1772 = arith.constant 3 : i32
    %dma_wait3A_1773 = arith.constant 14 : i32
    %dma_wait3A_1774 = arith.constant 14 : i32
    %dma_wait3A_1775 = arith.constant 384 : i32
    %dma_wait3A_1776 = tpu.memref_slice %arg10[%dma_wait3A_1774, %dma_wait3A_1775] : memref<20x512xf32, #tpu.memory_space<vmem>> -> memref<1x128xf32, #tpu.memory_space<vmem>>
    %dma_wait3A_1777 = tpu.memref_squeeze %dma_wait3A_1776 : memref<1x128xf32, #tpu.memory_space<vmem>> -> memref<128xf32, #tpu.memory_space<vmem>>
    %dma_wait3A_1778 = arith.constant 0 : i32
    %dma_wait3A_1779 = tpu.memref_slice %arg9[%dma_wait3A_1772, %dma_wait3A_1773, %dma_wait3A_1778] : memref<4x20x128xi32, #tpu.memory_space<vmem>> -> memref<1x1x128xi32, #tpu.memory_space<vmem>>
    %dma_wait3A_1780 = tpu.memref_squeeze %dma_wait3A_1779 : memref<1x1x128xi32, #tpu.memory_space<vmem>> -> memref<128xi32, #tpu.memory_space<vmem>>
    %dma_wait3A_1781 = arith.constant 0 : i32
    %dma_wait3A_1782 = tpu.memref_slice %arg2[%dma_wait3A_1781] : memref<20000000xf32, #tpu.memory_space<hbm>> -> memref<20000000xf32, #tpu.memory_space<hbm>>
    tpu.wait_indirect_dma semaphore(%arg15 : memref<!tpu.dma_semaphore, #tpu.memory_space<semaphore_mem>>) src(%dma_wait3A_1782 : memref<20000000xf32, #tpu.memory_space<hbm>>) dst(%dma_wait3A_1777 : memref<128xf32, #tpu.memory_space<vmem>>)
    %dma_wait3A_1783 = arith.constant 3 : i32
    %dma_wait3A_1784 = arith.constant 15 : i32
    %dma_wait3A_1785 = arith.constant 15 : i32
    %dma_wait3A_1786 = arith.constant 384 : i32
    %dma_wait3A_1787 = tpu.memref_slice %arg10[%dma_wait3A_1785, %dma_wait3A_1786] : memref<20x512xf32, #tpu.memory_space<vmem>> -> memref<1x128xf32, #tpu.memory_space<vmem>>
    %dma_wait3A_1788 = tpu.memref_squeeze %dma_wait3A_1787 : memref<1x128xf32, #tpu.memory_space<vmem>> -> memref<128xf32, #tpu.memory_space<vmem>>
    %dma_wait3A_1789 = arith.constant 0 : i32
    %dma_wait3A_1790 = tpu.memref_slice %arg9[%dma_wait3A_1783, %dma_wait3A_1784, %dma_wait3A_1789] : memref<4x20x128xi32, #tpu.memory_space<vmem>> -> memref<1x1x128xi32, #tpu.memory_space<vmem>>
    %dma_wait3A_1791 = tpu.memref_squeeze %dma_wait3A_1790 : memref<1x1x128xi32, #tpu.memory_space<vmem>> -> memref<128xi32, #tpu.memory_space<vmem>>
    %dma_wait3A_1792 = arith.constant 0 : i32
    %dma_wait3A_1793 = tpu.memref_slice %arg2[%dma_wait3A_1792] : memref<20000000xf32, #tpu.memory_space<hbm>> -> memref<20000000xf32, #tpu.memory_space<hbm>>
    tpu.wait_indirect_dma semaphore(%arg15 : memref<!tpu.dma_semaphore, #tpu.memory_space<semaphore_mem>>) src(%dma_wait3A_1793 : memref<20000000xf32, #tpu.memory_space<hbm>>) dst(%dma_wait3A_1788 : memref<128xf32, #tpu.memory_space<vmem>>)
    %dma_wait3A_1794 = arith.constant 3 : i32
    %dma_wait3A_1795 = arith.constant 16 : i32
    %dma_wait3A_1796 = arith.constant 16 : i32
    %dma_wait3A_1797 = arith.constant 384 : i32
    %dma_wait3A_1798 = tpu.memref_slice %arg10[%dma_wait3A_1796, %dma_wait3A_1797] : memref<20x512xf32, #tpu.memory_space<vmem>> -> memref<1x128xf32, #tpu.memory_space<vmem>>
    %dma_wait3A_1799 = tpu.memref_squeeze %dma_wait3A_1798 : memref<1x128xf32, #tpu.memory_space<vmem>> -> memref<128xf32, #tpu.memory_space<vmem>>
    %dma_wait3A_1800 = arith.constant 0 : i32
    %dma_wait3A_1801 = tpu.memref_slice %arg9[%dma_wait3A_1794, %dma_wait3A_1795, %dma_wait3A_1800] : memref<4x20x128xi32, #tpu.memory_space<vmem>> -> memref<1x1x128xi32, #tpu.memory_space<vmem>>
    %dma_wait3A_1802 = tpu.memref_squeeze %dma_wait3A_1801 : memref<1x1x128xi32, #tpu.memory_space<vmem>> -> memref<128xi32, #tpu.memory_space<vmem>>
    %dma_wait3A_1803 = arith.constant 0 : i32
    %dma_wait3A_1804 = tpu.memref_slice %arg2[%dma_wait3A_1803] : memref<20000000xf32, #tpu.memory_space<hbm>> -> memref<20000000xf32, #tpu.memory_space<hbm>>
    tpu.wait_indirect_dma semaphore(%arg15 : memref<!tpu.dma_semaphore, #tpu.memory_space<semaphore_mem>>) src(%dma_wait3A_1804 : memref<20000000xf32, #tpu.memory_space<hbm>>) dst(%dma_wait3A_1799 : memref<128xf32, #tpu.memory_space<vmem>>)
    %dma_wait3A_1805 = arith.constant 3 : i32
    %dma_wait3A_1806 = arith.constant 17 : i32
    %dma_wait3A_1807 = arith.constant 17 : i32
    %dma_wait3A_1808 = arith.constant 384 : i32
    %dma_wait3A_1809 = tpu.memref_slice %arg10[%dma_wait3A_1807, %dma_wait3A_1808] : memref<20x512xf32, #tpu.memory_space<vmem>> -> memref<1x128xf32, #tpu.memory_space<vmem>>
    %dma_wait3A_1810 = tpu.memref_squeeze %dma_wait3A_1809 : memref<1x128xf32, #tpu.memory_space<vmem>> -> memref<128xf32, #tpu.memory_space<vmem>>
    %dma_wait3A_1811 = arith.constant 0 : i32
    %dma_wait3A_1812 = tpu.memref_slice %arg9[%dma_wait3A_1805, %dma_wait3A_1806, %dma_wait3A_1811] : memref<4x20x128xi32, #tpu.memory_space<vmem>> -> memref<1x1x128xi32, #tpu.memory_space<vmem>>
    %dma_wait3A_1813 = tpu.memref_squeeze %dma_wait3A_1812 : memref<1x1x128xi32, #tpu.memory_space<vmem>> -> memref<128xi32, #tpu.memory_space<vmem>>
    %dma_wait3A_1814 = arith.constant 0 : i32
    %dma_wait3A_1815 = tpu.memref_slice %arg2[%dma_wait3A_1814] : memref<20000000xf32, #tpu.memory_space<hbm>> -> memref<20000000xf32, #tpu.memory_space<hbm>>
    tpu.wait_indirect_dma semaphore(%arg15 : memref<!tpu.dma_semaphore, #tpu.memory_space<semaphore_mem>>) src(%dma_wait3A_1815 : memref<20000000xf32, #tpu.memory_space<hbm>>) dst(%dma_wait3A_1810 : memref<128xf32, #tpu.memory_space<vmem>>)
    %dma_wait3A_1816 = arith.constant 3 : i32
    %dma_wait3A_1817 = arith.constant 18 : i32
    %dma_wait3A_1818 = arith.constant 18 : i32
    %dma_wait3A_1819 = arith.constant 384 : i32
    %dma_wait3A_1820 = tpu.memref_slice %arg10[%dma_wait3A_1818, %dma_wait3A_1819] : memref<20x512xf32, #tpu.memory_space<vmem>> -> memref<1x128xf32, #tpu.memory_space<vmem>>
    %dma_wait3A_1821 = tpu.memref_squeeze %dma_wait3A_1820 : memref<1x128xf32, #tpu.memory_space<vmem>> -> memref<128xf32, #tpu.memory_space<vmem>>
    %dma_wait3A_1822 = arith.constant 0 : i32
    %dma_wait3A_1823 = tpu.memref_slice %arg9[%dma_wait3A_1816, %dma_wait3A_1817, %dma_wait3A_1822] : memref<4x20x128xi32, #tpu.memory_space<vmem>> -> memref<1x1x128xi32, #tpu.memory_space<vmem>>
    %dma_wait3A_1824 = tpu.memref_squeeze %dma_wait3A_1823 : memref<1x1x128xi32, #tpu.memory_space<vmem>> -> memref<128xi32, #tpu.memory_space<vmem>>
    %dma_wait3A_1825 = arith.constant 0 : i32
    %dma_wait3A_1826 = tpu.memref_slice %arg2[%dma_wait3A_1825] : memref<20000000xf32, #tpu.memory_space<hbm>> -> memref<20000000xf32, #tpu.memory_space<hbm>>
    tpu.wait_indirect_dma semaphore(%arg15 : memref<!tpu.dma_semaphore, #tpu.memory_space<semaphore_mem>>) src(%dma_wait3A_1826 : memref<20000000xf32, #tpu.memory_space<hbm>>) dst(%dma_wait3A_1821 : memref<128xf32, #tpu.memory_space<vmem>>)
    %dma_wait3A_1827 = arith.constant 3 : i32
    %dma_wait3A_1828 = arith.constant 19 : i32
    %dma_wait3A_1829 = arith.constant 19 : i32
    %dma_wait3A_1830 = arith.constant 384 : i32
    %dma_wait3A_1831 = tpu.memref_slice %arg10[%dma_wait3A_1829, %dma_wait3A_1830] : memref<20x512xf32, #tpu.memory_space<vmem>> -> memref<1x128xf32, #tpu.memory_space<vmem>>
    %dma_wait3A_1832 = tpu.memref_squeeze %dma_wait3A_1831 : memref<1x128xf32, #tpu.memory_space<vmem>> -> memref<128xf32, #tpu.memory_space<vmem>>
    %dma_wait3A_1833 = arith.constant 0 : i32
    %dma_wait3A_1834 = tpu.memref_slice %arg9[%dma_wait3A_1827, %dma_wait3A_1828, %dma_wait3A_1833] : memref<4x20x128xi32, #tpu.memory_space<vmem>> -> memref<1x1x128xi32, #tpu.memory_space<vmem>>
    %dma_wait3A_1835 = tpu.memref_squeeze %dma_wait3A_1834 : memref<1x1x128xi32, #tpu.memory_space<vmem>> -> memref<128xi32, #tpu.memory_space<vmem>>
    %dma_wait3A_1836 = arith.constant 0 : i32
    %dma_wait3A_1837 = tpu.memref_slice %arg2[%dma_wait3A_1836] : memref<20000000xf32, #tpu.memory_space<hbm>> -> memref<20000000xf32, #tpu.memory_space<hbm>>
    tpu.wait_indirect_dma semaphore(%arg15 : memref<!tpu.dma_semaphore, #tpu.memory_space<semaphore_mem>>) src(%dma_wait3A_1837 : memref<20000000xf32, #tpu.memory_space<hbm>>) dst(%dma_wait3A_1832 : memref<128xf32, #tpu.memory_space<vmem>>)
    %dma_wait3A_1838 = arith.constant 3 : i32
    %dma_wait3A_1839 = arith.constant 384 : i32
    %dma_wait3A_1840 = tpu.memref_slice %arg12[%dma_wait3A_1839] : memref<512xf32, #tpu.memory_space<vmem>> -> memref<128xf32, #tpu.memory_space<vmem>>
    %dma_wait3A_1841 = arith.constant 0 : i32
    %dma_wait3A_1842 = tpu.memref_slice %arg8[%dma_wait3A_1838, %dma_wait3A_1841] : memref<4x128xi32, #tpu.memory_space<vmem>> -> memref<1x128xi32, #tpu.memory_space<vmem>>
    %dma_wait3A_1843 = tpu.memref_squeeze %dma_wait3A_1842 : memref<1x128xi32, #tpu.memory_space<vmem>> -> memref<128xi32, #tpu.memory_space<vmem>>
    %dma_wait3A_1844 = arith.constant 0 : i32
    %dma_wait3A_1845 = tpu.memref_slice %arg3[%dma_wait3A_1844] : memref<1000000xf32, #tpu.memory_space<hbm>> -> memref<1000000xf32, #tpu.memory_space<hbm>>
    tpu.wait_indirect_dma semaphore(%arg15 : memref<!tpu.dma_semaphore, #tpu.memory_space<semaphore_mem>>) src(%dma_wait3A_1845 : memref<1000000xf32, #tpu.memory_space<hbm>>) dst(%dma_wait3A_1840 : memref<128xf32, #tpu.memory_space<vmem>>)
    %get3A = arith.constant 0 : index
    %get3A_1846 = tpu.vector_load %arg14[%get3A] {strides = array<i32>} : memref<48xf32, #tpu.memory_space<vmem>>, vector<16xf32>,
    %get3A_1847 = arith.constant 16 : index
    %get3A_1848 = tpu.vector_load %arg14[%get3A_1847] {strides = array<i32>} : memref<48xf32, #tpu.memory_space<vmem>>, vector<16xf32>,
    %get3A_1849 = arith.constant 32 : index
    %get3A_1850 = tpu.vector_load %arg14[%get3A_1849] {strides = array<i32>} : memref<48xf32, #tpu.memory_space<vmem>>, vector<16xf32>,
    %slice3A = vector.extract_strided_slice %get3A_1846 {offsets = [0], sizes = [1], strides = [1]} : vector<16xf32> to vector<1xf32>
    %squeeze3A = vector.extract %slice3A[0] : f32 from vector<1xf32>
    %slice3A_1851 = vector.extract_strided_slice %get3A_1846 {offsets = [1], sizes = [1], strides = [1]} : vector<16xf32> to vector<1xf32>
    %squeeze3A_1852 = vector.extract %slice3A_1851[0] : f32 from vector<1xf32>
    %slice3A_1853 = vector.extract_strided_slice %get3A_1846 {offsets = [2], sizes = [1], strides = [1]} : vector<16xf32> to vector<1xf32>
    %squeeze3A_1854 = vector.extract %slice3A_1853[0] : f32 from vector<1xf32>
    %slice3A_1855 = vector.extract_strided_slice %get3A_1846 {offsets = [3], sizes = [1], strides = [1]} : vector<16xf32> to vector<1xf32>
    %squeeze3A_1856 = vector.extract %slice3A_1855[0] : f32 from vector<1xf32>
    %slice3A_1857 = vector.extract_strided_slice %get3A_1846 {offsets = [4], sizes = [1], strides = [1]} : vector<16xf32> to vector<1xf32>
    %squeeze3A_1858 = vector.extract %slice3A_1857[0] : f32 from vector<1xf32>
    %slice3A_1859 = vector.extract_strided_slice %get3A_1846 {offsets = [5], sizes = [1], strides = [1]} : vector<16xf32> to vector<1xf32>
    %squeeze3A_1860 = vector.extract %slice3A_1859[0] : f32 from vector<1xf32>
    %slice3A_1861 = vector.extract_strided_slice %get3A_1846 {offsets = [6], sizes = [1], strides = [1]} : vector<16xf32> to vector<1xf32>
    %squeeze3A_1862 = vector.extract %slice3A_1861[0] : f32 from vector<1xf32>
    %slice3A_1863 = vector.extract_strided_slice %get3A_1846 {offsets = [7], sizes = [1], strides = [1]} : vector<16xf32> to vector<1xf32>
    %squeeze3A_1864 = vector.extract %slice3A_1863[0] : f32 from vector<1xf32>
    %slice3A_1865 = vector.extract_strided_slice %get3A_1846 {offsets = [8], sizes = [1], strides = [1]} : vector<16xf32> to vector<1xf32>
    %squeeze3A_1866 = vector.extract %slice3A_1865[0] : f32 from vector<1xf32>
    %slice3A_1867 = vector.extract_strided_slice %get3A_1846 {offsets = [9], sizes = [1], strides = [1]} : vector<16xf32> to vector<1xf32>
    %squeeze3A_1868 = vector.extract %slice3A_1867[0] : f32 from vector<1xf32>
    %slice3A_1869 = vector.extract_strided_slice %get3A_1846 {offsets = [10], sizes = [1], strides = [1]} : vector<16xf32> to vector<1xf32>
    %squeeze3A_1870 = vector.extract %slice3A_1869[0] : f32 from vector<1xf32>
    %slice3A_1871 = vector.extract_strided_slice %get3A_1846 {offsets = [11], sizes = [1], strides = [1]} : vector<16xf32> to vector<1xf32>
    %squeeze3A_1872 = vector.extract %slice3A_1871[0] : f32 from vector<1xf32>
    %slice3A_1873 = vector.extract_strided_slice %get3A_1846 {offsets = [12], sizes = [1], strides = [1]} : vector<16xf32> to vector<1xf32>
    %squeeze3A_1874 = vector.extract %slice3A_1873[0] : f32 from vector<1xf32>
    %slice3A_1875 = vector.extract_strided_slice %get3A_1846 {offsets = [13], sizes = [1], strides = [1]} : vector<16xf32> to vector<1xf32>
    %squeeze3A_1876 = vector.extract %slice3A_1875[0] : f32 from vector<1xf32>
    %slice3A_1877 = vector.extract_strided_slice %get3A_1846 {offsets = [14], sizes = [1], strides = [1]} : vector<16xf32> to vector<1xf32>
    %squeeze3A_1878 = vector.extract %slice3A_1877[0] : f32 from vector<1xf32>
    %slice3A_1879 = vector.extract_strided_slice %get3A_1846 {offsets = [15], sizes = [1], strides = [1]} : vector<16xf32> to vector<1xf32>
    %squeeze3A_1880 = vector.extract %slice3A_1879[0] : f32 from vector<1xf32>
    %slice3A_1881 = vector.extract_strided_slice %get3A_1848 {offsets = [0], sizes = [1], strides = [1]} : vector<16xf32> to vector<1xf32>
    %squeeze3A_1882 = vector.extract %slice3A_1881[0] : f32 from vector<1xf32>
    %slice3A_1883 = vector.extract_strided_slice %get3A_1848 {offsets = [1], sizes = [1], strides = [1]} : vector<16xf32> to vector<1xf32>
    %squeeze3A_1884 = vector.extract %slice3A_1883[0] : f32 from vector<1xf32>
    %slice3A_1885 = vector.extract_strided_slice %get3A_1848 {offsets = [2], sizes = [1], strides = [1]} : vector<16xf32> to vector<1xf32>
    %squeeze3A_1886 = vector.extract %slice3A_1885[0] : f32 from vector<1xf32>
    %slice3A_1887 = vector.extract_strided_slice %get3A_1848 {offsets = [3], sizes = [1], strides = [1]} : vector<16xf32> to vector<1xf32>
    %squeeze3A_1888 = vector.extract %slice3A_1887[0] : f32 from vector<1xf32>
    %slice3A_1889 = vector.extract_strided_slice %get3A_1848 {offsets = [4], sizes = [1], strides = [1]} : vector<16xf32> to vector<1xf32>
    %squeeze3A_1890 = vector.extract %slice3A_1889[0] : f32 from vector<1xf32>
    %slice3A_1891 = vector.extract_strided_slice %get3A_1848 {offsets = [5], sizes = [1], strides = [1]} : vector<16xf32> to vector<1xf32>
    %squeeze3A_1892 = vector.extract %slice3A_1891[0] : f32 from vector<1xf32>
    %slice3A_1893 = vector.extract_strided_slice %get3A_1848 {offsets = [6], sizes = [1], strides = [1]} : vector<16xf32> to vector<1xf32>
    %squeeze3A_1894 = vector.extract %slice3A_1893[0] : f32 from vector<1xf32>
    %slice3A_1895 = vector.extract_strided_slice %get3A_1848 {offsets = [7], sizes = [1], strides = [1]} : vector<16xf32> to vector<1xf32>
    %squeeze3A_1896 = vector.extract %slice3A_1895[0] : f32 from vector<1xf32>
    %slice3A_1897 = vector.extract_strided_slice %get3A_1848 {offsets = [8], sizes = [1], strides = [1]} : vector<16xf32> to vector<1xf32>
    %squeeze3A_1898 = vector.extract %slice3A_1897[0] : f32 from vector<1xf32>
    %slice3A_1899 = vector.extract_strided_slice %get3A_1848 {offsets = [9], sizes = [1], strides = [1]} : vector<16xf32> to vector<1xf32>
    %squeeze3A_1900 = vector.extract %slice3A_1899[0] : f32 from vector<1xf32>
    %slice3A_1901 = vector.extract_strided_slice %get3A_1848 {offsets = [10], sizes = [1], strides = [1]} : vector<16xf32> to vector<1xf32>
    %squeeze3A_1902 = vector.extract %slice3A_1901[0] : f32 from vector<1xf32>
    %slice3A_1903 = vector.extract_strided_slice %get3A_1848 {offsets = [11], sizes = [1], strides = [1]} : vector<16xf32> to vector<1xf32>
    %squeeze3A_1904 = vector.extract %slice3A_1903[0] : f32 from vector<1xf32>
    %slice3A_1905 = vector.extract_strided_slice %get3A_1848 {offsets = [12], sizes = [1], strides = [1]} : vector<16xf32> to vector<1xf32>
    %squeeze3A_1906 = vector.extract %slice3A_1905[0] : f32 from vector<1xf32>
    %slice3A_1907 = vector.extract_strided_slice %get3A_1848 {offsets = [13], sizes = [1], strides = [1]} : vector<16xf32> to vector<1xf32>
    %squeeze3A_1908 = vector.extract %slice3A_1907[0] : f32 from vector<1xf32>
    %slice3A_1909 = vector.extract_strided_slice %get3A_1848 {offsets = [14], sizes = [1], strides = [1]} : vector<16xf32> to vector<1xf32>
    %squeeze3A_1910 = vector.extract %slice3A_1909[0] : f32 from vector<1xf32>
    %slice3A_1911 = vector.extract_strided_slice %get3A_1848 {offsets = [15], sizes = [1], strides = [1]} : vector<16xf32> to vector<1xf32>
    %squeeze3A_1912 = vector.extract %slice3A_1911[0] : f32 from vector<1xf32>
    %slice3A_1913 = vector.extract_strided_slice %get3A_1850 {offsets = [0], sizes = [1], strides = [1]} : vector<16xf32> to vector<1xf32>
    %squeeze3A_1914 = vector.extract %slice3A_1913[0] : f32 from vector<1xf32>
    %slice3A_1915 = vector.extract_strided_slice %get3A_1850 {offsets = [1], sizes = [1], strides = [1]} : vector<16xf32> to vector<1xf32>
    %squeeze3A_1916 = vector.extract %slice3A_1915[0] : f32 from vector<1xf32>
    %slice3A_1917 = vector.extract_strided_slice %get3A_1850 {offsets = [2], sizes = [1], strides = [1]} : vector<16xf32> to vector<1xf32>
    %squeeze3A_1918 = vector.extract %slice3A_1917[0] : f32 from vector<1xf32>
    %slice3A_1919 = vector.extract_strided_slice %get3A_1850 {offsets = [3], sizes = [1], strides = [1]} : vector<16xf32> to vector<1xf32>
    %squeeze3A_1920 = vector.extract %slice3A_1919[0] : f32 from vector<1xf32>
    %slice3A_1921 = vector.extract_strided_slice %get3A_1850 {offsets = [4], sizes = [1], strides = [1]} : vector<16xf32> to vector<1xf32>
    %squeeze3A_1922 = vector.extract %slice3A_1921[0] : f32 from vector<1xf32>
    %slice3A_1923 = vector.extract_strided_slice %get3A_1850 {offsets = [5], sizes = [1], strides = [1]} : vector<16xf32> to vector<1xf32>
    %squeeze3A_1924 = vector.extract %slice3A_1923[0] : f32 from vector<1xf32>
    %slice3A_1925 = vector.extract_strided_slice %get3A_1850 {offsets = [6], sizes = [1], strides = [1]} : vector<16xf32> to vector<1xf32>
    %squeeze3A_1926 = vector.extract %slice3A_1925[0] : f32 from vector<1xf32>
    %slice3A_1927 = vector.extract_strided_slice %get3A_1850 {offsets = [7], sizes = [1], strides = [1]} : vector<16xf32> to vector<1xf32>
    %squeeze3A_1928 = vector.extract %slice3A_1927[0] : f32 from vector<1xf32>
    %scan3A_1929 = arith.constant 0 : i32
    %scan3A_1930 = arith.constant 0 : i32
    %scan3A_1931 = arith.constant 32 : i32
    %scan3A_1932 = arith.addi %scan3A_1930, %scan3A_1931 : i32
    %scan3A_1933 = arith.constant 1 : i32
    scf.for %scan3A_1935 = %scan3A_1930 to %scan3A_1932 step %scan3A_1933  : i32 {
      %mul3A_1936 = arith.constant 16 : i32
      %mul3A_1937 = arith.muli %scan3A_1935, %mul3A_1936 : i32
      %get3A_1938 = arith.index_cast %mul3A_1937 : i32 to index
      %get3A_1939 = tpu.vector_load %arg11[%get3A_1938] {strides = array<i32>} : memref<512xf32, #tpu.memory_space<vmem>>, vector<16xf32>,
      %mul3A_1940 = arith.constant 16 : i32
      %mul3A_1941 = arith.muli %scan3A_1935, %mul3A_1940 : i32
      %get3A_1942 = arith.index_cast %mul3A_1941 : i32 to index
      %get3A_1943 = tpu.vector_load %arg12[%get3A_1942] {strides = array<i32>} : memref<512xf32, #tpu.memory_space<vmem>>, vector<16xf32>,
      %mul3A_1944 = arith.constant 16 : i32
      %mul3A_1945 = arith.muli %scan3A_1935, %mul3A_1944 : i32
      %get3A_1946 = arith.constant 0 : i32
      %get3A_1947 = arith.index_cast %get3A_1946 : i32 to index
      %get3A_1948 = arith.index_cast %mul3A_1945 : i32 to index
      %get3A_1949 = tpu.vector_load %arg10[%get3A_1947, %get3A_1948] {strides = array<i32>} : memref<20x512xf32, #tpu.memory_space<vmem>>, vector<16xf32>,
      %mul3A_1950 = vector.broadcast %squeeze3A : f32 to vector<16xf32>
      %mul3A_1951 = arith.mulf %get3A_1939, %mul3A_1950 : vector<16xf32>
      %add3A_1952 = vector.broadcast %squeeze3A_1890 : f32 to vector<16xf32>
      %add3A_1953 = arith.addf %mul3A_1951, %add3A_1952 : vector<16xf32>
      %max3A = arith.constant 0.000000e+00 : f32
      %max3A_1954 = vector.broadcast %max3A : f32 to vector<16xf32>
      %max3A_1955 = arith.maximumf %add3A_1953, %max3A_1954 : vector<16xf32>
      %mul3A_1956 = arith.mulf %max3A_1955, %get3A_1949 : vector<16xf32>
      %add3A_1957 = arith.addf %get3A_1943, %mul3A_1956 : vector<16xf32>
      %mul3A_1958 = arith.constant 16 : i32
      %mul3A_1959 = arith.muli %scan3A_1935, %mul3A_1958 : i32
      %get3A_1960 = arith.constant 1 : i32
      %get3A_1961 = arith.index_cast %get3A_1960 : i32 to index
      %get3A_1962 = arith.index_cast %mul3A_1959 : i32 to index
      %get3A_1963 = tpu.vector_load %arg10[%get3A_1961, %get3A_1962] {strides = array<i32>} : memref<20x512xf32, #tpu.memory_space<vmem>>, vector<16xf32>,
      %mul3A_1964 = vector.broadcast %squeeze3A_1852 : f32 to vector<16xf32>
      %mul3A_1965 = arith.mulf %get3A_1939, %mul3A_1964 : vector<16xf32>
      %add3A_1966 = vector.broadcast %squeeze3A_1892 : f32 to vector<16xf32>
      %add3A_1967 = arith.addf %mul3A_1965, %add3A_1966 : vector<16xf32>
      %max3A_1968 = arith.constant 0.000000e+00 : f32
      %max3A_1969 = vector.broadcast %max3A_1968 : f32 to vector<16xf32>
      %max3A_1970 = arith.maximumf %add3A_1967, %max3A_1969 : vector<16xf32>
      %mul3A_1971 = arith.mulf %max3A_1970, %get3A_1963 : vector<16xf32>
      %add3A_1972 = arith.addf %add3A_1957, %mul3A_1971 : vector<16xf32>
      %mul3A_1973 = arith.constant 16 : i32
      %mul3A_1974 = arith.muli %scan3A_1935, %mul3A_1973 : i32
      %get3A_1975 = arith.constant 2 : i32
      %get3A_1976 = arith.index_cast %get3A_1975 : i32 to index
      %get3A_1977 = arith.index_cast %mul3A_1974 : i32 to index
      %get3A_1978 = tpu.vector_load %arg10[%get3A_1976, %get3A_1977] {strides = array<i32>} : memref<20x512xf32, #tpu.memory_space<vmem>>, vector<16xf32>,
      %mul3A_1979 = vector.broadcast %squeeze3A_1854 : f32 to vector<16xf32>
      %mul3A_1980 = arith.mulf %get3A_1939, %mul3A_1979 : vector<16xf32>
      %add3A_1981 = vector.broadcast %squeeze3A_1894 : f32 to vector<16xf32>
      %add3A_1982 = arith.addf %mul3A_1980, %add3A_1981 : vector<16xf32>
      %max3A_1983 = arith.constant 0.000000e+00 : f32
      %max3A_1984 = vector.broadcast %max3A_1983 : f32 to vector<16xf32>
      %max3A_1985 = arith.maximumf %add3A_1982, %max3A_1984 : vector<16xf32>
      %mul3A_1986 = arith.mulf %max3A_1985, %get3A_1978 : vector<16xf32>
      %add3A_1987 = arith.addf %add3A_1972, %mul3A_1986 : vector<16xf32>
      %mul3A_1988 = arith.constant 16 : i32
      %mul3A_1989 = arith.muli %scan3A_1935, %mul3A_1988 : i32
      %get3A_1990 = arith.constant 3 : i32
      %get3A_1991 = arith.index_cast %get3A_1990 : i32 to index
      %get3A_1992 = arith.index_cast %mul3A_1989 : i32 to index
      %get3A_1993 = tpu.vector_load %arg10[%get3A_1991, %get3A_1992] {strides = array<i32>} : memref<20x512xf32, #tpu.memory_space<vmem>>, vector<16xf32>,
      %mul3A_1994 = vector.broadcast %squeeze3A_1856 : f32 to vector<16xf32>
      %mul3A_1995 = arith.mulf %get3A_1939, %mul3A_1994 : vector<16xf32>
      %add3A_1996 = vector.broadcast %squeeze3A_1896 : f32 to vector<16xf32>
      %add3A_1997 = arith.addf %mul3A_1995, %add3A_1996 : vector<16xf32>
      %max3A_1998 = arith.constant 0.000000e+00 : f32
      %max3A_1999 = vector.broadcast %max3A_1998 : f32 to vector<16xf32>
      %max3A_2000 = arith.maximumf %add3A_1997, %max3A_1999 : vector<16xf32>
      %mul3A_2001 = arith.mulf %max3A_2000, %get3A_1993 : vector<16xf32>
      %add3A_2002 = arith.addf %add3A_1987, %mul3A_2001 : vector<16xf32>
      %mul3A_2003 = arith.constant 16 : i32
      %mul3A_2004 = arith.muli %scan3A_1935, %mul3A_2003 : i32
      %get3A_2005 = arith.constant 4 : i32
      %get3A_2006 = arith.index_cast %get3A_2005 : i32 to index
      %get3A_2007 = arith.index_cast %mul3A_2004 : i32 to index
      %get3A_2008 = tpu.vector_load %arg10[%get3A_2006, %get3A_2007] {strides = array<i32>} : memref<20x512xf32, #tpu.memory_space<vmem>>, vector<16xf32>,
      %mul3A_2009 = vector.broadcast %squeeze3A_1858 : f32 to vector<16xf32>
      %mul3A_2010 = arith.mulf %get3A_1939, %mul3A_2009 : vector<16xf32>
      %add3A_2011 = vector.broadcast %squeeze3A_1898 : f32 to vector<16xf32>
      %add3A_2012 = arith.addf %mul3A_2010, %add3A_2011 : vector<16xf32>
      %max3A_2013 = arith.constant 0.000000e+00 : f32
      %max3A_2014 = vector.broadcast %max3A_2013 : f32 to vector<16xf32>
      %max3A_2015 = arith.maximumf %add3A_2012, %max3A_2014 : vector<16xf32>
      %mul3A_2016 = arith.mulf %max3A_2015, %get3A_2008 : vector<16xf32>
      %add3A_2017 = arith.addf %add3A_2002, %mul3A_2016 : vector<16xf32>
      %mul3A_2018 = arith.constant 16 : i32
      %mul3A_2019 = arith.muli %scan3A_1935, %mul3A_2018 : i32
      %get3A_2020 = arith.constant 5 : i32
      %get3A_2021 = arith.index_cast %get3A_2020 : i32 to index
      %get3A_2022 = arith.index_cast %mul3A_2019 : i32 to index
      %get3A_2023 = tpu.vector_load %arg10[%get3A_2021, %get3A_2022] {strides = array<i32>} : memref<20x512xf32, #tpu.memory_space<vmem>>, vector<16xf32>,
      %mul3A_2024 = vector.broadcast %squeeze3A_1860 : f32 to vector<16xf32>
      %mul3A_2025 = arith.mulf %get3A_1939, %mul3A_2024 : vector<16xf32>
      %add3A_2026 = vector.broadcast %squeeze3A_1900 : f32 to vector<16xf32>
      %add3A_2027 = arith.addf %mul3A_2025, %add3A_2026 : vector<16xf32>
      %max3A_2028 = arith.constant 0.000000e+00 : f32
      %max3A_2029 = vector.broadcast %max3A_2028 : f32 to vector<16xf32>
      %max3A_2030 = arith.maximumf %add3A_2027, %max3A_2029 : vector<16xf32>
      %mul3A_2031 = arith.mulf %max3A_2030, %get3A_2023 : vector<16xf32>
      %add3A_2032 = arith.addf %add3A_2017, %mul3A_2031 : vector<16xf32>
      %mul3A_2033 = arith.constant 16 : i32
      %mul3A_2034 = arith.muli %scan3A_1935, %mul3A_2033 : i32
      %get3A_2035 = arith.constant 6 : i32
      %get3A_2036 = arith.index_cast %get3A_2035 : i32 to index
      %get3A_2037 = arith.index_cast %mul3A_2034 : i32 to index
      %get3A_2038 = tpu.vector_load %arg10[%get3A_2036, %get3A_2037] {strides = array<i32>} : memref<20x512xf32, #tpu.memory_space<vmem>>, vector<16xf32>,
      %mul3A_2039 = vector.broadcast %squeeze3A_1862 : f32 to vector<16xf32>
      %mul3A_2040 = arith.mulf %get3A_1939, %mul3A_2039 : vector<16xf32>
      %add3A_2041 = vector.broadcast %squeeze3A_1902 : f32 to vector<16xf32>
      %add3A_2042 = arith.addf %mul3A_2040, %add3A_2041 : vector<16xf32>
      %max3A_2043 = arith.constant 0.000000e+00 : f32
      %max3A_2044 = vector.broadcast %max3A_2043 : f32 to vector<16xf32>
      %max3A_2045 = arith.maximumf %add3A_2042, %max3A_2044 : vector<16xf32>
      %mul3A_2046 = arith.mulf %max3A_2045, %get3A_2038 : vector<16xf32>
      %add3A_2047 = arith.addf %add3A_2032, %mul3A_2046 : vector<16xf32>
      %mul3A_2048 = arith.constant 16 : i32
      %mul3A_2049 = arith.muli %scan3A_1935, %mul3A_2048 : i32
      %get3A_2050 = arith.constant 7 : i32
      %get3A_2051 = arith.index_cast %get3A_2050 : i32 to index
      %get3A_2052 = arith.index_cast %mul3A_2049 : i32 to index
      %get3A_2053 = tpu.vector_load %arg10[%get3A_2051, %get3A_2052] {strides = array<i32>} : memref<20x512xf32, #tpu.memory_space<vmem>>, vector<16xf32>,
      %mul3A_2054 = vector.broadcast %squeeze3A_1864 : f32 to vector<16xf32>
      %mul3A_2055 = arith.mulf %get3A_1939, %mul3A_2054 : vector<16xf32>
      %add3A_2056 = vector.broadcast %squeeze3A_1904 : f32 to vector<16xf32>
      %add3A_2057 = arith.addf %mul3A_2055, %add3A_2056 : vector<16xf32>
      %max3A_2058 = arith.constant 0.000000e+00 : f32
      %max3A_2059 = vector.broadcast %max3A_2058 : f32 to vector<16xf32>
      %max3A_2060 = arith.maximumf %add3A_2057, %max3A_2059 : vector<16xf32>
      %mul3A_2061 = arith.mulf %max3A_2060, %get3A_2053 : vector<16xf32>
      %add3A_2062 = arith.addf %add3A_2047, %mul3A_2061 : vector<16xf32>
      %mul3A_2063 = arith.constant 16 : i32
      %mul3A_2064 = arith.muli %scan3A_1935, %mul3A_2063 : i32
      %get3A_2065 = arith.constant 8 : i32
      %get3A_2066 = arith.index_cast %get3A_2065 : i32 to index
      %get3A_2067 = arith.index_cast %mul3A_2064 : i32 to index
      %get3A_2068 = tpu.vector_load %arg10[%get3A_2066, %get3A_2067] {strides = array<i32>} : memref<20x512xf32, #tpu.memory_space<vmem>>, vector<16xf32>,
      %mul3A_2069 = vector.broadcast %squeeze3A_1866 : f32 to vector<16xf32>
      %mul3A_2070 = arith.mulf %get3A_1939, %mul3A_2069 : vector<16xf32>
      %add3A_2071 = vector.broadcast %squeeze3A_1906 : f32 to vector<16xf32>
      %add3A_2072 = arith.addf %mul3A_2070, %add3A_2071 : vector<16xf32>
      %max3A_2073 = arith.constant 0.000000e+00 : f32
      %max3A_2074 = vector.broadcast %max3A_2073 : f32 to vector<16xf32>
      %max3A_2075 = arith.maximumf %add3A_2072, %max3A_2074 : vector<16xf32>
      %mul3A_2076 = arith.mulf %max3A_2075, %get3A_2068 : vector<16xf32>
      %add3A_2077 = arith.addf %add3A_2062, %mul3A_2076 : vector<16xf32>
      %mul3A_2078 = arith.constant 16 : i32
      %mul3A_2079 = arith.muli %scan3A_1935, %mul3A_2078 : i32
      %get3A_2080 = arith.constant 9 : i32
      %get3A_2081 = arith.index_cast %get3A_2080 : i32 to index
      %get3A_2082 = arith.index_cast %mul3A_2079 : i32 to index
      %get3A_2083 = tpu.vector_load %arg10[%get3A_2081, %get3A_2082] {strides = array<i32>} : memref<20x512xf32, #tpu.memory_space<vmem>>, vector<16xf32>,
      %mul3A_2084 = vector.broadcast %squeeze3A_1868 : f32 to vector<16xf32>
      %mul3A_2085 = arith.mulf %get3A_1939, %mul3A_2084 : vector<16xf32>
      %add3A_2086 = vector.broadcast %squeeze3A_1908 : f32 to vector<16xf32>
      %add3A_2087 = arith.addf %mul3A_2085, %add3A_2086 : vector<16xf32>
      %max3A_2088 = arith.constant 0.000000e+00 : f32
      %max3A_2089 = vector.broadcast %max3A_2088 : f32 to vector<16xf32>
      %max3A_2090 = arith.maximumf %add3A_2087, %max3A_2089 : vector<16xf32>
      %mul3A_2091 = arith.mulf %max3A_2090, %get3A_2083 : vector<16xf32>
      %add3A_2092 = arith.addf %add3A_2077, %mul3A_2091 : vector<16xf32>
      %mul3A_2093 = arith.constant 16 : i32
      %mul3A_2094 = arith.muli %scan3A_1935, %mul3A_2093 : i32
      %get3A_2095 = arith.constant 10 : i32
      %get3A_2096 = arith.index_cast %get3A_2095 : i32 to index
      %get3A_2097 = arith.index_cast %mul3A_2094 : i32 to index
      %get3A_2098 = tpu.vector_load %arg10[%get3A_2096, %get3A_2097] {strides = array<i32>} : memref<20x512xf32, #tpu.memory_space<vmem>>, vector<16xf32>,
      %mul3A_2099 = vector.broadcast %squeeze3A_1870 : f32 to vector<16xf32>
      %mul3A_2100 = arith.mulf %get3A_1939, %mul3A_2099 : vector<16xf32>
      %add3A_2101 = vector.broadcast %squeeze3A_1910 : f32 to vector<16xf32>
      %add3A_2102 = arith.addf %mul3A_2100, %add3A_2101 : vector<16xf32>
      %max3A_2103 = arith.constant 0.000000e+00 : f32
      %max3A_2104 = vector.broadcast %max3A_2103 : f32 to vector<16xf32>
      %max3A_2105 = arith.maximumf %add3A_2102, %max3A_2104 : vector<16xf32>
      %mul3A_2106 = arith.mulf %max3A_2105, %get3A_2098 : vector<16xf32>
      %add3A_2107 = arith.addf %add3A_2092, %mul3A_2106 : vector<16xf32>
      %mul3A_2108 = arith.constant 16 : i32
      %mul3A_2109 = arith.muli %scan3A_1935, %mul3A_2108 : i32
      %get3A_2110 = arith.constant 11 : i32
      %get3A_2111 = arith.index_cast %get3A_2110 : i32 to index
      %get3A_2112 = arith.index_cast %mul3A_2109 : i32 to index
      %get3A_2113 = tpu.vector_load %arg10[%get3A_2111, %get3A_2112] {strides = array<i32>} : memref<20x512xf32, #tpu.memory_space<vmem>>, vector<16xf32>,
      %mul3A_2114 = vector.broadcast %squeeze3A_1872 : f32 to vector<16xf32>
      %mul3A_2115 = arith.mulf %get3A_1939, %mul3A_2114 : vector<16xf32>
      %add3A_2116 = vector.broadcast %squeeze3A_1912 : f32 to vector<16xf32>
      %add3A_2117 = arith.addf %mul3A_2115, %add3A_2116 : vector<16xf32>
      %max3A_2118 = arith.constant 0.000000e+00 : f32
      %max3A_2119 = vector.broadcast %max3A_2118 : f32 to vector<16xf32>
      %max3A_2120 = arith.maximumf %add3A_2117, %max3A_2119 : vector<16xf32>
      %mul3A_2121 = arith.mulf %max3A_2120, %get3A_2113 : vector<16xf32>
      %add3A_2122 = arith.addf %add3A_2107, %mul3A_2121 : vector<16xf32>
      %mul3A_2123 = arith.constant 16 : i32
      %mul3A_2124 = arith.muli %scan3A_1935, %mul3A_2123 : i32
      %get3A_2125 = arith.constant 12 : i32
      %get3A_2126 = arith.index_cast %get3A_2125 : i32 to index
      %get3A_2127 = arith.index_cast %mul3A_2124 : i32 to index
      %get3A_2128 = tpu.vector_load %arg10[%get3A_2126, %get3A_2127] {strides = array<i32>} : memref<20x512xf32, #tpu.memory_space<vmem>>, vector<16xf32>,
      %mul3A_2129 = vector.broadcast %squeeze3A_1874 : f32 to vector<16xf32>
      %mul3A_2130 = arith.mulf %get3A_1939, %mul3A_2129 : vector<16xf32>
      %add3A_2131 = vector.broadcast %squeeze3A_1914 : f32 to vector<16xf32>
      %add3A_2132 = arith.addf %mul3A_2130, %add3A_2131 : vector<16xf32>
      %max3A_2133 = arith.constant 0.000000e+00 : f32
      %max3A_2134 = vector.broadcast %max3A_2133 : f32 to vector<16xf32>
      %max3A_2135 = arith.maximumf %add3A_2132, %max3A_2134 : vector<16xf32>
      %mul3A_2136 = arith.mulf %max3A_2135, %get3A_2128 : vector<16xf32>
      %add3A_2137 = arith.addf %add3A_2122, %mul3A_2136 : vector<16xf32>
      %mul3A_2138 = arith.constant 16 : i32
      %mul3A_2139 = arith.muli %scan3A_1935, %mul3A_2138 : i32
      %get3A_2140 = arith.constant 13 : i32
      %get3A_2141 = arith.index_cast %get3A_2140 : i32 to index
      %get3A_2142 = arith.index_cast %mul3A_2139 : i32 to index
      %get3A_2143 = tpu.vector_load %arg10[%get3A_2141, %get3A_2142] {strides = array<i32>} : memref<20x512xf32, #tpu.memory_space<vmem>>, vector<16xf32>,
      %mul3A_2144 = vector.broadcast %squeeze3A_1876 : f32 to vector<16xf32>
      %mul3A_2145 = arith.mulf %get3A_1939, %mul3A_2144 : vector<16xf32>
      %add3A_2146 = vector.broadcast %squeeze3A_1916 : f32 to vector<16xf32>
      %add3A_2147 = arith.addf %mul3A_2145, %add3A_2146 : vector<16xf32>
      %max3A_2148 = arith.constant 0.000000e+00 : f32
      %max3A_2149 = vector.broadcast %max3A_2148 : f32 to vector<16xf32>
      %max3A_2150 = arith.maximumf %add3A_2147, %max3A_2149 : vector<16xf32>
      %mul3A_2151 = arith.mulf %max3A_2150, %get3A_2143 : vector<16xf32>
      %add3A_2152 = arith.addf %add3A_2137, %mul3A_2151 : vector<16xf32>
      %mul3A_2153 = arith.constant 16 : i32
      %mul3A_2154 = arith.muli %scan3A_1935, %mul3A_2153 : i32
      %get3A_2155 = arith.constant 14 : i32
      %get3A_2156 = arith.index_cast %get3A_2155 : i32 to index
      %get3A_2157 = arith.index_cast %mul3A_2154 : i32 to index
      %get3A_2158 = tpu.vector_load %arg10[%get3A_2156, %get3A_2157] {strides = array<i32>} : memref<20x512xf32, #tpu.memory_space<vmem>>, vector<16xf32>,
      %mul3A_2159 = vector.broadcast %squeeze3A_1878 : f32 to vector<16xf32>
      %mul3A_2160 = arith.mulf %get3A_1939, %mul3A_2159 : vector<16xf32>
      %add3A_2161 = vector.broadcast %squeeze3A_1918 : f32 to vector<16xf32>
      %add3A_2162 = arith.addf %mul3A_2160, %add3A_2161 : vector<16xf32>
      %max3A_2163 = arith.constant 0.000000e+00 : f32
      %max3A_2164 = vector.broadcast %max3A_2163 : f32 to vector<16xf32>
      %max3A_2165 = arith.maximumf %add3A_2162, %max3A_2164 : vector<16xf32>
      %mul3A_2166 = arith.mulf %max3A_2165, %get3A_2158 : vector<16xf32>
      %add3A_2167 = arith.addf %add3A_2152, %mul3A_2166 : vector<16xf32>
      %mul3A_2168 = arith.constant 16 : i32
      %mul3A_2169 = arith.muli %scan3A_1935, %mul3A_2168 : i32
      %get3A_2170 = arith.constant 15 : i32
      %get3A_2171 = arith.index_cast %get3A_2170 : i32 to index
      %get3A_2172 = arith.index_cast %mul3A_2169 : i32 to index
      %get3A_2173 = tpu.vector_load %arg10[%get3A_2171, %get3A_2172] {strides = array<i32>} : memref<20x512xf32, #tpu.memory_space<vmem>>, vector<16xf32>,
      %mul3A_2174 = vector.broadcast %squeeze3A_1880 : f32 to vector<16xf32>
      %mul3A_2175 = arith.mulf %get3A_1939, %mul3A_2174 : vector<16xf32>
      %add3A_2176 = vector.broadcast %squeeze3A_1920 : f32 to vector<16xf32>
      %add3A_2177 = arith.addf %mul3A_2175, %add3A_2176 : vector<16xf32>
      %max3A_2178 = arith.constant 0.000000e+00 : f32
      %max3A_2179 = vector.broadcast %max3A_2178 : f32 to vector<16xf32>
      %max3A_2180 = arith.maximumf %add3A_2177, %max3A_2179 : vector<16xf32>
      %mul3A_2181 = arith.mulf %max3A_2180, %get3A_2173 : vector<16xf32>
      %add3A_2182 = arith.addf %add3A_2167, %mul3A_2181 : vector<16xf32>
      %mul3A_2183 = arith.constant 16 : i32
      %mul3A_2184 = arith.muli %scan3A_1935, %mul3A_2183 : i32
      %get3A_2185 = arith.constant 16 : i32
      %get3A_2186 = arith.index_cast %get3A_2185 : i32 to index
      %get3A_2187 = arith.index_cast %mul3A_2184 : i32 to index
      %get3A_2188 = tpu.vector_load %arg10[%get3A_2186, %get3A_2187] {strides = array<i32>} : memref<20x512xf32, #tpu.memory_space<vmem>>, vector<16xf32>,
      %mul3A_2189 = vector.broadcast %squeeze3A_1882 : f32 to vector<16xf32>
      %mul3A_2190 = arith.mulf %get3A_1939, %mul3A_2189 : vector<16xf32>
      %add3A_2191 = vector.broadcast %squeeze3A_1922 : f32 to vector<16xf32>
      %add3A_2192 = arith.addf %mul3A_2190, %add3A_2191 : vector<16xf32>
      %max3A_2193 = arith.constant 0.000000e+00 : f32
      %max3A_2194 = vector.broadcast %max3A_2193 : f32 to vector<16xf32>
      %max3A_2195 = arith.maximumf %add3A_2192, %max3A_2194 : vector<16xf32>
      %mul3A_2196 = arith.mulf %max3A_2195, %get3A_2188 : vector<16xf32>
      %add3A_2197 = arith.addf %add3A_2182, %mul3A_2196 : vector<16xf32>
      %mul3A_2198 = arith.constant 16 : i32
      %mul3A_2199 = arith.muli %scan3A_1935, %mul3A_2198 : i32
      %get3A_2200 = arith.constant 17 : i32
      %get3A_2201 = arith.index_cast %get3A_2200 : i32 to index
      %get3A_2202 = arith.index_cast %mul3A_2199 : i32 to index
      %get3A_2203 = tpu.vector_load %arg10[%get3A_2201, %get3A_2202] {strides = array<i32>} : memref<20x512xf32, #tpu.memory_space<vmem>>, vector<16xf32>,
      %mul3A_2204 = vector.broadcast %squeeze3A_1884 : f32 to vector<16xf32>
      %mul3A_2205 = arith.mulf %get3A_1939, %mul3A_2204 : vector<16xf32>
      %add3A_2206 = vector.broadcast %squeeze3A_1924 : f32 to vector<16xf32>
      %add3A_2207 = arith.addf %mul3A_2205, %add3A_2206 : vector<16xf32>
      %max3A_2208 = arith.constant 0.000000e+00 : f32
      %max3A_2209 = vector.broadcast %max3A_2208 : f32 to vector<16xf32>
      %max3A_2210 = arith.maximumf %add3A_2207, %max3A_2209 : vector<16xf32>
      %mul3A_2211 = arith.mulf %max3A_2210, %get3A_2203 : vector<16xf32>
      %add3A_2212 = arith.addf %add3A_2197, %mul3A_2211 : vector<16xf32>
      %mul3A_2213 = arith.constant 16 : i32
      %mul3A_2214 = arith.muli %scan3A_1935, %mul3A_2213 : i32
      %get3A_2215 = arith.constant 18 : i32
      %get3A_2216 = arith.index_cast %get3A_2215 : i32 to index
      %get3A_2217 = arith.index_cast %mul3A_2214 : i32 to index
      %get3A_2218 = tpu.vector_load %arg10[%get3A_2216, %get3A_2217] {strides = array<i32>} : memref<20x512xf32, #tpu.memory_space<vmem>>, vector<16xf32>,
      %mul3A_2219 = vector.broadcast %squeeze3A_1886 : f32 to vector<16xf32>
      %mul3A_2220 = arith.mulf %get3A_1939, %mul3A_2219 : vector<16xf32>
      %add3A_2221 = vector.broadcast %squeeze3A_1926 : f32 to vector<16xf32>
      %add3A_2222 = arith.addf %mul3A_2220, %add3A_2221 : vector<16xf32>
      %max3A_2223 = arith.constant 0.000000e+00 : f32
      %max3A_2224 = vector.broadcast %max3A_2223 : f32 to vector<16xf32>
      %max3A_2225 = arith.maximumf %add3A_2222, %max3A_2224 : vector<16xf32>
      %mul3A_2226 = arith.mulf %max3A_2225, %get3A_2218 : vector<16xf32>
      %add3A_2227 = arith.addf %add3A_2212, %mul3A_2226 : vector<16xf32>
      %mul3A_2228 = arith.constant 16 : i32
      %mul3A_2229 = arith.muli %scan3A_1935, %mul3A_2228 : i32
      %get3A_2230 = arith.constant 19 : i32
      %get3A_2231 = arith.index_cast %get3A_2230 : i32 to index
      %get3A_2232 = arith.index_cast %mul3A_2229 : i32 to index
      %get3A_2233 = tpu.vector_load %arg10[%get3A_2231, %get3A_2232] {strides = array<i32>} : memref<20x512xf32, #tpu.memory_space<vmem>>, vector<16xf32>,
      %mul3A_2234 = vector.broadcast %squeeze3A_1888 : f32 to vector<16xf32>
      %mul3A_2235 = arith.mulf %get3A_1939, %mul3A_2234 : vector<16xf32>
      %add3A_2236 = vector.broadcast %squeeze3A_1928 : f32 to vector<16xf32>
      %add3A_2237 = arith.addf %mul3A_2235, %add3A_2236 : vector<16xf32>
      %max3A_2238 = arith.constant 0.000000e+00 : f32
      %max3A_2239 = vector.broadcast %max3A_2238 : f32 to vector<16xf32>
      %max3A_2240 = arith.maximumf %add3A_2237, %max3A_2239 : vector<16xf32>
      %mul3A_2241 = arith.mulf %max3A_2240, %get3A_2233 : vector<16xf32>
      %add3A_2242 = arith.addf %add3A_2227, %mul3A_2241 : vector<16xf32>
      %mul3A_2243 = arith.constant 16 : i32
      %mul3A_2244 = arith.muli %scan3A_1935, %mul3A_2243 : i32
      %swap3A = arith.index_cast %mul3A_2244 : i32 to index
      %swap3A_2245 = tpu.vector_load %arg13[%swap3A] {strides = array<i32>} : memref<512xf32, #tpu.memory_space<vmem>>, vector<16xf32>,
      tpu.vector_store %arg13[%swap3A], %add3A_2242 {strides = array<i32>} : memref<512xf32, #tpu.memory_space<vmem>>, vector<16xf32>,
    }
    %scan3A_1934 = arith.constant 32 : i32
    "tpu.region"() ({
      %run_scoped3A = tpu.sem_alloc : memref<!tpu.dma_semaphore, #tpu.memory_space<semaphore_mem>>
      %dma_start3A_1935 = arith.constant 0 : i32
      %dma_start3A_1936 = tpu.memref_slice %arg7[%add3A, %dma_start3A_1935] : memref<32x512xf32, #tpu.memory_space<hbm>> -> memref<1x512xf32, #tpu.memory_space<hbm>>
      %dma_start3A_1937 = tpu.memref_squeeze %dma_start3A_1936 : memref<1x512xf32, #tpu.memory_space<hbm>> -> memref<512xf32, #tpu.memory_space<hbm>>
      %dma_start3A_1938 = arith.constant 0 : i32
      %dma_start3A_1939 = tpu.memref_slice %arg7[%add3A, %dma_start3A_1938] : memref<32x512xf32, #tpu.memory_space<hbm>> -> memref<1x512xf32, #tpu.memory_space<hbm>>
      %dma_start3A_1940 = tpu.memref_squeeze %dma_start3A_1939 : memref<1x512xf32, #tpu.memory_space<hbm>> -> memref<512xf32, #tpu.memory_space<hbm>>
      tpu.enqueue_dma source(%arg13 : memref<512xf32, #tpu.memory_space<vmem>>) target(%dma_start3A_1940 : memref<512xf32, #tpu.memory_space<hbm>>) target_semaphore(%run_scoped3A : memref<!tpu.dma_semaphore, #tpu.memory_space<semaphore_mem>>)
      %dma_wait3A_1941 = arith.constant 0 : i32
      %dma_wait3A_1942 = tpu.memref_slice %arg7[%add3A, %dma_wait3A_1941] : memref<32x512xf32, #tpu.memory_space<hbm>> -> memref<1x512xf32, #tpu.memory_space<hbm>>
      %dma_wait3A_1943 = tpu.memref_squeeze %dma_wait3A_1942 : memref<1x512xf32, #tpu.memory_space<hbm>> -> memref<512xf32, #tpu.memory_space<hbm>>
      %dma_wait3A_1944 = arith.constant 0 : i32
      %dma_wait3A_1945 = tpu.memref_slice %arg7[%add3A, %dma_wait3A_1944] : memref<32x512xf32, #tpu.memory_space<hbm>> -> memref<1x512xf32, #tpu.memory_space<hbm>>
      %dma_wait3A_1946 = tpu.memref_squeeze %dma_wait3A_1945 : memref<1x512xf32, #tpu.memory_space<hbm>> -> memref<512xf32, #tpu.memory_space<hbm>>
      tpu.wait_dma2 semaphore(%run_scoped3A : memref<!tpu.dma_semaphore, #tpu.memory_space<semaphore_mem>>) src(%arg13 : memref<512xf32, #tpu.memory_space<vmem>>) dst(%dma_wait3A_1946 : memref<512xf32, #tpu.memory_space<hbm>>)
      tpu.yield
    }) : () -> ()
    return
  }
}

</mosaic_0001>

<sc_bundles>
// kernel: _run.3.cloned.1.call-start
scs
__scs_entry_jumppad:
0x0: {  	(pc) =	sbr.rel $0x88, $3  }
0x1: {  	(tag) =	ssettag $0x0;
	lr =	simm.s32 $0x1  }
0x2: {  	[smem:$0x3F9C] =	sst lr;
	_ =	strace $0xD0000000  }
0x3: {  	_ = 	snop  }
0x4: {  	_ = 	snop  }
0x5: {  	_ = 	snop  }
0x6: {  	_ = 	snop  }
0x7: {  	_ = 	snop  }
__scs_overlays_trampoline_lowered:
0x8: {  	[smem:$0x3FAB] =	sst s0  }
0x9: {  	[smem:$0x3FAC] =	sst s1  }
0xa: {  	[smem:$0x3FAD] =	sst s2  }
0xb: {  	[smem:$0x3FAE] =	sst s3  }
0xc: {  	[smem:$0x3FAF] =	sst s4  }
0xd: {  	[smem:$0x3FB0] =	sst s5  }
0xe: {  	[smem:$0x3FB1] =	sst s6  }
0xf: {  	[smem:$0x3FB2] =	sst s7  }
0x10: {  	[smem:$0x3FB3] =	sst s8  }
0x11: {  	[smem:$0x3FB4] =	sst s9;
	s0 =	simm.s32 @!p0 $0x0  }
0x12: {  	s1 =	sld [smem:$0x3F9A];
	s0 =	simm.s32 @p0 $0x1  }
0x13: {  	[smem:$0x3FB5] =	sst s0;
	s0 =	simm.s32 @!p1 $0x0  }
0x14: {  	s2 =	sld [smem:$0x3F99];
	s0 =	simm.s32 @p1 $0x1  }
0x15: {  	[smem:$0x3FB6] =	sst s0;
	s0 =	simm.s32 @!p2 $0x0  }
0x16: {  	s3 =	sld [smem:$0x3FDB];
	s0 =	simm.s32 @p2 $0x1  }
0x17: {  	s4 =	simm.s32 $0x1BF5;
	[smem:$0x3FB8] =	sst s0  }
0x18: {  	s0 =	sld [smem:$0x3F9B];
	_ =	swait.ge [sflag:s4], $0x0  }
0x19: {  	s7 =	sld [smem:$0x3F9C]  }
0x1a: {  	s8 =	sadd.s32 $0xFFFFE003, lr  }
0x1b: {  	s9 =	sadd.s32 $0xFFFFFEF7, lr;
	s5 =	simm.s32 $0xFFFFFFFF;
	p2 =	slt.u32 s8, $0xFFFFF086  }
0x1c: {  	p1 =	slt.u32 s9, $0xF7A;
	s5 =	simm.s32 @!p2 $0x0  }
0x1d: {  	s5 =	simm.s32 @p1 $0x1;
	p0 =	seq.s32 s7, s2  }
0x1e: {  	s7 =	smul.u32 @!p0 $0xF7A, s2;
	p2 =	seq.s32 @!p0 s5, $0x0  }
0x1f: {  	s9 =	smul.u32 $0xF7A, s1;
	s8 =	simm.s32 @!p0 $0x1BF5;
	p2 =	por !p2, p0  }
0x20: {  	[sflag:s8] =	ssyncset.s32 @!p0 $0xFFFFF086;
	s6 =	sadd.s32 @!p0 s3, s7;
	s7 =	simm.s32 @!p0 $0x108  }
0x21: {  	s3 =	sadd.s32 s3, s9;
	s6 =	sadd.s32 @!p0 $0x88, s6;
	s7 =	simm.s32 @p2 $0x1082  }
0x22: {  	[simem:s7], [sflag:s8] =	dma.local @!p0 [hbm:s6], $0xF7A  }
0x23: {  	s9 =	sor.u32 $0xD0000000, s2;
	s6 =	simm.s32 $0x108;
	_ =	swait.ge @!p0 [sflag:s8], $0x0  }
0x24: {  	s3 =	sadd.s32 $0x88, s3;
	s6 =	simm.s32 @!p1 $0x1082;
	[sflag:s4] =	ssyncset.s32 $0xFFFFF086  }
0x25: {  	[simem:s6], [sflag:s4] =	dma.local [hbm:s3], $0xF7A  }
0x26: {  	[smem:$0x3F9C] =	sst s1;
	(tag) =	ssettag s2;
	_ =	strace s9  }
0x27: {  	s1 =	sld [smem:$0x3FAC]  }
0x28: {  	s2 =	sld [smem:$0x3FAD]  }
0x29: {  	s4 =	sld [smem:$0x3FAF]  }
0x2a: {  	p0 =	seq.s32 s5, $0x0;
	s5 =	sld [smem:$0x3FB0]  }
0x2b: {  	s6 =	sld [smem:$0x3FB1]  }
0x2c: {  	s7 =	sld [smem:$0x3FB2]  }
0x2d: {  	s3 =	simm.s32 $0x108;
	s8 =	sld [smem:$0x3FB3]  }
0x2e: {  	s3 =	simm.s32 @!p0 $0x1082;
	s9 =	sld [smem:$0x3FB4]  }
0x2f: {  	lr =	sadd.s32 s0, s3;
	s0 =	sld [smem:$0x3FAB]  }
0x30: {  	s3 =	sld [smem:$0x3FAE]  }
0x31: {  	[smem:$0x3FB7] =	sst s10  }
0x32: {  	s10 =	sld [smem:$0x3FB5];
	_ =	sdelay $0x3  }
0x33: {  	p0 =	seq.s32 s10, $0x1;
	s10 =	sld [smem:$0x3FB7];
	_ =	sdelay $0x3  }
0x34: {  	[smem:$0x3FB7] =	sst s10  }
0x35: {  	s10 =	sld [smem:$0x3FB6];
	_ =	sdelay $0x3  }
0x36: {  	p1 =	seq.s32 s10, $0x1;
	s10 =	sld [smem:$0x3FB7];
	_ =	sdelay $0x3  }
0x37: {  	[smem:$0x3FB7] =	sst s10  }
0x38: {  	s10 =	sld [smem:$0x3FB8]  }
0x39: {  	_ = 	snop;
	(pc) =	sbr.ind lr, $3  }
0x3a: {  	_ = 	snop  }
0x3b: {  	_ = 	snop  }
0x3c: {  	p2 =	seq.s32 s10, $0x1;
	s10 =	sld [smem:$0x3FB7]  }
0x3d: {  	_ =	shalt  }
0x3e: {  	_ =	shalt  }
0x3f: {  	_ =	shalt  }
0x40: {  	_ =	shalt  }
0x41: {  	_ =	shalt  }
0x42: {  	_ =	shalt  }
0x43: {  	_ =	shalt  }
0x44: {  	_ =	shalt  }
0x45: {  	_ =	shalt  }
0x46: {  	_ =	shalt  }
0x47: {  	_ =	shalt  }
0x48: {  	_ =	shalt  }
0x49: {  	_ =	shalt  }
0x4a: {  	_ =	shalt  }
0x4b: {  	_ =	shalt  }
0x4c: {  	_ =	shalt  }
0x4d: {  	_ =	shalt  }
0x4e: {  	_ =	shalt  }
0x4f: {  	_ =	shalt  }
0x50: {  	_ =	shalt  }
0x51: {  	_ =	shalt  }
0x52: {  	_ =	shalt  }
0x53: {  	_ =	shalt  }
0x54: {  	_ =	shalt  }
0x55: {  	_ =	shalt  }
0x56: {  	_ =	shalt  }
0x57: {  	_ =	shalt  }
0x58: {  	_ =	shalt  }
0x59: {  	_ =	shalt  }
0x5a: {  	_ =	shalt  }
0x5b: {  	_ =	shalt  }
0x5c: {  	_ =	shalt  }
0x5d: {  	_ =	shalt  }
0x5e: {  	_ =	shalt  }
0x5f: {  	_ =	shalt  }
0x60: {  	_ =	shalt  }
0x61: {  	_ =	shalt  }
0x62: {  	_ =	shalt  }
0x63: {  	_ =	shalt  }
0x64: {  	_ =	shalt  }
0x65: {  	_ =	shalt  }
0x66: {  	_ =	shalt  }
0x67: {  	_ =	shalt  }
0x68: {  	_ =	shalt  }
0x69: {  	_ =	shalt  }
0x6a: {  	_ =	shalt  }
0x6b: {  	_ =	shalt  }
0x6c: {  	_ =	shalt  }
0x6d: {  	_ =	shalt  }
0x6e: {  	_ =	shalt  }
0x6f: {  	_ =	shalt  }
0x70: {  	_ =	shalt  }
0x71: {  	_ =	shalt  }
0x72: {  	_ =	shalt  }
0x73: {  	_ =	shalt  }
0x74: {  	_ =	shalt  }
0x75: {  	_ =	shalt  }
0x76: {  	_ =	shalt  }
0x77: {  	_ =	shalt  }
0x78: {  	_ =	shalt  }
0x79: {  	_ =	shalt  }
0x7a: {  	_ =	shalt  }
0x7b: {  	_ =	shalt  }
0x7c: {  	_ =	shalt  }
0x7d: {  	_ =	shalt  }
0x7e: {  	_ =	shalt  }
0x7f: {  	_ =	shalt  }
0x80: {  	_ =	shalt  }
0x81: {  	_ =	shalt  }
0x82: {  	_ =	shalt  }
0x83: {  	_ =	shalt  }
0x84: {  	_ =	shalt  }
0x85: {  	_ =	shalt  }
0x86: {  	_ =	shalt  }
0x87: {  	_ =	shalt  }
.Lfunc_end0:
.L_simem_size_0:
called_computation_lowered:
.L_overlay_start_0:
0x88: {  	s2 =	sld [smem:$0x3FD9]  }
0x89: {  	s3 =	sld [smem:$0x3FFE];
	_ =	sdelay $0x1  }
0x8a: {  	s1 =	srdreg.scid  }
0x8b: {  	s0 =	sand.u32 $0x1, s1  }
0x8c: {  	s17 =	sshll.u32 s0, $0xA;
	s2 =	sadd.s32 s3, s2  }
0x8d: {  	s2 =	sadd.s32 s2, s17  }
0x8e: {  	[smem:$0x3FC3] =	sst s2  }
0x8f: {  	_ = 	snop  }
0x90: {  	s2 =	sld [smem:$0x3FC9]  }
0x91: {  	s18 =	sld [smem:$0x3FC8]  }
0x92: {  	s4 =	sld [smem:$0x3FC7]  }
0x93: {  	s5 =	sld [smem:$0x3FC5]  }
0x94: {  	s6 =	sld [smem:$0x3FD0];
	(tm) =	ssettm $0x1  }
0x95: {  	s7 =	sld [smem:$0x3FFB];
	_ =	sdelay $0x3  }
0x96: {  	_ =	strace s7  }
0x97: {  	s7 =	sld [smem:$0x3FFC];
	_ =	sdelay $0x3  }
0x98: {  	_ =	strace s7  }
0x99: {  	s7 =	sld [smem:$0x3FFD];
	_ =	sdelay $0x3  }
0x9a: {  	_ =	strace s7  }
0x9b: {  	_ =	strace $0x8FFFFFFF  }
0x9c: {  	s19 =	sld [smem:$0x3FDB];
	_ =	sdelay $0x1  }
0x9d: {  	s8 =	simm.s32 $_scs_section_size  }
0x9e: {  	s9 =	simm.s32 $_size__tile_overlayer_lowered;
	s10 =	simm.s32 $_tile_overlayer_lowered  }
0x9f: {  	s22 =	simm.s32 $0x1BFF;
	s21 =	sshll.u32 s10, $0x1;
	s7 =	sadd.s32 s8, s19  }
0xa0: {  	s11 =	simm.s32 $0x0;
	s20 =	sshll.u32 s9, $0x1;
	s9 =	sadd.s32 s21, s7  }
0xa1: {  	[timem:s11], [sflag:s22] =	dma.local [hbm:s9], s20  }
0xa2: {  	_ =	swait.ge [sflag:s22], s20  }
0xa3: {  	s8 =	ssub.s32 $0x0, s20;
	[sflag:s22] =	ssyncset.done $0x0  }
0xa4: {  	[sflag:s22] =	ssyncadd.s32 s8;
	_ =	sdelay $0x1  }
0xa5: {  	s23 =	simm.s32 $0x1B8B  }
0xa6: {  	_ =	swait.ge [sflag:s23], $0x1  }
0xa7: {  	[sflag:s23] =	ssyncset.done $0x0  }
0xa8: {  	s25 =	simm.s32 $0x1B8E;
	s24 =	sld [smem:$0x3FFE];
	[sflag:s23] =	ssyncadd.s32 $0xFFFFFFFF  }
0xa9: {  	s26 =	simm.s32 $execute0_lowered;
	[smem:$0x3FD2] =	sst s25  }
0xaa: {  	s9 =	sshll.u32 s26, $0x1;
	_ =	strace $0x80000046;
	[dreg:$0x1] =	wrdreg $0xFFFFFFFF  }
0xab: {  	s28 =	simm.s32 $_size_execute0_lowered;
	s7 =	sadd.s32 s7, s9;
	[dreg:$0x0] =	wrdreg $0x0  }
0xac: {  	s9 =	sshll.u32 s28, $0x1;
	[dreg:$0x2] =	wrdreg s7  }
0xad: {  	[dreg:$0x3] =	wrdreg s9  }
0xae: {  	[dreg:$0x4] =	wrdreg $0xC0  }
0xaf: {  	_ =	task [dreg:s11], $0x5FFFF  }
0xb0: {  	[dreg:$0x1] =	wrdreg $0xFFFFFFFF  }
0xb1: {  	[dreg:$0x0] =	wrdreg $0x60  }
0xb2: {  	[dreg:$0x2] =	wrdreg s2  }
0xb3: {  	[dreg:$0x3] =	wrdreg s18  }
0xb4: {  	[dreg:$0x4] =	wrdreg s4  }
0xb5: {  	[dreg:$0x5] =	wrdreg s6  }
0xb6: {  	[dreg:$0x6] =	wrdreg s5  }
0xb7: {  	[dreg:$0x7] =	wrdreg s24  }
0xb8: {  	[dreg:$0x8] =	wrdreg $0x9  }
0xb9: {  	_ =	task.clear_ibuf [dreg:s11], $0x9FFFF;
	_ =	strace $0x90000046  }
0xba: {  	s29 =	simm.s32 $0x9;
	_ =	strace $0x80000048  }
0xbb: {  	_ =	swait.ge [sflag:s29], $0x1  }
0xbc: {  	[sflag:s29] =	ssyncadd.s32 $0xFFFFFFFF  }
0xbd: {  	_ =	strace $0x90000048  }
0xbe: {  	_ =	sfence  }
0xbf: {  	s30 =	sld [smem:$0x0];
	_ =	sdelay $0x2  }
0xc0: {  	s31 =	sshll.u32 s1, $0xD;
	s1 =	sshrl.u32 s1, $0x2  }
0xc1: {  	s3 =	sand.u32 $0x4000, s31;
	s1 =	sadd.s32 s1, s30  }
0xc2: {  	s0 =	sor.u32 s3, s0;
	s1 =	sshll.u32 s1, $0x11  }
0xc3: {  	s0 =	sor.u32 s1, s0  }
0xc4: {  	s0 =	sadd.s32 $0x8F2B, s0  }
0xc5: {  	[sflag:s0] =	ssyncadd.remote.s32 $0x1  }
0xc6: {  	_ =	sfence.sel $0xFFFF  }
0xc7: {  	[dreg:$0x0] =	wrdreg $0xFFFFFFFF;
	(pc) =	sbr.abs _section_cstart, $3  }
0xc8: {  	[dreg:$0x1] =	wrdreg $0xFFFFFFFF  }
0xc9: {  	_ =	task.clear_ibuf [dreg:s11], $0x2FFFF;
	_ =	strace $0x9FFFFFFF  }
0xca: {  	(tm) =	ssettm $0x7FFFFFFF  }
0xcb: {  	_ =	shalt  }
tec
execute0_lowered:
.L_overlay_start_1:
0x0: {  	(tag) =	ssettag $0x1  }
0x1: {  	s1 =	rddreg [dreg:$0x0]  }
0x2: {  	s2 =	rddreg [dreg:$0x1]  }
0x3: {  	s0 =	rddreg [dreg:$0x2]  }
0x4: {  	s3 =	rddreg [dreg:$0x3]  }
0x5: {  	s4 =	rddreg [dreg:$0x5];
	s6 =	srdreg.scid  }
0x6: {  	s5 =	simm.s32 $0x0;
	s7 =	stileid.u32;
	s10 =	simm.s32 $0x2  }
0x7: {  	s13 =	simm.s32 $0x80;
	s11 =	simm.s32 $0x2700;
	s12 =	simm.s32 $0x4780  }
0x8: {  	s14 =	simm.s32 $0x2780;
	s15 =	simm.s32 $0x4980;
	s16 =	simm.s32 $0x2800  }
0x9: {  	s17 =	simm.s32 $0x4B80;
	s18 =	simm.s32 $0x2880;
	s19 =	simm.s32 $0x4D80  }
0xa: {  	s20 =	simm.s32 $0x2900;
	s21 =	simm.s32 $0x4F80;
	s22 =	simm.s32 $0x2980  }
0xb: {  	s23 =	simm.s32 $0x5180;
	s24 =	simm.s32 $0x180;
	s25 =	simm.s32 $0x5580  }
0xc: {  	s26 =	simm.s32 $0x1;
	s28 =	simm.s32 $0x5600;
	s6 =	sand.u32 $0x1, s6  }
0xd: {  	s29 =	simm.s32 $0x0;
	s7 =	sshll.u32 s7, $0x7;
	s8 =	sshll.u32 s6, $0x6  }
0xe: {  	[smem:$0x7FF] =	sst s5;
	s6 =	ssub.s32 $0x2, s6;
	s7 =	sor.u32 s8, s7  }
0xf: {  	_ =	strace $0x80000047;
	s31 =	sshrl.u32 s6, $0x1;
	s4 =	sadd.s32 s7, s4  }
0x10: {  	s9 =	ssub.s32 s6, s31;
	s6 =	sadd.s32 s0, s7;
	s7 =	sadd.s32 s3, s7  }
0x11: {  	s3 =	simm.s32 $0x4580;
	s8 =	sadd.s32 $0x400, s4;
	s9 =	smax.u32 s9, $0x1  }
.LBB2_1:
0x12: {  	[tilespmem:s5], [sflag:$0x2] =	stream.linear.gather [hbm4b:s6+s5], $0x200, $0x38;
	[tilespmem:$0x5830] =	vst v63  }
0x13: {  	_ =	swait.ge [sflag:s10], $0x200  }
0x14: {  	[sflag:s10] =	ssyncset.done $0x0  }
0x15: {  	s0 =	simm.s32 $0x5200;
	[sflag:s10] =	ssyncadd.s32 $0xFFFFFE00  }
0x16: {  	[tilespmem:s0], [sflag:$0x2] =	stream.linear.gather [hbm4b:s7+s5], $0x200, $0x38;
	[tilespmem:$0x5830] =	vst v63  }
0x17: {  	_ =	swait.ge [sflag:s10], $0x200  }
0x18: {  	[sflag:s10] =	ssyncset.done $0x0  }
0x19: {  	[sflag:s10] =	ssyncadd.s32 $0xFFFFFE00  }
0x1a: {  	s4 =	simm.s32 $0x5800;
	s30 =	rddreg [dreg:$0x4]  }
0x1b: {  	[tilespmem:s4], [sflag:$0x2] =	stream.linear.gather [hbm4b:s30+s5], $0x30, $0x38;
	[tilespmem:$0x5830] =	vst v63  }
0x1c: {  	_ =	swait.ge [sflag:s10], $0x30  }
0x1d: {  	[sflag:s10] =	ssyncset.done $0x0  }
0x1e: {  	s0 =	simm.s32 $0x0;
	[sflag:s10] =	ssyncadd.s32 $0xFFFFFFD0  }
0x1f: {  	v0 =	vld [tilespmem:s0+$0x0];
	_ =	sdelay $0x4  }
0x20: {  	v1 =	vmul.u32 $0x14, v0;
	_ =	sdelay $0x1  }
0x21: {  	[tilespmem:s0+$0x200] =	vst v1;
	v0 =	vadd.s32 $0x13, v1  }
0x22: {  	v2 =	vor.u32 $0x1, v1;
	[tilespmem:s0+$0xB80] =	vst v0  }
0x23: {  	v7 =	vadd.s32 $0xB, v1;
	[tilespmem:s0+$0x280] =	vst v2  }
0x24: {  	v0 =	vor.u32 $0x2, v1;
	[tilespmem:s0+$0x780] =	vst v7  }
0x25: {  	v2 =	vor.u32 $0x3, v1;
	[tilespmem:s0+$0x300] =	vst v0  }
0x26: {  	v0 =	vadd.s32 $0x4, v1;
	[tilespmem:s0+$0x380] =	vst v2  }
0x27: {  	v2 =	vadd.s32 $0x5, v1;
	[tilespmem:s0+$0x400] =	vst v0  }
0x28: {  	v0 =	vadd.s32 $0x6, v1;
	[tilespmem:s0+$0x480] =	vst v2  }
0x29: {  	v2 =	vadd.s32 $0x7, v1;
	[tilespmem:s0+$0x500] =	vst v0  }
0x2a: {  	v0 =	vadd.s32 $0x8, v1;
	[tilespmem:s0+$0x580] =	vst v2  }
0x2b: {  	v3 =	vadd.s32 $0xC, v1;
	v4 =	vadd.s32 $0xD, v1;
	v2 =	vadd.s32 $0x9, v1;
	[tilespmem:s0+$0x600] =	vst v0  }
0x2c: {  	v5 =	vadd.s32 $0xF, v1;
	v6 =	vadd.s32 $0x10, v1;
	v0 =	vadd.s32 $0xA, v1;
	[tilespmem:s0+$0x680] =	vst v2  }
0x2d: {  	s31 =	simm.s32 $0x10;
	s4 =	simm.s32 $0x80;
	v2 =	vadd.s32 $0xE, v1;
	[tilespmem:s0+$0x700] =	vst v0;
	v0 =	vadd.s32 $0x11, v1;
	v1 =	vadd.s32 $0x12, v1  }
.LBB2_2:
0x2e: {  	p0 =	sne.s32 s4, $0x1C0;
	v7 =	vld [tilespmem:s31+$0x0];
	[tilespmem:s0+$0x800] =	vst v3  }
0x2f: {  	[tilespmem:s0+$0x880] =	vst v4  }
0x30: {  	[tilespmem:s0+$0x900] =	vst v2  }
0x31: {  	[tilespmem:s0+$0x980] =	vst v5  }
0x32: {  	[tilespmem:s0+$0xA00] =	vst v6  }
0x33: {  	v7 =	vmul.u32 $0x14, v7;
	[tilespmem:s0+$0xA80] =	vst v0  }
0x34: {  	[tilespmem:s0+$0xB00] =	vst v1;
	s0 =	smov.u32 s31  }
0x35: {  	[tilespmem:s0+$0x200] =	vst v7;
	v0 =	vor.u32 $0x1, v7;
	v1 =	vor.u32 $0x2, v7;
	v2 =	vadd.s32 $0x13, v7  }
0x36: {  	v3 =	vor.u32 $0x3, v7;
	v5 =	vadd.s32 $0x4, v7;
	v8 =	vadd.s32 $0x5, v7;
	[tilespmem:s0+$0xB80] =	vst v2  }
0x37: {  	v9 =	vadd.s32 $0x6, v7;
	v10 =	vadd.s32 $0x7, v7;
	v11 =	vadd.s32 $0x8, v7;
	[tilespmem:s0+$0x280] =	vst v0  }
0x38: {  	v12 =	vadd.s32 $0x9, v7;
	v13 =	vadd.s32 $0xA, v7;
	v14 =	vadd.s32 $0xB, v7;
	[tilespmem:s0+$0x300] =	vst v1  }
0x39: {  	v4 =	vadd.s32 $0xD, v7;
	v2 =	vadd.s32 $0xE, v7;
	[tilespmem:s0+$0x380] =	vst v3;
	v3 =	vadd.s32 $0xC, v7  }
0x3a: {  	v6 =	vadd.s32 $0x10, v7;
	v0 =	vadd.s32 $0x11, v7;
	[tilespmem:s0+$0x400] =	vst v5;
	v5 =	vadd.s32 $0xF, v7  }
0x3b: {  	v1 =	vadd.s32 $0x12, v7;
	[tilespmem:s0+$0x480] =	vst v8  }
0x3c: {  	[tilespmem:s0+$0x500] =	vst v9  }
.Ltmp0:
0x3d: {  	[tilespmem:s0+$0x580] =	vst v10;
	(pc) =	sbr.rel @p0 .LBB2_2-.Ltmp0, $4  }
0x3e: {  	[tilespmem:s0+$0x600] =	vst v11  }
0x3f: {  	[tilespmem:s0+$0x680] =	vst v12  }
0x40: {  	[tilespmem:s0+$0x700] =	vst v13  }
0x41: {  	s31 =	sshra.s32 s4, $0x2;
	s4 =	sadd.s32 $0x40, s4;
	[tilespmem:s0+$0x780] =	vst v14  }
0x42: {  	v7 =	vld [tilespmem:s31+$0x0];
	[tilespmem:s0+$0x800] =	vst v3  }
0x43: {  	[tilespmem:s0+$0x880] =	vst v4  }
0x44: {  	[tilespmem:s0+$0x900] =	vst v2  }
0x45: {  	[tilespmem:s0+$0x980] =	vst v5  }
0x46: {  	[tilespmem:s0+$0xA00] =	vst v6  }
0x47: {  	[tilespmem:s0+$0xA80] =	vst v0;
	v2 =	vmul.u32 $0x14, v7  }
0x48: {  	[tilespmem:s0+$0xB00] =	vst v1  }
0x49: {  	[tilespmem:s31+$0x200] =	vst v2;
	v0 =	vadd.s32 $0x13, v2  }
0x4a: {  	v1 =	vor.u32 $0x1, v2;
	[tilespmem:s31+$0xB80] =	vst v0  }
0x4b: {  	v0 =	vor.u32 $0x2, v2;
	[tilespmem:s31+$0x280] =	vst v1  }
0x4c: {  	v1 =	vor.u32 $0x3, v2;
	[tilespmem:s31+$0x300] =	vst v0  }
0x4d: {  	v0 =	vadd.s32 $0x4, v2;
	[tilespmem:s31+$0x380] =	vst v1  }
0x4e: {  	v1 =	vadd.s32 $0x5, v2;
	[tilespmem:s31+$0x400] =	vst v0  }
0x4f: {  	v0 =	vadd.s32 $0x6, v2;
	[tilespmem:s31+$0x480] =	vst v1  }
0x50: {  	v1 =	vadd.s32 $0x7, v2;
	[tilespmem:s31+$0x500] =	vst v0  }
0x51: {  	v0 =	vadd.s32 $0x8, v2;
	[tilespmem:s31+$0x580] =	vst v1  }
0x52: {  	v1 =	vadd.s32 $0x9, v2;
	[tilespmem:s31+$0x600] =	vst v0  }
0x53: {  	v0 =	vadd.s32 $0xA, v2;
	[tilespmem:s31+$0x680] =	vst v1  }
0x54: {  	v1 =	vadd.s32 $0xB, v2;
	[tilespmem:s31+$0x700] =	vst v0  }
0x55: {  	v0 =	vadd.s32 $0xC, v2;
	[tilespmem:s31+$0x780] =	vst v1  }
0x56: {  	v1 =	vadd.s32 $0xD, v2;
	[tilespmem:s31+$0x800] =	vst v0  }
0x57: {  	p1 =	por $0x1, $0x1;
	v0 =	vadd.s32 $0xE, v2;
	[tilespmem:s31+$0x880] =	vst v1  }
.Ltmp1:
0x58: {  	v1 =	vadd.s32 $0xF, v2;
	[tilespmem:s31+$0x900] =	vst v0;
	(pc) =	sbr.rel @!p1 .LBB2_7-.Ltmp1, $4  }
0x59: {  	v0 =	vadd.s32 $0x10, v2;
	[tilespmem:s31+$0x980] =	vst v1  }
0x5a: {  	v1 =	vadd.s32 $0x11, v2;
	[tilespmem:s31+$0xA00] =	vst v0  }
0x5b: {  	s30 =	simm.s32 $0x0;
	v0 =	vadd.s32 $0x12, v2;
	[tilespmem:s31+$0xA80] =	vst v1  }
0x5c: {  	p0 =	por $0x0, $0x0;
	s0 =	simm.s32 $0x0;
	p2 =	por $0x0, $0x0;
	[tilespmem:s31+$0xB00] =	vst v0  }
0x5d: {  	v0 =	vld [tilespmem:s30+$0x80];
	_ =	sdelay $0x4  }
0x5e: {  	v6 =	vmul.u32 $0x14, v0;
	_ =	sdelay $0x1  }
0x5f: {  	[tilespmem:s30+$0xC00] =	vst v6;
	v0 =	vadd.s32 $0x13, v6  }
0x60: {  	v1 =	vor.u32 $0x1, v6;
	[tilespmem:s30+$0x1580] =	vst v0  }
0x61: {  	v4 =	vadd.s32 $0xA, v6;
	[tilespmem:s30+$0xC80] =	vst v1  }
0x62: {  	v7 =	vadd.s32 $0xB, v6;
	[tilespmem:s30+$0x1100] =	vst v4  }
0x63: {  	v0 =	vor.u32 $0x2, v6;
	[tilespmem:s30+$0x1180] =	vst v7  }
0x64: {  	v1 =	vor.u32 $0x3, v6;
	[tilespmem:s30+$0xD00] =	vst v0  }
0x65: {  	v0 =	vadd.s32 $0x4, v6;
	[tilespmem:s30+$0xD80] =	vst v1  }
0x66: {  	p3 =	por $0x1, $0x1;
	v1 =	vadd.s32 $0x5, v6;
	[tilespmem:s30+$0xE00] =	vst v0  }
.Ltmp2:
0x67: {  	v0 =	vadd.s32 $0x6, v6;
	[tilespmem:s30+$0xE80] =	vst v1;
	(pc) =	sbr.rel @!p3 .LBB2_5-.Ltmp2, $4  }
0x68: {  	v1 =	vadd.s32 $0x7, v6;
	[tilespmem:s30+$0xF00] =	vst v0  }
0x69: {  	v2 =	vadd.s32 $0xE, v6;
	v3 =	vadd.s32 $0xF, v6;
	v0 =	vadd.s32 $0x8, v6;
	[tilespmem:s30+$0xF80] =	vst v1  }
0x6a: {  	s0 =	simm.s32 $0x10;
	v5 =	vadd.s32 $0x10, v6;
	v4 =	vadd.s32 $0x11, v6;
	v1 =	vadd.s32 $0x9, v6;
	[tilespmem:s30+$0x1000] =	vst v0  }
0x6b: {  	s4 =	simm.s32 $0x80;
	p2 =	por $0x1, $0x1;
	s31 =	simm.s32 $0x0;
	v0 =	vadd.s32 $0xC, v6;
	[tilespmem:s30+$0x1080] =	vst v1;
	v1 =	vadd.s32 $0xD, v6;
	v6 =	vadd.s32 $0x12, v6  }
.LBB2_6:
0x6c: {  	p3 =	sne.s32 s4, $0x1C0;
	v7 =	vld [tilespmem:s0+$0x80];
	[tilespmem:s31+$0x1200] =	vst v0  }
0x6d: {  	[tilespmem:s31+$0x1280] =	vst v1  }
0x6e: {  	[tilespmem:s31+$0x1300] =	vst v2  }
0x6f: {  	[tilespmem:s31+$0x1380] =	vst v3  }
0x70: {  	[tilespmem:s31+$0x1400] =	vst v5  }
0x71: {  	v7 =	vmul.u32 $0x14, v7;
	[tilespmem:s31+$0x1480] =	vst v4  }
0x72: {  	[tilespmem:s31+$0x1500] =	vst v6;
	s31 =	smov.u32 s0  }
0x73: {  	[tilespmem:s31+$0xC00] =	vst v7;
	v0 =	vor.u32 $0x1, v7;
	v1 =	vor.u32 $0x2, v7;
	v2 =	vadd.s32 $0x13, v7  }
0x74: {  	v3 =	vor.u32 $0x3, v7;
	v4 =	vadd.s32 $0x4, v7;
	v6 =	vadd.s32 $0x5, v7;
	[tilespmem:s31+$0x1580] =	vst v2  }
0x75: {  	v8 =	vadd.s32 $0x6, v7;
	v9 =	vadd.s32 $0x7, v7;
	v10 =	vadd.s32 $0x8, v7;
	[tilespmem:s31+$0xC80] =	vst v0  }
0x76: {  	v11 =	vadd.s32 $0x9, v7;
	v12 =	vadd.s32 $0xA, v7;
	v13 =	vadd.s32 $0xB, v7;
	[tilespmem:s31+$0xD00] =	vst v1  }
0x77: {  	v2 =	vadd.s32 $0xE, v7;
	v0 =	vadd.s32 $0xC, v7;
	v1 =	vadd.s32 $0xD, v7;
	[tilespmem:s31+$0xD80] =	vst v3  }
0x78: {  	v5 =	vadd.s32 $0x10, v7;
	v3 =	vadd.s32 $0xF, v7;
	[tilespmem:s31+$0xE00] =	vst v4;
	v4 =	vadd.s32 $0x11, v7  }
0x79: {  	[tilespmem:s31+$0xE80] =	vst v6;
	v6 =	vadd.s32 $0x12, v7  }
0x7a: {  	[tilespmem:s31+$0xF00] =	vst v8  }
.Ltmp3:
0x7b: {  	[tilespmem:s31+$0xF80] =	vst v9;
	(pc) =	sbr.rel @p3 .LBB2_6-.Ltmp3, $4  }
0x7c: {  	[tilespmem:s31+$0x1000] =	vst v10  }
0x7d: {  	[tilespmem:s31+$0x1080] =	vst v11  }
0x7e: {  	[tilespmem:s31+$0x1100] =	vst v12  }
0x7f: {  	s0 =	sshra.s32 s4, $0x2;
	s4 =	sadd.s32 $0x40, s4;
	[tilespmem:s31+$0x1180] =	vst v13  }
.LBB2_7:
0x80: {  	v7 =	vld [tilespmem:s0+$0x80];
	[tilespmem:s31+$0x1200] =	vst @p2 v0  }
0x81: {  	[tilespmem:s31+$0x1280] =	vst @p2 v1  }
0x82: {  	[tilespmem:s31+$0x1300] =	vst @p2 v2  }
0x83: {  	[tilespmem:s31+$0x1380] =	vst @p2 v3  }
0x84: {  	[tilespmem:s31+$0x1400] =	vst @p2 v5  }
0x85: {  	[tilespmem:s31+$0x1480] =	vst @p2 v4;
	v45 =	vmul.u32 $0x14, v7  }
0x86: {  	[tilespmem:s31+$0x1500] =	vst @p2 v6  }
0x87: {  	[tilespmem:s0+$0xC00] =	vst v45;
	v46 =	vadd.s32 $0x13, v45  }
0x88: {  	v47 =	vor.u32 $0x1, v45;
	[tilespmem:s0+$0x1580] =	vst v46  }
0x89: {  	v48 =	vor.u32 $0x2, v45;
	[tilespmem:s0+$0xC80] =	vst v47  }
0x8a: {  	v49 =	vor.u32 $0x3, v45;
	[tilespmem:s0+$0xD00] =	vst v48  }
0x8b: {  	v50 =	vadd.s32 $0x4, v45;
	[tilespmem:s0+$0xD80] =	vst v49  }
0x8c: {  	v51 =	vadd.s32 $0x5, v45;
	[tilespmem:s0+$0xE00] =	vst v50  }
0x8d: {  	v52 =	vadd.s32 $0x6, v45;
	[tilespmem:s0+$0xE80] =	vst v51  }
0x8e: {  	v53 =	vadd.s32 $0x7, v45;
	[tilespmem:s0+$0xF00] =	vst v52  }
0x8f: {  	v54 =	vadd.s32 $0x8, v45;
	[tilespmem:s0+$0xF80] =	vst v53  }
0x90: {  	v55 =	vadd.s32 $0x9, v45;
	[tilespmem:s0+$0x1000] =	vst v54  }
0x91: {  	v56 =	vadd.s32 $0xA, v45;
	[tilespmem:s0+$0x1080] =	vst v55  }
0x92: {  	v57 =	vadd.s32 $0xB, v45;
	[tilespmem:s0+$0x1100] =	vst v56  }
0x93: {  	v58 =	vadd.s32 $0xC, v45;
	[tilespmem:s0+$0x1180] =	vst v57  }
0x94: {  	v59 =	vadd.s32 $0xD, v45;
	[tilespmem:s0+$0x1200] =	vst v58  }
0x95: {  	v60 =	vadd.s32 $0xE, v45;
	[tilespmem:s0+$0x1280] =	vst v59  }
.Ltmp4:
0x96: {  	v61 =	vadd.s32 $0xF, v45;
	[tilespmem:s0+$0x1300] =	vst v60;
	(pc) =	sbr.rel @!p1 .LBB2_8-.Ltmp4, $4  }
0x97: {  	v62 =	vadd.s32 $0x10, v45;
	[tilespmem:s0+$0x1380] =	vst v61  }
0x98: {  	v63 =	vadd.s32 $0x11, v45;
	[tilespmem:s0+$0x1400] =	vst v62  }
0x99: {  	v0 =	vadd.s32 $0x12, v45;
	[tilespmem:s0+$0x1480] =	vst v63  }
0x9a: {  	[tilespmem:s0+$0x1500] =	vst v0  }
0x9b: {  	v0 =	vld [tilespmem:s30+$0x100];
	_ =	sdelay $0x4  }
0x9c: {  	v6 =	vmul.u32 $0x14, v0;
	_ =	sdelay $0x1  }
0x9d: {  	[tilespmem:s30+$0x1600] =	vst v6;
	v0 =	vadd.s32 $0x13, v6  }
0x9e: {  	v1 =	vor.u32 $0x1, v6;
	[tilespmem:s30+$0x1F80] =	vst v0  }
0x9f: {  	v3 =	vadd.s32 $0xA, v6;
	[tilespmem:s30+$0x1680] =	vst v1  }
0xa0: {  	v7 =	vadd.s32 $0xB, v6;
	[tilespmem:s30+$0x1B00] =	vst v3  }
0xa1: {  	v0 =	vor.u32 $0x2, v6;
	[tilespmem:s30+$0x1B80] =	vst v7  }
0xa2: {  	v1 =	vor.u32 $0x3, v6;
	[tilespmem:s30+$0x1700] =	vst v0  }
0xa3: {  	v0 =	vadd.s32 $0x4, v6;
	[tilespmem:s30+$0x1780] =	vst v1  }
0xa4: {  	p1 =	por $0x1, $0x1;
	v1 =	vadd.s32 $0x5, v6;
	[tilespmem:s30+$0x1800] =	vst v0  }
.Ltmp5:
0xa5: {  	v0 =	vadd.s32 $0x6, v6;
	[tilespmem:s30+$0x1880] =	vst v1;
	(pc) =	sbr.rel @!p1 .LBB2_11-.Ltmp5, $4  }
0xa6: {  	v1 =	vadd.s32 $0x7, v6;
	[tilespmem:s30+$0x1900] =	vst v0  }
0xa7: {  	v2 =	vadd.s32 $0xE, v6;
	v4 =	vadd.s32 $0xF, v6;
	v0 =	vadd.s32 $0x8, v6;
	[tilespmem:s30+$0x1980] =	vst v1  }
0xa8: {  	v5 =	vadd.s32 $0x10, v6;
	v3 =	vadd.s32 $0x11, v6;
	v1 =	vadd.s32 $0x9, v6;
	[tilespmem:s30+$0x1A00] =	vst v0  }
0xa9: {  	s0 =	simm.s32 $0x10;
	s4 =	simm.s32 $0x80;
	p0 =	por $0x1, $0x1;
	v0 =	vadd.s32 $0xC, v6;
	[tilespmem:s30+$0x1A80] =	vst v1;
	v1 =	vadd.s32 $0xD, v6;
	v6 =	vadd.s32 $0x12, v6  }
.LBB2_10:
0xaa: {  	p1 =	sne.s32 s4, $0x1C0;
	v7 =	vld [tilespmem:s0+$0x100];
	[tilespmem:s30+$0x1C00] =	vst v0  }
0xab: {  	[tilespmem:s30+$0x1C80] =	vst v1  }
0xac: {  	[tilespmem:s30+$0x1D00] =	vst v2  }
0xad: {  	[tilespmem:s30+$0x1D80] =	vst v4  }
0xae: {  	[tilespmem:s30+$0x1E00] =	vst v5  }
0xaf: {  	v7 =	vmul.u32 $0x14, v7;
	[tilespmem:s30+$0x1E80] =	vst v3  }
0xb0: {  	[tilespmem:s30+$0x1F00] =	vst v6;
	s30 =	smov.u32 s0  }
0xb1: {  	[tilespmem:s30+$0x1600] =	vst v7;
	v0 =	vor.u32 $0x1, v7;
	v1 =	vor.u32 $0x2, v7;
	v2 =	vadd.s32 $0x13, v7  }
0xb2: {  	v3 =	vor.u32 $0x3, v7;
	v4 =	vadd.s32 $0x4, v7;
	v6 =	vadd.s32 $0x5, v7;
	[tilespmem:s30+$0x1F80] =	vst v2  }
0xb3: {  	v8 =	vadd.s32 $0x6, v7;
	v9 =	vadd.s32 $0x7, v7;
	v10 =	vadd.s32 $0x8, v7;
	[tilespmem:s30+$0x1680] =	vst v0  }
0xb4: {  	v11 =	vadd.s32 $0x9, v7;
	v12 =	vadd.s32 $0xA, v7;
	v13 =	vadd.s32 $0xB, v7;
	[tilespmem:s30+$0x1700] =	vst v1  }
0xb5: {  	v2 =	vadd.s32 $0xE, v7;
	v0 =	vadd.s32 $0xC, v7;
	v1 =	vadd.s32 $0xD, v7;
	[tilespmem:s30+$0x1780] =	vst v3  }
0xb6: {  	v5 =	vadd.s32 $0x10, v7;
	v3 =	vadd.s32 $0x11, v7;
	[tilespmem:s30+$0x1800] =	vst v4;
	v4 =	vadd.s32 $0xF, v7  }
0xb7: {  	[tilespmem:s30+$0x1880] =	vst v6;
	v6 =	vadd.s32 $0x12, v7  }
0xb8: {  	[tilespmem:s30+$0x1900] =	vst v8  }
.Ltmp6:
0xb9: {  	[tilespmem:s30+$0x1980] =	vst v9;
	(pc) =	sbr.rel @p1 .LBB2_10-.Ltmp6, $4  }
0xba: {  	[tilespmem:s30+$0x1A00] =	vst v10  }
0xbb: {  	[tilespmem:s30+$0x1A80] =	vst v11  }
0xbc: {  	[tilespmem:s30+$0x1B00] =	vst v12  }
0xbd: {  	s0 =	sshra.s32 s4, $0x2;
	s4 =	sadd.s32 $0x40, s4;
	[tilespmem:s30+$0x1B80] =	vst v13  }
.LBB2_11:
0xbe: {  	v7 =	vld [tilespmem:s0+$0x100];
	[tilespmem:s30+$0x1C00] =	vst @p0 v0  }
0xbf: {  	[tilespmem:s30+$0x1C80] =	vst @p0 v1  }
0xc0: {  	[tilespmem:s30+$0x1D00] =	vst @p0 v2  }
0xc1: {  	[tilespmem:s30+$0x1D80] =	vst @p0 v4  }
0xc2: {  	[tilespmem:s30+$0x1E00] =	vst @p0 v5  }
0xc3: {  	[tilespmem:s30+$0x1E80] =	vst @p0 v3;
	v0 =	vmul.u32 $0x14, v7  }
0xc4: {  	[tilespmem:s30+$0x1F00] =	vst @p0 v6  }
0xc5: {  	[tilespmem:s0+$0x1600] =	vst v0;
	v1 =	vadd.s32 $0x13, v0  }
0xc6: {  	v2 =	vor.u32 $0x1, v0;
	[tilespmem:s0+$0x1F80] =	vst v1  }
0xc7: {  	v1 =	vor.u32 $0x2, v0;
	[tilespmem:s0+$0x1680] =	vst v2  }
0xc8: {  	v2 =	vor.u32 $0x3, v0;
	[tilespmem:s0+$0x1700] =	vst v1  }
0xc9: {  	v1 =	vadd.s32 $0x4, v0;
	[tilespmem:s0+$0x1780] =	vst v2  }
0xca: {  	v2 =	vadd.s32 $0x5, v0;
	[tilespmem:s0+$0x1800] =	vst v1  }
0xcb: {  	v1 =	vadd.s32 $0x6, v0;
	[tilespmem:s0+$0x1880] =	vst v2  }
0xcc: {  	v2 =	vadd.s32 $0x7, v0;
	[tilespmem:s0+$0x1900] =	vst v1  }
0xcd: {  	v1 =	vadd.s32 $0x8, v0;
	[tilespmem:s0+$0x1980] =	vst v2  }
0xce: {  	v2 =	vadd.s32 $0x9, v0;
	[tilespmem:s0+$0x1A00] =	vst v1  }
0xcf: {  	v1 =	vadd.s32 $0xA, v0;
	[tilespmem:s0+$0x1A80] =	vst v2  }
0xd0: {  	v2 =	vadd.s32 $0xB, v0;
	[tilespmem:s0+$0x1B00] =	vst v1  }
0xd1: {  	v1 =	vadd.s32 $0xC, v0;
	[tilespmem:s0+$0x1B80] =	vst v2  }
0xd2: {  	v2 =	vadd.s32 $0xD, v0;
	[tilespmem:s0+$0x1C00] =	vst v1  }
0xd3: {  	v1 =	vadd.s32 $0xE, v0;
	[tilespmem:s0+$0x1C80] =	vst v2  }
0xd4: {  	v2 =	vadd.s32 $0xF, v0;
	[tilespmem:s0+$0x1D00] =	vst v1  }
0xd5: {  	v1 =	vadd.s32 $0x10, v0;
	[tilespmem:s0+$0x1D80] =	vst v2  }
0xd6: {  	v2 =	vadd.s32 $0x11, v0;
	[tilespmem:s0+$0x1E00] =	vst v1  }
0xd7: {  	v0 =	vadd.s32 $0x12, v0;
	[tilespmem:s0+$0x1E80] =	vst v2  }
0xd8: {  	[tilespmem:s0+$0x1F00] =	vst v0;
	s0 =	simm.s32 $0x0  }
0xd9: {  	v0 =	vld [tilespmem:s0+$0x180];
	_ =	sdelay $0x4  }
0xda: {  	v1 =	vmul.u32 $0x14, v0;
	_ =	sdelay $0x1  }
0xdb: {  	[tilespmem:s0+$0x2000] =	vst v1;
	v0 =	vadd.s32 $0x13, v1  }
0xdc: {  	v2 =	vor.u32 $0x1, v1;
	[tilespmem:s0+$0x2980] =	vst v0  }
0xdd: {  	v7 =	vadd.s32 $0xB, v1;
	[tilespmem:s0+$0x2080] =	vst v2  }
0xde: {  	v0 =	vor.u32 $0x2, v1;
	[tilespmem:s0+$0x2580] =	vst v7  }
0xdf: {  	v2 =	vor.u32 $0x3, v1;
	[tilespmem:s0+$0x2100] =	vst v0  }
0xe0: {  	v0 =	vadd.s32 $0x4, v1;
	[tilespmem:s0+$0x2180] =	vst v2  }
0xe1: {  	v2 =	vadd.s32 $0x5, v1;
	[tilespmem:s0+$0x2200] =	vst v0  }
0xe2: {  	v0 =	vadd.s32 $0x6, v1;
	[tilespmem:s0+$0x2280] =	vst v2  }
0xe3: {  	v2 =	vadd.s32 $0x7, v1;
	[tilespmem:s0+$0x2300] =	vst v0  }
0xe4: {  	v0 =	vadd.s32 $0x8, v1;
	[tilespmem:s0+$0x2380] =	vst v2  }
0xe5: {  	v3 =	vadd.s32 $0xC, v1;
	v4 =	vadd.s32 $0xD, v1;
	v2 =	vadd.s32 $0x9, v1;
	[tilespmem:s0+$0x2400] =	vst v0  }
0xe6: {  	v5 =	vadd.s32 $0xF, v1;
	v6 =	vadd.s32 $0x10, v1;
	v0 =	vadd.s32 $0xA, v1;
	[tilespmem:s0+$0x2480] =	vst v2  }
0xe7: {  	s30 =	simm.s32 $0x10;
	s4 =	simm.s32 $0x80;
	v2 =	vadd.s32 $0xE, v1;
	[tilespmem:s0+$0x2500] =	vst v0;
	v0 =	vadd.s32 $0x11, v1;
	v1 =	vadd.s32 $0x12, v1  }
.LBB2_12:
0xe8: {  	p0 =	sne.s32 s4, $0x1C0;
	v7 =	vld [tilespmem:s30+$0x180];
	[tilespmem:s0+$0x2600] =	vst v3  }
0xe9: {  	[tilespmem:s0+$0x2680] =	vst v4  }
0xea: {  	[tilespmem:s0+$0x2700] =	vst v2  }
0xeb: {  	[tilespmem:s0+$0x2780] =	vst v5  }
0xec: {  	[tilespmem:s0+$0x2800] =	vst v6  }
0xed: {  	v7 =	vmul.u32 $0x14, v7;
	[tilespmem:s0+$0x2880] =	vst v0  }
0xee: {  	[tilespmem:s0+$0x2900] =	vst v1;
	s0 =	smov.u32 s30  }
0xef: {  	[tilespmem:s0+$0x2000] =	vst v7;
	v0 =	vor.u32 $0x1, v7;
	v1 =	vor.u32 $0x2, v7;
	v2 =	vadd.s32 $0x13, v7  }
0xf0: {  	v3 =	vor.u32 $0x3, v7;
	v5 =	vadd.s32 $0x4, v7;
	v8 =	vadd.s32 $0x5, v7;
	[tilespmem:s0+$0x2980] =	vst v2  }
0xf1: {  	v9 =	vadd.s32 $0x6, v7;
	v10 =	vadd.s32 $0x7, v7;
	v11 =	vadd.s32 $0x8, v7;
	[tilespmem:s0+$0x2080] =	vst v0  }
0xf2: {  	v12 =	vadd.s32 $0x9, v7;
	v13 =	vadd.s32 $0xA, v7;
	v14 =	vadd.s32 $0xB, v7;
	[tilespmem:s0+$0x2100] =	vst v1  }
0xf3: {  	v4 =	vadd.s32 $0xD, v7;
	v2 =	vadd.s32 $0xE, v7;
	[tilespmem:s0+$0x2180] =	vst v3;
	v3 =	vadd.s32 $0xC, v7  }
0xf4: {  	v6 =	vadd.s32 $0x10, v7;
	v0 =	vadd.s32 $0x11, v7;
	[tilespmem:s0+$0x2200] =	vst v5;
	v5 =	vadd.s32 $0xF, v7  }
0xf5: {  	v1 =	vadd.s32 $0x12, v7;
	[tilespmem:s0+$0x2280] =	vst v8  }
0xf6: {  	[tilespmem:s0+$0x2300] =	vst v9  }
.Ltmp7:
0xf7: {  	[tilespmem:s0+$0x2380] =	vst v10;
	(pc) =	sbr.rel @p0 .LBB2_12-.Ltmp7, $4  }
0xf8: {  	[tilespmem:s0+$0x2400] =	vst v11  }
0xf9: {  	[tilespmem:s0+$0x2480] =	vst v12  }
0xfa: {  	[tilespmem:s0+$0x2500] =	vst v13  }
0xfb: {  	s30 =	sshra.s32 s4, $0x2;
	s4 =	sadd.s32 $0x40, s4;
	[tilespmem:s0+$0x2580] =	vst v14  }
0xfc: {  	v7 =	vld [tilespmem:s30+$0x180];
	[tilespmem:s0+$0x2600] =	vst v3  }
0xfd: {  	[tilespmem:s0+$0x2680] =	vst v4  }
0xfe: {  	[tilespmem:s0+$0x2700] =	vst v2  }
0xff: {  	[tilespmem:s0+$0x2780] =	vst v5  }
0x100: {  	[tilespmem:s0+$0x2800] =	vst v6  }
0x101: {  	[tilespmem:s0+$0x2880] =	vst v0;
	v2 =	vmul.u32 $0x14, v7  }
0x102: {  	[tilespmem:s0+$0x2900] =	vst v1  }
0x103: {  	[tilespmem:s30+$0x2000] =	vst v2;
	v0 =	vadd.s32 $0x13, v2  }
0x104: {  	v1 =	vor.u32 $0x1, v2;
	[tilespmem:s30+$0x2980] =	vst v0  }
0x105: {  	v0 =	vor.u32 $0x2, v2;
	[tilespmem:s30+$0x2080] =	vst v1  }
0x106: {  	v1 =	vor.u32 $0x3, v2;
	[tilespmem:s30+$0x2100] =	vst v0  }
0x107: {  	v0 =	vadd.s32 $0x4, v2;
	[tilespmem:s30+$0x2180] =	vst v1  }
0x108: {  	v1 =	vadd.s32 $0x5, v2;
	[tilespmem:s30+$0x2200] =	vst v0  }
0x109: {  	v0 =	vadd.s32 $0x6, v2;
	[tilespmem:s30+$0x2280] =	vst v1  }
0x10a: {  	v1 =	vadd.s32 $0x7, v2;
	[tilespmem:s30+$0x2300] =	vst v0  }
0x10b: {  	v0 =	vadd.s32 $0x8, v2;
	[tilespmem:s30+$0x2380] =	vst v1  }
0x10c: {  	v1 =	vadd.s32 $0x9, v2;
	[tilespmem:s30+$0x2400] =	vst v0  }
0x10d: {  	v0 =	vadd.s32 $0xA, v2;
	[tilespmem:s30+$0x2480] =	vst v1  }
0x10e: {  	v1 =	vadd.s32 $0xB, v2;
	[tilespmem:s30+$0x2500] =	vst v0  }
0x10f: {  	v0 =	vadd.s32 $0xC, v2;
	[tilespmem:s30+$0x2580] =	vst v1  }
0x110: {  	v1 =	vadd.s32 $0xD, v2;
	[tilespmem:s30+$0x2600] =	vst v0  }
0x111: {  	v0 =	vadd.s32 $0xE, v2;
	[tilespmem:s30+$0x2680] =	vst v1  }
0x112: {  	v1 =	vadd.s32 $0xF, v2;
	[tilespmem:s30+$0x2700] =	vst v0  }
0x113: {  	v0 =	vadd.s32 $0x10, v2;
	[tilespmem:s30+$0x2780] =	vst v1  }
0x114: {  	v1 =	vadd.s32 $0x11, v2;
	[tilespmem:s30+$0x2800] =	vst v0  }
0x115: {  	v0 =	vadd.s32 $0x12, v2;
	[tilespmem:s30+$0x2880] =	vst v1  }
0x116: {  	s0 =	simm.s32 $0x200;
	s4 =	simm.s32 $0x2A00;
	[tilespmem:s30+$0x2900] =	vst v0  }
0x117: {  	[tilespmem:s4], [sflag:$0x1] =	stream.indirect.gather [hbm4b:s1+s13], $0x1, s0, s13, $0xb8;
	[tilespmem:$0x5830] =	vst v63  }
0x118: {  	s0 =	simm.s32 $0x280;
	s4 =	simm.s32 $0x2C00  }
0x119: {  	[tilespmem:s4], [sflag:$0x1] =	stream.indirect.gather [hbm4b:s1+s13], $0x1, s0, s13, $0xb8;
	[tilespmem:$0x5830] =	vst v63  }
0x11a: {  	s0 =	simm.s32 $0x300;
	s4 =	simm.s32 $0x2E00  }
0x11b: {  	[tilespmem:s4], [sflag:$0x1] =	stream.indirect.gather [hbm4b:s1+s13], $0x1, s0, s13, $0xb8;
	[tilespmem:$0x5830] =	vst v63  }
0x11c: {  	s0 =	simm.s32 $0x380;
	s4 =	simm.s32 $0x3000  }
0x11d: {  	[tilespmem:s4], [sflag:$0x1] =	stream.indirect.gather [hbm4b:s1+s13], $0x1, s0, s13, $0xb8;
	[tilespmem:$0x5830] =	vst v63  }
0x11e: {  	s0 =	simm.s32 $0x400;
	s4 =	simm.s32 $0x3200  }
0x11f: {  	[tilespmem:s4], [sflag:$0x1] =	stream.indirect.gather [hbm4b:s1+s13], $0x1, s0, s13, $0xb8;
	[tilespmem:$0x5830] =	vst v63  }
0x120: {  	s0 =	simm.s32 $0x480;
	s4 =	simm.s32 $0x3400  }
0x121: {  	[tilespmem:s4], [sflag:$0x1] =	stream.indirect.gather [hbm4b:s1+s13], $0x1, s0, s13, $0xb8;
	[tilespmem:$0x5830] =	vst v63  }
0x122: {  	s0 =	simm.s32 $0x500;
	s4 =	simm.s32 $0x3600  }
0x123: {  	[tilespmem:s4], [sflag:$0x1] =	stream.indirect.gather [hbm4b:s1+s13], $0x1, s0, s13, $0xb8;
	[tilespmem:$0x5830] =	vst v63  }
0x124: {  	s0 =	simm.s32 $0x580;
	s4 =	simm.s32 $0x3800  }
0x125: {  	[tilespmem:s4], [sflag:$0x1] =	stream.indirect.gather [hbm4b:s1+s13], $0x1, s0, s13, $0xb8;
	[tilespmem:$0x5830] =	vst v63  }
0x126: {  	s0 =	simm.s32 $0x600;
	s4 =	simm.s32 $0x3A00  }
0x127: {  	[tilespmem:s4], [sflag:$0x1] =	stream.indirect.gather [hbm4b:s1+s13], $0x1, s0, s13, $0xb8;
	[tilespmem:$0x5830] =	vst v63  }
0x128: {  	s0 =	simm.s32 $0x680;
	s4 =	simm.s32 $0x3C00  }
0x129: {  	[tilespmem:s4], [sflag:$0x1] =	stream.indirect.gather [hbm4b:s1+s13], $0x1, s0, s13, $0xb8;
	[tilespmem:$0x5830] =	vst v63  }
0x12a: {  	s0 =	simm.s32 $0x700;
	s4 =	simm.s32 $0x3E00  }
0x12b: {  	[tilespmem:s4], [sflag:$0x1] =	stream.indirect.gather [hbm4b:s1+s13], $0x1, s0, s13, $0xb8;
	[tilespmem:$0x5830] =	vst v63  }
0x12c: {  	s0 =	simm.s32 $0x780;
	s4 =	simm.s32 $0x4000  }
0x12d: {  	[tilespmem:s4], [sflag:$0x1] =	stream.indirect.gather [hbm4b:s1+s13], $0x1, s0, s13, $0xb8;
	[tilespmem:$0x5830] =	vst v63  }
0x12e: {  	s0 =	simm.s32 $0x800;
	s4 =	simm.s32 $0x4200  }
0x12f: {  	[tilespmem:s4], [sflag:$0x1] =	stream.indirect.gather [hbm4b:s1+s13], $0x1, s0, s13, $0xb8;
	[tilespmem:$0x5830] =	vst v63  }
0x130: {  	s0 =	simm.s32 $0x880;
	s4 =	simm.s32 $0x4400  }
0x131: {  	[tilespmem:s4], [sflag:$0x1] =	stream.indirect.gather [hbm4b:s1+s13], $0x1, s0, s13, $0xb8;
	[tilespmem:$0x5830] =	vst v63  }
0x132: {  	s0 =	simm.s32 $0x900;
	s4 =	simm.s32 $0x4600  }
0x133: {  	[tilespmem:s4], [sflag:$0x1] =	stream.indirect.gather [hbm4b:s1+s13], $0x1, s0, s13, $0xb8;
	[tilespmem:$0x5830] =	vst v63  }
0x134: {  	s0 =	simm.s32 $0x980;
	s4 =	simm.s32 $0x4800  }
0x135: {  	[tilespmem:s4], [sflag:$0x1] =	stream.indirect.gather [hbm4b:s1+s13], $0x1, s0, s13, $0xb8;
	[tilespmem:$0x5830] =	vst v63  }
0x136: {  	s0 =	simm.s32 $0xA00;
	s4 =	simm.s32 $0x4A00  }
0x137: {  	[tilespmem:s4], [sflag:$0x1] =	stream.indirect.gather [hbm4b:s1+s13], $0x1, s0, s13, $0xb8;
	[tilespmem:$0x5830] =	vst v63  }
0x138: {  	s0 =	simm.s32 $0xA80;
	s4 =	simm.s32 $0x4C00  }
0x139: {  	[tilespmem:s4], [sflag:$0x1] =	stream.indirect.gather [hbm4b:s1+s13], $0x1, s0, s13, $0xb8;
	[tilespmem:$0x5830] =	vst v63  }
0x13a: {  	s0 =	simm.s32 $0xB00;
	s4 =	simm.s32 $0x4E00  }
0x13b: {  	[tilespmem:s4], [sflag:$0x1] =	stream.indirect.gather [hbm4b:s1+s13], $0x1, s0, s13, $0xb8;
	[tilespmem:$0x5830] =	vst v63  }
0x13c: {  	s0 =	simm.s32 $0xB80;
	s4 =	simm.s32 $0x5000  }
0x13d: {  	[tilespmem:s4], [sflag:$0x1] =	stream.indirect.gather [hbm4b:s1+s13], $0x1, s0, s13, $0xb8;
	[tilespmem:$0x5830] =	vst v63  }
0x13e: {  	s0 =	simm.s32 $0x0;
	s4 =	simm.s32 $0x5400  }
0x13f: {  	[tilespmem:s4], [sflag:$0x1] =	stream.indirect.gather [hbm4b:s2+s13], $0x1, s0, s13, $0xb8;
	[tilespmem:$0x5830] =	vst v63  }
0x140: {  	s0 =	simm.s32 $0xC00;
	s4 =	simm.s32 $0x2A80  }
0x141: {  	[tilespmem:s4], [sflag:$0x1] =	stream.indirect.gather [hbm4b:s1+s13], $0x1, s0, s13, $0xb8;
	[tilespmem:$0x5830] =	vst v63  }
0x142: {  	s0 =	simm.s32 $0xC80;
	s4 =	simm.s32 $0x2C80  }
0x143: {  	[tilespmem:s4], [sflag:$0x1] =	stream.indirect.gather [hbm4b:s1+s13], $0x1, s0, s13, $0xb8;
	[tilespmem:$0x5830] =	vst v63  }
0x144: {  	s0 =	simm.s32 $0xD00;
	s4 =	simm.s32 $0x2E80  }
0x145: {  	[tilespmem:s4], [sflag:$0x1] =	stream.indirect.gather [hbm4b:s1+s13], $0x1, s0, s13, $0xb8;
	[tilespmem:$0x5830] =	vst v63  }
0x146: {  	s0 =	simm.s32 $0xD80;
	s4 =	simm.s32 $0x3080  }
0x147: {  	[tilespmem:s4], [sflag:$0x1] =	stream.indirect.gather [hbm4b:s1+s13], $0x1, s0, s13, $0xb8;
	[tilespmem:$0x5830] =	vst v63  }
0x148: {  	s0 =	simm.s32 $0xE00;
	s4 =	simm.s32 $0x3280  }
0x149: {  	[tilespmem:s4], [sflag:$0x1] =	stream.indirect.gather [hbm4b:s1+s13], $0x1, s0, s13, $0xb8;
	[tilespmem:$0x5830] =	vst v63  }
0x14a: {  	s0 =	simm.s32 $0xE80;
	s4 =	simm.s32 $0x3480  }
0x14b: {  	[tilespmem:s4], [sflag:$0x1] =	stream.indirect.gather [hbm4b:s1+s13], $0x1, s0, s13, $0xb8;
	[tilespmem:$0x5830] =	vst v63  }
0x14c: {  	s0 =	simm.s32 $0xF00;
	s4 =	simm.s32 $0x3680  }
0x14d: {  	[tilespmem:s4], [sflag:$0x1] =	stream.indirect.gather [hbm4b:s1+s13], $0x1, s0, s13, $0xb8;
	[tilespmem:$0x5830] =	vst v63  }
0x14e: {  	s0 =	simm.s32 $0xF80;
	s4 =	simm.s32 $0x3880  }
0x14f: {  	[tilespmem:s4], [sflag:$0x1] =	stream.indirect.gather [hbm4b:s1+s13], $0x1, s0, s13, $0xb8;
	[tilespmem:$0x5830] =	vst v63  }
0x150: {  	s0 =	simm.s32 $0x1000;
	s4 =	simm.s32 $0x3A80  }
0x151: {  	[tilespmem:s4], [sflag:$0x1] =	stream.indirect.gather [hbm4b:s1+s13], $0x1, s0, s13, $0xb8;
	[tilespmem:$0x5830] =	vst v63  }
0x152: {  	s0 =	simm.s32 $0x1080;
	s4 =	simm.s32 $0x3C80  }
0x153: {  	[tilespmem:s4], [sflag:$0x1] =	stream.indirect.gather [hbm4b:s1+s13], $0x1, s0, s13, $0xb8;
	[tilespmem:$0x5830] =	vst v63  }
0x154: {  	s0 =	simm.s32 $0x1100;
	s4 =	simm.s32 $0x3E80  }
0x155: {  	[tilespmem:s4], [sflag:$0x1] =	stream.indirect.gather [hbm4b:s1+s13], $0x1, s0, s13, $0xb8;
	[tilespmem:$0x5830] =	vst v63  }
0x156: {  	s0 =	simm.s32 $0x1180;
	s4 =	simm.s32 $0x4080  }
0x157: {  	[tilespmem:s4], [sflag:$0x1] =	stream.indirect.gather [hbm4b:s1+s13], $0x1, s0, s13, $0xb8;
	[tilespmem:$0x5830] =	vst v63  }
0x158: {  	s0 =	simm.s32 $0x1200;
	s4 =	simm.s32 $0x4280  }
0x159: {  	[tilespmem:s4], [sflag:$0x1] =	stream.indirect.gather [hbm4b:s1+s13], $0x1, s0, s13, $0xb8;
	[tilespmem:$0x5830] =	vst v63  }
0x15a: {  	s0 =	simm.s32 $0x1280;
	s4 =	simm.s32 $0x4480  }
0x15b: {  	[tilespmem:s4], [sflag:$0x1] =	stream.indirect.gather [hbm4b:s1+s13], $0x1, s0, s13, $0xb8;
	[tilespmem:$0x5830] =	vst v63  }
0x15c: {  	s0 =	simm.s32 $0x1300;
	s4 =	simm.s32 $0x4680  }
0x15d: {  	[tilespmem:s4], [sflag:$0x1] =	stream.indirect.gather [hbm4b:s1+s13], $0x1, s0, s13, $0xb8;
	[tilespmem:$0x5830] =	vst v63  }
0x15e: {  	s0 =	simm.s32 $0x1380;
	s4 =	simm.s32 $0x4880  }
0x15f: {  	[tilespmem:s4], [sflag:$0x1] =	stream.indirect.gather [hbm4b:s1+s13], $0x1, s0, s13, $0xb8;
	[tilespmem:$0x5830] =	vst v63  }
0x160: {  	s0 =	simm.s32 $0x1400;
	s4 =	simm.s32 $0x4A80  }
0x161: {  	[tilespmem:s4], [sflag:$0x1] =	stream.indirect.gather [hbm4b:s1+s13], $0x1, s0, s13, $0xb8;
	[tilespmem:$0x5830] =	vst v63  }
0x162: {  	s0 =	simm.s32 $0x1480;
	s4 =	simm.s32 $0x4C80  }
0x163: {  	[tilespmem:s4], [sflag:$0x1] =	stream.indirect.gather [hbm4b:s1+s13], $0x1, s0, s13, $0xb8;
	[tilespmem:$0x5830] =	vst v63  }
0x164: {  	s0 =	simm.s32 $0x1500;
	s4 =	simm.s32 $0x4E80  }
0x165: {  	[tilespmem:s4], [sflag:$0x1] =	stream.indirect.gather [hbm4b:s1+s13], $0x1, s0, s13, $0xb8;
	[tilespmem:$0x5830] =	vst v63  }
0x166: {  	s0 =	simm.s32 $0x1580;
	s4 =	simm.s32 $0x5080  }
0x167: {  	[tilespmem:s4], [sflag:$0x1] =	stream.indirect.gather [hbm4b:s1+s13], $0x1, s0, s13, $0xb8;
	[tilespmem:$0x5830] =	vst v63  }
0x168: {  	s4 =	simm.s32 $0x5480  }
0x169: {  	[tilespmem:s4], [sflag:$0x1] =	stream.indirect.gather [hbm4b:s2+s13], $0x1, s13, s13, $0xb8;
	[tilespmem:$0x5830] =	vst v63  }
0x16a: {  	s0 =	simm.s32 $0x1600;
	s4 =	simm.s32 $0x2B00  }
0x16b: {  	[tilespmem:s4], [sflag:$0x1] =	stream.indirect.gather [hbm4b:s1+s13], $0x1, s0, s13, $0xb8;
	[tilespmem:$0x5830] =	vst v63  }
0x16c: {  	s0 =	simm.s32 $0x1680;
	s4 =	simm.s32 $0x2D00  }
0x16d: {  	[tilespmem:s4], [sflag:$0x1] =	stream.indirect.gather [hbm4b:s1+s13], $0x1, s0, s13, $0xb8;
	[tilespmem:$0x5830] =	vst v63  }
0x16e: {  	s0 =	simm.s32 $0x1700;
	s4 =	simm.s32 $0x2F00  }
0x16f: {  	[tilespmem:s4], [sflag:$0x1] =	stream.indirect.gather [hbm4b:s1+s13], $0x1, s0, s13, $0xb8;
	[tilespmem:$0x5830] =	vst v63  }
0x170: {  	s0 =	simm.s32 $0x1780;
	s4 =	simm.s32 $0x3100  }
0x171: {  	[tilespmem:s4], [sflag:$0x1] =	stream.indirect.gather [hbm4b:s1+s13], $0x1, s0, s13, $0xb8;
	[tilespmem:$0x5830] =	vst v63  }
0x172: {  	s0 =	simm.s32 $0x1800;
	s4 =	simm.s32 $0x3300  }
0x173: {  	[tilespmem:s4], [sflag:$0x1] =	stream.indirect.gather [hbm4b:s1+s13], $0x1, s0, s13, $0xb8;
	[tilespmem:$0x5830] =	vst v63  }
0x174: {  	s0 =	simm.s32 $0x1880;
	s4 =	simm.s32 $0x3500  }
0x175: {  	[tilespmem:s4], [sflag:$0x1] =	stream.indirect.gather [hbm4b:s1+s13], $0x1, s0, s13, $0xb8;
	[tilespmem:$0x5830] =	vst v63  }
0x176: {  	s0 =	simm.s32 $0x1900;
	s4 =	simm.s32 $0x3700  }
0x177: {  	[tilespmem:s4], [sflag:$0x1] =	stream.indirect.gather [hbm4b:s1+s13], $0x1, s0, s13, $0xb8;
	[tilespmem:$0x5830] =	vst v63  }
0x178: {  	s0 =	simm.s32 $0x1980;
	s4 =	simm.s32 $0x3900  }
0x179: {  	[tilespmem:s4], [sflag:$0x1] =	stream.indirect.gather [hbm4b:s1+s13], $0x1, s0, s13, $0xb8;
	[tilespmem:$0x5830] =	vst v63  }
0x17a: {  	s0 =	simm.s32 $0x1A00;
	s4 =	simm.s32 $0x3B00  }
0x17b: {  	[tilespmem:s4], [sflag:$0x1] =	stream.indirect.gather [hbm4b:s1+s13], $0x1, s0, s13, $0xb8;
	[tilespmem:$0x5830] =	vst v63  }
0x17c: {  	s0 =	simm.s32 $0x1A80;
	s4 =	simm.s32 $0x3D00  }
0x17d: {  	[tilespmem:s4], [sflag:$0x1] =	stream.indirect.gather [hbm4b:s1+s13], $0x1, s0, s13, $0xb8;
	[tilespmem:$0x5830] =	vst v63  }
0x17e: {  	s0 =	simm.s32 $0x1B00;
	s4 =	simm.s32 $0x3F00  }
0x17f: {  	[tilespmem:s4], [sflag:$0x1] =	stream.indirect.gather [hbm4b:s1+s13], $0x1, s0, s13, $0xb8;
	[tilespmem:$0x5830] =	vst v63  }
0x180: {  	s0 =	simm.s32 $0x1B80;
	s4 =	simm.s32 $0x4100  }
0x181: {  	[tilespmem:s4], [sflag:$0x1] =	stream.indirect.gather [hbm4b:s1+s13], $0x1, s0, s13, $0xb8;
	[tilespmem:$0x5830] =	vst v63  }
0x182: {  	s0 =	simm.s32 $0x1C00;
	s4 =	simm.s32 $0x4300  }
0x183: {  	[tilespmem:s4], [sflag:$0x1] =	stream.indirect.gather [hbm4b:s1+s13], $0x1, s0, s13, $0xb8;
	[tilespmem:$0x5830] =	vst v63  }
0x184: {  	s0 =	simm.s32 $0x1C80;
	s4 =	simm.s32 $0x4500  }
0x185: {  	[tilespmem:s4], [sflag:$0x1] =	stream.indirect.gather [hbm4b:s1+s13], $0x1, s0, s13, $0xb8;
	[tilespmem:$0x5830] =	vst v63  }
0x186: {  	s0 =	simm.s32 $0x1D00;
	s4 =	simm.s32 $0x4700  }
0x187: {  	[tilespmem:s4], [sflag:$0x1] =	stream.indirect.gather [hbm4b:s1+s13], $0x1, s0, s13, $0xb8;
	[tilespmem:$0x5830] =	vst v63  }
0x188: {  	s0 =	simm.s32 $0x1D80;
	s4 =	simm.s32 $0x4900  }
0x189: {  	[tilespmem:s4], [sflag:$0x1] =	stream.indirect.gather [hbm4b:s1+s13], $0x1, s0, s13, $0xb8;
	[tilespmem:$0x5830] =	vst v63  }
0x18a: {  	s0 =	simm.s32 $0x1E00;
	s4 =	simm.s32 $0x4B00  }
0x18b: {  	[tilespmem:s4], [sflag:$0x1] =	stream.indirect.gather [hbm4b:s1+s13], $0x1, s0, s13, $0xb8;
	[tilespmem:$0x5830] =	vst v63  }
0x18c: {  	s0 =	simm.s32 $0x1E80;
	s4 =	simm.s32 $0x4D00  }
0x18d: {  	[tilespmem:s4], [sflag:$0x1] =	stream.indirect.gather [hbm4b:s1+s13], $0x1, s0, s13, $0xb8;
	[tilespmem:$0x5830] =	vst v63  }
0x18e: {  	s0 =	simm.s32 $0x1F00;
	s4 =	simm.s32 $0x4F00  }
0x18f: {  	[tilespmem:s4], [sflag:$0x1] =	stream.indirect.gather [hbm4b:s1+s13], $0x1, s0, s13, $0xb8;
	[tilespmem:$0x5830] =	vst v63  }
0x190: {  	s0 =	simm.s32 $0x1F80;
	s4 =	simm.s32 $0x5100  }
0x191: {  	[tilespmem:s4], [sflag:$0x1] =	stream.indirect.gather [hbm4b:s1+s13], $0x1, s0, s13, $0xb8;
	[tilespmem:$0x5830] =	vst v63  }
0x192: {  	s0 =	simm.s32 $0x100;
	s4 =	simm.s32 $0x5500  }
0x193: {  	[tilespmem:s4], [sflag:$0x1] =	stream.indirect.gather [hbm4b:s2+s13], $0x1, s0, s13, $0xb8;
	[tilespmem:$0x5830] =	vst v63  }
0x194: {  	s0 =	simm.s32 $0x2000;
	s4 =	simm.s32 $0x2B80  }
0x195: {  	[tilespmem:s4], [sflag:$0x1] =	stream.indirect.gather [hbm4b:s1+s13], $0x1, s0, s13, $0xb8;
	[tilespmem:$0x5830] =	vst v63  }
0x196: {  	s0 =	simm.s32 $0x2080;
	s4 =	simm.s32 $0x2D80  }
0x197: {  	[tilespmem:s4], [sflag:$0x1] =	stream.indirect.gather [hbm4b:s1+s13], $0x1, s0, s13, $0xb8;
	[tilespmem:$0x5830] =	vst v63  }
0x198: {  	s0 =	simm.s32 $0x2100;
	s4 =	simm.s32 $0x2F80  }
0x199: {  	[tilespmem:s4], [sflag:$0x1] =	stream.indirect.gather [hbm4b:s1+s13], $0x1, s0, s13, $0xb8;
	[tilespmem:$0x5830] =	vst v63  }
0x19a: {  	s0 =	simm.s32 $0x2180;
	s4 =	simm.s32 $0x3180  }
0x19b: {  	[tilespmem:s4], [sflag:$0x1] =	stream.indirect.gather [hbm4b:s1+s13], $0x1, s0, s13, $0xb8;
	[tilespmem:$0x5830] =	vst v63  }
0x19c: {  	s0 =	simm.s32 $0x2200;
	s4 =	simm.s32 $0x3380  }
0x19d: {  	[tilespmem:s4], [sflag:$0x1] =	stream.indirect.gather [hbm4b:s1+s13], $0x1, s0, s13, $0xb8;
	[tilespmem:$0x5830] =	vst v63  }
0x19e: {  	s0 =	simm.s32 $0x2280;
	s4 =	simm.s32 $0x3580  }
0x19f: {  	[tilespmem:s4], [sflag:$0x1] =	stream.indirect.gather [hbm4b:s1+s13], $0x1, s0, s13, $0xb8;
	[tilespmem:$0x5830] =	vst v63  }
0x1a0: {  	s0 =	simm.s32 $0x2300;
	s4 =	simm.s32 $0x3780  }
0x1a1: {  	[tilespmem:s4], [sflag:$0x1] =	stream.indirect.gather [hbm4b:s1+s13], $0x1, s0, s13, $0xb8;
	[tilespmem:$0x5830] =	vst v63  }
0x1a2: {  	s0 =	simm.s32 $0x2380;
	s4 =	simm.s32 $0x3980  }
0x1a3: {  	[tilespmem:s4], [sflag:$0x1] =	stream.indirect.gather [hbm4b:s1+s13], $0x1, s0, s13, $0xb8;
	[tilespmem:$0x5830] =	vst v63  }
0x1a4: {  	s0 =	simm.s32 $0x2400;
	s4 =	simm.s32 $0x3B80  }
0x1a5: {  	[tilespmem:s4], [sflag:$0x1] =	stream.indirect.gather [hbm4b:s1+s13], $0x1, s0, s13, $0xb8;
	[tilespmem:$0x5830] =	vst v63  }
0x1a6: {  	s0 =	simm.s32 $0x2480;
	s4 =	simm.s32 $0x3D80  }
0x1a7: {  	[tilespmem:s4], [sflag:$0x1] =	stream.indirect.gather [hbm4b:s1+s13], $0x1, s0, s13, $0xb8;
	[tilespmem:$0x5830] =	vst v63  }
0x1a8: {  	s0 =	simm.s32 $0x2500;
	s4 =	simm.s32 $0x3F80  }
0x1a9: {  	[tilespmem:s4], [sflag:$0x1] =	stream.indirect.gather [hbm4b:s1+s13], $0x1, s0, s13, $0xb8;
	[tilespmem:$0x5830] =	vst v63  }
0x1aa: {  	s0 =	simm.s32 $0x2580;
	s4 =	simm.s32 $0x4180  }
0x1ab: {  	[tilespmem:s4], [sflag:$0x1] =	stream.indirect.gather [hbm4b:s1+s13], $0x1, s0, s13, $0xb8;
	[tilespmem:$0x5830] =	vst v63  }
0x1ac: {  	s0 =	simm.s32 $0x2600;
	s4 =	simm.s32 $0x4380  }
0x1ad: {  	[tilespmem:s4], [sflag:$0x1] =	stream.indirect.gather [hbm4b:s1+s13], $0x1, s0, s13, $0xb8;
	[tilespmem:$0x5830] =	vst v63  }
0x1ae: {  	s4 =	simm.s32 $0x2680  }
0x1af: {  	[tilespmem:s3], [sflag:$0x1] =	stream.indirect.gather [hbm4b:s1+s13], $0x1, s4, s13, $0xb8;
	[tilespmem:$0x5830] =	vst v63  }
0x1b0: {  	_ = 	snop  }
0x1b1: {  	[tilespmem:s12], [sflag:$0x1] =	stream.indirect.gather [hbm4b:s1+s13], $0x1, s11, s13, $0xb8;
	[tilespmem:$0x5830] =	vst v63  }
0x1b2: {  	_ = 	snop  }
0x1b3: {  	[tilespmem:s15], [sflag:$0x1] =	stream.indirect.gather [hbm4b:s1+s13], $0x1, s14, s13, $0xb8;
	[tilespmem:$0x5830] =	vst v63  }
0x1b4: {  	_ = 	snop  }
0x1b5: {  	[tilespmem:s17], [sflag:$0x1] =	stream.indirect.gather [hbm4b:s1+s13], $0x1, s16, s13, $0xb8;
	[tilespmem:$0x5830] =	vst v63  }
0x1b6: {  	_ = 	snop  }
0x1b7: {  	[tilespmem:s19], [sflag:$0x1] =	stream.indirect.gather [hbm4b:s1+s13], $0x1, s18, s13, $0xb8;
	[tilespmem:$0x5830] =	vst v63  }
0x1b8: {  	_ = 	snop  }
0x1b9: {  	[tilespmem:s21], [sflag:$0x1] =	stream.indirect.gather [hbm4b:s1+s13], $0x1, s20, s13, $0xb8;
	[tilespmem:$0x5830] =	vst v63  }
0x1ba: {  	_ = 	snop  }
0x1bb: {  	[tilespmem:s23], [sflag:$0x1] =	stream.indirect.gather [hbm4b:s1+s13], $0x1, s22, s13, $0xb8;
	[tilespmem:$0x5830] =	vst v63  }
0x1bc: {  	_ = 	snop  }
0x1bd: {  	[tilespmem:s25], [sflag:$0x1] =	stream.indirect.gather [hbm4b:s2+s13], $0x1, s24, s13, $0xb8;
	[tilespmem:$0x5830] =	vst v63  }
0x1be: {  	_ =	swait.ge [sflag:s26], $0x80  }
0x1bf: {  	[sflag:s26] =	ssyncset.done $0x0  }
0x1c0: {  	[sflag:s26] =	ssyncadd.s32 $0xFFFFFF80  }
0x1c1: {  	_ =	swait.ge [sflag:s26], $0x80  }
0x1c2: {  	[sflag:s26] =	ssyncset.done $0x0  }
0x1c3: {  	[sflag:s26] =	ssyncadd.s32 $0xFFFFFF80  }
0x1c4: {  	_ =	swait.ge [sflag:s26], $0x80  }
0x1c5: {  	[sflag:s26] =	ssyncset.done $0x0  }
0x1c6: {  	[sflag:s26] =	ssyncadd.s32 $0xFFFFFF80  }
0x1c7: {  	_ =	swait.ge [sflag:s26], $0x80  }
0x1c8: {  	[sflag:s26] =	ssyncset.done $0x0  }
0x1c9: {  	[sflag:s26] =	ssyncadd.s32 $0xFFFFFF80  }
0x1ca: {  	_ =	swait.ge [sflag:s26], $0x80  }
0x1cb: {  	[sflag:s26] =	ssyncset.done $0x0  }
0x1cc: {  	[sflag:s26] =	ssyncadd.s32 $0xFFFFFF80  }
0x1cd: {  	_ =	swait.ge [sflag:s26], $0x80  }
0x1ce: {  	[sflag:s26] =	ssyncset.done $0x0  }
0x1cf: {  	[sflag:s26] =	ssyncadd.s32 $0xFFFFFF80  }
0x1d0: {  	_ =	swait.ge [sflag:s26], $0x80  }
0x1d1: {  	[sflag:s26] =	ssyncset.done $0x0  }
0x1d2: {  	[sflag:s26] =	ssyncadd.s32 $0xFFFFFF80  }
0x1d3: {  	_ =	swait.ge [sflag:s26], $0x80  }
0x1d4: {  	[sflag:s26] =	ssyncset.done $0x0  }
0x1d5: {  	[sflag:s26] =	ssyncadd.s32 $0xFFFFFF80  }
0x1d6: {  	_ =	swait.ge [sflag:s26], $0x80  }
0x1d7: {  	[sflag:s26] =	ssyncset.done $0x0  }
0x1d8: {  	[sflag:s26] =	ssyncadd.s32 $0xFFFFFF80  }
0x1d9: {  	_ =	swait.ge [sflag:s26], $0x80  }
0x1da: {  	[sflag:s26] =	ssyncset.done $0x0  }
0x1db: {  	[sflag:s26] =	ssyncadd.s32 $0xFFFFFF80  }
0x1dc: {  	_ =	swait.ge [sflag:s26], $0x80  }
0x1dd: {  	[sflag:s26] =	ssyncset.done $0x0  }
0x1de: {  	[sflag:s26] =	ssyncadd.s32 $0xFFFFFF80  }
0x1df: {  	_ =	swait.ge [sflag:s26], $0x80  }
0x1e0: {  	[sflag:s26] =	ssyncset.done $0x0  }
0x1e1: {  	[sflag:s26] =	ssyncadd.s32 $0xFFFFFF80  }
0x1e2: {  	_ =	swait.ge [sflag:s26], $0x80  }
0x1e3: {  	[sflag:s26] =	ssyncset.done $0x0  }
0x1e4: {  	[sflag:s26] =	ssyncadd.s32 $0xFFFFFF80  }
0x1e5: {  	_ =	swait.ge [sflag:s26], $0x80  }
0x1e6: {  	[sflag:s26] =	ssyncset.done $0x0  }
0x1e7: {  	[sflag:s26] =	ssyncadd.s32 $0xFFFFFF80  }
0x1e8: {  	_ =	swait.ge [sflag:s26], $0x80  }
0x1e9: {  	[sflag:s26] =	ssyncset.done $0x0  }
0x1ea: {  	[sflag:s26] =	ssyncadd.s32 $0xFFFFFF80  }
0x1eb: {  	_ =	swait.ge [sflag:s26], $0x80  }
0x1ec: {  	[sflag:s26] =	ssyncset.done $0x0  }
0x1ed: {  	[sflag:s26] =	ssyncadd.s32 $0xFFFFFF80  }
0x1ee: {  	_ =	swait.ge [sflag:s26], $0x80  }
0x1ef: {  	[sflag:s26] =	ssyncset.done $0x0  }
0x1f0: {  	[sflag:s26] =	ssyncadd.s32 $0xFFFFFF80  }
0x1f1: {  	_ =	swait.ge [sflag:s26], $0x80  }
0x1f2: {  	[sflag:s26] =	ssyncset.done $0x0  }
0x1f3: {  	[sflag:s26] =	ssyncadd.s32 $0xFFFFFF80  }
0x1f4: {  	_ =	swait.ge [sflag:s26], $0x80  }
0x1f5: {  	[sflag:s26] =	ssyncset.done $0x0  }
0x1f6: {  	[sflag:s26] =	ssyncadd.s32 $0xFFFFFF80  }
0x1f7: {  	_ =	swait.ge [sflag:s26], $0x80  }
0x1f8: {  	[sflag:s26] =	ssyncset.done $0x0  }
0x1f9: {  	[sflag:s26] =	ssyncadd.s32 $0xFFFFFF80  }
0x1fa: {  	_ =	swait.ge [sflag:s26], $0x80  }
0x1fb: {  	[sflag:s26] =	ssyncset.done $0x0  }
0x1fc: {  	[sflag:s26] =	ssyncadd.s32 $0xFFFFFF80  }
0x1fd: {  	_ =	swait.ge [sflag:s26], $0x80  }
0x1fe: {  	[sflag:s26] =	ssyncset.done $0x0  }
0x1ff: {  	[sflag:s26] =	ssyncadd.s32 $0xFFFFFF80  }
0x200: {  	_ =	swait.ge [sflag:s26], $0x80  }
0x201: {  	[sflag:s26] =	ssyncset.done $0x0  }
0x202: {  	[sflag:s26] =	ssyncadd.s32 $0xFFFFFF80  }
0x203: {  	_ =	swait.ge [sflag:s26], $0x80  }
0x204: {  	[sflag:s26] =	ssyncset.done $0x0  }
0x205: {  	[sflag:s26] =	ssyncadd.s32 $0xFFFFFF80  }
0x206: {  	_ =	swait.ge [sflag:s26], $0x80  }
0x207: {  	[sflag:s26] =	ssyncset.done $0x0  }
0x208: {  	[sflag:s26] =	ssyncadd.s32 $0xFFFFFF80  }
0x209: {  	_ =	swait.ge [sflag:s26], $0x80  }
0x20a: {  	[sflag:s26] =	ssyncset.done $0x0  }
0x20b: {  	[sflag:s26] =	ssyncadd.s32 $0xFFFFFF80  }
0x20c: {  	_ =	swait.ge [sflag:s26], $0x80  }
0x20d: {  	[sflag:s26] =	ssyncset.done $0x0  }
0x20e: {  	[sflag:s26] =	ssyncadd.s32 $0xFFFFFF80  }
0x20f: {  	_ =	swait.ge [sflag:s26], $0x80  }
0x210: {  	[sflag:s26] =	ssyncset.done $0x0  }
0x211: {  	[sflag:s26] =	ssyncadd.s32 $0xFFFFFF80  }
0x212: {  	_ =	swait.ge [sflag:s26], $0x80  }
0x213: {  	[sflag:s26] =	ssyncset.done $0x0  }
0x214: {  	[sflag:s26] =	ssyncadd.s32 $0xFFFFFF80  }
0x215: {  	_ =	swait.ge [sflag:s26], $0x80  }
0x216: {  	[sflag:s26] =	ssyncset.done $0x0  }
0x217: {  	[sflag:s26] =	ssyncadd.s32 $0xFFFFFF80  }
0x218: {  	_ =	swait.ge [sflag:s26], $0x80  }
0x219: {  	[sflag:s26] =	ssyncset.done $0x0  }
0x21a: {  	[sflag:s26] =	ssyncadd.s32 $0xFFFFFF80  }
0x21b: {  	_ =	swait.ge [sflag:s26], $0x80  }
0x21c: {  	[sflag:s26] =	ssyncset.done $0x0  }
0x21d: {  	[sflag:s26] =	ssyncadd.s32 $0xFFFFFF80  }
0x21e: {  	_ =	swait.ge [sflag:s26], $0x80  }
0x21f: {  	[sflag:s26] =	ssyncset.done $0x0  }
0x220: {  	[sflag:s26] =	ssyncadd.s32 $0xFFFFFF80  }
0x221: {  	_ =	swait.ge [sflag:s26], $0x80  }
0x222: {  	[sflag:s26] =	ssyncset.done $0x0  }
0x223: {  	[sflag:s26] =	ssyncadd.s32 $0xFFFFFF80  }
0x224: {  	_ =	swait.ge [sflag:s26], $0x80  }
0x225: {  	[sflag:s26] =	ssyncset.done $0x0  }
0x226: {  	[sflag:s26] =	ssyncadd.s32 $0xFFFFFF80  }
0x227: {  	_ =	swait.ge [sflag:s26], $0x80  }
0x228: {  	[sflag:s26] =	ssyncset.done $0x0  }
0x229: {  	[sflag:s26] =	ssyncadd.s32 $0xFFFFFF80  }
0x22a: {  	_ =	swait.ge [sflag:s26], $0x80  }
0x22b: {  	[sflag:s26] =	ssyncset.done $0x0  }
0x22c: {  	[sflag:s26] =	ssyncadd.s32 $0xFFFFFF80  }
0x22d: {  	_ =	swait.ge [sflag:s26], $0x80  }
0x22e: {  	[sflag:s26] =	ssyncset.done $0x0  }
0x22f: {  	[sflag:s26] =	ssyncadd.s32 $0xFFFFFF80  }
0x230: {  	_ =	swait.ge [sflag:s26], $0x80  }
0x231: {  	[sflag:s26] =	ssyncset.done $0x0  }
0x232: {  	[sflag:s26] =	ssyncadd.s32 $0xFFFFFF80  }
0x233: {  	_ =	swait.ge [sflag:s26], $0x80  }
0x234: {  	[sflag:s26] =	ssyncset.done $0x0  }
0x235: {  	[sflag:s26] =	ssyncadd.s32 $0xFFFFFF80  }
0x236: {  	_ =	swait.ge [sflag:s26], $0x80  }
0x237: {  	[sflag:s26] =	ssyncset.done $0x0  }
0x238: {  	[sflag:s26] =	ssyncadd.s32 $0xFFFFFF80  }
0x239: {  	_ =	swait.ge [sflag:s26], $0x80  }
0x23a: {  	[sflag:s26] =	ssyncset.done $0x0  }
0x23b: {  	[sflag:s26] =	ssyncadd.s32 $0xFFFFFF80  }
0x23c: {  	_ =	swait.ge [sflag:s26], $0x80  }
0x23d: {  	[sflag:s26] =	ssyncset.done $0x0  }
0x23e: {  	[sflag:s26] =	ssyncadd.s32 $0xFFFFFF80  }
0x23f: {  	_ =	swait.ge [sflag:s26], $0x80  }
0x240: {  	[sflag:s26] =	ssyncset.done $0x0  }
0x241: {  	[sflag:s26] =	ssyncadd.s32 $0xFFFFFF80  }
0x242: {  	_ =	swait.ge [sflag:s26], $0x80  }
0x243: {  	[sflag:s26] =	ssyncset.done $0x0  }
0x244: {  	[sflag:s26] =	ssyncadd.s32 $0xFFFFFF80  }
0x245: {  	_ =	swait.ge [sflag:s26], $0x80  }
0x246: {  	[sflag:s26] =	ssyncset.done $0x0  }
0x247: {  	[sflag:s26] =	ssyncadd.s32 $0xFFFFFF80  }
0x248: {  	_ =	swait.ge [sflag:s26], $0x80  }
0x249: {  	[sflag:s26] =	ssyncset.done $0x0  }
0x24a: {  	[sflag:s26] =	ssyncadd.s32 $0xFFFFFF80  }
0x24b: {  	_ =	swait.ge [sflag:s26], $0x80  }
0x24c: {  	[sflag:s26] =	ssyncset.done $0x0  }
0x24d: {  	[sflag:s26] =	ssyncadd.s32 $0xFFFFFF80  }
0x24e: {  	_ =	swait.ge [sflag:s26], $0x80  }
0x24f: {  	[sflag:s26] =	ssyncset.done $0x0  }
0x250: {  	[sflag:s26] =	ssyncadd.s32 $0xFFFFFF80  }
0x251: {  	_ =	swait.ge [sflag:s26], $0x80  }
0x252: {  	[sflag:s26] =	ssyncset.done $0x0  }
0x253: {  	[sflag:s26] =	ssyncadd.s32 $0xFFFFFF80  }
0x254: {  	_ =	swait.ge [sflag:s26], $0x80  }
0x255: {  	[sflag:s26] =	ssyncset.done $0x0  }
0x256: {  	[sflag:s26] =	ssyncadd.s32 $0xFFFFFF80  }
0x257: {  	_ =	swait.ge [sflag:s26], $0x80  }
0x258: {  	[sflag:s26] =	ssyncset.done $0x0  }
0x259: {  	[sflag:s26] =	ssyncadd.s32 $0xFFFFFF80  }
0x25a: {  	_ =	swait.ge [sflag:s26], $0x80  }
0x25b: {  	[sflag:s26] =	ssyncset.done $0x0  }
0x25c: {  	[sflag:s26] =	ssyncadd.s32 $0xFFFFFF80  }
0x25d: {  	_ =	swait.ge [sflag:s26], $0x80  }
0x25e: {  	[sflag:s26] =	ssyncset.done $0x0  }
0x25f: {  	[sflag:s26] =	ssyncadd.s32 $0xFFFFFF80  }
0x260: {  	_ =	swait.ge [sflag:s26], $0x80  }
0x261: {  	[sflag:s26] =	ssyncset.done $0x0  }
0x262: {  	[sflag:s26] =	ssyncadd.s32 $0xFFFFFF80  }
0x263: {  	_ =	swait.ge [sflag:s26], $0x80  }
0x264: {  	[sflag:s26] =	ssyncset.done $0x0  }
0x265: {  	[sflag:s26] =	ssyncadd.s32 $0xFFFFFF80  }
0x266: {  	_ =	swait.ge [sflag:s26], $0x80  }
0x267: {  	[sflag:s26] =	ssyncset.done $0x0  }
0x268: {  	[sflag:s26] =	ssyncadd.s32 $0xFFFFFF80  }
0x269: {  	_ =	swait.ge [sflag:s26], $0x80  }
0x26a: {  	[sflag:s26] =	ssyncset.done $0x0  }
0x26b: {  	[sflag:s26] =	ssyncadd.s32 $0xFFFFFF80  }
0x26c: {  	_ =	swait.ge [sflag:s26], $0x80  }
0x26d: {  	[sflag:s26] =	ssyncset.done $0x0  }
0x26e: {  	[sflag:s26] =	ssyncadd.s32 $0xFFFFFF80  }
0x26f: {  	_ =	swait.ge [sflag:s26], $0x80  }
0x270: {  	[sflag:s26] =	ssyncset.done $0x0  }
0x271: {  	[sflag:s26] =	ssyncadd.s32 $0xFFFFFF80  }
0x272: {  	_ =	swait.ge [sflag:s26], $0x80  }
0x273: {  	[sflag:s26] =	ssyncset.done $0x0  }
0x274: {  	[sflag:s26] =	ssyncadd.s32 $0xFFFFFF80  }
0x275: {  	_ =	swait.ge [sflag:s26], $0x80  }
0x276: {  	[sflag:s26] =	ssyncset.done $0x0  }
0x277: {  	[sflag:s26] =	ssyncadd.s32 $0xFFFFFF80  }
0x278: {  	_ =	swait.ge [sflag:s26], $0x80  }
0x279: {  	[sflag:s26] =	ssyncset.done $0x0  }
0x27a: {  	[sflag:s26] =	ssyncadd.s32 $0xFFFFFF80  }
0x27b: {  	_ =	swait.ge [sflag:s26], $0x80  }
0x27c: {  	[sflag:s26] =	ssyncset.done $0x0  }
0x27d: {  	[sflag:s26] =	ssyncadd.s32 $0xFFFFFF80  }
0x27e: {  	_ =	swait.ge [sflag:s26], $0x80  }
0x27f: {  	[sflag:s26] =	ssyncset.done $0x0  }
0x280: {  	[sflag:s26] =	ssyncadd.s32 $0xFFFFFF80  }
0x281: {  	_ =	swait.ge [sflag:s26], $0x80  }
0x282: {  	[sflag:s26] =	ssyncset.done $0x0  }
0x283: {  	[sflag:s26] =	ssyncadd.s32 $0xFFFFFF80  }
0x284: {  	_ =	swait.ge [sflag:s26], $0x80  }
0x285: {  	[sflag:s26] =	ssyncset.done $0x0  }
0x286: {  	[sflag:s26] =	ssyncadd.s32 $0xFFFFFF80  }
0x287: {  	_ =	swait.ge [sflag:s26], $0x80  }
0x288: {  	[sflag:s26] =	ssyncset.done $0x0  }
0x289: {  	[sflag:s26] =	ssyncadd.s32 $0xFFFFFF80  }
0x28a: {  	_ =	swait.ge [sflag:s26], $0x80  }
0x28b: {  	[sflag:s26] =	ssyncset.done $0x0  }
0x28c: {  	[sflag:s26] =	ssyncadd.s32 $0xFFFFFF80  }
0x28d: {  	_ =	swait.ge [sflag:s26], $0x80  }
0x28e: {  	[sflag:s26] =	ssyncset.done $0x0  }
0x28f: {  	[sflag:s26] =	ssyncadd.s32 $0xFFFFFF80  }
0x290: {  	_ =	swait.ge [sflag:s26], $0x80  }
0x291: {  	[sflag:s26] =	ssyncset.done $0x0  }
0x292: {  	[sflag:s26] =	ssyncadd.s32 $0xFFFFFF80  }
0x293: {  	_ =	swait.ge [sflag:s26], $0x80  }
0x294: {  	[sflag:s26] =	ssyncset.done $0x0  }
0x295: {  	[sflag:s26] =	ssyncadd.s32 $0xFFFFFF80  }
0x296: {  	_ =	swait.ge [sflag:s26], $0x80  }
0x297: {  	[sflag:s26] =	ssyncset.done $0x0  }
0x298: {  	[sflag:s26] =	ssyncadd.s32 $0xFFFFFF80  }
0x299: {  	_ =	swait.ge [sflag:s26], $0x80  }
0x29a: {  	[sflag:s26] =	ssyncset.done $0x0  }
0x29b: {  	[sflag:s26] =	ssyncadd.s32 $0xFFFFFF80  }
0x29c: {  	_ =	swait.ge [sflag:s26], $0x80  }
0x29d: {  	[sflag:s26] =	ssyncset.done $0x0  }
0x29e: {  	[sflag:s26] =	ssyncadd.s32 $0xFFFFFF80  }
0x29f: {  	_ =	swait.ge [sflag:s26], $0x80  }
0x2a0: {  	[sflag:s26] =	ssyncset.done $0x0  }
0x2a1: {  	[sflag:s26] =	ssyncadd.s32 $0xFFFFFF80  }
0x2a2: {  	_ =	swait.ge [sflag:s26], $0x80  }
0x2a3: {  	[sflag:s26] =	ssyncset.done $0x0  }
0x2a4: {  	[sflag:s26] =	ssyncadd.s32 $0xFFFFFF80  }
0x2a5: {  	_ =	swait.ge [sflag:s26], $0x80  }
0x2a6: {  	[sflag:s26] =	ssyncset.done $0x0  }
0x2a7: {  	[sflag:s26] =	ssyncadd.s32 $0xFFFFFF80  }
0x2a8: {  	_ =	swait.ge [sflag:s26], $0x80  }
0x2a9: {  	[sflag:s26] =	ssyncset.done $0x0  }
0x2aa: {  	[sflag:s26] =	ssyncadd.s32 $0xFFFFFF80  }
0x2ab: {  	_ =	swait.ge [sflag:s26], $0x80  }
0x2ac: {  	[sflag:s26] =	ssyncset.done $0x0  }
0x2ad: {  	[sflag:s26] =	ssyncadd.s32 $0xFFFFFF80  }
0x2ae: {  	_ =	swait.ge [sflag:s26], $0x80  }
0x2af: {  	[sflag:s26] =	ssyncset.done $0x0  }
0x2b0: {  	[sflag:s26] =	ssyncadd.s32 $0xFFFFFF80  }
0x2b1: {  	_ =	swait.ge [sflag:s26], $0x80  }
0x2b2: {  	[sflag:s26] =	ssyncset.done $0x0  }
0x2b3: {  	[sflag:s26] =	ssyncadd.s32 $0xFFFFFF80  }
0x2b4: {  	_ =	swait.ge [sflag:s26], $0x80  }
0x2b5: {  	[sflag:s26] =	ssyncset.done $0x0  }
0x2b6: {  	[sflag:s26] =	ssyncadd.s32 $0xFFFFFF80  }
0x2b7: {  	_ =	swait.ge [sflag:s26], $0x80  }
0x2b8: {  	[sflag:s26] =	ssyncset.done $0x0  }
0x2b9: {  	[sflag:s26] =	ssyncadd.s32 $0xFFFFFF80  }
0x2ba: {  	v0 =	vld [tilespmem:$0x5800]  }
0x2bb: {  	v19 =	vld [tilespmem:$0x5810];
	_ =	sdelay $0x4  }
0x2bc: {  	v36 =	vbroadcast v0, $0x0;
	v33 =	vbroadcast v19, $0x4  }
0x2bd: {  	v37 =	vbroadcast v0, $0x1;
	v32 =	vbroadcast v19, $0x5  }
0x2be: {  	v38 =	vbroadcast v0, $0x2;
	v35 =	vbroadcast v19, $0x6  }
0x2bf: {  	v39 =	vbroadcast v0, $0x3;
	v31 =	vbroadcast v19, $0x7  }
0x2c0: {  	v40 =	vbroadcast v0, $0x4;
	v30 =	vbroadcast v19, $0x8  }
0x2c1: {  	v29 =	vbroadcast v0, $0x5;
	v28 =	vbroadcast v19, $0x9  }
0x2c2: {  	v27 =	vbroadcast v0, $0x6;
	v25 =	vbroadcast v19, $0xA  }
0x2c3: {  	v20 =	vld [tilespmem:$0x5820];
	v26 =	vbroadcast v0, $0x7;
	v24 =	vbroadcast v19, $0xB  }
0x2c4: {  	s30 =	simm.s32 $0x0;
	v23 =	vbroadcast v0, $0x8;
	v21 =	vbroadcast v19, $0xC  }
0x2c5: {  	v41 =	vld [tilespmem:s30+$0x5200];
	v22 =	vbroadcast v0, $0x9;
	v17 =	vbroadcast v19, $0xD  }
0x2c6: {  	v18 =	vbroadcast v0, $0xA;
	v16 =	vbroadcast v19, $0xE  }
0x2c7: {  	v15 =	vbroadcast v0, $0xB;
	v14 =	vbroadcast v19, $0xF  }
0x2c8: {  	v11 =	vbroadcast v0, $0xC;
	v10 =	vbroadcast v20, $0x0  }
0x2c9: {  	v9 =	vbroadcast v0, $0xD;
	v4 =	vbroadcast v20, $0x1  }
0x2ca: {  	v12 =	vld [tilespmem:s30+$0x2A00];
	v8 =	vbroadcast v0, $0xE;
	v3 =	vmul.f32 v41, v36  }
0x2cb: {  	v13 =	vld [tilespmem:s30+$0x5400];
	v2 =	vbroadcast v20, $0x2;
	v5 =	vbroadcast v0, $0xF  }
0x2cc: {  	v34 =	vld [tilespmem:s30+$0x2C00];
	v1 =	vbroadcast v20, $0x3;
	v7 =	vmul.f32 v41, v37;
	v3 =	vadd.f32 v3, v33  }
0x2cd: {  	v6 =	vbroadcast v19, $0x0;
	v0 =	vbroadcast v20, $0x4  }
0x2ce: {  	v44 =	vld [tilespmem:s30+$0x2E00];
	v42 =	vmul.f32 v41, v38;
	v43 =	vadd.f32 v7, v32;
	v3 =	vmax.f32 v3, $0.0e+00  }
0x2cf: {  	v45 =	vmul.f32 v41, v39;
	v12 =	vmul.f32 v3, v12  }
0x2d0: {  	v46 =	vld [tilespmem:s30+$0x3000];
	v52 =	vmul.f32 v41, v40;
	v42 =	vadd.f32 v42, v35;
	v43 =	vmax.f32 v43, $0.0e+00  }
0x2d1: {  	v48 =	vmul.f32 v41, v29;
	v34 =	vmul.f32 v34, v43;
	v13 =	vadd.f32 v12, v13  }
0x2d2: {  	v47 =	vld [tilespmem:s30+$0x3200];
	v58 =	vmul.f32 v41, v27;
	v45 =	vadd.f32 v45, v31;
	v42 =	vmax.f32 v42, $0.0e+00  }
0x2d3: {  	v63 =	vmul.f32 v41, v26;
	v42 =	vmul.f32 v44, v42;
	v34 =	vadd.f32 v13, v34  }
0x2d4: {  	v54 =	vld [tilespmem:s30+$0x3400];
	v49 =	vmul.f32 v41, v22;
	v53 =	vmax.f32 v45, $0.0e+00;
	v43 =	vadd.f32 v52, v30  }
0x2d5: {  	v50 =	vmul.f32 v41, v18;
	v55 =	vmul.f32 v46, v53;
	v34 =	vadd.f32 v34, v42  }
0x2d6: {  	v57 =	vld [tilespmem:s30+$0x3600];
	v7 =	vbroadcast v19, $0x1;
	v56 =	vadd.f32 v48, v28;
	v43 =	vmax.f32 v43, $0.0e+00  }
0x2d7: {  	v62 =	vld [tilespmem:s30+$0x3800];
	v61 =	vadd.f32 v58, v25;
	v59 =	vmul.f32 v47, v43;
	v34 =	vadd.f32 v34, v55  }
0x2d8: {  	v60 =	vmax.f32 v56, $0.0e+00;
	v56 =	vmul.f32 v41, v23;
	v3 =	vbroadcast v20, $0x5  }
0x2d9: {  	v52 =	vmul.f32 v54, v60;
	v54 =	vadd.f32 v63, v24;
	v34 =	vadd.f32 v34, v59  }
0x2da: {  	v53 =	vmax.f32 v61, $0.0e+00;
	v12 =	vbroadcast v19, $0x2;
	v19 =	vbroadcast v19, $0x3;
	v55 =	vld [tilespmem:s30+$0x3A00]  }
0x2db: {  	v44 =	vmax.f32 v54, $0.0e+00;
	v43 =	vmul.f32 v57, v53;
	v34 =	vadd.f32 v34, v52  }
0x2dc: {  	v58 =	vld [tilespmem:s30+$0x3C00];
	v57 =	vadd.f32 v56, v21;
	v44 =	vmul.f32 v62, v44;
	v62 =	vadd.f32 v50, v16  }
0x2dd: {  	v53 =	vmul.f32 v41, v11;
	v50 =	vmul.f32 v41, v8;
	v34 =	vadd.f32 v34, v43  }
0x2de: {  	v60 =	vld [tilespmem:s30+$0x3E00];
	v13 =	vbroadcast v20, $0x6;
	v46 =	vmax.f32 v57, $0.0e+00;
	v59 =	vadd.f32 v49, v17  }
0x2df: {  	v20 =	vbroadcast v20, $0x7;
	v45 =	vmul.f32 v55, v46;
	v51 =	vadd.f32 v34, v44  }
0x2e0: {  	s31 =	simm.s32 $0x10;
	v63 =	vld [tilespmem:s30+$0x4000];
	v53 =	vadd.f32 v53, v10;
	v61 =	vmax.f32 v59, $0.0e+00;
	v52 =	vmul.f32 v41, v15  }
0x2e1: {  	v47 =	vmax.f32 v62, $0.0e+00;
	v46 =	vmul.f32 v58, v61;
	v34 =	vld [tilespmem:s31+$0x5200];
	v51 =	vadd.f32 v51, v45  }
0x2e2: {  	v48 =	vld [tilespmem:s30+$0x4200];
	v42 =	vmul.f32 v41, v19;
	v54 =	vmax.f32 v53, $0.0e+00;
	v52 =	vadd.f32 v52, v14  }
0x2e3: {  	v49 =	vmul.f32 v60, v47;
	v55 =	vmul.f32 v41, v9;
	v51 =	vadd.f32 v51, v46  }
0x2e4: {  	v47 =	vld [tilespmem:s30+$0x4400];
	v43 =	vmul.f32 v41, v12;
	v44 =	vmul.f32 v41, v7;
	v52 =	vmax.f32 v52, $0.0e+00  }
0x2e5: {  	v52 =	vmul.f32 v63, v52;
	v45 =	vmul.f32 v41, v6;
	v51 =	vadd.f32 v51, v49  }
0x2e6: {  	s0 =	simm.s32 $0x80;
	v53 =	vadd.f32 v55, v4;
	v46 =	vmul.f32 v41, v5;
	v41 =	vmul.f32 v34, v40;
	v49 =	vld [tilespmem:s30+$0x4600]  }
.LBB2_14:
0x2e7: {  	p0 =	sne.s32 s0, $0x7C0;
	v55 =	vmul.f32 v34, v39;
	v51 =	vadd.f32 v51, v52;
	v48 =	vmul.f32 v48, v54  }
0x2e8: {  	v52 =	vmul.f32 v34, v38;
	v50 =	vadd.f32 v50, v2;
	v53 =	vmax.f32 v53, $0.0e+00;
	v54 =	vld [tilespmem:s30+$0x4800]  }
0x2e9: {  	v56 =	vmul.f32 v34, v37;
	v48 =	vadd.f32 v51, v48;
	v47 =	vmul.f32 v47, v53;
	v51 =	vld [tilespmem:s30+$0x4E00]  }
0x2ea: {  	v46 =	vadd.f32 v46, v1;
	v53 =	vmul.f32 v34, v36;
	v50 =	vmax.f32 v50, $0.0e+00;
	v57 =	vld [tilespmem:s30+$0x4A00]  }
0x2eb: {  	v42 =	vadd.f32 v42, v20;
	v47 =	vadd.f32 v48, v47;
	v48 =	vmul.f32 v49, v50;
	v49 =	vld [tilespmem:s30+$0x4C00]  }
0x2ec: {  	v45 =	vadd.f32 v45, v0;
	v43 =	vadd.f32 v43, v13;
	v46 =	vmax.f32 v46, $0.0e+00;
	v50 =	vld [tilespmem:s31+$0x2A00]  }
0x2ed: {  	v44 =	vadd.f32 v44, v3;
	v58 =	vld [tilespmem:s31+$0x5400];
	v47 =	vadd.f32 v47, v48;
	v46 =	vmul.f32 v54, v46  }
0x2ee: {  	v52 =	vadd.f32 v52, v35;
	v45 =	vmax.f32 v45, $0.0e+00;
	v48 =	vadd.f32 v53, v33;
	v53 =	vld [tilespmem:s31+$0x2C00]  }
0x2ef: {  	v54 =	vadd.f32 v56, v32;
	v46 =	vadd.f32 v47, v46;
	v45 =	vmul.f32 v57, v45;
	v47 =	vld [tilespmem:s30+$0x5000]  }
0x2f0: {  	v44 =	vmax.f32 v44, $0.0e+00;
	v43 =	vmax.f32 v43, $0.0e+00;
	v48 =	vmax.f32 v48, $0.0e+00;
	v56 =	vld [tilespmem:s31+$0x2E00]  }
0x2f1: {  	v44 =	vmul.f32 v49, v44;
	v48 =	vmul.f32 v48, v50;
	v45 =	vadd.f32 v46, v45  }
0x2f2: {  	v42 =	vmax.f32 v42, $0.0e+00;
	v43 =	vmul.f32 v51, v43;
	v46 =	vmax.f32 v54, $0.0e+00;
	v49 =	vld [tilespmem:s31+$0x3000]  }
0x2f3: {  	v48 =	vadd.f32 v48, v58;
	v46 =	vmul.f32 v53, v46;
	v44 =	vadd.f32 v45, v44  }
0x2f4: {  	v50 =	vadd.f32 v55, v31;
	v45 =	vmax.f32 v52, $0.0e+00;
	v51 =	vld [tilespmem:s31+$0x3200];
	v42 =	vmul.f32 v47, v42  }
0x2f5: {  	v46 =	vadd.f32 v48, v46;
	v45 =	vmul.f32 v56, v45;
	v43 =	vadd.f32 v44, v43  }
0x2f6: {  	v41 =	vadd.f32 v41, v30;
	v44 =	vmax.f32 v50, $0.0e+00;
	v48 =	vmul.f32 v34, v29;
	v47 =	vld [tilespmem:s31+$0x3400]  }
0x2f7: {  	v45 =	vadd.f32 v46, v45;
	v44 =	vmul.f32 v49, v44;
	v42 =	vadd.f32 v43, v42  }
0x2f8: {  	v41 =	vmax.f32 v41, $0.0e+00;
	v43 =	vadd.f32 v48, v28;
	v48 =	vmul.f32 v34, v27;
	v46 =	vld [tilespmem:s31+$0x3600]  }
0x2f9: {  	v44 =	vadd.f32 v45, v44;
	v41 =	vmul.f32 v51, v41;
	[tilespmem:s30+$0x5600] =	vst v42;
	s30 =	smov.u32 s31  }
0x2fa: {  	v42 =	vmax.f32 v43, $0.0e+00;
	v43 =	vadd.f32 v48, v25;
	v48 =	vmul.f32 v34, v26;
	v45 =	vld [tilespmem:s30+$0x3800]  }
0x2fb: {  	v41 =	vadd.f32 v44, v41;
	v42 =	vmul.f32 v47, v42  }
0x2fc: {  	v43 =	vmax.f32 v43, $0.0e+00;
	v44 =	vadd.f32 v48, v24;
	v48 =	vmul.f32 v34, v23;
	v47 =	vld [tilespmem:s30+$0x3A00]  }
0x2fd: {  	v41 =	vadd.f32 v41, v42;
	v43 =	vmul.f32 v46, v43;
	v42 =	vmul.f32 v34, v19  }
0x2fe: {  	v49 =	vmul.f32 v34, v22;
	v44 =	vmax.f32 v44, $0.0e+00;
	v46 =	vadd.f32 v48, v21;
	v48 =	vld [tilespmem:s30+$0x3C00]  }
0x2ff: {  	v41 =	vadd.f32 v41, v43;
	v44 =	vmul.f32 v45, v44;
	v43 =	vmul.f32 v34, v12  }
0x300: {  	v50 =	vmul.f32 v34, v18;
	v45 =	vmax.f32 v46, $0.0e+00;
	v46 =	vadd.f32 v49, v17;
	v49 =	vld [tilespmem:s30+$0x3E00]  }
0x301: {  	v41 =	vadd.f32 v41, v44;
	v45 =	vmul.f32 v47, v45;
	v44 =	vmul.f32 v34, v7  }
0x302: {  	s31 =	sshra.s32 s0, $0x2;
	v51 =	vmul.f32 v34, v15;
	v46 =	vmax.f32 v46, $0.0e+00;
	v47 =	vadd.f32 v50, v16;
	v50 =	vld [tilespmem:s30+$0x4000]  }
0x303: {  	v55 =	vld [tilespmem:s31+$0x5200];
	v41 =	vadd.f32 v41, v45;
	v46 =	vmul.f32 v48, v46;
	v45 =	vmul.f32 v34, v6  }
.Ltmp8:
0x304: {  	v52 =	vmul.f32 v34, v11;
	v51 =	vadd.f32 v51, v14;
	v47 =	vmax.f32 v47, $0.0e+00;
	v48 =	vld [tilespmem:s30+$0x4200];
	(pc) =	sbr.rel @p0 .LBB2_14-.Ltmp8, $4  }
0x305: {  	v41 =	vadd.f32 v41, v46;
	v49 =	vmul.f32 v49, v47;
	v46 =	vmul.f32 v34, v5  }
0x306: {  	v54 =	vadd.f32 v52, v10;
	v56 =	vmul.f32 v34, v9;
	v53 =	vmax.f32 v51, $0.0e+00;
	v47 =	vld [tilespmem:s30+$0x4400]  }
0x307: {  	v51 =	vadd.f32 v41, v49;
	v52 =	vmul.f32 v50, v53;
	v50 =	vmul.f32 v34, v8  }
0x308: {  	v54 =	vmax.f32 v54, $0.0e+00;
	s0 =	sadd.s32 $0x40, s0;
	v53 =	vadd.f32 v56, v4;
	v41 =	vmul.f32 v55, v40;
	v49 =	vld [tilespmem:s30+$0x4600];
	v34 =	vmovc v55  }
0x309: {  	v39 =	vmul.f32 v34, v39;
	v40 =	vadd.f32 v51, v52;
	v48 =	vmul.f32 v48, v54  }
0x30a: {  	v38 =	vmul.f32 v34, v38;
	v50 =	vadd.f32 v50, v2;
	v57 =	vld [tilespmem:s30+$0x4800];
	v56 =	vmax.f32 v53, $0.0e+00  }
0x30b: {  	v37 =	vmul.f32 v34, v37;
	v58 =	vld [tilespmem:s30+$0x4A00];
	v40 =	vadd.f32 v40, v48;
	v47 =	vmul.f32 v47, v56  }
0x30c: {  	v36 =	vmul.f32 v34, v36;
	v46 =	vadd.f32 v46, v1;
	v60 =	vld [tilespmem:s30+$0x4C00];
	v50 =	vmax.f32 v50, $0.0e+00  }
0x30d: {  	v42 =	vadd.f32 v42, v20;
	v61 =	vld [tilespmem:s31+$0x2A00];
	v40 =	vadd.f32 v40, v47;
	v59 =	vmul.f32 v49, v50  }
0x30e: {  	v45 =	vadd.f32 v45, v0;
	v43 =	vadd.f32 v43, v13;
	v62 =	vld [tilespmem:s31+$0x5400];
	v46 =	vmax.f32 v46, $0.0e+00  }
0x30f: {  	v44 =	vadd.f32 v44, v3;
	v63 =	vld [tilespmem:s31+$0x2C00];
	v46 =	vmul.f32 v57, v46;
	v40 =	vadd.f32 v40, v59  }
0x310: {  	v48 =	vld [tilespmem:s30+$0x4E00];
	v33 =	vadd.f32 v36, v33;
	v32 =	vadd.f32 v37, v32;
	v47 =	vmax.f32 v45, $0.0e+00  }
0x311: {  	v54 =	vld [tilespmem:s30+$0x5000];
	v35 =	vadd.f32 v38, v35;
	v38 =	vmul.f32 v58, v47;
	v52 =	vadd.f32 v40, v46  }
0x312: {  	v55 =	vld [tilespmem:s31+$0x2E00];
	v44 =	vmax.f32 v44, $0.0e+00;
	v33 =	vmax.f32 v33, $0.0e+00;
	v32 =	vmax.f32 v32, $0.0e+00  }
0x313: {  	v33 =	vmul.f32 v33, v61;
	v56 =	vmul.f32 v60, v44;
	v37 =	vadd.f32 v52, v38  }
0x314: {  	v43 =	vmax.f32 v43, $0.0e+00;
	v42 =	vmax.f32 v42, $0.0e+00;
	v57 =	vld [tilespmem:s31+$0x3000];
	v32 =	vmul.f32 v63, v32  }
0x315: {  	v43 =	vmul.f32 v48, v43;
	v33 =	vadd.f32 v33, v62;
	v58 =	vadd.f32 v37, v56  }
0x316: {  	v31 =	vadd.f32 v39, v31;
	v35 =	vmax.f32 v35, $0.0e+00;
	v60 =	vmul.f32 v54, v42;
	v59 =	vld [tilespmem:s31+$0x3200]  }
0x317: {  	v61 =	vmul.f32 v55, v35;
	v32 =	vadd.f32 v33, v32;
	v62 =	vadd.f32 v58, v43  }
0x318: {  	v29 =	vmul.f32 v34, v29;
	v30 =	vadd.f32 v41, v30;
	v31 =	vmax.f32 v31, $0.0e+00;
	v63 =	vld [tilespmem:s31+$0x3400]  }
0x319: {  	v31 =	vmul.f32 v57, v31;
	v32 =	vadd.f32 v32, v61;
	v40 =	vadd.f32 v62, v60  }
0x31a: {  	v27 =	vmul.f32 v34, v27;
	v41 =	vld [tilespmem:s31+$0x3600];
	v28 =	vadd.f32 v29, v28;
	v30 =	vmax.f32 v30, $0.0e+00  }
0x31b: {  	v30 =	vmul.f32 v59, v30;
	v31 =	vadd.f32 v32, v31;
	[tilespmem:s30+$0x5600] =	vst v40  }
0x31c: {  	v26 =	vmul.f32 v34, v26;
	v25 =	vadd.f32 v27, v25;
	v28 =	vmax.f32 v28, $0.0e+00;
	v42 =	vld [tilespmem:s31+$0x3800]  }
0x31d: {  	v28 =	vmul.f32 v63, v28;
	v30 =	vadd.f32 v31, v30  }
0x31e: {  	v23 =	vmul.f32 v34, v23;
	v24 =	vadd.f32 v26, v24;
	v25 =	vmax.f32 v25, $0.0e+00;
	v43 =	vld [tilespmem:s31+$0x3A00]  }
0x31f: {  	v25 =	vmul.f32 v41, v25;
	v28 =	vadd.f32 v30, v28  }
0x320: {  	v22 =	vmul.f32 v34, v22;
	v21 =	vadd.f32 v23, v21;
	v24 =	vmax.f32 v24, $0.0e+00;
	v44 =	vld [tilespmem:s31+$0x3C00]  }
0x321: {  	v25 =	vadd.f32 v28, v25;
	v24 =	vmul.f32 v42, v24  }
0x322: {  	v18 =	vmul.f32 v34, v18;
	v17 =	vadd.f32 v22, v17;
	v21 =	vmax.f32 v21, $0.0e+00;
	v45 =	vld [tilespmem:s31+$0x3E00]  }
0x323: {  	v21 =	vmul.f32 v43, v21;
	v24 =	vadd.f32 v25, v24  }
0x324: {  	v15 =	vmul.f32 v34, v15;
	v16 =	vadd.f32 v18, v16;
	v17 =	vmax.f32 v17, $0.0e+00;
	v46 =	vld [tilespmem:s31+$0x4000]  }
0x325: {  	v17 =	vmul.f32 v44, v17;
	v21 =	vadd.f32 v24, v21  }
0x326: {  	v11 =	vmul.f32 v34, v11;
	v14 =	vadd.f32 v15, v14;
	v16 =	vmax.f32 v16, $0.0e+00;
	v47 =	vld [tilespmem:s31+$0x4200]  }
0x327: {  	v16 =	vmul.f32 v45, v16;
	v17 =	vadd.f32 v21, v17  }
0x328: {  	v9 =	vmul.f32 v34, v9;
	v10 =	vadd.f32 v11, v10;
	v14 =	vmax.f32 v14, $0.0e+00;
	v48 =	vld [tilespmem:s31+$0x4400]  }
0x329: {  	v14 =	vmul.f32 v46, v14;
	v16 =	vadd.f32 v17, v16  }
0x32a: {  	v8 =	vmul.f32 v34, v8;
	v4 =	vadd.f32 v9, v4;
	v10 =	vmax.f32 v10, $0.0e+00;
	v49 =	vld [tilespmem:s31+$0x4600]  }
0x32b: {  	v10 =	vmul.f32 v47, v10;
	v14 =	vadd.f32 v16, v14  }
0x32c: {  	v5 =	vmul.f32 v34, v5;
	v4 =	vmax.f32 v4, $0.0e+00;
	v50 =	vadd.f32 v8, v2;
	v51 =	vld [tilespmem:s31+$0x4800]  }
0x32d: {  	v4 =	vmul.f32 v48, v4;
	v10 =	vadd.f32 v14, v10  }
0x32e: {  	v6 =	vmul.f32 v34, v6;
	v2 =	vmax.f32 v50, $0.0e+00;
	v52 =	vadd.f32 v5, v1;
	v53 =	vld [tilespmem:s31+$0x4A00]  }
0x32f: {  	v2 =	vmul.f32 v49, v2;
	v4 =	vadd.f32 v10, v4  }
0x330: {  	v7 =	vmul.f32 v34, v7;
	v55 =	vadd.f32 v6, v0;
	v1 =	vmax.f32 v52, $0.0e+00;
	v54 =	vld [tilespmem:s31+$0x4C00]  }
0x331: {  	v1 =	vmul.f32 v51, v1;
	v2 =	vadd.f32 v4, v2  }
0x332: {  	v0 =	vmax.f32 v55, $0.0e+00;
	v56 =	vmul.f32 v34, v12;
	v58 =	vadd.f32 v7, v3;
	v57 =	vld [tilespmem:s31+$0x4E00]  }
0x333: {  	v0 =	vmul.f32 v53, v0;
	v1 =	vadd.f32 v2, v1  }
0x334: {  	v59 =	vmul.f32 v34, v19;
	v3 =	vmax.f32 v58, $0.0e+00;
	v60 =	vld [tilespmem:s31+$0x5000];
	v4 =	vadd.f32 v56, v13  }
0x335: {  	v61 =	vmul.f32 v54, v3;
	v0 =	vadd.f32 v1, v0  }
0x336: {  	v2 =	vadd.f32 v59, v20;
	v62 =	vmax.f32 v4, $0.0e+00  }
0x337: {  	v3 =	vmul.f32 v57, v62;
	v0 =	vadd.f32 v0, v61  }
0x338: {  	v63 =	vmax.f32 v2, $0.0e+00  }
0x339: {  	v1 =	vmul.f32 v60, v63;
	v0 =	vadd.f32 v0, v3;
	_ =	sdelay $0x1  }
0x33a: {  	v0 =	vadd.f32 v0, v1  }
0x33b: {  	s29 =	sadd.s32 $0x1, s29  }
0x33c: {  	p0 =	sne.s32 s29, s9;
	[tilespmem:s31+$0x5600] =	vst v0  }
0x33d: {  	[hbm4b:s8+s5] =	stream.linear.scatter [tilespmem:s28], [sflag:$0x2], $0x200, $0x38;
	[tilespmem:$0x5830] =	vst v63  }
.Ltmp9:
0x33e: {  	_ = 	snop;
	(pc) =	sbr.rel @p0 .LBB2_1-.Ltmp9, $4  }
.Ltmp10:
0x33f: {  	_ = 	snop;
	(pc) =	sbr.rel @!p0 .LBB2_16-.Ltmp10, $4  }
0x340: {  	_ =	swait.ge [sflag:s10], $0x200  }
0x341: {  	[sflag:s10] =	ssyncset.done $0x0  }
0x342: {  	[sflag:s10] =	ssyncadd.s32 $0xFFFFFE00  }
0x343: {  	_ = 	snop  }
.LBB2_8:
.Ltmp11:
0x344: {  	(pc) =	sbr.rel .LBB2_11-.Ltmp11, $2  }
0x345: {  	_ =	sdelay $0x2  }
0x346: {  	s0 =	simm.s32 $0x0  }
.LBB2_5:
.Ltmp12:
0x347: {  	(pc) =	sbr.rel .LBB2_7-.Ltmp12, $2  }
0x348: {  	_ =	sdelay $0x2  }
0x349: {  	s31 =	simm.s32 $0x0  }
.LBB2_16:
0x34a: {  	_ =	sfence.sel $0x180000  }
0x34b: {  	[bflag:$0x0] =	sbarrier.arrive $0xFFFF  }
0x34c: {  	_ =	strace $0x90000047  }
0x34d: {  	s0 =	stileid.u32;
	[bflag:$0x2] =	sbarrier.arrive $0xFFFF  }
0x34e: {  	p0 =	sne.s32 s0, $0x0;
	s0 =	rddreg [dreg:$0x6]  }
0x34f: {  	s0 =	sadd.s32 @!p0 $0x100000, s0  }
0x350: {  	[sflag:s0] =	ssyncadd.tile.s32 @!p0 $0x1;
	_ =	shalt  }
.Lfunc_end2:
_tile_overlayer_lowered:
.L_overlay_start_2:
0x351: {  	(tag) =	ssettag $0x2  }
0x352: {  	s0 =	rddreg [dreg:$0x0];
	s2 =	stileid.u32  }
0x353: {  	s1 =	rddreg [dreg:$0x1];
	p0 =	sne.s32 s2, $0x0  }
0x354: {  	s3 =	rddreg [dreg:$0x2];
	[bflag:$0x3] =	sbarrier.arrive $0xFFFF;
	s2 =	simm.s32 @!p0 $0x1C02  }
0x355: {  	[timem:s3], [sflag:s2] =	dma.local @!p0 [hbm:s0], s1  }
0x356: {  	s0 =	simm.s32 @!p0 $0x2  }
0x357: {  	_ =	swait.ge @!p0 [sflag:s0], s1  }
0x358: {  	s1 =	ssub.s32 @!p0 $0x0, s1;
	[sflag:s0] =	ssyncset.done @!p0 $0x0  }
0x359: {  	[sflag:s0] =	ssyncadd.s32 @!p0 s1  }
0x35a: {  	[bflag:$0x3] =	sbarrier.arrive $0xFFFF  }
0x35b: {  	_ =	shalt  }

</sc_bundles>
